<compile_context>
chip_gen: v7x
topology: tpu7x:2x2x1
jax: 0.10.2.dev20260603
libtpu: 0.0.44.dev20260713+nightly
codegen_flags: <defaults>
</compile_context>

<pallas_src>
import functools

import jax
import jax.numpy as jnp
from jax import lax
from jax.experimental import pallas as pl
from jax.experimental.pallas import tpu as pltpu
from jax.experimental.pallas import tpu_sc as plsc

_N = 10000
_E = 320000
_D = 128
_S = 100
_NC = 2
_NS = 16
_NPAD = 10240
_SEG = _NPAD // _NS
_SEG_LAST = _N - (_NS - 1) * _SEG
_CH = 128
_CPT = 160
_EPT = _CPT * _CH
_EPAD = _EPT * _NS
_NCHUNK = _EPAD // _CH
_BAT = 16
_BPT = _CPT // _BAT
_HB0 = 6
_HB1 = _NCHUNK // _NS // _BAT - _HB0
_HROW1 = _HB0 * _BAT * _NS
_GCH = 128
_GPT = _NPAD // _GCH // _NS


def _fori(n, body, lo=0):
    lax.fori_loop(lo, n, lambda i, c: (body(i), c)[1], 0)



_HW = 16


def _sc_pass1_body(ei_hbm, perm_hbm, feat_hbm, deg0_out, deg1_out,
                   xperm_out, hist, zerob, onesb, hbuf, gbufs, rows5,
                   sem, semw, semh):
    c = lax.axis_index("c")
    s = lax.axis_index("s")

    def fill(i):
        zerob[i] = jnp.zeros((_HW,), jnp.float32)
        onesb[i] = jnp.ones((_HW,), jnp.float32)
    _fori(_CH, fill)
    for q in range(_SEG // _CH):
        pltpu.sync_copy(zerob, hist.at[pl.ds(s * _SEG + q * _CH, _CH)])
    plsc.subcore_barrier()

    @pl.when(c == 1)
    def _permgather():
        gds = []
        for k in range(_GPT):
            off = (s * _GPT + k) * _GCH
            pltpu.sync_copy(perm_hbm.at[pl.ds(off, _GCH)], gbufs.at[k])
            gds.append(pltpu.async_copy(
                feat_hbm.at[gbufs.at[k]],
                rows5.at[pl.ds(k * _GCH, _GCH)], sem))
        wds = []
        for k in range(_GPT):
            gds[k].wait()
            off = (s * _GPT + k) * _GCH
            wds.append(pltpu.async_copy(
                rows5.at[pl.ds(k * _GCH, _GCH)],
                xperm_out.at[pl.ds(off, _GCH)], semw))
        for k in range(_GPT):
            wds[k].wait()

    nb = jnp.where(c == 0, _HB0, _HB1)
    row_base = jnp.where(c == 0, s * _HB0 * _BAT, _HROW1 + s * _HB1 * _BAT)

    def batch(k):
        r0 = row_base + k * _BAT
        pltpu.sync_copy(ei_hbm.at[:, pl.ds(r0, _BAT)], hbuf)
        sds = []
        for j in range(_BAT):
            sds.append(pltpu.async_copy(
                onesb, hist.at[hbuf.at[1, j]], semh, add=True))
        for j in range(_BAT):
            sds[j].wait()
    _fori(nb, batch)

    plsc.subcore_barrier()
    deg_out = pl.select_ref(c == 0, deg0_out, deg1_out)
    pltpu.sync_copy(hist.at[pl.ds(s * _SEG, _SEG)],
                    deg_out.at[pl.ds(s * _SEG, _SEG)])


_sc_pass1 = functools.partial(
    pl.kernel,
    out_type=[jax.ShapeDtypeStruct((_NPAD, _HW), jnp.float32),
              jax.ShapeDtypeStruct((_NPAD, _HW), jnp.float32),
              jax.ShapeDtypeStruct((_NPAD, _D), jnp.float32)],
    mesh=plsc.VectorSubcoreMesh(core_axis_name="c", subcore_axis_name="s",
                                num_cores=_NC, num_subcores=_NS),
    scratch_types=[
        pltpu.VMEM_SHARED((_NPAD, _HW), jnp.float32),
        pltpu.VMEM((_CH, _HW), jnp.float32),
        pltpu.VMEM((_CH, _HW), jnp.float32),
        pltpu.VMEM((2, _BAT, _CH), jnp.int32),
        pltpu.VMEM((_GPT, _GCH), jnp.int32),
        pltpu.VMEM((_GPT * _GCH, _D), jnp.float32),
        pltpu.SemaphoreType.DMA,
        pltpu.SemaphoreType.DMA,
        pltpu.SemaphoreType.DMA,
    ],
)(_sc_pass1_body)



_CH2 = 128
_BAT2 = 16
_CPT2 = _EPT // _CH2
_BPT2 = _CPT2 // _BAT2
_NCHUNK2 = _EPAD // _CH2


def _sc_pass2_body(xs_hbm, ei_hbm, u_out,
                   table, eibuf, rows0, rows1,
                   sg0, sg1, ss0, ss1):
    c = lax.axis_index("c")
    s = lax.axis_index("s")
    r0 = pl.multiple_of(s * _SEG, 8)

    @pl.when(s < _NS - 1)
    def _init_main():
        pltpu.sync_copy(xs_hbm.at[c, pl.ds(r0, _SEG)],
                        table.at[pl.ds(r0, _SEG)])

    @pl.when(s == _NS - 1)
    def _init_last():
        pltpu.sync_copy(xs_hbm.at[c, pl.ds((_NS - 1) * _SEG, _SEG_LAST)],
                        table.at[pl.ds((_NS - 1) * _SEG, _SEG_LAST)])

    plsc.subcore_barrier()
    rbufs = (rows0, rows1)
    sgs = (sg0, sg1)
    sss = (ss0, ss1)
    xs_c = xs_hbm.at[c]

    def batch(k):
        r0b = s * _CPT2 + k * _BAT2
        pltpu.sync_copy(ei_hbm.at[:, pl.ds(r0b, _BAT2)], eibuf)
        for p in range(_BAT2 // 2):
            gds = []
            for b in range(2):
                j = 2 * p + b
                gds.append(pltpu.async_copy(xs_c.at[eibuf.at[0, j]],
                                            rbufs[b], sgs[b]))
            sds = []
            for b in range(2):
                j = 2 * p + b
                gds[b].wait()
                sds.append(pltpu.async_copy(rbufs[b],
                                            table.at[eibuf.at[1, j]],
                                            sss[b], add=True))
            for b in range(2):
                sds[b].wait()
    _fori(_BPT2, batch)
    plsc.subcore_barrier()

    @pl.when(s < _NS - 1)
    def _out_main():
        pltpu.sync_copy(table.at[pl.ds(r0, _SEG)],
                        u_out.at[c, pl.ds(r0, _SEG)])

    @pl.when(s == _NS - 1)
    def _out_last():
        pltpu.sync_copy(table.at[pl.ds((_NS - 1) * _SEG, _SEG_LAST)],
                        u_out.at[c, pl.ds((_NS - 1) * _SEG, _SEG_LAST)])


_sc_pass2 = functools.partial(
    pl.kernel,
    out_type=jax.ShapeDtypeStruct((_NC, _N, _D), jnp.float32),
    mesh=plsc.VectorSubcoreMesh(core_axis_name="c", subcore_axis_name="s",
                                num_cores=_NC, num_subcores=_NS),
    scratch_types=(
        [pltpu.VMEM_SHARED((_NPAD, _D), jnp.float32)]
        + [pltpu.VMEM((2, _BAT2, _CH2), jnp.int32)]
        + [pltpu.VMEM((_CH2, _D), jnp.float32) for _ in range(2)]
        + [pltpu.SemaphoreType.DMA for _ in range(4)]
    ),
)(_sc_pass2_body)



_BLK = 1000
_GRID = _N // _BLK


def _tc_scale_body(deg0_ref, deg1_ref, feat_ref, xperm_ref, dis_ref, xs_ref):
    dis = lax.rsqrt(deg0_ref[...] + deg1_ref[...] + 1.0)
    dis_ref[...] = dis
    xs_ref[0] = feat_ref[...] * dis
    xs_ref[1] = xperm_ref[...] * dis


def _tc_scale(deg0, deg1, feat, xperm):
    return pl.pallas_call(
        _tc_scale_body,
        grid=(_GRID,),
        in_specs=[
            pl.BlockSpec((_BLK, 1), lambda i: (i, 0)),
            pl.BlockSpec((_BLK, 1), lambda i: (i, 0)),
            pl.BlockSpec((_BLK, _D), lambda i: (i, 0)),
            pl.BlockSpec((_BLK, _D), lambda i: (i, 0)),
        ],
        out_specs=[
            pl.BlockSpec((_BLK, 1), lambda i: (i, 0)),
            pl.BlockSpec((_NC, _BLK, _D), lambda i: (0, i, 0)),
        ],
        out_shape=[
            jax.ShapeDtypeStruct((_N, 1), jnp.float32),
            jax.ShapeDtypeStruct((_NC, _N, _D), jnp.float32),
        ],
    )(deg0, deg1, feat, xperm)



def _tc_b1_body(u_ref, dis_ref, w_ref, b_ref, adjt_ref,
                pos_ref, neg_ref, pooled_ref):
    i = pl.program_id(0)
    dis = dis_ref[...]
    w = w_ref[...]
    b = b_ref[...]
    pos = jnp.maximum(
        jnp.dot(u_ref[0] * dis, w, preferred_element_type=jnp.float32) + b, 0.0)
    neg = jnp.maximum(
        jnp.dot(u_ref[1] * dis, w, preferred_element_type=jnp.float32) + b, 0.0)
    pos_ref[...] = pos
    neg_ref[...] = neg
    contrib = lax.dot_general(adjt_ref[...], pos, (((0,), (0,)), ((), ())),
                              preferred_element_type=jnp.float32)

    @pl.when(i == 0)
    def _init():
        pooled_ref[...] = contrib

    @pl.when(i != 0)
    def _acc():
        pooled_ref[...] = pooled_ref[...] + contrib


def _tc_b1(u, dis, w, b, adjt):
    return pl.pallas_call(
        _tc_b1_body,
        grid=(_GRID,),
        in_specs=[
            pl.BlockSpec((_NC, _BLK, _D), lambda i: (0, i, 0)),
            pl.BlockSpec((_BLK, 1), lambda i: (i, 0)),
            pl.BlockSpec((_D, _D), lambda i: (0, 0)),
            pl.BlockSpec((1, _D), lambda i: (0, 0)),
            pl.BlockSpec((_BLK, _S), lambda i: (i, 0)),
        ],
        out_specs=[
            pl.BlockSpec((_BLK, _D), lambda i: (i, 0)),
            pl.BlockSpec((_BLK, _D), lambda i: (i, 0)),
            pl.BlockSpec((_S, _D), lambda i: (0, 0)),
        ],
        out_shape=[
            jax.ShapeDtypeStruct((_N, _D), jnp.float32),
            jax.ShapeDtypeStruct((_N, _D), jnp.float32),
            jax.ShapeDtypeStruct((_S, _D), jnp.float32),
        ],
    )(u, dis, w, b, adjt)



def _tc_b2_body(pooled_ref, norm_ref, adjt_ref, pos_ref, neg_ref, wd_ref,
                out_ref, gr_scr, acc_scr):
    i = pl.program_id(0)

    @pl.when(i == 0)
    def _init():
        ge = pooled_ref[...] / norm_ref[...]
        gr_scr[...] = 1.0 / (1.0 + jnp.exp(-ge))
        acc_scr[0] = 0.0
        acc_scr[1] = 0.0

    summary = jnp.dot(adjt_ref[...], gr_scr[...],
                      preferred_element_type=jnp.float32)
    wd = wd_ref[...]
    pw = jnp.dot(pos_ref[...], wd, preferred_element_type=jnp.float32)
    nw = jnp.dot(neg_ref[...], wd, preferred_element_type=jnp.float32)
    pos_logits = jnp.sum(pw * summary, axis=1)
    neg_logits = jnp.sum(nw * summary, axis=1)
    pos_terms = (jnp.maximum(pos_logits, 0.0) - pos_logits
                 + jnp.log1p(jnp.exp(-jnp.abs(pos_logits))))
    neg_terms = (jnp.maximum(neg_logits, 0.0)
                 + jnp.log1p(jnp.exp(-jnp.abs(neg_logits))))
    acc_scr[0] = acc_scr[0] + jnp.sum(pos_terms)
    acc_scr[1] = acc_scr[1] + jnp.sum(neg_terms)

    @pl.when(i == pl.num_programs(0) - 1)
    def _fin():
        out_ref[...] = (jnp.stack([acc_scr[0], acc_scr[1]])
                        .reshape(1, 2) / _N)


def _tc_b2(pooled, norm, adjt, pos, neg, wd):
    return pl.pallas_call(
        _tc_b2_body,
        grid=(_GRID,),
        in_specs=[
            pl.BlockSpec((_S, _D), lambda i: (0, 0)),
            pl.BlockSpec((_S, 1), lambda i: (0, 0)),
            pl.BlockSpec((_BLK, _S), lambda i: (i, 0)),
            pl.BlockSpec((_BLK, _D), lambda i: (i, 0)),
            pl.BlockSpec((_BLK, _D), lambda i: (i, 0)),
            pl.BlockSpec((_D, _D), lambda i: (0, 0)),
        ],
        out_specs=pl.BlockSpec((1, 2), lambda i: (0, 0)),
        out_shape=jax.ShapeDtypeStruct((1, 2), jnp.float32),
        scratch_shapes=[
            pltpu.VMEM((_S, _D), jnp.float32),
            pltpu.SMEM((2,), jnp.float32),
        ],
    )(pooled, norm, adjt, pos, neg, wd)



def kernel(features, edge_index, subgraph_adj, subgraph_norm, node_subgraph,
           node_list, perm, W_gcn, b_gcn, W_disc):
    ei = edge_index.astype(jnp.int32)
    pad = jnp.concatenate(
        [jnp.zeros((1, _EPAD - _E), jnp.int32),
         jnp.full((1, _EPAD - _E), _N, jnp.int32)], axis=0)
    ei_flat = jnp.concatenate([ei, pad], axis=1)
    ei_p = ei_flat.reshape(2, _NCHUNK, _CH)
    ei_p2 = ei_flat.reshape(2, _NCHUNK2, _CH2)
    perm_p = jnp.concatenate(
        [perm.astype(jnp.int32), jnp.zeros((_NPAD - _N,), jnp.int32)])

    deg0, deg1, xperm_pad = _sc_pass1(ei_p, perm_p, features)
    xperm = xperm_pad[:_N]
    dis, xs = _tc_scale(deg0[:_N, :1], deg1[:_N, :1], features, xperm)
    u = _sc_pass2(xs, ei_p2)
    adjt = subgraph_adj.T
    pos, neg, pooled = _tc_b1(u, dis, W_gcn, b_gcn.reshape(1, _D), adjt)
    out = _tc_b2(pooled, subgraph_norm, adjt, pos, neg, W_disc)
    return (out[0, 0], out[0, 1])

# --- scband reference (transcript-rebuilt; emitter-appended) ---
"""Pipeline reference for scband-dgi-32366873542687 (READ-ONLY COPY).

The authoritative reference and input builder live on the scoring server;
editing this copy changes nothing except your own understanding.
"""

import jax, jax.numpy as jnp
import numpy as np

N = 10000
E = 320000
D_IN = 128
D_H = 128
S = 100


def setup_inputs(seed: int = 0) -> dict:
    key = jax.random.key(seed)
    k1, k2, k3, k4, k5, k6 = jax.random.split(key, 6)
    features = jax.random.normal(k1, (N, D_IN), dtype=jnp.float32)
    edge_index = jax.random.randint(k2, (2, E), 0, N, dtype=jnp.int32)
    node_subgraph = jax.random.randint(k3, (N,), 0, S, dtype=jnp.int32)
    # sparse subgraph assignment matrix [S, N] materialized densely for the reference
    subgraph_adj = jax.nn.one_hot(node_subgraph, S, dtype=jnp.float32).T
    subgraph_norm = jnp.maximum(subgraph_adj.sum(axis=1, keepdims=True), 1.0)
    node_list = jnp.arange(N, dtype=jnp.int32)
    perm = jax.random.permutation(k4, N)  # row-shuffle corruption used by DGI encoder
    W_gcn = jax.random.normal(k5, (D_IN, D_H), dtype=jnp.float32) * (1.0 / np.sqrt(D_IN))
    b_gcn = jnp.zeros((D_H,), dtype=jnp.float32)
    W_disc = jax.random.normal(k6, (D_H, D_H), dtype=jnp.float32) * (1.0 / np.sqrt(D_H))
    return {
        'features': features,
        'edge_index': edge_index,
        'subgraph_adj': subgraph_adj,
        'subgraph_norm': subgraph_norm,
        'node_subgraph': node_subgraph,
        'node_list': node_list,
        'perm': perm,
        'W_gcn': W_gcn,
        'b_gcn': b_gcn,
        'W_disc': W_disc,
    }


def _gcn_encode(x, edge_index, W, b):
    src = edge_index[0]
    dst = edge_index[1]
    loop = jnp.arange(N, dtype=src.dtype)
    src = jnp.concatenate([src, loop])
    dst = jnp.concatenate([dst, loop])
    deg = jax.ops.segment_sum(jnp.ones_like(src, dtype=jnp.float32), dst, num_segments=N)
    dis = jnp.where(deg > 0, 1.0 / jnp.sqrt(deg), 0.0)
    h = x @ W
    norm = dis[src] * dis[dst]
    msg = h[src] * norm[:, None]
    agg = jax.ops.segment_sum(msg, dst, num_segments=N)
    return jax.nn.relu(agg + b)  # gcn_act = relu


def _bce_with_logits(logits, labels):
    return jnp.mean(jnp.maximum(logits, 0.0) - logits * labels + jnp.log1p(jnp.exp(-jnp.abs(logits))))


def reference(features, edge_index, subgraph_adj, subgraph_norm, node_subgraph, node_list, perm, W_gcn, b_gcn, W_disc):
    # encoder(features, corrupt=False)
    positive = _gcn_encode(features, edge_index, W_gcn, b_gcn)
    # encoder(features, corrupt=True): shuffle node rows
    negative = _gcn_encode(features[perm], edge_index, W_gcn, b_gcn)
    # graph_embeds = sparse.mm(subgraph_adj, positive) / subgraph_norm
    graph_embeds = (subgraph_adj @ positive) / subgraph_norm
    graph_embeds = jax.nn.sigmoid(graph_embeds)  # graph_act
    summary = graph_embeds[node_subgraph]
    # bilinear discriminator: score_i = h_i^T W summary_i; BCE-with-logits losses
    pos_logits = jnp.sum((positive @ W_disc) * summary, axis=-1)
    neg_logits = jnp.sum((negative @ W_disc) * summary, axis=-1)
    pos_loss = _bce_with_logits(pos_logits, jnp.ones_like(pos_logits))
    neg_loss = _bce_with_logits(neg_logits, jnp.zeros_like(neg_logits))
    return (pos_loss, neg_loss)

if __name__ == "__main__":
    import jax
    _d = setup_inputs()
    print(jax.jit(kernel)(*tuple(_d.values())))

</pallas_src>

<mosaic_0001>
#map = affine_map<(d0, d1) -> (0, 0, 0)>
module attributes {stable_mosaic.version = 14 : i64} {
  func.func @_sc_pass2_body(%arg0: i32, %arg1: i32, %arg2: memref<2x10000x128xf32, #tpu.memory_space<hbm>>, %arg3: memref<2x2560x128xi32, #tpu.memory_space<hbm>>, %arg4: memref<2x10000x128xf32, #tpu.memory_space<hbm>>, %arg5: memref<10240x128xf32, #tpu.memory_space<vmem_shared>>, %arg6: memref<2x16x128xi32, #tpu.memory_space<vmem>>, %arg7: memref<128x128xf32, #tpu.memory_space<vmem>>, %arg8: memref<128x128xf32, #tpu.memory_space<vmem>>, %arg9: memref<!tpu.dma_semaphore, #tpu.memory_space<semaphore_mem>>, %arg10: memref<!tpu.dma_semaphore, #tpu.memory_space<semaphore_mem>>, %arg11: memref<!tpu.dma_semaphore, #tpu.memory_space<semaphore_mem>>, %arg12: memref<!tpu.dma_semaphore, #tpu.memory_space<semaphore_mem>>) attributes {dimension_semantics = [#tpu.dimension_semantics<core_parallel>, #tpu.dimension_semantics<subcore_parallel>], iteration_bounds = array<i64: 2, 16>, scalar_prefetch = 0 : i64, scratch_operands = 8 : i64, tpu.core_type = #tpu.core_type<sc_vector_subcore>, window_params = [{transform_indices = #map}, {transform_indices = #map}, {transform_indices = #map}]} {
    %mul3A = arith.constant 640 : i32
    %mul3A_0 = arith.muli %arg1, %mul3A : i32
    %multiple_of3A = tpu.assume_multiple %mul3A_0, 8 : i32
    %lt3A = arith.constant 15 : i32
    %lt3A_1 = arith.cmpi slt, %arg1, %lt3A : i32
    %convert_element_type3A = arith.extui %lt3A_1 : i1 to i32
    %cond3A = arith.constant 0 : i32
    %cond3A_2 = arith.cmpi ne, %convert_element_type3A, %cond3A : i32
    scf.if %cond3A_2 {
      "tpu.region"() ({
        %run_scoped3A = tpu.sem_alloc : memref<!tpu.dma_semaphore, #tpu.memory_space<semaphore_mem>>
        %dma_start3A = arith.constant 0 : i32
        %dma_start3A_23 = tpu.memref_slice %arg5[%multiple_of3A, %dma_start3A] : memref<10240x128xf32, #tpu.memory_space<vmem_shared>> -> memref<640x128xf32, #tpu.memory_space<vmem_shared>>
        %dma_start3A_24 = arith.constant 0 : i32
        %dma_start3A_25 = tpu.memref_slice %arg2[%arg0, %multiple_of3A, %dma_start3A_24] : memref<2x10000x128xf32, #tpu.memory_space<hbm>> -> memref<1x640x128xf32, #tpu.memory_space<hbm>>
        %dma_start3A_26 = tpu.memref_squeeze %dma_start3A_25 : memref<1x640x128xf32, #tpu.memory_space<hbm>> -> memref<640x128xf32, #tpu.memory_space<hbm>>
        tpu.enqueue_dma source(%dma_start3A_26 : memref<640x128xf32, #tpu.memory_space<hbm>>) target(%dma_start3A_23 : memref<640x128xf32, #tpu.memory_space<vmem_shared>>) target_semaphore(%run_scoped3A : memref<!tpu.dma_semaphore, #tpu.memory_space<semaphore_mem>>)
        %dma_wait3A = arith.constant 0 : i32
        %dma_wait3A_27 = tpu.memref_slice %arg5[%multiple_of3A, %dma_wait3A] : memref<10240x128xf32, #tpu.memory_space<vmem_shared>> -> memref<640x128xf32, #tpu.memory_space<vmem_shared>>
        %dma_wait3A_28 = arith.constant 0 : i32
        %dma_wait3A_29 = tpu.memref_slice %arg2[%arg0, %multiple_of3A, %dma_wait3A_28] : memref<2x10000x128xf32, #tpu.memory_space<hbm>> -> memref<1x640x128xf32, #tpu.memory_space<hbm>>
        %dma_wait3A_30 = tpu.memref_squeeze %dma_wait3A_29 : memref<1x640x128xf32, #tpu.memory_space<hbm>> -> memref<640x128xf32, #tpu.memory_space<hbm>>
        tpu.wait_dma2 semaphore(%run_scoped3A : memref<!tpu.dma_semaphore, #tpu.memory_space<semaphore_mem>>) src(%dma_wait3A_30 : memref<640x128xf32, #tpu.memory_space<hbm>>) dst(%dma_wait3A_27 : memref<640x128xf32, #tpu.memory_space<vmem_shared>>)
        tpu.yield
      }) : () -> ()
    } else {
    }
    %eq3A = arith.constant 15 : i32
    %eq3A_3 = arith.cmpi eq, %arg1, %eq3A : i32
    %convert_element_type3A_4 = arith.extui %eq3A_3 : i1 to i32
    %cond3A_5 = arith.constant 0 : i32
    %cond3A_6 = arith.cmpi ne, %convert_element_type3A_4, %cond3A_5 : i32
    scf.if %cond3A_6 {
      "tpu.region"() ({
        %run_scoped3A = tpu.sem_alloc : memref<!tpu.dma_semaphore, #tpu.memory_space<semaphore_mem>>
        %dma_start3A = arith.constant 9600 : i32
        %dma_start3A_23 = arith.constant 0 : i32
        %dma_start3A_24 = tpu.memref_slice %arg5[%dma_start3A, %dma_start3A_23] : memref<10240x128xf32, #tpu.memory_space<vmem_shared>> -> memref<400x128xf32, #tpu.memory_space<vmem_shared>>
        %dma_start3A_25 = arith.constant 9600 : i32
        %dma_start3A_26 = arith.constant 0 : i32
        %dma_start3A_27 = tpu.memref_slice %arg2[%arg0, %dma_start3A_25, %dma_start3A_26] : memref<2x10000x128xf32, #tpu.memory_space<hbm>> -> memref<1x400x128xf32, #tpu.memory_space<hbm>>
        %dma_start3A_28 = tpu.memref_squeeze %dma_start3A_27 : memref<1x400x128xf32, #tpu.memory_space<hbm>> -> memref<400x128xf32, #tpu.memory_space<hbm>>
        tpu.enqueue_dma source(%dma_start3A_28 : memref<400x128xf32, #tpu.memory_space<hbm>>) target(%dma_start3A_24 : memref<400x128xf32, #tpu.memory_space<vmem_shared>>) target_semaphore(%run_scoped3A : memref<!tpu.dma_semaphore, #tpu.memory_space<semaphore_mem>>)
        %dma_wait3A = arith.constant 9600 : i32
        %dma_wait3A_29 = arith.constant 0 : i32
        %dma_wait3A_30 = tpu.memref_slice %arg5[%dma_wait3A, %dma_wait3A_29] : memref<10240x128xf32, #tpu.memory_space<vmem_shared>> -> memref<400x128xf32, #tpu.memory_space<vmem_shared>>
        %dma_wait3A_31 = arith.constant 9600 : i32
        %dma_wait3A_32 = arith.constant 0 : i32
        %dma_wait3A_33 = tpu.memref_slice %arg2[%arg0, %dma_wait3A_31, %dma_wait3A_32] : memref<2x10000x128xf32, #tpu.memory_space<hbm>> -> memref<1x400x128xf32, #tpu.memory_space<hbm>>
        %dma_wait3A_34 = tpu.memref_squeeze %dma_wait3A_33 : memref<1x400x128xf32, #tpu.memory_space<hbm>> -> memref<400x128xf32, #tpu.memory_space<hbm>>
        tpu.wait_dma2 semaphore(%run_scoped3A : memref<!tpu.dma_semaphore, #tpu.memory_space<semaphore_mem>>) src(%dma_wait3A_34 : memref<400x128xf32, #tpu.memory_space<hbm>>) dst(%dma_wait3A_30 : memref<400x128xf32, #tpu.memory_space<vmem_shared>>)
        tpu.yield
      }) : () -> ()
    } else {
    }
    %barrier3A = arith.constant 0 : index
    tpu.barrier barrier_id(%barrier3A)
    %scan3A = arith.constant 0 : i32
    %scan3A_7 = arith.constant 0 : i32
    %scan3A_8 = arith.constant 10 : i32
    %scan3A_9 = arith.addi %scan3A_7, %scan3A_8 : i32
    %scan3A_10 = arith.constant 1 : i32
    scf.for %scan3A_23 = %scan3A_7 to %scan3A_9 step %scan3A_10  : i32 {
      %mul3A_24 = arith.constant 160 : i32
      %mul3A_25 = arith.muli %arg1, %mul3A_24 : i32
      %mul3A_26 = arith.constant 16 : i32
      %mul3A_27 = arith.muli %scan3A_23, %mul3A_26 : i32
      %add3A = arith.addi %mul3A_25, %mul3A_27 : i32
      "tpu.region"() ({
        %run_scoped3A = tpu.sem_alloc : memref<!tpu.dma_semaphore, #tpu.memory_space<semaphore_mem>>
        %dma_start3A_666 = arith.constant 0 : i32
        %dma_start3A_667 = arith.constant 0 : i32
        %dma_start3A_668 = tpu.memref_slice %arg3[%dma_start3A_666, %add3A, %dma_start3A_667] : memref<2x2560x128xi32, #tpu.memory_space<hbm>> -> memref<2x16x128xi32, #tpu.memory_space<hbm>>
        %dma_start3A_669 = arith.constant 0 : i32
        %dma_start3A_670 = arith.constant 0 : i32
        %dma_start3A_671 = tpu.memref_slice %arg3[%dma_start3A_669, %add3A, %dma_start3A_670] : memref<2x2560x128xi32, #tpu.memory_space<hbm>> -> memref<2x16x128xi32, #tpu.memory_space<hbm>>
        tpu.enqueue_dma source(%dma_start3A_671 : memref<2x16x128xi32, #tpu.memory_space<hbm>>) target(%arg6 : memref<2x16x128xi32, #tpu.memory_space<vmem>>) target_semaphore(%run_scoped3A : memref<!tpu.dma_semaphore, #tpu.memory_space<semaphore_mem>>)
        %dma_wait3A_672 = arith.constant 0 : i32
        %dma_wait3A_673 = arith.constant 0 : i32
        %dma_wait3A_674 = tpu.memref_slice %arg3[%dma_wait3A_672, %add3A, %dma_wait3A_673] : memref<2x2560x128xi32, #tpu.memory_space<hbm>> -> memref<2x16x128xi32, #tpu.memory_space<hbm>>
        %dma_wait3A_675 = arith.constant 0 : i32
        %dma_wait3A_676 = arith.constant 0 : i32
        %dma_wait3A_677 = tpu.memref_slice %arg3[%dma_wait3A_675, %add3A, %dma_wait3A_676] : memref<2x2560x128xi32, #tpu.memory_space<hbm>> -> memref<2x16x128xi32, #tpu.memory_space<hbm>>
        tpu.wait_dma2 semaphore(%run_scoped3A : memref<!tpu.dma_semaphore, #tpu.memory_space<semaphore_mem>>) src(%dma_wait3A_677 : memref<2x16x128xi32, #tpu.memory_space<hbm>>) dst(%arg6 : memref<2x16x128xi32, #tpu.memory_space<vmem>>)
        tpu.yield
      }) : () -> ()
      %dma_start3A = arith.constant 0 : i32
      %dma_start3A_28 = arith.constant 0 : i32
      %dma_start3A_29 = arith.constant 0 : i32
      %dma_start3A_30 = tpu.memref_slice %arg6[%dma_start3A, %dma_start3A_28, %dma_start3A_29] : memref<2x16x128xi32, #tpu.memory_space<vmem>> -> memref<1x1x128xi32, #tpu.memory_space<vmem>>
      %dma_start3A_31 = tpu.memref_squeeze %dma_start3A_30 : memref<1x1x128xi32, #tpu.memory_space<vmem>> -> memref<128xi32, #tpu.memory_space<vmem>>
      %dma_start3A_32 = arith.constant 0 : i32
      %dma_start3A_33 = arith.constant 0 : i32
      %dma_start3A_34 = tpu.memref_slice %arg2[%arg0, %dma_start3A_32, %dma_start3A_33] : memref<2x10000x128xf32, #tpu.memory_space<hbm>> -> memref<1x10000x128xf32, #tpu.memory_space<hbm>>
      %dma_start3A_35 = tpu.memref_squeeze %dma_start3A_34 : memref<1x10000x128xf32, #tpu.memory_space<hbm>> -> memref<10000x128xf32, #tpu.memory_space<hbm>>
      %dma_start3A_36 = arith.constant 0 : i32
      %dma_start3A_37 = arith.constant 0 : i32
      %dma_start3A_38 = tpu.memref_slice %dma_start3A_35[%dma_start3A_36, %dma_start3A_37] : memref<10000x128xf32, #tpu.memory_space<hbm>> -> memref<10000x128xf32, #tpu.memory_space<hbm>>
      tpu.enqueue_indirect_dma source(%dma_start3A_38 : memref<10000x128xf32, #tpu.memory_space<hbm>>) target(%arg7 : memref<128x128xf32, #tpu.memory_space<vmem>>) offsets(%dma_start3A_31 : memref<128xi32, #tpu.memory_space<vmem>>) semaphore(%arg9 : memref<!tpu.dma_semaphore, #tpu.memory_space<semaphore_mem>>)
      %dma_start3A_39 = arith.constant 0 : i32
      %dma_start3A_40 = arith.constant 1 : i32
      %dma_start3A_41 = arith.constant 0 : i32
      %dma_start3A_42 = tpu.memref_slice %arg6[%dma_start3A_39, %dma_start3A_40, %dma_start3A_41] : memref<2x16x128xi32, #tpu.memory_space<vmem>> -> memref<1x1x128xi32, #tpu.memory_space<vmem>>
      %dma_start3A_43 = tpu.memref_squeeze %dma_start3A_42 : memref<1x1x128xi32, #tpu.memory_space<vmem>> -> memref<128xi32, #tpu.memory_space<vmem>>
      %dma_start3A_44 = arith.constant 0 : i32
      %dma_start3A_45 = arith.constant 0 : i32
      %dma_start3A_46 = tpu.memref_slice %arg2[%arg0, %dma_start3A_44, %dma_start3A_45] : memref<2x10000x128xf32, #tpu.memory_space<hbm>> -> memref<1x10000x128xf32, #tpu.memory_space<hbm>>
      %dma_start3A_47 = tpu.memref_squeeze %dma_start3A_46 : memref<1x10000x128xf32, #tpu.memory_space<hbm>> -> memref<10000x128xf32, #tpu.memory_space<hbm>>
      %dma_start3A_48 = arith.constant 0 : i32
      %dma_start3A_49 = arith.constant 0 : i32
      %dma_start3A_50 = tpu.memref_slice %dma_start3A_47[%dma_start3A_48, %dma_start3A_49] : memref<10000x128xf32, #tpu.memory_space<hbm>> -> memref<10000x128xf32, #tpu.memory_space<hbm>>
      tpu.enqueue_indirect_dma source(%dma_start3A_50 : memref<10000x128xf32, #tpu.memory_space<hbm>>) target(%arg8 : memref<128x128xf32, #tpu.memory_space<vmem>>) offsets(%dma_start3A_43 : memref<128xi32, #tpu.memory_space<vmem>>) semaphore(%arg10 : memref<!tpu.dma_semaphore, #tpu.memory_space<semaphore_mem>>)
      %dma_wait3A = arith.constant 0 : i32
      %dma_wait3A_51 = arith.constant 0 : i32
      %dma_wait3A_52 = arith.constant 0 : i32
      %dma_wait3A_53 = tpu.memref_slice %arg6[%dma_wait3A, %dma_wait3A_51, %dma_wait3A_52] : memref<2x16x128xi32, #tpu.memory_space<vmem>> -> memref<1x1x128xi32, #tpu.memory_space<vmem>>
      %dma_wait3A_54 = tpu.memref_squeeze %dma_wait3A_53 : memref<1x1x128xi32, #tpu.memory_space<vmem>> -> memref<128xi32, #tpu.memory_space<vmem>>
      %dma_wait3A_55 = arith.constant 0 : i32
      %dma_wait3A_56 = arith.constant 0 : i32
      %dma_wait3A_57 = tpu.memref_slice %arg2[%arg0, %dma_wait3A_55, %dma_wait3A_56] : memref<2x10000x128xf32, #tpu.memory_space<hbm>> -> memref<1x10000x128xf32, #tpu.memory_space<hbm>>
      %dma_wait3A_58 = tpu.memref_squeeze %dma_wait3A_57 : memref<1x10000x128xf32, #tpu.memory_space<hbm>> -> memref<10000x128xf32, #tpu.memory_space<hbm>>
      %dma_wait3A_59 = arith.constant 0 : i32
      %dma_wait3A_60 = arith.constant 0 : i32
      %dma_wait3A_61 = tpu.memref_slice %dma_wait3A_58[%dma_wait3A_59, %dma_wait3A_60] : memref<10000x128xf32, #tpu.memory_space<hbm>> -> memref<10000x128xf32, #tpu.memory_space<hbm>>
      tpu.wait_indirect_dma semaphore(%arg9 : memref<!tpu.dma_semaphore, #tpu.memory_space<semaphore_mem>>) src(%dma_wait3A_61 : memref<10000x128xf32, #tpu.memory_space<hbm>>) dst(%arg7 : memref<128x128xf32, #tpu.memory_space<vmem>>)
      %dma_start3A_62 = arith.constant 1 : i32
      %dma_start3A_63 = arith.constant 0 : i32
      %dma_start3A_64 = arith.constant 0 : i32
      %dma_start3A_65 = tpu.memref_slice %arg6[%dma_start3A_62, %dma_start3A_63, %dma_start3A_64] : memref<2x16x128xi32, #tpu.memory_space<vmem>> -> memref<1x1x128xi32, #tpu.memory_space<vmem>>
      %dma_start3A_66 = tpu.memref_squeeze %dma_start3A_65 : memref<1x1x128xi32, #tpu.memory_space<vmem>> -> memref<128xi32, #tpu.memory_space<vmem>>
      %dma_start3A_67 = arith.constant 0 : i32
      %dma_start3A_68 = arith.constant 0 : i32
      %dma_start3A_69 = tpu.memref_slice %arg5[%dma_start3A_67, %dma_start3A_68] : memref<10240x128xf32, #tpu.memory_space<vmem_shared>> -> memref<10240x128xf32, #tpu.memory_space<vmem_shared>>
      tpu.enqueue_indirect_dma source(%arg7 : memref<128x128xf32, #tpu.memory_space<vmem>>) target(%dma_start3A_69 : memref<10240x128xf32, #tpu.memory_space<vmem_shared>>) offsets(%dma_start3A_66 : memref<128xi32, #tpu.memory_space<vmem>>) semaphore(%arg11 : memref<!tpu.dma_semaphore, #tpu.memory_space<semaphore_mem>>) {add = true}
      %dma_wait3A_70 = arith.constant 0 : i32
      %dma_wait3A_71 = arith.constant 1 : i32
      %dma_wait3A_72 = arith.constant 0 : i32
      %dma_wait3A_73 = tpu.memref_slice %arg6[%dma_wait3A_70, %dma_wait3A_71, %dma_wait3A_72] : memref<2x16x128xi32, #tpu.memory_space<vmem>> -> memref<1x1x128xi32, #tpu.memory_space<vmem>>
      %dma_wait3A_74 = tpu.memref_squeeze %dma_wait3A_73 : memref<1x1x128xi32, #tpu.memory_space<vmem>> -> memref<128xi32, #tpu.memory_space<vmem>>
      %dma_wait3A_75 = arith.constant 0 : i32
      %dma_wait3A_76 = arith.constant 0 : i32
      %dma_wait3A_77 = tpu.memref_slice %arg2[%arg0, %dma_wait3A_75, %dma_wait3A_76] : memref<2x10000x128xf32, #tpu.memory_space<hbm>> -> memref<1x10000x128xf32, #tpu.memory_space<hbm>>
      %dma_wait3A_78 = tpu.memref_squeeze %dma_wait3A_77 : memref<1x10000x128xf32, #tpu.memory_space<hbm>> -> memref<10000x128xf32, #tpu.memory_space<hbm>>
      %dma_wait3A_79 = arith.constant 0 : i32
      %dma_wait3A_80 = arith.constant 0 : i32
      %dma_wait3A_81 = tpu.memref_slice %dma_wait3A_78[%dma_wait3A_79, %dma_wait3A_80] : memref<10000x128xf32, #tpu.memory_space<hbm>> -> memref<10000x128xf32, #tpu.memory_space<hbm>>
      tpu.wait_indirect_dma semaphore(%arg10 : memref<!tpu.dma_semaphore, #tpu.memory_space<semaphore_mem>>) src(%dma_wait3A_81 : memref<10000x128xf32, #tpu.memory_space<hbm>>) dst(%arg8 : memref<128x128xf32, #tpu.memory_space<vmem>>)
      %dma_start3A_82 = arith.constant 1 : i32
      %dma_start3A_83 = arith.constant 1 : i32
      %dma_start3A_84 = arith.constant 0 : i32
      %dma_start3A_85 = tpu.memref_slice %arg6[%dma_start3A_82, %dma_start3A_83, %dma_start3A_84] : memref<2x16x128xi32, #tpu.memory_space<vmem>> -> memref<1x1x128xi32, #tpu.memory_space<vmem>>
      %dma_start3A_86 = tpu.memref_squeeze %dma_start3A_85 : memref<1x1x128xi32, #tpu.memory_space<vmem>> -> memref<128xi32, #tpu.memory_space<vmem>>
      %dma_start3A_87 = arith.constant 0 : i32
      %dma_start3A_88 = arith.constant 0 : i32
      %dma_start3A_89 = tpu.memref_slice %arg5[%dma_start3A_87, %dma_start3A_88] : memref<10240x128xf32, #tpu.memory_space<vmem_shared>> -> memref<10240x128xf32, #tpu.memory_space<vmem_shared>>
      tpu.enqueue_indirect_dma source(%arg8 : memref<128x128xf32, #tpu.memory_space<vmem>>) target(%dma_start3A_89 : memref<10240x128xf32, #tpu.memory_space<vmem_shared>>) offsets(%dma_start3A_86 : memref<128xi32, #tpu.memory_space<vmem>>) semaphore(%arg12 : memref<!tpu.dma_semaphore, #tpu.memory_space<semaphore_mem>>) {add = true}
      %dma_wait3A_90 = arith.constant 1 : i32
      %dma_wait3A_91 = arith.constant 0 : i32
      %dma_wait3A_92 = arith.constant 0 : i32
      %dma_wait3A_93 = tpu.memref_slice %arg6[%dma_wait3A_90, %dma_wait3A_91, %dma_wait3A_92] : memref<2x16x128xi32, #tpu.memory_space<vmem>> -> memref<1x1x128xi32, #tpu.memory_space<vmem>>
      %dma_wait3A_94 = tpu.memref_squeeze %dma_wait3A_93 : memref<1x1x128xi32, #tpu.memory_space<vmem>> -> memref<128xi32, #tpu.memory_space<vmem>>
      %dma_wait3A_95 = arith.constant 0 : i32
      %dma_wait3A_96 = arith.constant 0 : i32
      %dma_wait3A_97 = tpu.memref_slice %arg5[%dma_wait3A_95, %dma_wait3A_96] : memref<10240x128xf32, #tpu.memory_space<vmem_shared>> -> memref<10240x128xf32, #tpu.memory_space<vmem_shared>>
      tpu.wait_indirect_dma semaphore(%arg11 : memref<!tpu.dma_semaphore, #tpu.memory_space<semaphore_mem>>) src(%arg7 : memref<128x128xf32, #tpu.memory_space<vmem>>) dst(%dma_wait3A_97 : memref<10240x128xf32, #tpu.memory_space<vmem_shared>>)
      %dma_wait3A_98 = arith.constant 1 : i32
      %dma_wait3A_99 = arith.constant 1 : i32
      %dma_wait3A_100 = arith.constant 0 : i32
      %dma_wait3A_101 = tpu.memref_slice %arg6[%dma_wait3A_98, %dma_wait3A_99, %dma_wait3A_100] : memref<2x16x128xi32, #tpu.memory_space<vmem>> -> memref<1x1x128xi32, #tpu.memory_space<vmem>>
      %dma_wait3A_102 = tpu.memref_squeeze %dma_wait3A_101 : memref<1x1x128xi32, #tpu.memory_space<vmem>> -> memref<128xi32, #tpu.memory_space<vmem>>
      %dma_wait3A_103 = arith.constant 0 : i32
      %dma_wait3A_104 = arith.constant 0 : i32
      %dma_wait3A_105 = tpu.memref_slice %arg5[%dma_wait3A_103, %dma_wait3A_104] : memref<10240x128xf32, #tpu.memory_space<vmem_shared>> -> memref<10240x128xf32, #tpu.memory_space<vmem_shared>>
      tpu.wait_indirect_dma semaphore(%arg12 : memref<!tpu.dma_semaphore, #tpu.memory_space<semaphore_mem>>) src(%arg8 : memref<128x128xf32, #tpu.memory_space<vmem>>) dst(%dma_wait3A_105 : memref<10240x128xf32, #tpu.memory_space<vmem_shared>>)
      %dma_start3A_106 = arith.constant 0 : i32
      %dma_start3A_107 = arith.constant 2 : i32
      %dma_start3A_108 = arith.constant 0 : i32
      %dma_start3A_109 = tpu.memref_slice %arg6[%dma_start3A_106, %dma_start3A_107, %dma_start3A_108] : memref<2x16x128xi32, #tpu.memory_space<vmem>> -> memref<1x1x128xi32, #tpu.memory_space<vmem>>
      %dma_start3A_110 = tpu.memref_squeeze %dma_start3A_109 : memref<1x1x128xi32, #tpu.memory_space<vmem>> -> memref<128xi32, #tpu.memory_space<vmem>>
      %dma_start3A_111 = arith.constant 0 : i32
      %dma_start3A_112 = arith.constant 0 : i32
      %dma_start3A_113 = tpu.memref_slice %arg2[%arg0, %dma_start3A_111, %dma_start3A_112] : memref<2x10000x128xf32, #tpu.memory_space<hbm>> -> memref<1x10000x128xf32, #tpu.memory_space<hbm>>
      %dma_start3A_114 = tpu.memref_squeeze %dma_start3A_113 : memref<1x10000x128xf32, #tpu.memory_space<hbm>> -> memref<10000x128xf32, #tpu.memory_space<hbm>>
      %dma_start3A_115 = arith.constant 0 : i32
      %dma_start3A_116 = arith.constant 0 : i32
      %dma_start3A_117 = tpu.memref_slice %dma_start3A_114[%dma_start3A_115, %dma_start3A_116] : memref<10000x128xf32, #tpu.memory_space<hbm>> -> memref<10000x128xf32, #tpu.memory_space<hbm>>
      tpu.enqueue_indirect_dma source(%dma_start3A_117 : memref<10000x128xf32, #tpu.memory_space<hbm>>) target(%arg7 : memref<128x128xf32, #tpu.memory_space<vmem>>) offsets(%dma_start3A_110 : memref<128xi32, #tpu.memory_space<vmem>>) semaphore(%arg9 : memref<!tpu.dma_semaphore, #tpu.memory_space<semaphore_mem>>)
      %dma_start3A_118 = arith.constant 0 : i32
      %dma_start3A_119 = arith.constant 3 : i32
      %dma_start3A_120 = arith.constant 0 : i32
      %dma_start3A_121 = tpu.memref_slice %arg6[%dma_start3A_118, %dma_start3A_119, %dma_start3A_120] : memref<2x16x128xi32, #tpu.memory_space<vmem>> -> memref<1x1x128xi32, #tpu.memory_space<vmem>>
      %dma_start3A_122 = tpu.memref_squeeze %dma_start3A_121 : memref<1x1x128xi32, #tpu.memory_space<vmem>> -> memref<128xi32, #tpu.memory_space<vmem>>
      %dma_start3A_123 = arith.constant 0 : i32
      %dma_start3A_124 = arith.constant 0 : i32
      %dma_start3A_125 = tpu.memref_slice %arg2[%arg0, %dma_start3A_123, %dma_start3A_124] : memref<2x10000x128xf32, #tpu.memory_space<hbm>> -> memref<1x10000x128xf32, #tpu.memory_space<hbm>>
      %dma_start3A_126 = tpu.memref_squeeze %dma_start3A_125 : memref<1x10000x128xf32, #tpu.memory_space<hbm>> -> memref<10000x128xf32, #tpu.memory_space<hbm>>
      %dma_start3A_127 = arith.constant 0 : i32
      %dma_start3A_128 = arith.constant 0 : i32
      %dma_start3A_129 = tpu.memref_slice %dma_start3A_126[%dma_start3A_127, %dma_start3A_128] : memref<10000x128xf32, #tpu.memory_space<hbm>> -> memref<10000x128xf32, #tpu.memory_space<hbm>>
      tpu.enqueue_indirect_dma source(%dma_start3A_129 : memref<10000x128xf32, #tpu.memory_space<hbm>>) target(%arg8 : memref<128x128xf32, #tpu.memory_space<vmem>>) offsets(%dma_start3A_122 : memref<128xi32, #tpu.memory_space<vmem>>) semaphore(%arg10 : memref<!tpu.dma_semaphore, #tpu.memory_space<semaphore_mem>>)
      %dma_wait3A_130 = arith.constant 0 : i32
      %dma_wait3A_131 = arith.constant 2 : i32
      %dma_wait3A_132 = arith.constant 0 : i32
      %dma_wait3A_133 = tpu.memref_slice %arg6[%dma_wait3A_130, %dma_wait3A_131, %dma_wait3A_132] : memref<2x16x128xi32, #tpu.memory_space<vmem>> -> memref<1x1x128xi32, #tpu.memory_space<vmem>>
      %dma_wait3A_134 = tpu.memref_squeeze %dma_wait3A_133 : memref<1x1x128xi32, #tpu.memory_space<vmem>> -> memref<128xi32, #tpu.memory_space<vmem>>
      %dma_wait3A_135 = arith.constant 0 : i32
      %dma_wait3A_136 = arith.constant 0 : i32
      %dma_wait3A_137 = tpu.memref_slice %arg2[%arg0, %dma_wait3A_135, %dma_wait3A_136] : memref<2x10000x128xf32, #tpu.memory_space<hbm>> -> memref<1x10000x128xf32, #tpu.memory_space<hbm>>
      %dma_wait3A_138 = tpu.memref_squeeze %dma_wait3A_137 : memref<1x10000x128xf32, #tpu.memory_space<hbm>> -> memref<10000x128xf32, #tpu.memory_space<hbm>>
      %dma_wait3A_139 = arith.constant 0 : i32
      %dma_wait3A_140 = arith.constant 0 : i32
      %dma_wait3A_141 = tpu.memref_slice %dma_wait3A_138[%dma_wait3A_139, %dma_wait3A_140] : memref<10000x128xf32, #tpu.memory_space<hbm>> -> memref<10000x128xf32, #tpu.memory_space<hbm>>
      tpu.wait_indirect_dma semaphore(%arg9 : memref<!tpu.dma_semaphore, #tpu.memory_space<semaphore_mem>>) src(%dma_wait3A_141 : memref<10000x128xf32, #tpu.memory_space<hbm>>) dst(%arg7 : memref<128x128xf32, #tpu.memory_space<vmem>>)
      %dma_start3A_142 = arith.constant 1 : i32
      %dma_start3A_143 = arith.constant 2 : i32
      %dma_start3A_144 = arith.constant 0 : i32
      %dma_start3A_145 = tpu.memref_slice %arg6[%dma_start3A_142, %dma_start3A_143, %dma_start3A_144] : memref<2x16x128xi32, #tpu.memory_space<vmem>> -> memref<1x1x128xi32, #tpu.memory_space<vmem>>
      %dma_start3A_146 = tpu.memref_squeeze %dma_start3A_145 : memref<1x1x128xi32, #tpu.memory_space<vmem>> -> memref<128xi32, #tpu.memory_space<vmem>>
      %dma_start3A_147 = arith.constant 0 : i32
      %dma_start3A_148 = arith.constant 0 : i32
      %dma_start3A_149 = tpu.memref_slice %arg5[%dma_start3A_147, %dma_start3A_148] : memref<10240x128xf32, #tpu.memory_space<vmem_shared>> -> memref<10240x128xf32, #tpu.memory_space<vmem_shared>>
      tpu.enqueue_indirect_dma source(%arg7 : memref<128x128xf32, #tpu.memory_space<vmem>>) target(%dma_start3A_149 : memref<10240x128xf32, #tpu.memory_space<vmem_shared>>) offsets(%dma_start3A_146 : memref<128xi32, #tpu.memory_space<vmem>>) semaphore(%arg11 : memref<!tpu.dma_semaphore, #tpu.memory_space<semaphore_mem>>) {add = true}
      %dma_wait3A_150 = arith.constant 0 : i32
      %dma_wait3A_151 = arith.constant 3 : i32
      %dma_wait3A_152 = arith.constant 0 : i32
      %dma_wait3A_153 = tpu.memref_slice %arg6[%dma_wait3A_150, %dma_wait3A_151, %dma_wait3A_152] : memref<2x16x128xi32, #tpu.memory_space<vmem>> -> memref<1x1x128xi32, #tpu.memory_space<vmem>>
      %dma_wait3A_154 = tpu.memref_squeeze %dma_wait3A_153 : memref<1x1x128xi32, #tpu.memory_space<vmem>> -> memref<128xi32, #tpu.memory_space<vmem>>
      %dma_wait3A_155 = arith.constant 0 : i32
      %dma_wait3A_156 = arith.constant 0 : i32
      %dma_wait3A_157 = tpu.memref_slice %arg2[%arg0, %dma_wait3A_155, %dma_wait3A_156] : memref<2x10000x128xf32, #tpu.memory_space<hbm>> -> memref<1x10000x128xf32, #tpu.memory_space<hbm>>
      %dma_wait3A_158 = tpu.memref_squeeze %dma_wait3A_157 : memref<1x10000x128xf32, #tpu.memory_space<hbm>> -> memref<10000x128xf32, #tpu.memory_space<hbm>>
      %dma_wait3A_159 = arith.constant 0 : i32
      %dma_wait3A_160 = arith.constant 0 : i32
      %dma_wait3A_161 = tpu.memref_slice %dma_wait3A_158[%dma_wait3A_159, %dma_wait3A_160] : memref<10000x128xf32, #tpu.memory_space<hbm>> -> memref<10000x128xf32, #tpu.memory_space<hbm>>
      tpu.wait_indirect_dma semaphore(%arg10 : memref<!tpu.dma_semaphore, #tpu.memory_space<semaphore_mem>>) src(%dma_wait3A_161 : memref<10000x128xf32, #tpu.memory_space<hbm>>) dst(%arg8 : memref<128x128xf32, #tpu.memory_space<vmem>>)
      %dma_start3A_162 = arith.constant 1 : i32
      %dma_start3A_163 = arith.constant 3 : i32
      %dma_start3A_164 = arith.constant 0 : i32
      %dma_start3A_165 = tpu.memref_slice %arg6[%dma_start3A_162, %dma_start3A_163, %dma_start3A_164] : memref<2x16x128xi32, #tpu.memory_space<vmem>> -> memref<1x1x128xi32, #tpu.memory_space<vmem>>
      %dma_start3A_166 = tpu.memref_squeeze %dma_start3A_165 : memref<1x1x128xi32, #tpu.memory_space<vmem>> -> memref<128xi32, #tpu.memory_space<vmem>>
      %dma_start3A_167 = arith.constant 0 : i32
      %dma_start3A_168 = arith.constant 0 : i32
      %dma_start3A_169 = tpu.memref_slice %arg5[%dma_start3A_167, %dma_start3A_168] : memref<10240x128xf32, #tpu.memory_space<vmem_shared>> -> memref<10240x128xf32, #tpu.memory_space<vmem_shared>>
      tpu.enqueue_indirect_dma source(%arg8 : memref<128x128xf32, #tpu.memory_space<vmem>>) target(%dma_start3A_169 : memref<10240x128xf32, #tpu.memory_space<vmem_shared>>) offsets(%dma_start3A_166 : memref<128xi32, #tpu.memory_space<vmem>>) semaphore(%arg12 : memref<!tpu.dma_semaphore, #tpu.memory_space<semaphore_mem>>) {add = true}
      %dma_wait3A_170 = arith.constant 1 : i32
      %dma_wait3A_171 = arith.constant 2 : i32
      %dma_wait3A_172 = arith.constant 0 : i32
      %dma_wait3A_173 = tpu.memref_slice %arg6[%dma_wait3A_170, %dma_wait3A_171, %dma_wait3A_172] : memref<2x16x128xi32, #tpu.memory_space<vmem>> -> memref<1x1x128xi32, #tpu.memory_space<vmem>>
      %dma_wait3A_174 = tpu.memref_squeeze %dma_wait3A_173 : memref<1x1x128xi32, #tpu.memory_space<vmem>> -> memref<128xi32, #tpu.memory_space<vmem>>
      %dma_wait3A_175 = arith.constant 0 : i32
      %dma_wait3A_176 = arith.constant 0 : i32
      %dma_wait3A_177 = tpu.memref_slice %arg5[%dma_wait3A_175, %dma_wait3A_176] : memref<10240x128xf32, #tpu.memory_space<vmem_shared>> -> memref<10240x128xf32, #tpu.memory_space<vmem_shared>>
      tpu.wait_indirect_dma semaphore(%arg11 : memref<!tpu.dma_semaphore, #tpu.memory_space<semaphore_mem>>) src(%arg7 : memref<128x128xf32, #tpu.memory_space<vmem>>) dst(%dma_wait3A_177 : memref<10240x128xf32, #tpu.memory_space<vmem_shared>>)
      %dma_wait3A_178 = arith.constant 1 : i32
      %dma_wait3A_179 = arith.constant 3 : i32
      %dma_wait3A_180 = arith.constant 0 : i32
      %dma_wait3A_181 = tpu.memref_slice %arg6[%dma_wait3A_178, %dma_wait3A_179, %dma_wait3A_180] : memref<2x16x128xi32, #tpu.memory_space<vmem>> -> memref<1x1x128xi32, #tpu.memory_space<vmem>>
      %dma_wait3A_182 = tpu.memref_squeeze %dma_wait3A_181 : memref<1x1x128xi32, #tpu.memory_space<vmem>> -> memref<128xi32, #tpu.memory_space<vmem>>
      %dma_wait3A_183 = arith.constant 0 : i32
      %dma_wait3A_184 = arith.constant 0 : i32
      %dma_wait3A_185 = tpu.memref_slice %arg5[%dma_wait3A_183, %dma_wait3A_184] : memref<10240x128xf32, #tpu.memory_space<vmem_shared>> -> memref<10240x128xf32, #tpu.memory_space<vmem_shared>>
      tpu.wait_indirect_dma semaphore(%arg12 : memref<!tpu.dma_semaphore, #tpu.memory_space<semaphore_mem>>) src(%arg8 : memref<128x128xf32, #tpu.memory_space<vmem>>) dst(%dma_wait3A_185 : memref<10240x128xf32, #tpu.memory_space<vmem_shared>>)
      %dma_start3A_186 = arith.constant 0 : i32
      %dma_start3A_187 = arith.constant 4 : i32
      %dma_start3A_188 = arith.constant 0 : i32
      %dma_start3A_189 = tpu.memref_slice %arg6[%dma_start3A_186, %dma_start3A_187, %dma_start3A_188] : memref<2x16x128xi32, #tpu.memory_space<vmem>> -> memref<1x1x128xi32, #tpu.memory_space<vmem>>
      %dma_start3A_190 = tpu.memref_squeeze %dma_start3A_189 : memref<1x1x128xi32, #tpu.memory_space<vmem>> -> memref<128xi32, #tpu.memory_space<vmem>>
      %dma_start3A_191 = arith.constant 0 : i32
      %dma_start3A_192 = arith.constant 0 : i32
      %dma_start3A_193 = tpu.memref_slice %arg2[%arg0, %dma_start3A_191, %dma_start3A_192] : memref<2x10000x128xf32, #tpu.memory_space<hbm>> -> memref<1x10000x128xf32, #tpu.memory_space<hbm>>
      %dma_start3A_194 = tpu.memref_squeeze %dma_start3A_193 : memref<1x10000x128xf32, #tpu.memory_space<hbm>> -> memref<10000x128xf32, #tpu.memory_space<hbm>>
      %dma_start3A_195 = arith.constant 0 : i32
      %dma_start3A_196 = arith.constant 0 : i32
      %dma_start3A_197 = tpu.memref_slice %dma_start3A_194[%dma_start3A_195, %dma_start3A_196] : memref<10000x128xf32, #tpu.memory_space<hbm>> -> memref<10000x128xf32, #tpu.memory_space<hbm>>
      tpu.enqueue_indirect_dma source(%dma_start3A_197 : memref<10000x128xf32, #tpu.memory_space<hbm>>) target(%arg7 : memref<128x128xf32, #tpu.memory_space<vmem>>) offsets(%dma_start3A_190 : memref<128xi32, #tpu.memory_space<vmem>>) semaphore(%arg9 : memref<!tpu.dma_semaphore, #tpu.memory_space<semaphore_mem>>)
      %dma_start3A_198 = arith.constant 0 : i32
      %dma_start3A_199 = arith.constant 5 : i32
      %dma_start3A_200 = arith.constant 0 : i32
      %dma_start3A_201 = tpu.memref_slice %arg6[%dma_start3A_198, %dma_start3A_199, %dma_start3A_200] : memref<2x16x128xi32, #tpu.memory_space<vmem>> -> memref<1x1x128xi32, #tpu.memory_space<vmem>>
      %dma_start3A_202 = tpu.memref_squeeze %dma_start3A_201 : memref<1x1x128xi32, #tpu.memory_space<vmem>> -> memref<128xi32, #tpu.memory_space<vmem>>
      %dma_start3A_203 = arith.constant 0 : i32
      %dma_start3A_204 = arith.constant 0 : i32
      %dma_start3A_205 = tpu.memref_slice %arg2[%arg0, %dma_start3A_203, %dma_start3A_204] : memref<2x10000x128xf32, #tpu.memory_space<hbm>> -> memref<1x10000x128xf32, #tpu.memory_space<hbm>>
      %dma_start3A_206 = tpu.memref_squeeze %dma_start3A_205 : memref<1x10000x128xf32, #tpu.memory_space<hbm>> -> memref<10000x128xf32, #tpu.memory_space<hbm>>
      %dma_start3A_207 = arith.constant 0 : i32
      %dma_start3A_208 = arith.constant 0 : i32
      %dma_start3A_209 = tpu.memref_slice %dma_start3A_206[%dma_start3A_207, %dma_start3A_208] : memref<10000x128xf32, #tpu.memory_space<hbm>> -> memref<10000x128xf32, #tpu.memory_space<hbm>>
      tpu.enqueue_indirect_dma source(%dma_start3A_209 : memref<10000x128xf32, #tpu.memory_space<hbm>>) target(%arg8 : memref<128x128xf32, #tpu.memory_space<vmem>>) offsets(%dma_start3A_202 : memref<128xi32, #tpu.memory_space<vmem>>) semaphore(%arg10 : memref<!tpu.dma_semaphore, #tpu.memory_space<semaphore_mem>>)
      %dma_wait3A_210 = arith.constant 0 : i32
      %dma_wait3A_211 = arith.constant 4 : i32
      %dma_wait3A_212 = arith.constant 0 : i32
      %dma_wait3A_213 = tpu.memref_slice %arg6[%dma_wait3A_210, %dma_wait3A_211, %dma_wait3A_212] : memref<2x16x128xi32, #tpu.memory_space<vmem>> -> memref<1x1x128xi32, #tpu.memory_space<vmem>>
      %dma_wait3A_214 = tpu.memref_squeeze %dma_wait3A_213 : memref<1x1x128xi32, #tpu.memory_space<vmem>> -> memref<128xi32, #tpu.memory_space<vmem>>
      %dma_wait3A_215 = arith.constant 0 : i32
      %dma_wait3A_216 = arith.constant 0 : i32
      %dma_wait3A_217 = tpu.memref_slice %arg2[%arg0, %dma_wait3A_215, %dma_wait3A_216] : memref<2x10000x128xf32, #tpu.memory_space<hbm>> -> memref<1x10000x128xf32, #tpu.memory_space<hbm>>
      %dma_wait3A_218 = tpu.memref_squeeze %dma_wait3A_217 : memref<1x10000x128xf32, #tpu.memory_space<hbm>> -> memref<10000x128xf32, #tpu.memory_space<hbm>>
      %dma_wait3A_219 = arith.constant 0 : i32
      %dma_wait3A_220 = arith.constant 0 : i32
      %dma_wait3A_221 = tpu.memref_slice %dma_wait3A_218[%dma_wait3A_219, %dma_wait3A_220] : memref<10000x128xf32, #tpu.memory_space<hbm>> -> memref<10000x128xf32, #tpu.memory_space<hbm>>
      tpu.wait_indirect_dma semaphore(%arg9 : memref<!tpu.dma_semaphore, #tpu.memory_space<semaphore_mem>>) src(%dma_wait3A_221 : memref<10000x128xf32, #tpu.memory_space<hbm>>) dst(%arg7 : memref<128x128xf32, #tpu.memory_space<vmem>>)
      %dma_start3A_222 = arith.constant 1 : i32
      %dma_start3A_223 = arith.constant 4 : i32
      %dma_start3A_224 = arith.constant 0 : i32
      %dma_start3A_225 = tpu.memref_slice %arg6[%dma_start3A_222, %dma_start3A_223, %dma_start3A_224] : memref<2x16x128xi32, #tpu.memory_space<vmem>> -> memref<1x1x128xi32, #tpu.memory_space<vmem>>
      %dma_start3A_226 = tpu.memref_squeeze %dma_start3A_225 : memref<1x1x128xi32, #tpu.memory_space<vmem>> -> memref<128xi32, #tpu.memory_space<vmem>>
      %dma_start3A_227 = arith.constant 0 : i32
      %dma_start3A_228 = arith.constant 0 : i32
      %dma_start3A_229 = tpu.memref_slice %arg5[%dma_start3A_227, %dma_start3A_228] : memref<10240x128xf32, #tpu.memory_space<vmem_shared>> -> memref<10240x128xf32, #tpu.memory_space<vmem_shared>>
      tpu.enqueue_indirect_dma source(%arg7 : memref<128x128xf32, #tpu.memory_space<vmem>>) target(%dma_start3A_229 : memref<10240x128xf32, #tpu.memory_space<vmem_shared>>) offsets(%dma_start3A_226 : memref<128xi32, #tpu.memory_space<vmem>>) semaphore(%arg11 : memref<!tpu.dma_semaphore, #tpu.memory_space<semaphore_mem>>) {add = true}
      %dma_wait3A_230 = arith.constant 0 : i32
      %dma_wait3A_231 = arith.constant 5 : i32
      %dma_wait3A_232 = arith.constant 0 : i32
      %dma_wait3A_233 = tpu.memref_slice %arg6[%dma_wait3A_230, %dma_wait3A_231, %dma_wait3A_232] : memref<2x16x128xi32, #tpu.memory_space<vmem>> -> memref<1x1x128xi32, #tpu.memory_space<vmem>>
      %dma_wait3A_234 = tpu.memref_squeeze %dma_wait3A_233 : memref<1x1x128xi32, #tpu.memory_space<vmem>> -> memref<128xi32, #tpu.memory_space<vmem>>
      %dma_wait3A_235 = arith.constant 0 : i32
      %dma_wait3A_236 = arith.constant 0 : i32
      %dma_wait3A_237 = tpu.memref_slice %arg2[%arg0, %dma_wait3A_235, %dma_wait3A_236] : memref<2x10000x128xf32, #tpu.memory_space<hbm>> -> memref<1x10000x128xf32, #tpu.memory_space<hbm>>
      %dma_wait3A_238 = tpu.memref_squeeze %dma_wait3A_237 : memref<1x10000x128xf32, #tpu.memory_space<hbm>> -> memref<10000x128xf32, #tpu.memory_space<hbm>>
      %dma_wait3A_239 = arith.constant 0 : i32
      %dma_wait3A_240 = arith.constant 0 : i32
      %dma_wait3A_241 = tpu.memref_slice %dma_wait3A_238[%dma_wait3A_239, %dma_wait3A_240] : memref<10000x128xf32, #tpu.memory_space<hbm>> -> memref<10000x128xf32, #tpu.memory_space<hbm>>
      tpu.wait_indirect_dma semaphore(%arg10 : memref<!tpu.dma_semaphore, #tpu.memory_space<semaphore_mem>>) src(%dma_wait3A_241 : memref<10000x128xf32, #tpu.memory_space<hbm>>) dst(%arg8 : memref<128x128xf32, #tpu.memory_space<vmem>>)
      %dma_start3A_242 = arith.constant 1 : i32
      %dma_start3A_243 = arith.constant 5 : i32
      %dma_start3A_244 = arith.constant 0 : i32
      %dma_start3A_245 = tpu.memref_slice %arg6[%dma_start3A_242, %dma_start3A_243, %dma_start3A_244] : memref<2x16x128xi32, #tpu.memory_space<vmem>> -> memref<1x1x128xi32, #tpu.memory_space<vmem>>
      %dma_start3A_246 = tpu.memref_squeeze %dma_start3A_245 : memref<1x1x128xi32, #tpu.memory_space<vmem>> -> memref<128xi32, #tpu.memory_space<vmem>>
      %dma_start3A_247 = arith.constant 0 : i32
      %dma_start3A_248 = arith.constant 0 : i32
      %dma_start3A_249 = tpu.memref_slice %arg5[%dma_start3A_247, %dma_start3A_248] : memref<10240x128xf32, #tpu.memory_space<vmem_shared>> -> memref<10240x128xf32, #tpu.memory_space<vmem_shared>>
      tpu.enqueue_indirect_dma source(%arg8 : memref<128x128xf32, #tpu.memory_space<vmem>>) target(%dma_start3A_249 : memref<10240x128xf32, #tpu.memory_space<vmem_shared>>) offsets(%dma_start3A_246 : memref<128xi32, #tpu.memory_space<vmem>>) semaphore(%arg12 : memref<!tpu.dma_semaphore, #tpu.memory_space<semaphore_mem>>) {add = true}
      %dma_wait3A_250 = arith.constant 1 : i32
      %dma_wait3A_251 = arith.constant 4 : i32
      %dma_wait3A_252 = arith.constant 0 : i32
      %dma_wait3A_253 = tpu.memref_slice %arg6[%dma_wait3A_250, %dma_wait3A_251, %dma_wait3A_252] : memref<2x16x128xi32, #tpu.memory_space<vmem>> -> memref<1x1x128xi32, #tpu.memory_space<vmem>>
      %dma_wait3A_254 = tpu.memref_squeeze %dma_wait3A_253 : memref<1x1x128xi32, #tpu.memory_space<vmem>> -> memref<128xi32, #tpu.memory_space<vmem>>
      %dma_wait3A_255 = arith.constant 0 : i32
      %dma_wait3A_256 = arith.constant 0 : i32
      %dma_wait3A_257 = tpu.memref_slice %arg5[%dma_wait3A_255, %dma_wait3A_256] : memref<10240x128xf32, #tpu.memory_space<vmem_shared>> -> memref<10240x128xf32, #tpu.memory_space<vmem_shared>>
      tpu.wait_indirect_dma semaphore(%arg11 : memref<!tpu.dma_semaphore, #tpu.memory_space<semaphore_mem>>) src(%arg7 : memref<128x128xf32, #tpu.memory_space<vmem>>) dst(%dma_wait3A_257 : memref<10240x128xf32, #tpu.memory_space<vmem_shared>>)
      %dma_wait3A_258 = arith.constant 1 : i32
      %dma_wait3A_259 = arith.constant 5 : i32
      %dma_wait3A_260 = arith.constant 0 : i32
      %dma_wait3A_261 = tpu.memref_slice %arg6[%dma_wait3A_258, %dma_wait3A_259, %dma_wait3A_260] : memref<2x16x128xi32, #tpu.memory_space<vmem>> -> memref<1x1x128xi32, #tpu.memory_space<vmem>>
      %dma_wait3A_262 = tpu.memref_squeeze %dma_wait3A_261 : memref<1x1x128xi32, #tpu.memory_space<vmem>> -> memref<128xi32, #tpu.memory_space<vmem>>
      %dma_wait3A_263 = arith.constant 0 : i32
      %dma_wait3A_264 = arith.constant 0 : i32
      %dma_wait3A_265 = tpu.memref_slice %arg5[%dma_wait3A_263, %dma_wait3A_264] : memref<10240x128xf32, #tpu.memory_space<vmem_shared>> -> memref<10240x128xf32, #tpu.memory_space<vmem_shared>>
      tpu.wait_indirect_dma semaphore(%arg12 : memref<!tpu.dma_semaphore, #tpu.memory_space<semaphore_mem>>) src(%arg8 : memref<128x128xf32, #tpu.memory_space<vmem>>) dst(%dma_wait3A_265 : memref<10240x128xf32, #tpu.memory_space<vmem_shared>>)
      %dma_start3A_266 = arith.constant 0 : i32
      %dma_start3A_267 = arith.constant 6 : i32
      %dma_start3A_268 = arith.constant 0 : i32
      %dma_start3A_269 = tpu.memref_slice %arg6[%dma_start3A_266, %dma_start3A_267, %dma_start3A_268] : memref<2x16x128xi32, #tpu.memory_space<vmem>> -> memref<1x1x128xi32, #tpu.memory_space<vmem>>
      %dma_start3A_270 = tpu.memref_squeeze %dma_start3A_269 : memref<1x1x128xi32, #tpu.memory_space<vmem>> -> memref<128xi32, #tpu.memory_space<vmem>>
      %dma_start3A_271 = arith.constant 0 : i32
      %dma_start3A_272 = arith.constant 0 : i32
      %dma_start3A_273 = tpu.memref_slice %arg2[%arg0, %dma_start3A_271, %dma_start3A_272] : memref<2x10000x128xf32, #tpu.memory_space<hbm>> -> memref<1x10000x128xf32, #tpu.memory_space<hbm>>
      %dma_start3A_274 = tpu.memref_squeeze %dma_start3A_273 : memref<1x10000x128xf32, #tpu.memory_space<hbm>> -> memref<10000x128xf32, #tpu.memory_space<hbm>>
      %dma_start3A_275 = arith.constant 0 : i32
      %dma_start3A_276 = arith.constant 0 : i32
      %dma_start3A_277 = tpu.memref_slice %dma_start3A_274[%dma_start3A_275, %dma_start3A_276] : memref<10000x128xf32, #tpu.memory_space<hbm>> -> memref<10000x128xf32, #tpu.memory_space<hbm>>
      tpu.enqueue_indirect_dma source(%dma_start3A_277 : memref<10000x128xf32, #tpu.memory_space<hbm>>) target(%arg7 : memref<128x128xf32, #tpu.memory_space<vmem>>) offsets(%dma_start3A_270 : memref<128xi32, #tpu.memory_space<vmem>>) semaphore(%arg9 : memref<!tpu.dma_semaphore, #tpu.memory_space<semaphore_mem>>)
      %dma_start3A_278 = arith.constant 0 : i32
      %dma_start3A_279 = arith.constant 7 : i32
      %dma_start3A_280 = arith.constant 0 : i32
      %dma_start3A_281 = tpu.memref_slice %arg6[%dma_start3A_278, %dma_start3A_279, %dma_start3A_280] : memref<2x16x128xi32, #tpu.memory_space<vmem>> -> memref<1x1x128xi32, #tpu.memory_space<vmem>>
      %dma_start3A_282 = tpu.memref_squeeze %dma_start3A_281 : memref<1x1x128xi32, #tpu.memory_space<vmem>> -> memref<128xi32, #tpu.memory_space<vmem>>
      %dma_start3A_283 = arith.constant 0 : i32
      %dma_start3A_284 = arith.constant 0 : i32
      %dma_start3A_285 = tpu.memref_slice %arg2[%arg0, %dma_start3A_283, %dma_start3A_284] : memref<2x10000x128xf32, #tpu.memory_space<hbm>> -> memref<1x10000x128xf32, #tpu.memory_space<hbm>>
      %dma_start3A_286 = tpu.memref_squeeze %dma_start3A_285 : memref<1x10000x128xf32, #tpu.memory_space<hbm>> -> memref<10000x128xf32, #tpu.memory_space<hbm>>
      %dma_start3A_287 = arith.constant 0 : i32
      %dma_start3A_288 = arith.constant 0 : i32
      %dma_start3A_289 = tpu.memref_slice %dma_start3A_286[%dma_start3A_287, %dma_start3A_288] : memref<10000x128xf32, #tpu.memory_space<hbm>> -> memref<10000x128xf32, #tpu.memory_space<hbm>>
      tpu.enqueue_indirect_dma source(%dma_start3A_289 : memref<10000x128xf32, #tpu.memory_space<hbm>>) target(%arg8 : memref<128x128xf32, #tpu.memory_space<vmem>>) offsets(%dma_start3A_282 : memref<128xi32, #tpu.memory_space<vmem>>) semaphore(%arg10 : memref<!tpu.dma_semaphore, #tpu.memory_space<semaphore_mem>>)
      %dma_wait3A_290 = arith.constant 0 : i32
      %dma_wait3A_291 = arith.constant 6 : i32
      %dma_wait3A_292 = arith.constant 0 : i32
      %dma_wait3A_293 = tpu.memref_slice %arg6[%dma_wait3A_290, %dma_wait3A_291, %dma_wait3A_292] : memref<2x16x128xi32, #tpu.memory_space<vmem>> -> memref<1x1x128xi32, #tpu.memory_space<vmem>>
      %dma_wait3A_294 = tpu.memref_squeeze %dma_wait3A_293 : memref<1x1x128xi32, #tpu.memory_space<vmem>> -> memref<128xi32, #tpu.memory_space<vmem>>
      %dma_wait3A_295 = arith.constant 0 : i32
      %dma_wait3A_296 = arith.constant 0 : i32
      %dma_wait3A_297 = tpu.memref_slice %arg2[%arg0, %dma_wait3A_295, %dma_wait3A_296] : memref<2x10000x128xf32, #tpu.memory_space<hbm>> -> memref<1x10000x128xf32, #tpu.memory_space<hbm>>
      %dma_wait3A_298 = tpu.memref_squeeze %dma_wait3A_297 : memref<1x10000x128xf32, #tpu.memory_space<hbm>> -> memref<10000x128xf32, #tpu.memory_space<hbm>>
      %dma_wait3A_299 = arith.constant 0 : i32
      %dma_wait3A_300 = arith.constant 0 : i32
      %dma_wait3A_301 = tpu.memref_slice %dma_wait3A_298[%dma_wait3A_299, %dma_wait3A_300] : memref<10000x128xf32, #tpu.memory_space<hbm>> -> memref<10000x128xf32, #tpu.memory_space<hbm>>
      tpu.wait_indirect_dma semaphore(%arg9 : memref<!tpu.dma_semaphore, #tpu.memory_space<semaphore_mem>>) src(%dma_wait3A_301 : memref<10000x128xf32, #tpu.memory_space<hbm>>) dst(%arg7 : memref<128x128xf32, #tpu.memory_space<vmem>>)
      %dma_start3A_302 = arith.constant 1 : i32
      %dma_start3A_303 = arith.constant 6 : i32
      %dma_start3A_304 = arith.constant 0 : i32
      %dma_start3A_305 = tpu.memref_slice %arg6[%dma_start3A_302, %dma_start3A_303, %dma_start3A_304] : memref<2x16x128xi32, #tpu.memory_space<vmem>> -> memref<1x1x128xi32, #tpu.memory_space<vmem>>
      %dma_start3A_306 = tpu.memref_squeeze %dma_start3A_305 : memref<1x1x128xi32, #tpu.memory_space<vmem>> -> memref<128xi32, #tpu.memory_space<vmem>>
      %dma_start3A_307 = arith.constant 0 : i32
      %dma_start3A_308 = arith.constant 0 : i32
      %dma_start3A_309 = tpu.memref_slice %arg5[%dma_start3A_307, %dma_start3A_308] : memref<10240x128xf32, #tpu.memory_space<vmem_shared>> -> memref<10240x128xf32, #tpu.memory_space<vmem_shared>>
      tpu.enqueue_indirect_dma source(%arg7 : memref<128x128xf32, #tpu.memory_space<vmem>>) target(%dma_start3A_309 : memref<10240x128xf32, #tpu.memory_space<vmem_shared>>) offsets(%dma_start3A_306 : memref<128xi32, #tpu.memory_space<vmem>>) semaphore(%arg11 : memref<!tpu.dma_semaphore, #tpu.memory_space<semaphore_mem>>) {add = true}
      %dma_wait3A_310 = arith.constant 0 : i32
      %dma_wait3A_311 = arith.constant 7 : i32
      %dma_wait3A_312 = arith.constant 0 : i32
      %dma_wait3A_313 = tpu.memref_slice %arg6[%dma_wait3A_310, %dma_wait3A_311, %dma_wait3A_312] : memref<2x16x128xi32, #tpu.memory_space<vmem>> -> memref<1x1x128xi32, #tpu.memory_space<vmem>>
      %dma_wait3A_314 = tpu.memref_squeeze %dma_wait3A_313 : memref<1x1x128xi32, #tpu.memory_space<vmem>> -> memref<128xi32, #tpu.memory_space<vmem>>
      %dma_wait3A_315 = arith.constant 0 : i32
      %dma_wait3A_316 = arith.constant 0 : i32
      %dma_wait3A_317 = tpu.memref_slice %arg2[%arg0, %dma_wait3A_315, %dma_wait3A_316] : memref<2x10000x128xf32, #tpu.memory_space<hbm>> -> memref<1x10000x128xf32, #tpu.memory_space<hbm>>
      %dma_wait3A_318 = tpu.memref_squeeze %dma_wait3A_317 : memref<1x10000x128xf32, #tpu.memory_space<hbm>> -> memref<10000x128xf32, #tpu.memory_space<hbm>>
      %dma_wait3A_319 = arith.constant 0 : i32
      %dma_wait3A_320 = arith.constant 0 : i32
      %dma_wait3A_321 = tpu.memref_slice %dma_wait3A_318[%dma_wait3A_319, %dma_wait3A_320] : memref<10000x128xf32, #tpu.memory_space<hbm>> -> memref<10000x128xf32, #tpu.memory_space<hbm>>
      tpu.wait_indirect_dma semaphore(%arg10 : memref<!tpu.dma_semaphore, #tpu.memory_space<semaphore_mem>>) src(%dma_wait3A_321 : memref<10000x128xf32, #tpu.memory_space<hbm>>) dst(%arg8 : memref<128x128xf32, #tpu.memory_space<vmem>>)
      %dma_start3A_322 = arith.constant 1 : i32
      %dma_start3A_323 = arith.constant 7 : i32
      %dma_start3A_324 = arith.constant 0 : i32
      %dma_start3A_325 = tpu.memref_slice %arg6[%dma_start3A_322, %dma_start3A_323, %dma_start3A_324] : memref<2x16x128xi32, #tpu.memory_space<vmem>> -> memref<1x1x128xi32, #tpu.memory_space<vmem>>
      %dma_start3A_326 = tpu.memref_squeeze %dma_start3A_325 : memref<1x1x128xi32, #tpu.memory_space<vmem>> -> memref<128xi32, #tpu.memory_space<vmem>>
      %dma_start3A_327 = arith.constant 0 : i32
      %dma_start3A_328 = arith.constant 0 : i32
      %dma_start3A_329 = tpu.memref_slice %arg5[%dma_start3A_327, %dma_start3A_328] : memref<10240x128xf32, #tpu.memory_space<vmem_shared>> -> memref<10240x128xf32, #tpu.memory_space<vmem_shared>>
      tpu.enqueue_indirect_dma source(%arg8 : memref<128x128xf32, #tpu.memory_space<vmem>>) target(%dma_start3A_329 : memref<10240x128xf32, #tpu.memory_space<vmem_shared>>) offsets(%dma_start3A_326 : memref<128xi32, #tpu.memory_space<vmem>>) semaphore(%arg12 : memref<!tpu.dma_semaphore, #tpu.memory_space<semaphore_mem>>) {add = true}
      %dma_wait3A_330 = arith.constant 1 : i32
      %dma_wait3A_331 = arith.constant 6 : i32
      %dma_wait3A_332 = arith.constant 0 : i32
      %dma_wait3A_333 = tpu.memref_slice %arg6[%dma_wait3A_330, %dma_wait3A_331, %dma_wait3A_332] : memref<2x16x128xi32, #tpu.memory_space<vmem>> -> memref<1x1x128xi32, #tpu.memory_space<vmem>>
      %dma_wait3A_334 = tpu.memref_squeeze %dma_wait3A_333 : memref<1x1x128xi32, #tpu.memory_space<vmem>> -> memref<128xi32, #tpu.memory_space<vmem>>
      %dma_wait3A_335 = arith.constant 0 : i32
      %dma_wait3A_336 = arith.constant 0 : i32
      %dma_wait3A_337 = tpu.memref_slice %arg5[%dma_wait3A_335, %dma_wait3A_336] : memref<10240x128xf32, #tpu.memory_space<vmem_shared>> -> memref<10240x128xf32, #tpu.memory_space<vmem_shared>>
      tpu.wait_indirect_dma semaphore(%arg11 : memref<!tpu.dma_semaphore, #tpu.memory_space<semaphore_mem>>) src(%arg7 : memref<128x128xf32, #tpu.memory_space<vmem>>) dst(%dma_wait3A_337 : memref<10240x128xf32, #tpu.memory_space<vmem_shared>>)
      %dma_wait3A_338 = arith.constant 1 : i32
      %dma_wait3A_339 = arith.constant 7 : i32
      %dma_wait3A_340 = arith.constant 0 : i32
      %dma_wait3A_341 = tpu.memref_slice %arg6[%dma_wait3A_338, %dma_wait3A_339, %dma_wait3A_340] : memref<2x16x128xi32, #tpu.memory_space<vmem>> -> memref<1x1x128xi32, #tpu.memory_space<vmem>>
      %dma_wait3A_342 = tpu.memref_squeeze %dma_wait3A_341 : memref<1x1x128xi32, #tpu.memory_space<vmem>> -> memref<128xi32, #tpu.memory_space<vmem>>
      %dma_wait3A_343 = arith.constant 0 : i32
      %dma_wait3A_344 = arith.constant 0 : i32
      %dma_wait3A_345 = tpu.memref_slice %arg5[%dma_wait3A_343, %dma_wait3A_344] : memref<10240x128xf32, #tpu.memory_space<vmem_shared>> -> memref<10240x128xf32, #tpu.memory_space<vmem_shared>>
      tpu.wait_indirect_dma semaphore(%arg12 : memref<!tpu.dma_semaphore, #tpu.memory_space<semaphore_mem>>) src(%arg8 : memref<128x128xf32, #tpu.memory_space<vmem>>) dst(%dma_wait3A_345 : memref<10240x128xf32, #tpu.memory_space<vmem_shared>>)
      %dma_start3A_346 = arith.constant 0 : i32
      %dma_start3A_347 = arith.constant 8 : i32
      %dma_start3A_348 = arith.constant 0 : i32
      %dma_start3A_349 = tpu.memref_slice %arg6[%dma_start3A_346, %dma_start3A_347, %dma_start3A_348] : memref<2x16x128xi32, #tpu.memory_space<vmem>> -> memref<1x1x128xi32, #tpu.memory_space<vmem>>
      %dma_start3A_350 = tpu.memref_squeeze %dma_start3A_349 : memref<1x1x128xi32, #tpu.memory_space<vmem>> -> memref<128xi32, #tpu.memory_space<vmem>>
      %dma_start3A_351 = arith.constant 0 : i32
      %dma_start3A_352 = arith.constant 0 : i32
      %dma_start3A_353 = tpu.memref_slice %arg2[%arg0, %dma_start3A_351, %dma_start3A_352] : memref<2x10000x128xf32, #tpu.memory_space<hbm>> -> memref<1x10000x128xf32, #tpu.memory_space<hbm>>
      %dma_start3A_354 = tpu.memref_squeeze %dma_start3A_353 : memref<1x10000x128xf32, #tpu.memory_space<hbm>> -> memref<10000x128xf32, #tpu.memory_space<hbm>>
      %dma_start3A_355 = arith.constant 0 : i32
      %dma_start3A_356 = arith.constant 0 : i32
      %dma_start3A_357 = tpu.memref_slice %dma_start3A_354[%dma_start3A_355, %dma_start3A_356] : memref<10000x128xf32, #tpu.memory_space<hbm>> -> memref<10000x128xf32, #tpu.memory_space<hbm>>
      tpu.enqueue_indirect_dma source(%dma_start3A_357 : memref<10000x128xf32, #tpu.memory_space<hbm>>) target(%arg7 : memref<128x128xf32, #tpu.memory_space<vmem>>) offsets(%dma_start3A_350 : memref<128xi32, #tpu.memory_space<vmem>>) semaphore(%arg9 : memref<!tpu.dma_semaphore, #tpu.memory_space<semaphore_mem>>)
      %dma_start3A_358 = arith.constant 0 : i32
      %dma_start3A_359 = arith.constant 9 : i32
      %dma_start3A_360 = arith.constant 0 : i32
      %dma_start3A_361 = tpu.memref_slice %arg6[%dma_start3A_358, %dma_start3A_359, %dma_start3A_360] : memref<2x16x128xi32, #tpu.memory_space<vmem>> -> memref<1x1x128xi32, #tpu.memory_space<vmem>>
      %dma_start3A_362 = tpu.memref_squeeze %dma_start3A_361 : memref<1x1x128xi32, #tpu.memory_space<vmem>> -> memref<128xi32, #tpu.memory_space<vmem>>
      %dma_start3A_363 = arith.constant 0 : i32
      %dma_start3A_364 = arith.constant 0 : i32
      %dma_start3A_365 = tpu.memref_slice %arg2[%arg0, %dma_start3A_363, %dma_start3A_364] : memref<2x10000x128xf32, #tpu.memory_space<hbm>> -> memref<1x10000x128xf32, #tpu.memory_space<hbm>>
      %dma_start3A_366 = tpu.memref_squeeze %dma_start3A_365 : memref<1x10000x128xf32, #tpu.memory_space<hbm>> -> memref<10000x128xf32, #tpu.memory_space<hbm>>
      %dma_start3A_367 = arith.constant 0 : i32
      %dma_start3A_368 = arith.constant 0 : i32
      %dma_start3A_369 = tpu.memref_slice %dma_start3A_366[%dma_start3A_367, %dma_start3A_368] : memref<10000x128xf32, #tpu.memory_space<hbm>> -> memref<10000x128xf32, #tpu.memory_space<hbm>>
      tpu.enqueue_indirect_dma source(%dma_start3A_369 : memref<10000x128xf32, #tpu.memory_space<hbm>>) target(%arg8 : memref<128x128xf32, #tpu.memory_space<vmem>>) offsets(%dma_start3A_362 : memref<128xi32, #tpu.memory_space<vmem>>) semaphore(%arg10 : memref<!tpu.dma_semaphore, #tpu.memory_space<semaphore_mem>>)
      %dma_wait3A_370 = arith.constant 0 : i32
      %dma_wait3A_371 = arith.constant 8 : i32
      %dma_wait3A_372 = arith.constant 0 : i32
      %dma_wait3A_373 = tpu.memref_slice %arg6[%dma_wait3A_370, %dma_wait3A_371, %dma_wait3A_372] : memref<2x16x128xi32, #tpu.memory_space<vmem>> -> memref<1x1x128xi32, #tpu.memory_space<vmem>>
      %dma_wait3A_374 = tpu.memref_squeeze %dma_wait3A_373 : memref<1x1x128xi32, #tpu.memory_space<vmem>> -> memref<128xi32, #tpu.memory_space<vmem>>
      %dma_wait3A_375 = arith.constant 0 : i32
      %dma_wait3A_376 = arith.constant 0 : i32
      %dma_wait3A_377 = tpu.memref_slice %arg2[%arg0, %dma_wait3A_375, %dma_wait3A_376] : memref<2x10000x128xf32, #tpu.memory_space<hbm>> -> memref<1x10000x128xf32, #tpu.memory_space<hbm>>
      %dma_wait3A_378 = tpu.memref_squeeze %dma_wait3A_377 : memref<1x10000x128xf32, #tpu.memory_space<hbm>> -> memref<10000x128xf32, #tpu.memory_space<hbm>>
      %dma_wait3A_379 = arith.constant 0 : i32
      %dma_wait3A_380 = arith.constant 0 : i32
      %dma_wait3A_381 = tpu.memref_slice %dma_wait3A_378[%dma_wait3A_379, %dma_wait3A_380] : memref<10000x128xf32, #tpu.memory_space<hbm>> -> memref<10000x128xf32, #tpu.memory_space<hbm>>
      tpu.wait_indirect_dma semaphore(%arg9 : memref<!tpu.dma_semaphore, #tpu.memory_space<semaphore_mem>>) src(%dma_wait3A_381 : memref<10000x128xf32, #tpu.memory_space<hbm>>) dst(%arg7 : memref<128x128xf32, #tpu.memory_space<vmem>>)
      %dma_start3A_382 = arith.constant 1 : i32
      %dma_start3A_383 = arith.constant 8 : i32
      %dma_start3A_384 = arith.constant 0 : i32
      %dma_start3A_385 = tpu.memref_slice %arg6[%dma_start3A_382, %dma_start3A_383, %dma_start3A_384] : memref<2x16x128xi32, #tpu.memory_space<vmem>> -> memref<1x1x128xi32, #tpu.memory_space<vmem>>
      %dma_start3A_386 = tpu.memref_squeeze %dma_start3A_385 : memref<1x1x128xi32, #tpu.memory_space<vmem>> -> memref<128xi32, #tpu.memory_space<vmem>>
      %dma_start3A_387 = arith.constant 0 : i32
      %dma_start3A_388 = arith.constant 0 : i32
      %dma_start3A_389 = tpu.memref_slice %arg5[%dma_start3A_387, %dma_start3A_388] : memref<10240x128xf32, #tpu.memory_space<vmem_shared>> -> memref<10240x128xf32, #tpu.memory_space<vmem_shared>>
      tpu.enqueue_indirect_dma source(%arg7 : memref<128x128xf32, #tpu.memory_space<vmem>>) target(%dma_start3A_389 : memref<10240x128xf32, #tpu.memory_space<vmem_shared>>) offsets(%dma_start3A_386 : memref<128xi32, #tpu.memory_space<vmem>>) semaphore(%arg11 : memref<!tpu.dma_semaphore, #tpu.memory_space<semaphore_mem>>) {add = true}
      %dma_wait3A_390 = arith.constant 0 : i32
      %dma_wait3A_391 = arith.constant 9 : i32
      %dma_wait3A_392 = arith.constant 0 : i32
      %dma_wait3A_393 = tpu.memref_slice %arg6[%dma_wait3A_390, %dma_wait3A_391, %dma_wait3A_392] : memref<2x16x128xi32, #tpu.memory_space<vmem>> -> memref<1x1x128xi32, #tpu.memory_space<vmem>>
      %dma_wait3A_394 = tpu.memref_squeeze %dma_wait3A_393 : memref<1x1x128xi32, #tpu.memory_space<vmem>> -> memref<128xi32, #tpu.memory_space<vmem>>
      %dma_wait3A_395 = arith.constant 0 : i32
      %dma_wait3A_396 = arith.constant 0 : i32
      %dma_wait3A_397 = tpu.memref_slice %arg2[%arg0, %dma_wait3A_395, %dma_wait3A_396] : memref<2x10000x128xf32, #tpu.memory_space<hbm>> -> memref<1x10000x128xf32, #tpu.memory_space<hbm>>
      %dma_wait3A_398 = tpu.memref_squeeze %dma_wait3A_397 : memref<1x10000x128xf32, #tpu.memory_space<hbm>> -> memref<10000x128xf32, #tpu.memory_space<hbm>>
      %dma_wait3A_399 = arith.constant 0 : i32
      %dma_wait3A_400 = arith.constant 0 : i32
      %dma_wait3A_401 = tpu.memref_slice %dma_wait3A_398[%dma_wait3A_399, %dma_wait3A_400] : memref<10000x128xf32, #tpu.memory_space<hbm>> -> memref<10000x128xf32, #tpu.memory_space<hbm>>
      tpu.wait_indirect_dma semaphore(%arg10 : memref<!tpu.dma_semaphore, #tpu.memory_space<semaphore_mem>>) src(%dma_wait3A_401 : memref<10000x128xf32, #tpu.memory_space<hbm>>) dst(%arg8 : memref<128x128xf32, #tpu.memory_space<vmem>>)
      %dma_start3A_402 = arith.constant 1 : i32
      %dma_start3A_403 = arith.constant 9 : i32
      %dma_start3A_404 = arith.constant 0 : i32
      %dma_start3A_405 = tpu.memref_slice %arg6[%dma_start3A_402, %dma_start3A_403, %dma_start3A_404] : memref<2x16x128xi32, #tpu.memory_space<vmem>> -> memref<1x1x128xi32, #tpu.memory_space<vmem>>
      %dma_start3A_406 = tpu.memref_squeeze %dma_start3A_405 : memref<1x1x128xi32, #tpu.memory_space<vmem>> -> memref<128xi32, #tpu.memory_space<vmem>>
      %dma_start3A_407 = arith.constant 0 : i32
      %dma_start3A_408 = arith.constant 0 : i32
      %dma_start3A_409 = tpu.memref_slice %arg5[%dma_start3A_407, %dma_start3A_408] : memref<10240x128xf32, #tpu.memory_space<vmem_shared>> -> memref<10240x128xf32, #tpu.memory_space<vmem_shared>>
      tpu.enqueue_indirect_dma source(%arg8 : memref<128x128xf32, #tpu.memory_space<vmem>>) target(%dma_start3A_409 : memref<10240x128xf32, #tpu.memory_space<vmem_shared>>) offsets(%dma_start3A_406 : memref<128xi32, #tpu.memory_space<vmem>>) semaphore(%arg12 : memref<!tpu.dma_semaphore, #tpu.memory_space<semaphore_mem>>) {add = true}
      %dma_wait3A_410 = arith.constant 1 : i32
      %dma_wait3A_411 = arith.constant 8 : i32
      %dma_wait3A_412 = arith.constant 0 : i32
      %dma_wait3A_413 = tpu.memref_slice %arg6[%dma_wait3A_410, %dma_wait3A_411, %dma_wait3A_412] : memref<2x16x128xi32, #tpu.memory_space<vmem>> -> memref<1x1x128xi32, #tpu.memory_space<vmem>>
      %dma_wait3A_414 = tpu.memref_squeeze %dma_wait3A_413 : memref<1x1x128xi32, #tpu.memory_space<vmem>> -> memref<128xi32, #tpu.memory_space<vmem>>
      %dma_wait3A_415 = arith.constant 0 : i32
      %dma_wait3A_416 = arith.constant 0 : i32
      %dma_wait3A_417 = tpu.memref_slice %arg5[%dma_wait3A_415, %dma_wait3A_416] : memref<10240x128xf32, #tpu.memory_space<vmem_shared>> -> memref<10240x128xf32, #tpu.memory_space<vmem_shared>>
      tpu.wait_indirect_dma semaphore(%arg11 : memref<!tpu.dma_semaphore, #tpu.memory_space<semaphore_mem>>) src(%arg7 : memref<128x128xf32, #tpu.memory_space<vmem>>) dst(%dma_wait3A_417 : memref<10240x128xf32, #tpu.memory_space<vmem_shared>>)
      %dma_wait3A_418 = arith.constant 1 : i32
      %dma_wait3A_419 = arith.constant 9 : i32
      %dma_wait3A_420 = arith.constant 0 : i32
      %dma_wait3A_421 = tpu.memref_slice %arg6[%dma_wait3A_418, %dma_wait3A_419, %dma_wait3A_420] : memref<2x16x128xi32, #tpu.memory_space<vmem>> -> memref<1x1x128xi32, #tpu.memory_space<vmem>>
      %dma_wait3A_422 = tpu.memref_squeeze %dma_wait3A_421 : memref<1x1x128xi32, #tpu.memory_space<vmem>> -> memref<128xi32, #tpu.memory_space<vmem>>
      %dma_wait3A_423 = arith.constant 0 : i32
      %dma_wait3A_424 = arith.constant 0 : i32
      %dma_wait3A_425 = tpu.memref_slice %arg5[%dma_wait3A_423, %dma_wait3A_424] : memref<10240x128xf32, #tpu.memory_space<vmem_shared>> -> memref<10240x128xf32, #tpu.memory_space<vmem_shared>>
      tpu.wait_indirect_dma semaphore(%arg12 : memref<!tpu.dma_semaphore, #tpu.memory_space<semaphore_mem>>) src(%arg8 : memref<128x128xf32, #tpu.memory_space<vmem>>) dst(%dma_wait3A_425 : memref<10240x128xf32, #tpu.memory_space<vmem_shared>>)
      %dma_start3A_426 = arith.constant 0 : i32
      %dma_start3A_427 = arith.constant 10 : i32
      %dma_start3A_428 = arith.constant 0 : i32
      %dma_start3A_429 = tpu.memref_slice %arg6[%dma_start3A_426, %dma_start3A_427, %dma_start3A_428] : memref<2x16x128xi32, #tpu.memory_space<vmem>> -> memref<1x1x128xi32, #tpu.memory_space<vmem>>
      %dma_start3A_430 = tpu.memref_squeeze %dma_start3A_429 : memref<1x1x128xi32, #tpu.memory_space<vmem>> -> memref<128xi32, #tpu.memory_space<vmem>>
      %dma_start3A_431 = arith.constant 0 : i32
      %dma_start3A_432 = arith.constant 0 : i32
      %dma_start3A_433 = tpu.memref_slice %arg2[%arg0, %dma_start3A_431, %dma_start3A_432] : memref<2x10000x128xf32, #tpu.memory_space<hbm>> -> memref<1x10000x128xf32, #tpu.memory_space<hbm>>
      %dma_start3A_434 = tpu.memref_squeeze %dma_start3A_433 : memref<1x10000x128xf32, #tpu.memory_space<hbm>> -> memref<10000x128xf32, #tpu.memory_space<hbm>>
      %dma_start3A_435 = arith.constant 0 : i32
      %dma_start3A_436 = arith.constant 0 : i32
      %dma_start3A_437 = tpu.memref_slice %dma_start3A_434[%dma_start3A_435, %dma_start3A_436] : memref<10000x128xf32, #tpu.memory_space<hbm>> -> memref<10000x128xf32, #tpu.memory_space<hbm>>
      tpu.enqueue_indirect_dma source(%dma_start3A_437 : memref<10000x128xf32, #tpu.memory_space<hbm>>) target(%arg7 : memref<128x128xf32, #tpu.memory_space<vmem>>) offsets(%dma_start3A_430 : memref<128xi32, #tpu.memory_space<vmem>>) semaphore(%arg9 : memref<!tpu.dma_semaphore, #tpu.memory_space<semaphore_mem>>)
      %dma_start3A_438 = arith.constant 0 : i32
      %dma_start3A_439 = arith.constant 11 : i32
      %dma_start3A_440 = arith.constant 0 : i32
      %dma_start3A_441 = tpu.memref_slice %arg6[%dma_start3A_438, %dma_start3A_439, %dma_start3A_440] : memref<2x16x128xi32, #tpu.memory_space<vmem>> -> memref<1x1x128xi32, #tpu.memory_space<vmem>>
      %dma_start3A_442 = tpu.memref_squeeze %dma_start3A_441 : memref<1x1x128xi32, #tpu.memory_space<vmem>> -> memref<128xi32, #tpu.memory_space<vmem>>
      %dma_start3A_443 = arith.constant 0 : i32
      %dma_start3A_444 = arith.constant 0 : i32
      %dma_start3A_445 = tpu.memref_slice %arg2[%arg0, %dma_start3A_443, %dma_start3A_444] : memref<2x10000x128xf32, #tpu.memory_space<hbm>> -> memref<1x10000x128xf32, #tpu.memory_space<hbm>>
      %dma_start3A_446 = tpu.memref_squeeze %dma_start3A_445 : memref<1x10000x128xf32, #tpu.memory_space<hbm>> -> memref<10000x128xf32, #tpu.memory_space<hbm>>
      %dma_start3A_447 = arith.constant 0 : i32
      %dma_start3A_448 = arith.constant 0 : i32
      %dma_start3A_449 = tpu.memref_slice %dma_start3A_446[%dma_start3A_447, %dma_start3A_448] : memref<10000x128xf32, #tpu.memory_space<hbm>> -> memref<10000x128xf32, #tpu.memory_space<hbm>>
      tpu.enqueue_indirect_dma source(%dma_start3A_449 : memref<10000x128xf32, #tpu.memory_space<hbm>>) target(%arg8 : memref<128x128xf32, #tpu.memory_space<vmem>>) offsets(%dma_start3A_442 : memref<128xi32, #tpu.memory_space<vmem>>) semaphore(%arg10 : memref<!tpu.dma_semaphore, #tpu.memory_space<semaphore_mem>>)
      %dma_wait3A_450 = arith.constant 0 : i32
      %dma_wait3A_451 = arith.constant 10 : i32
      %dma_wait3A_452 = arith.constant 0 : i32
      %dma_wait3A_453 = tpu.memref_slice %arg6[%dma_wait3A_450, %dma_wait3A_451, %dma_wait3A_452] : memref<2x16x128xi32, #tpu.memory_space<vmem>> -> memref<1x1x128xi32, #tpu.memory_space<vmem>>
      %dma_wait3A_454 = tpu.memref_squeeze %dma_wait3A_453 : memref<1x1x128xi32, #tpu.memory_space<vmem>> -> memref<128xi32, #tpu.memory_space<vmem>>
      %dma_wait3A_455 = arith.constant 0 : i32
      %dma_wait3A_456 = arith.constant 0 : i32
      %dma_wait3A_457 = tpu.memref_slice %arg2[%arg0, %dma_wait3A_455, %dma_wait3A_456] : memref<2x10000x128xf32, #tpu.memory_space<hbm>> -> memref<1x10000x128xf32, #tpu.memory_space<hbm>>
      %dma_wait3A_458 = tpu.memref_squeeze %dma_wait3A_457 : memref<1x10000x128xf32, #tpu.memory_space<hbm>> -> memref<10000x128xf32, #tpu.memory_space<hbm>>
      %dma_wait3A_459 = arith.constant 0 : i32
      %dma_wait3A_460 = arith.constant 0 : i32
      %dma_wait3A_461 = tpu.memref_slice %dma_wait3A_458[%dma_wait3A_459, %dma_wait3A_460] : memref<10000x128xf32, #tpu.memory_space<hbm>> -> memref<10000x128xf32, #tpu.memory_space<hbm>>
      tpu.wait_indirect_dma semaphore(%arg9 : memref<!tpu.dma_semaphore, #tpu.memory_space<semaphore_mem>>) src(%dma_wait3A_461 : memref<10000x128xf32, #tpu.memory_space<hbm>>) dst(%arg7 : memref<128x128xf32, #tpu.memory_space<vmem>>)
      %dma_start3A_462 = arith.constant 1 : i32
      %dma_start3A_463 = arith.constant 10 : i32
      %dma_start3A_464 = arith.constant 0 : i32
      %dma_start3A_465 = tpu.memref_slice %arg6[%dma_start3A_462, %dma_start3A_463, %dma_start3A_464] : memref<2x16x128xi32, #tpu.memory_space<vmem>> -> memref<1x1x128xi32, #tpu.memory_space<vmem>>
      %dma_start3A_466 = tpu.memref_squeeze %dma_start3A_465 : memref<1x1x128xi32, #tpu.memory_space<vmem>> -> memref<128xi32, #tpu.memory_space<vmem>>
      %dma_start3A_467 = arith.constant 0 : i32
      %dma_start3A_468 = arith.constant 0 : i32
      %dma_start3A_469 = tpu.memref_slice %arg5[%dma_start3A_467, %dma_start3A_468] : memref<10240x128xf32, #tpu.memory_space<vmem_shared>> -> memref<10240x128xf32, #tpu.memory_space<vmem_shared>>
      tpu.enqueue_indirect_dma source(%arg7 : memref<128x128xf32, #tpu.memory_space<vmem>>) target(%dma_start3A_469 : memref<10240x128xf32, #tpu.memory_space<vmem_shared>>) offsets(%dma_start3A_466 : memref<128xi32, #tpu.memory_space<vmem>>) semaphore(%arg11 : memref<!tpu.dma_semaphore, #tpu.memory_space<semaphore_mem>>) {add = true}
      %dma_wait3A_470 = arith.constant 0 : i32
      %dma_wait3A_471 = arith.constant 11 : i32
      %dma_wait3A_472 = arith.constant 0 : i32
      %dma_wait3A_473 = tpu.memref_slice %arg6[%dma_wait3A_470, %dma_wait3A_471, %dma_wait3A_472] : memref<2x16x128xi32, #tpu.memory_space<vmem>> -> memref<1x1x128xi32, #tpu.memory_space<vmem>>
      %dma_wait3A_474 = tpu.memref_squeeze %dma_wait3A_473 : memref<1x1x128xi32, #tpu.memory_space<vmem>> -> memref<128xi32, #tpu.memory_space<vmem>>
      %dma_wait3A_475 = arith.constant 0 : i32
      %dma_wait3A_476 = arith.constant 0 : i32
      %dma_wait3A_477 = tpu.memref_slice %arg2[%arg0, %dma_wait3A_475, %dma_wait3A_476] : memref<2x10000x128xf32, #tpu.memory_space<hbm>> -> memref<1x10000x128xf32, #tpu.memory_space<hbm>>
      %dma_wait3A_478 = tpu.memref_squeeze %dma_wait3A_477 : memref<1x10000x128xf32, #tpu.memory_space<hbm>> -> memref<10000x128xf32, #tpu.memory_space<hbm>>
      %dma_wait3A_479 = arith.constant 0 : i32
      %dma_wait3A_480 = arith.constant 0 : i32
      %dma_wait3A_481 = tpu.memref_slice %dma_wait3A_478[%dma_wait3A_479, %dma_wait3A_480] : memref<10000x128xf32, #tpu.memory_space<hbm>> -> memref<10000x128xf32, #tpu.memory_space<hbm>>
      tpu.wait_indirect_dma semaphore(%arg10 : memref<!tpu.dma_semaphore, #tpu.memory_space<semaphore_mem>>) src(%dma_wait3A_481 : memref<10000x128xf32, #tpu.memory_space<hbm>>) dst(%arg8 : memref<128x128xf32, #tpu.memory_space<vmem>>)
      %dma_start3A_482 = arith.constant 1 : i32
      %dma_start3A_483 = arith.constant 11 : i32
      %dma_start3A_484 = arith.constant 0 : i32
      %dma_start3A_485 = tpu.memref_slice %arg6[%dma_start3A_482, %dma_start3A_483, %dma_start3A_484] : memref<2x16x128xi32, #tpu.memory_space<vmem>> -> memref<1x1x128xi32, #tpu.memory_space<vmem>>
      %dma_start3A_486 = tpu.memref_squeeze %dma_start3A_485 : memref<1x1x128xi32, #tpu.memory_space<vmem>> -> memref<128xi32, #tpu.memory_space<vmem>>
      %dma_start3A_487 = arith.constant 0 : i32
      %dma_start3A_488 = arith.constant 0 : i32
      %dma_start3A_489 = tpu.memref_slice %arg5[%dma_start3A_487, %dma_start3A_488] : memref<10240x128xf32, #tpu.memory_space<vmem_shared>> -> memref<10240x128xf32, #tpu.memory_space<vmem_shared>>
      tpu.enqueue_indirect_dma source(%arg8 : memref<128x128xf32, #tpu.memory_space<vmem>>) target(%dma_start3A_489 : memref<10240x128xf32, #tpu.memory_space<vmem_shared>>) offsets(%dma_start3A_486 : memref<128xi32, #tpu.memory_space<vmem>>) semaphore(%arg12 : memref<!tpu.dma_semaphore, #tpu.memory_space<semaphore_mem>>) {add = true}
      %dma_wait3A_490 = arith.constant 1 : i32
      %dma_wait3A_491 = arith.constant 10 : i32
      %dma_wait3A_492 = arith.constant 0 : i32
      %dma_wait3A_493 = tpu.memref_slice %arg6[%dma_wait3A_490, %dma_wait3A_491, %dma_wait3A_492] : memref<2x16x128xi32, #tpu.memory_space<vmem>> -> memref<1x1x128xi32, #tpu.memory_space<vmem>>
      %dma_wait3A_494 = tpu.memref_squeeze %dma_wait3A_493 : memref<1x1x128xi32, #tpu.memory_space<vmem>> -> memref<128xi32, #tpu.memory_space<vmem>>
      %dma_wait3A_495 = arith.constant 0 : i32
      %dma_wait3A_496 = arith.constant 0 : i32
      %dma_wait3A_497 = tpu.memref_slice %arg5[%dma_wait3A_495, %dma_wait3A_496] : memref<10240x128xf32, #tpu.memory_space<vmem_shared>> -> memref<10240x128xf32, #tpu.memory_space<vmem_shared>>
      tpu.wait_indirect_dma semaphore(%arg11 : memref<!tpu.dma_semaphore, #tpu.memory_space<semaphore_mem>>) src(%arg7 : memref<128x128xf32, #tpu.memory_space<vmem>>) dst(%dma_wait3A_497 : memref<10240x128xf32, #tpu.memory_space<vmem_shared>>)
      %dma_wait3A_498 = arith.constant 1 : i32
      %dma_wait3A_499 = arith.constant 11 : i32
      %dma_wait3A_500 = arith.constant 0 : i32
      %dma_wait3A_501 = tpu.memref_slice %arg6[%dma_wait3A_498, %dma_wait3A_499, %dma_wait3A_500] : memref<2x16x128xi32, #tpu.memory_space<vmem>> -> memref<1x1x128xi32, #tpu.memory_space<vmem>>
      %dma_wait3A_502 = tpu.memref_squeeze %dma_wait3A_501 : memref<1x1x128xi32, #tpu.memory_space<vmem>> -> memref<128xi32, #tpu.memory_space<vmem>>
      %dma_wait3A_503 = arith.constant 0 : i32
      %dma_wait3A_504 = arith.constant 0 : i32
      %dma_wait3A_505 = tpu.memref_slice %arg5[%dma_wait3A_503, %dma_wait3A_504] : memref<10240x128xf32, #tpu.memory_space<vmem_shared>> -> memref<10240x128xf32, #tpu.memory_space<vmem_shared>>
      tpu.wait_indirect_dma semaphore(%arg12 : memref<!tpu.dma_semaphore, #tpu.memory_space<semaphore_mem>>) src(%arg8 : memref<128x128xf32, #tpu.memory_space<vmem>>) dst(%dma_wait3A_505 : memref<10240x128xf32, #tpu.memory_space<vmem_shared>>)
      %dma_start3A_506 = arith.constant 0 : i32
      %dma_start3A_507 = arith.constant 12 : i32
      %dma_start3A_508 = arith.constant 0 : i32
      %dma_start3A_509 = tpu.memref_slice %arg6[%dma_start3A_506, %dma_start3A_507, %dma_start3A_508] : memref<2x16x128xi32, #tpu.memory_space<vmem>> -> memref<1x1x128xi32, #tpu.memory_space<vmem>>
      %dma_start3A_510 = tpu.memref_squeeze %dma_start3A_509 : memref<1x1x128xi32, #tpu.memory_space<vmem>> -> memref<128xi32, #tpu.memory_space<vmem>>
      %dma_start3A_511 = arith.constant 0 : i32
      %dma_start3A_512 = arith.constant 0 : i32
      %dma_start3A_513 = tpu.memref_slice %arg2[%arg0, %dma_start3A_511, %dma_start3A_512] : memref<2x10000x128xf32, #tpu.memory_space<hbm>> -> memref<1x10000x128xf32, #tpu.memory_space<hbm>>
      %dma_start3A_514 = tpu.memref_squeeze %dma_start3A_513 : memref<1x10000x128xf32, #tpu.memory_space<hbm>> -> memref<10000x128xf32, #tpu.memory_space<hbm>>
      %dma_start3A_515 = arith.constant 0 : i32
      %dma_start3A_516 = arith.constant 0 : i32
      %dma_start3A_517 = tpu.memref_slice %dma_start3A_514[%dma_start3A_515, %dma_start3A_516] : memref<10000x128xf32, #tpu.memory_space<hbm>> -> memref<10000x128xf32, #tpu.memory_space<hbm>>
      tpu.enqueue_indirect_dma source(%dma_start3A_517 : memref<10000x128xf32, #tpu.memory_space<hbm>>) target(%arg7 : memref<128x128xf32, #tpu.memory_space<vmem>>) offsets(%dma_start3A_510 : memref<128xi32, #tpu.memory_space<vmem>>) semaphore(%arg9 : memref<!tpu.dma_semaphore, #tpu.memory_space<semaphore_mem>>)
      %dma_start3A_518 = arith.constant 0 : i32
      %dma_start3A_519 = arith.constant 13 : i32
      %dma_start3A_520 = arith.constant 0 : i32
      %dma_start3A_521 = tpu.memref_slice %arg6[%dma_start3A_518, %dma_start3A_519, %dma_start3A_520] : memref<2x16x128xi32, #tpu.memory_space<vmem>> -> memref<1x1x128xi32, #tpu.memory_space<vmem>>
      %dma_start3A_522 = tpu.memref_squeeze %dma_start3A_521 : memref<1x1x128xi32, #tpu.memory_space<vmem>> -> memref<128xi32, #tpu.memory_space<vmem>>
      %dma_start3A_523 = arith.constant 0 : i32
      %dma_start3A_524 = arith.constant 0 : i32
      %dma_start3A_525 = tpu.memref_slice %arg2[%arg0, %dma_start3A_523, %dma_start3A_524] : memref<2x10000x128xf32, #tpu.memory_space<hbm>> -> memref<1x10000x128xf32, #tpu.memory_space<hbm>>
      %dma_start3A_526 = tpu.memref_squeeze %dma_start3A_525 : memref<1x10000x128xf32, #tpu.memory_space<hbm>> -> memref<10000x128xf32, #tpu.memory_space<hbm>>
      %dma_start3A_527 = arith.constant 0 : i32
      %dma_start3A_528 = arith.constant 0 : i32
      %dma_start3A_529 = tpu.memref_slice %dma_start3A_526[%dma_start3A_527, %dma_start3A_528] : memref<10000x128xf32, #tpu.memory_space<hbm>> -> memref<10000x128xf32, #tpu.memory_space<hbm>>
      tpu.enqueue_indirect_dma source(%dma_start3A_529 : memref<10000x128xf32, #tpu.memory_space<hbm>>) target(%arg8 : memref<128x128xf32, #tpu.memory_space<vmem>>) offsets(%dma_start3A_522 : memref<128xi32, #tpu.memory_space<vmem>>) semaphore(%arg10 : memref<!tpu.dma_semaphore, #tpu.memory_space<semaphore_mem>>)
      %dma_wait3A_530 = arith.constant 0 : i32
      %dma_wait3A_531 = arith.constant 12 : i32
      %dma_wait3A_532 = arith.constant 0 : i32
      %dma_wait3A_533 = tpu.memref_slice %arg6[%dma_wait3A_530, %dma_wait3A_531, %dma_wait3A_532] : memref<2x16x128xi32, #tpu.memory_space<vmem>> -> memref<1x1x128xi32, #tpu.memory_space<vmem>>
      %dma_wait3A_534 = tpu.memref_squeeze %dma_wait3A_533 : memref<1x1x128xi32, #tpu.memory_space<vmem>> -> memref<128xi32, #tpu.memory_space<vmem>>
      %dma_wait3A_535 = arith.constant 0 : i32
      %dma_wait3A_536 = arith.constant 0 : i32
      %dma_wait3A_537 = tpu.memref_slice %arg2[%arg0, %dma_wait3A_535, %dma_wait3A_536] : memref<2x10000x128xf32, #tpu.memory_space<hbm>> -> memref<1x10000x128xf32, #tpu.memory_space<hbm>>
      %dma_wait3A_538 = tpu.memref_squeeze %dma_wait3A_537 : memref<1x10000x128xf32, #tpu.memory_space<hbm>> -> memref<10000x128xf32, #tpu.memory_space<hbm>>
      %dma_wait3A_539 = arith.constant 0 : i32
      %dma_wait3A_540 = arith.constant 0 : i32
      %dma_wait3A_541 = tpu.memref_slice %dma_wait3A_538[%dma_wait3A_539, %dma_wait3A_540] : memref<10000x128xf32, #tpu.memory_space<hbm>> -> memref<10000x128xf32, #tpu.memory_space<hbm>>
      tpu.wait_indirect_dma semaphore(%arg9 : memref<!tpu.dma_semaphore, #tpu.memory_space<semaphore_mem>>) src(%dma_wait3A_541 : memref<10000x128xf32, #tpu.memory_space<hbm>>) dst(%arg7 : memref<128x128xf32, #tpu.memory_space<vmem>>)
      %dma_start3A_542 = arith.constant 1 : i32
      %dma_start3A_543 = arith.constant 12 : i32
      %dma_start3A_544 = arith.constant 0 : i32
      %dma_start3A_545 = tpu.memref_slice %arg6[%dma_start3A_542, %dma_start3A_543, %dma_start3A_544] : memref<2x16x128xi32, #tpu.memory_space<vmem>> -> memref<1x1x128xi32, #tpu.memory_space<vmem>>
      %dma_start3A_546 = tpu.memref_squeeze %dma_start3A_545 : memref<1x1x128xi32, #tpu.memory_space<vmem>> -> memref<128xi32, #tpu.memory_space<vmem>>
      %dma_start3A_547 = arith.constant 0 : i32
      %dma_start3A_548 = arith.constant 0 : i32
      %dma_start3A_549 = tpu.memref_slice %arg5[%dma_start3A_547, %dma_start3A_548] : memref<10240x128xf32, #tpu.memory_space<vmem_shared>> -> memref<10240x128xf32, #tpu.memory_space<vmem_shared>>
      tpu.enqueue_indirect_dma source(%arg7 : memref<128x128xf32, #tpu.memory_space<vmem>>) target(%dma_start3A_549 : memref<10240x128xf32, #tpu.memory_space<vmem_shared>>) offsets(%dma_start3A_546 : memref<128xi32, #tpu.memory_space<vmem>>) semaphore(%arg11 : memref<!tpu.dma_semaphore, #tpu.memory_space<semaphore_mem>>) {add = true}
      %dma_wait3A_550 = arith.constant 0 : i32
      %dma_wait3A_551 = arith.constant 13 : i32
      %dma_wait3A_552 = arith.constant 0 : i32
      %dma_wait3A_553 = tpu.memref_slice %arg6[%dma_wait3A_550, %dma_wait3A_551, %dma_wait3A_552] : memref<2x16x128xi32, #tpu.memory_space<vmem>> -> memref<1x1x128xi32, #tpu.memory_space<vmem>>
      %dma_wait3A_554 = tpu.memref_squeeze %dma_wait3A_553 : memref<1x1x128xi32, #tpu.memory_space<vmem>> -> memref<128xi32, #tpu.memory_space<vmem>>
      %dma_wait3A_555 = arith.constant 0 : i32
      %dma_wait3A_556 = arith.constant 0 : i32
      %dma_wait3A_557 = tpu.memref_slice %arg2[%arg0, %dma_wait3A_555, %dma_wait3A_556] : memref<2x10000x128xf32, #tpu.memory_space<hbm>> -> memref<1x10000x128xf32, #tpu.memory_space<hbm>>
      %dma_wait3A_558 = tpu.memref_squeeze %dma_wait3A_557 : memref<1x10000x128xf32, #tpu.memory_space<hbm>> -> memref<10000x128xf32, #tpu.memory_space<hbm>>
      %dma_wait3A_559 = arith.constant 0 : i32
      %dma_wait3A_560 = arith.constant 0 : i32
      %dma_wait3A_561 = tpu.memref_slice %dma_wait3A_558[%dma_wait3A_559, %dma_wait3A_560] : memref<10000x128xf32, #tpu.memory_space<hbm>> -> memref<10000x128xf32, #tpu.memory_space<hbm>>
      tpu.wait_indirect_dma semaphore(%arg10 : memref<!tpu.dma_semaphore, #tpu.memory_space<semaphore_mem>>) src(%dma_wait3A_561 : memref<10000x128xf32, #tpu.memory_space<hbm>>) dst(%arg8 : memref<128x128xf32, #tpu.memory_space<vmem>>)
      %dma_start3A_562 = arith.constant 1 : i32
      %dma_start3A_563 = arith.constant 13 : i32
      %dma_start3A_564 = arith.constant 0 : i32
      %dma_start3A_565 = tpu.memref_slice %arg6[%dma_start3A_562, %dma_start3A_563, %dma_start3A_564] : memref<2x16x128xi32, #tpu.memory_space<vmem>> -> memref<1x1x128xi32, #tpu.memory_space<vmem>>
      %dma_start3A_566 = tpu.memref_squeeze %dma_start3A_565 : memref<1x1x128xi32, #tpu.memory_space<vmem>> -> memref<128xi32, #tpu.memory_space<vmem>>
      %dma_start3A_567 = arith.constant 0 : i32
      %dma_start3A_568 = arith.constant 0 : i32
      %dma_start3A_569 = tpu.memref_slice %arg5[%dma_start3A_567, %dma_start3A_568] : memref<10240x128xf32, #tpu.memory_space<vmem_shared>> -> memref<10240x128xf32, #tpu.memory_space<vmem_shared>>
      tpu.enqueue_indirect_dma source(%arg8 : memref<128x128xf32, #tpu.memory_space<vmem>>) target(%dma_start3A_569 : memref<10240x128xf32, #tpu.memory_space<vmem_shared>>) offsets(%dma_start3A_566 : memref<128xi32, #tpu.memory_space<vmem>>) semaphore(%arg12 : memref<!tpu.dma_semaphore, #tpu.memory_space<semaphore_mem>>) {add = true}
      %dma_wait3A_570 = arith.constant 1 : i32
      %dma_wait3A_571 = arith.constant 12 : i32
      %dma_wait3A_572 = arith.constant 0 : i32
      %dma_wait3A_573 = tpu.memref_slice %arg6[%dma_wait3A_570, %dma_wait3A_571, %dma_wait3A_572] : memref<2x16x128xi32, #tpu.memory_space<vmem>> -> memref<1x1x128xi32, #tpu.memory_space<vmem>>
      %dma_wait3A_574 = tpu.memref_squeeze %dma_wait3A_573 : memref<1x1x128xi32, #tpu.memory_space<vmem>> -> memref<128xi32, #tpu.memory_space<vmem>>
      %dma_wait3A_575 = arith.constant 0 : i32
      %dma_wait3A_576 = arith.constant 0 : i32
      %dma_wait3A_577 = tpu.memref_slice %arg5[%dma_wait3A_575, %dma_wait3A_576] : memref<10240x128xf32, #tpu.memory_space<vmem_shared>> -> memref<10240x128xf32, #tpu.memory_space<vmem_shared>>
      tpu.wait_indirect_dma semaphore(%arg11 : memref<!tpu.dma_semaphore, #tpu.memory_space<semaphore_mem>>) src(%arg7 : memref<128x128xf32, #tpu.memory_space<vmem>>) dst(%dma_wait3A_577 : memref<10240x128xf32, #tpu.memory_space<vmem_shared>>)
      %dma_wait3A_578 = arith.constant 1 : i32
      %dma_wait3A_579 = arith.constant 13 : i32
      %dma_wait3A_580 = arith.constant 0 : i32
      %dma_wait3A_581 = tpu.memref_slice %arg6[%dma_wait3A_578, %dma_wait3A_579, %dma_wait3A_580] : memref<2x16x128xi32, #tpu.memory_space<vmem>> -> memref<1x1x128xi32, #tpu.memory_space<vmem>>
      %dma_wait3A_582 = tpu.memref_squeeze %dma_wait3A_581 : memref<1x1x128xi32, #tpu.memory_space<vmem>> -> memref<128xi32, #tpu.memory_space<vmem>>
      %dma_wait3A_583 = arith.constant 0 : i32
      %dma_wait3A_584 = arith.constant 0 : i32
      %dma_wait3A_585 = tpu.memref_slice %arg5[%dma_wait3A_583, %dma_wait3A_584] : memref<10240x128xf32, #tpu.memory_space<vmem_shared>> -> memref<10240x128xf32, #tpu.memory_space<vmem_shared>>
      tpu.wait_indirect_dma semaphore(%arg12 : memref<!tpu.dma_semaphore, #tpu.memory_space<semaphore_mem>>) src(%arg8 : memref<128x128xf32, #tpu.memory_space<vmem>>) dst(%dma_wait3A_585 : memref<10240x128xf32, #tpu.memory_space<vmem_shared>>)
      %dma_start3A_586 = arith.constant 0 : i32
      %dma_start3A_587 = arith.constant 14 : i32
      %dma_start3A_588 = arith.constant 0 : i32
      %dma_start3A_589 = tpu.memref_slice %arg6[%dma_start3A_586, %dma_start3A_587, %dma_start3A_588] : memref<2x16x128xi32, #tpu.memory_space<vmem>> -> memref<1x1x128xi32, #tpu.memory_space<vmem>>
      %dma_start3A_590 = tpu.memref_squeeze %dma_start3A_589 : memref<1x1x128xi32, #tpu.memory_space<vmem>> -> memref<128xi32, #tpu.memory_space<vmem>>
      %dma_start3A_591 = arith.constant 0 : i32
      %dma_start3A_592 = arith.constant 0 : i32
      %dma_start3A_593 = tpu.memref_slice %arg2[%arg0, %dma_start3A_591, %dma_start3A_592] : memref<2x10000x128xf32, #tpu.memory_space<hbm>> -> memref<1x10000x128xf32, #tpu.memory_space<hbm>>
      %dma_start3A_594 = tpu.memref_squeeze %dma_start3A_593 : memref<1x10000x128xf32, #tpu.memory_space<hbm>> -> memref<10000x128xf32, #tpu.memory_space<hbm>>
      %dma_start3A_595 = arith.constant 0 : i32
      %dma_start3A_596 = arith.constant 0 : i32
      %dma_start3A_597 = tpu.memref_slice %dma_start3A_594[%dma_start3A_595, %dma_start3A_596] : memref<10000x128xf32, #tpu.memory_space<hbm>> -> memref<10000x128xf32, #tpu.memory_space<hbm>>
      tpu.enqueue_indirect_dma source(%dma_start3A_597 : memref<10000x128xf32, #tpu.memory_space<hbm>>) target(%arg7 : memref<128x128xf32, #tpu.memory_space<vmem>>) offsets(%dma_start3A_590 : memref<128xi32, #tpu.memory_space<vmem>>) semaphore(%arg9 : memref<!tpu.dma_semaphore, #tpu.memory_space<semaphore_mem>>)
      %dma_start3A_598 = arith.constant 0 : i32
      %dma_start3A_599 = arith.constant 15 : i32
      %dma_start3A_600 = arith.constant 0 : i32
      %dma_start3A_601 = tpu.memref_slice %arg6[%dma_start3A_598, %dma_start3A_599, %dma_start3A_600] : memref<2x16x128xi32, #tpu.memory_space<vmem>> -> memref<1x1x128xi32, #tpu.memory_space<vmem>>
      %dma_start3A_602 = tpu.memref_squeeze %dma_start3A_601 : memref<1x1x128xi32, #tpu.memory_space<vmem>> -> memref<128xi32, #tpu.memory_space<vmem>>
      %dma_start3A_603 = arith.constant 0 : i32
      %dma_start3A_604 = arith.constant 0 : i32
      %dma_start3A_605 = tpu.memref_slice %arg2[%arg0, %dma_start3A_603, %dma_start3A_604] : memref<2x10000x128xf32, #tpu.memory_space<hbm>> -> memref<1x10000x128xf32, #tpu.memory_space<hbm>>
      %dma_start3A_606 = tpu.memref_squeeze %dma_start3A_605 : memref<1x10000x128xf32, #tpu.memory_space<hbm>> -> memref<10000x128xf32, #tpu.memory_space<hbm>>
      %dma_start3A_607 = arith.constant 0 : i32
      %dma_start3A_608 = arith.constant 0 : i32
      %dma_start3A_609 = tpu.memref_slice %dma_start3A_606[%dma_start3A_607, %dma_start3A_608] : memref<10000x128xf32, #tpu.memory_space<hbm>> -> memref<10000x128xf32, #tpu.memory_space<hbm>>
      tpu.enqueue_indirect_dma source(%dma_start3A_609 : memref<10000x128xf32, #tpu.memory_space<hbm>>) target(%arg8 : memref<128x128xf32, #tpu.memory_space<vmem>>) offsets(%dma_start3A_602 : memref<128xi32, #tpu.memory_space<vmem>>) semaphore(%arg10 : memref<!tpu.dma_semaphore, #tpu.memory_space<semaphore_mem>>)
      %dma_wait3A_610 = arith.constant 0 : i32
      %dma_wait3A_611 = arith.constant 14 : i32
      %dma_wait3A_612 = arith.constant 0 : i32
      %dma_wait3A_613 = tpu.memref_slice %arg6[%dma_wait3A_610, %dma_wait3A_611, %dma_wait3A_612] : memref<2x16x128xi32, #tpu.memory_space<vmem>> -> memref<1x1x128xi32, #tpu.memory_space<vmem>>
      %dma_wait3A_614 = tpu.memref_squeeze %dma_wait3A_613 : memref<1x1x128xi32, #tpu.memory_space<vmem>> -> memref<128xi32, #tpu.memory_space<vmem>>
      %dma_wait3A_615 = arith.constant 0 : i32
      %dma_wait3A_616 = arith.constant 0 : i32
      %dma_wait3A_617 = tpu.memref_slice %arg2[%arg0, %dma_wait3A_615, %dma_wait3A_616] : memref<2x10000x128xf32, #tpu.memory_space<hbm>> -> memref<1x10000x128xf32, #tpu.memory_space<hbm>>
      %dma_wait3A_618 = tpu.memref_squeeze %dma_wait3A_617 : memref<1x10000x128xf32, #tpu.memory_space<hbm>> -> memref<10000x128xf32, #tpu.memory_space<hbm>>
      %dma_wait3A_619 = arith.constant 0 : i32
      %dma_wait3A_620 = arith.constant 0 : i32
      %dma_wait3A_621 = tpu.memref_slice %dma_wait3A_618[%dma_wait3A_619, %dma_wait3A_620] : memref<10000x128xf32, #tpu.memory_space<hbm>> -> memref<10000x128xf32, #tpu.memory_space<hbm>>
      tpu.wait_indirect_dma semaphore(%arg9 : memref<!tpu.dma_semaphore, #tpu.memory_space<semaphore_mem>>) src(%dma_wait3A_621 : memref<10000x128xf32, #tpu.memory_space<hbm>>) dst(%arg7 : memref<128x128xf32, #tpu.memory_space<vmem>>)
      %dma_start3A_622 = arith.constant 1 : i32
      %dma_start3A_623 = arith.constant 14 : i32
      %dma_start3A_624 = arith.constant 0 : i32
      %dma_start3A_625 = tpu.memref_slice %arg6[%dma_start3A_622, %dma_start3A_623, %dma_start3A_624] : memref<2x16x128xi32, #tpu.memory_space<vmem>> -> memref<1x1x128xi32, #tpu.memory_space<vmem>>
      %dma_start3A_626 = tpu.memref_squeeze %dma_start3A_625 : memref<1x1x128xi32, #tpu.memory_space<vmem>> -> memref<128xi32, #tpu.memory_space<vmem>>
      %dma_start3A_627 = arith.constant 0 : i32
      %dma_start3A_628 = arith.constant 0 : i32
      %dma_start3A_629 = tpu.memref_slice %arg5[%dma_start3A_627, %dma_start3A_628] : memref<10240x128xf32, #tpu.memory_space<vmem_shared>> -> memref<10240x128xf32, #tpu.memory_space<vmem_shared>>
      tpu.enqueue_indirect_dma source(%arg7 : memref<128x128xf32, #tpu.memory_space<vmem>>) target(%dma_start3A_629 : memref<10240x128xf32, #tpu.memory_space<vmem_shared>>) offsets(%dma_start3A_626 : memref<128xi32, #tpu.memory_space<vmem>>) semaphore(%arg11 : memref<!tpu.dma_semaphore, #tpu.memory_space<semaphore_mem>>) {add = true}
      %dma_wait3A_630 = arith.constant 0 : i32
      %dma_wait3A_631 = arith.constant 15 : i32
      %dma_wait3A_632 = arith.constant 0 : i32
      %dma_wait3A_633 = tpu.memref_slice %arg6[%dma_wait3A_630, %dma_wait3A_631, %dma_wait3A_632] : memref<2x16x128xi32, #tpu.memory_space<vmem>> -> memref<1x1x128xi32, #tpu.memory_space<vmem>>
      %dma_wait3A_634 = tpu.memref_squeeze %dma_wait3A_633 : memref<1x1x128xi32, #tpu.memory_space<vmem>> -> memref<128xi32, #tpu.memory_space<vmem>>
      %dma_wait3A_635 = arith.constant 0 : i32
      %dma_wait3A_636 = arith.constant 0 : i32
      %dma_wait3A_637 = tpu.memref_slice %arg2[%arg0, %dma_wait3A_635, %dma_wait3A_636] : memref<2x10000x128xf32, #tpu.memory_space<hbm>> -> memref<1x10000x128xf32, #tpu.memory_space<hbm>>
      %dma_wait3A_638 = tpu.memref_squeeze %dma_wait3A_637 : memref<1x10000x128xf32, #tpu.memory_space<hbm>> -> memref<10000x128xf32, #tpu.memory_space<hbm>>
      %dma_wait3A_639 = arith.constant 0 : i32
      %dma_wait3A_640 = arith.constant 0 : i32
      %dma_wait3A_641 = tpu.memref_slice %dma_wait3A_638[%dma_wait3A_639, %dma_wait3A_640] : memref<10000x128xf32, #tpu.memory_space<hbm>> -> memref<10000x128xf32, #tpu.memory_space<hbm>>
      tpu.wait_indirect_dma semaphore(%arg10 : memref<!tpu.dma_semaphore, #tpu.memory_space<semaphore_mem>>) src(%dma_wait3A_641 : memref<10000x128xf32, #tpu.memory_space<hbm>>) dst(%arg8 : memref<128x128xf32, #tpu.memory_space<vmem>>)
      %dma_start3A_642 = arith.constant 1 : i32
      %dma_start3A_643 = arith.constant 15 : i32
      %dma_start3A_644 = arith.constant 0 : i32
      %dma_start3A_645 = tpu.memref_slice %arg6[%dma_start3A_642, %dma_start3A_643, %dma_start3A_644] : memref<2x16x128xi32, #tpu.memory_space<vmem>> -> memref<1x1x128xi32, #tpu.memory_space<vmem>>
      %dma_start3A_646 = tpu.memref_squeeze %dma_start3A_645 : memref<1x1x128xi32, #tpu.memory_space<vmem>> -> memref<128xi32, #tpu.memory_space<vmem>>
      %dma_start3A_647 = arith.constant 0 : i32
      %dma_start3A_648 = arith.constant 0 : i32
      %dma_start3A_649 = tpu.memref_slice %arg5[%dma_start3A_647, %dma_start3A_648] : memref<10240x128xf32, #tpu.memory_space<vmem_shared>> -> memref<10240x128xf32, #tpu.memory_space<vmem_shared>>
      tpu.enqueue_indirect_dma source(%arg8 : memref<128x128xf32, #tpu.memory_space<vmem>>) target(%dma_start3A_649 : memref<10240x128xf32, #tpu.memory_space<vmem_shared>>) offsets(%dma_start3A_646 : memref<128xi32, #tpu.memory_space<vmem>>) semaphore(%arg12 : memref<!tpu.dma_semaphore, #tpu.memory_space<semaphore_mem>>) {add = true}
      %dma_wait3A_650 = arith.constant 1 : i32
      %dma_wait3A_651 = arith.constant 14 : i32
      %dma_wait3A_652 = arith.constant 0 : i32
      %dma_wait3A_653 = tpu.memref_slice %arg6[%dma_wait3A_650, %dma_wait3A_651, %dma_wait3A_652] : memref<2x16x128xi32, #tpu.memory_space<vmem>> -> memref<1x1x128xi32, #tpu.memory_space<vmem>>
      %dma_wait3A_654 = tpu.memref_squeeze %dma_wait3A_653 : memref<1x1x128xi32, #tpu.memory_space<vmem>> -> memref<128xi32, #tpu.memory_space<vmem>>
      %dma_wait3A_655 = arith.constant 0 : i32
      %dma_wait3A_656 = arith.constant 0 : i32
      %dma_wait3A_657 = tpu.memref_slice %arg5[%dma_wait3A_655, %dma_wait3A_656] : memref<10240x128xf32, #tpu.memory_space<vmem_shared>> -> memref<10240x128xf32, #tpu.memory_space<vmem_shared>>
      tpu.wait_indirect_dma semaphore(%arg11 : memref<!tpu.dma_semaphore, #tpu.memory_space<semaphore_mem>>) src(%arg7 : memref<128x128xf32, #tpu.memory_space<vmem>>) dst(%dma_wait3A_657 : memref<10240x128xf32, #tpu.memory_space<vmem_shared>>)
      %dma_wait3A_658 = arith.constant 1 : i32
      %dma_wait3A_659 = arith.constant 15 : i32
      %dma_wait3A_660 = arith.constant 0 : i32
      %dma_wait3A_661 = tpu.memref_slice %arg6[%dma_wait3A_658, %dma_wait3A_659, %dma_wait3A_660] : memref<2x16x128xi32, #tpu.memory_space<vmem>> -> memref<1x1x128xi32, #tpu.memory_space<vmem>>
      %dma_wait3A_662 = tpu.memref_squeeze %dma_wait3A_661 : memref<1x1x128xi32, #tpu.memory_space<vmem>> -> memref<128xi32, #tpu.memory_space<vmem>>
      %dma_wait3A_663 = arith.constant 0 : i32
      %dma_wait3A_664 = arith.constant 0 : i32
      %dma_wait3A_665 = tpu.memref_slice %arg5[%dma_wait3A_663, %dma_wait3A_664] : memref<10240x128xf32, #tpu.memory_space<vmem_shared>> -> memref<10240x128xf32, #tpu.memory_space<vmem_shared>>
      tpu.wait_indirect_dma semaphore(%arg12 : memref<!tpu.dma_semaphore, #tpu.memory_space<semaphore_mem>>) src(%arg8 : memref<128x128xf32, #tpu.memory_space<vmem>>) dst(%dma_wait3A_665 : memref<10240x128xf32, #tpu.memory_space<vmem_shared>>)
    }
    %scan3A_11 = arith.constant 10 : i32
    %barrier3A_12 = arith.constant 0 : index
    tpu.barrier barrier_id(%barrier3A_12)
    %lt3A_13 = arith.constant 15 : i32
    %lt3A_14 = arith.cmpi slt, %arg1, %lt3A_13 : i32
    %convert_element_type3A_15 = arith.extui %lt3A_14 : i1 to i32
    %cond3A_16 = arith.constant 0 : i32
    %cond3A_17 = arith.cmpi ne, %convert_element_type3A_15, %cond3A_16 : i32
    scf.if %cond3A_17 {
      "tpu.region"() ({
        %run_scoped3A = tpu.sem_alloc : memref<!tpu.dma_semaphore, #tpu.memory_space<semaphore_mem>>
        %dma_start3A = arith.constant 0 : i32
        %dma_start3A_23 = tpu.memref_slice %arg4[%arg0, %multiple_of3A, %dma_start3A] : memref<2x10000x128xf32, #tpu.memory_space<hbm>> -> memref<1x640x128xf32, #tpu.memory_space<hbm>>
        %dma_start3A_24 = tpu.memref_squeeze %dma_start3A_23 : memref<1x640x128xf32, #tpu.memory_space<hbm>> -> memref<640x128xf32, #tpu.memory_space<hbm>>
        %dma_start3A_25 = arith.constant 0 : i32
        %dma_start3A_26 = tpu.memref_slice %arg5[%multiple_of3A, %dma_start3A_25] : memref<10240x128xf32, #tpu.memory_space<vmem_shared>> -> memref<640x128xf32, #tpu.memory_space<vmem_shared>>
        tpu.enqueue_dma source(%dma_start3A_26 : memref<640x128xf32, #tpu.memory_space<vmem_shared>>) target(%dma_start3A_24 : memref<640x128xf32, #tpu.memory_space<hbm>>) target_semaphore(%run_scoped3A : memref<!tpu.dma_semaphore, #tpu.memory_space<semaphore_mem>>)
        %dma_wait3A = arith.constant 0 : i32
        %dma_wait3A_27 = tpu.memref_slice %arg4[%arg0, %multiple_of3A, %dma_wait3A] : memref<2x10000x128xf32, #tpu.memory_space<hbm>> -> memref<1x640x128xf32, #tpu.memory_space<hbm>>
        %dma_wait3A_28 = tpu.memref_squeeze %dma_wait3A_27 : memref<1x640x128xf32, #tpu.memory_space<hbm>> -> memref<640x128xf32, #tpu.memory_space<hbm>>
        %dma_wait3A_29 = arith.constant 0 : i32
        %dma_wait3A_30 = tpu.memref_slice %arg5[%multiple_of3A, %dma_wait3A_29] : memref<10240x128xf32, #tpu.memory_space<vmem_shared>> -> memref<640x128xf32, #tpu.memory_space<vmem_shared>>
        tpu.wait_dma2 semaphore(%run_scoped3A : memref<!tpu.dma_semaphore, #tpu.memory_space<semaphore_mem>>) src(%dma_wait3A_30 : memref<640x128xf32, #tpu.memory_space<vmem_shared>>) dst(%dma_wait3A_28 : memref<640x128xf32, #tpu.memory_space<hbm>>)
        tpu.yield
      }) : () -> ()
    } else {
    }
    %eq3A_18 = arith.constant 15 : i32
    %eq3A_19 = arith.cmpi eq, %arg1, %eq3A_18 : i32
    %convert_element_type3A_20 = arith.extui %eq3A_19 : i1 to i32
    %cond3A_21 = arith.constant 0 : i32
    %cond3A_22 = arith.cmpi ne, %convert_element_type3A_20, %cond3A_21 : i32
    scf.if %cond3A_22 {
      "tpu.region"() ({
        %run_scoped3A = tpu.sem_alloc : memref<!tpu.dma_semaphore, #tpu.memory_space<semaphore_mem>>
        %dma_start3A = arith.constant 9600 : i32
        %dma_start3A_23 = arith.constant 0 : i32
        %dma_start3A_24 = tpu.memref_slice %arg4[%arg0, %dma_start3A, %dma_start3A_23] : memref<2x10000x128xf32, #tpu.memory_space<hbm>> -> memref<1x400x128xf32, #tpu.memory_space<hbm>>
        %dma_start3A_25 = tpu.memref_squeeze %dma_start3A_24 : memref<1x400x128xf32, #tpu.memory_space<hbm>> -> memref<400x128xf32, #tpu.memory_space<hbm>>
        %dma_start3A_26 = arith.constant 9600 : i32
        %dma_start3A_27 = arith.constant 0 : i32
        %dma_start3A_28 = tpu.memref_slice %arg5[%dma_start3A_26, %dma_start3A_27] : memref<10240x128xf32, #tpu.memory_space<vmem_shared>> -> memref<400x128xf32, #tpu.memory_space<vmem_shared>>
        tpu.enqueue_dma source(%dma_start3A_28 : memref<400x128xf32, #tpu.memory_space<vmem_shared>>) target(%dma_start3A_25 : memref<400x128xf32, #tpu.memory_space<hbm>>) target_semaphore(%run_scoped3A : memref<!tpu.dma_semaphore, #tpu.memory_space<semaphore_mem>>)
        %dma_wait3A = arith.constant 9600 : i32
        %dma_wait3A_29 = arith.constant 0 : i32
        %dma_wait3A_30 = tpu.memref_slice %arg4[%arg0, %dma_wait3A, %dma_wait3A_29] : memref<2x10000x128xf32, #tpu.memory_space<hbm>> -> memref<1x400x128xf32, #tpu.memory_space<hbm>>
        %dma_wait3A_31 = tpu.memref_squeeze %dma_wait3A_30 : memref<1x400x128xf32, #tpu.memory_space<hbm>> -> memref<400x128xf32, #tpu.memory_space<hbm>>
        %dma_wait3A_32 = arith.constant 9600 : i32
        %dma_wait3A_33 = arith.constant 0 : i32
        %dma_wait3A_34 = tpu.memref_slice %arg5[%dma_wait3A_32, %dma_wait3A_33] : memref<10240x128xf32, #tpu.memory_space<vmem_shared>> -> memref<400x128xf32, #tpu.memory_space<vmem_shared>>
        tpu.wait_dma2 semaphore(%run_scoped3A : memref<!tpu.dma_semaphore, #tpu.memory_space<semaphore_mem>>) src(%dma_wait3A_34 : memref<400x128xf32, #tpu.memory_space<vmem_shared>>) dst(%dma_wait3A_31 : memref<400x128xf32, #tpu.memory_space<hbm>>)
        tpu.yield
      }) : () -> ()
    } else {
    }
    return
  }
}

#map = affine_map<(d0, d1) -> (0, 0, 0)>
#map1 = affine_map<(d0, d1) -> (0)>
#map2 = affine_map<(d0, d1) -> (0, 0)>
module attributes {stable_mosaic.version = 14 : i64} {
  func.func @_sc_pass1_body(%arg0: i32, %arg1: i32, %arg2: memref<2x2560x128xi32, #tpu.memory_space<hbm>>, %arg3: memref<10240xi32, #tpu.memory_space<hbm>>, %arg4: memref<10000x128xf32, #tpu.memory_space<hbm>>, %arg5: memref<10240x16xf32, #tpu.memory_space<hbm>>, %arg6: memref<10240x16xf32, #tpu.memory_space<hbm>>, %arg7: memref<10240x128xf32, #tpu.memory_space<hbm>>, %arg8: memref<10240x16xf32, #tpu.memory_space<vmem_shared>>, %arg9: memref<128x16xf32, #tpu.memory_space<vmem>>, %arg10: memref<128x16xf32, #tpu.memory_space<vmem>>, %arg11: memref<2x16x128xi32, #tpu.memory_space<vmem>>, %arg12: memref<5x128xi32, #tpu.memory_space<vmem>>, %arg13: memref<640x128xf32, #tpu.memory_space<vmem>>, %arg14: memref<!tpu.dma_semaphore, #tpu.memory_space<semaphore_mem>>, %arg15: memref<!tpu.dma_semaphore, #tpu.memory_space<semaphore_mem>>, %arg16: memref<!tpu.dma_semaphore, #tpu.memory_space<semaphore_mem>>) attributes {dimension_semantics = [#tpu.dimension_semantics<core_parallel>, #tpu.dimension_semantics<subcore_parallel>], iteration_bounds = array<i64: 2, 16>, scalar_prefetch = 0 : i64, scratch_operands = 9 : i64, tpu.core_type = #tpu.core_type<sc_vector_subcore>, window_params = [{transform_indices = #map}, {transform_indices = #map1}, {transform_indices = #map2}, {transform_indices = #map2}, {transform_indices = #map2}, {transform_indices = #map2}]} {
    %scan3A = arith.constant 0 : i32
    %scan3A_0 = arith.constant 0 : i32
    %scan3A_1 = arith.constant 128 : i32
    %scan3A_2 = arith.addi %scan3A_0, %scan3A_1 : i32
    %scan3A_3 = arith.constant 1 : i32
    scf.for %scan3A_57 = %scan3A_0 to %scan3A_2 step %scan3A_3  : i32 {
      %broadcast_in_dim3A = arith.constant 0.000000e+00 : f32
      %broadcast_in_dim3A_58 = vector.broadcast %broadcast_in_dim3A : f32 to vector<16xf32>
      %swap3A = arith.index_cast %scan3A_57 : i32 to index
      %swap3A_59 = arith.constant 0 : index
      %swap3A_60 = tpu.vector_load %arg9[%swap3A, %swap3A_59] {strides = array<i32>} : memref<128x16xf32, #tpu.memory_space<vmem>>, vector<1x16xf32>,
      %swap3A_61 = vector.shape_cast %swap3A_60 : vector<1x16xf32> to vector<16xf32>
      %swap3A_62 = vector.shape_cast %broadcast_in_dim3A_58 : vector<16xf32> to vector<1x16xf32>
      tpu.vector_store %arg9[%swap3A, %swap3A_59], %swap3A_62 {strides = array<i32>} : memref<128x16xf32, #tpu.memory_space<vmem>>, vector<1x16xf32>,
      %broadcast_in_dim3A_63 = arith.constant 1.000000e+00 : f32
      %broadcast_in_dim3A_64 = vector.broadcast %broadcast_in_dim3A_63 : f32 to vector<16xf32>
      %swap3A_65 = arith.index_cast %scan3A_57 : i32 to index
      %swap3A_66 = arith.constant 0 : index
      %swap3A_67 = tpu.vector_load %arg10[%swap3A_65, %swap3A_66] {strides = array<i32>} : memref<128x16xf32, #tpu.memory_space<vmem>>, vector<1x16xf32>,
      %swap3A_68 = vector.shape_cast %swap3A_67 : vector<1x16xf32> to vector<16xf32>
      %swap3A_69 = vector.shape_cast %broadcast_in_dim3A_64 : vector<16xf32> to vector<1x16xf32>
      tpu.vector_store %arg10[%swap3A_65, %swap3A_66], %swap3A_69 {strides = array<i32>} : memref<128x16xf32, #tpu.memory_space<vmem>>, vector<1x16xf32>,
    }
    %scan3A_4 = arith.constant 128 : i32
    %mul3A = arith.constant 640 : i32
    %mul3A_5 = arith.muli %arg1, %mul3A : i32
    %add3A = arith.constant 0 : i32
    %add3A_6 = arith.addi %mul3A_5, %add3A : i32
    "tpu.region"() ({
      %run_scoped3A = tpu.sem_alloc : memref<!tpu.dma_semaphore, #tpu.memory_space<semaphore_mem>>
      %dma_start3A = arith.constant 0 : i32
      %dma_start3A_57 = tpu.memref_slice %arg8[%add3A_6, %dma_start3A] : memref<10240x16xf32, #tpu.memory_space<vmem_shared>> -> memref<128x16xf32, #tpu.memory_space<vmem_shared>>
      %dma_start3A_58 = arith.constant 0 : i32
      %dma_start3A_59 = tpu.memref_slice %arg8[%add3A_6, %dma_start3A_58] : memref<10240x16xf32, #tpu.memory_space<vmem_shared>> -> memref<128x16xf32, #tpu.memory_space<vmem_shared>>
      tpu.enqueue_dma source(%arg9 : memref<128x16xf32, #tpu.memory_space<vmem>>) target(%dma_start3A_59 : memref<128x16xf32, #tpu.memory_space<vmem_shared>>) target_semaphore(%run_scoped3A : memref<!tpu.dma_semaphore, #tpu.memory_space<semaphore_mem>>)
      %dma_wait3A = arith.constant 0 : i32
      %dma_wait3A_60 = tpu.memref_slice %arg8[%add3A_6, %dma_wait3A] : memref<10240x16xf32, #tpu.memory_space<vmem_shared>> -> memref<128x16xf32, #tpu.memory_space<vmem_shared>>
      %dma_wait3A_61 = arith.constant 0 : i32
      %dma_wait3A_62 = tpu.memref_slice %arg8[%add3A_6, %dma_wait3A_61] : memref<10240x16xf32, #tpu.memory_space<vmem_shared>> -> memref<128x16xf32, #tpu.memory_space<vmem_shared>>
      tpu.wait_dma2 semaphore(%run_scoped3A : memref<!tpu.dma_semaphore, #tpu.memory_space<semaphore_mem>>) src(%arg9 : memref<128x16xf32, #tpu.memory_space<vmem>>) dst(%dma_wait3A_62 : memref<128x16xf32, #tpu.memory_space<vmem_shared>>)
      tpu.yield
    }) : () -> ()
    %mul3A_7 = arith.constant 640 : i32
    %mul3A_8 = arith.muli %arg1, %mul3A_7 : i32
    %add3A_9 = arith.constant 128 : i32
    %add3A_10 = arith.addi %mul3A_8, %add3A_9 : i32
    "tpu.region"() ({
      %run_scoped3A = tpu.sem_alloc : memref<!tpu.dma_semaphore, #tpu.memory_space<semaphore_mem>>
      %dma_start3A = arith.constant 0 : i32
      %dma_start3A_57 = tpu.memref_slice %arg8[%add3A_10, %dma_start3A] : memref<10240x16xf32, #tpu.memory_space<vmem_shared>> -> memref<128x16xf32, #tpu.memory_space<vmem_shared>>
      %dma_start3A_58 = arith.constant 0 : i32
      %dma_start3A_59 = tpu.memref_slice %arg8[%add3A_10, %dma_start3A_58] : memref<10240x16xf32, #tpu.memory_space<vmem_shared>> -> memref<128x16xf32, #tpu.memory_space<vmem_shared>>
      tpu.enqueue_dma source(%arg9 : memref<128x16xf32, #tpu.memory_space<vmem>>) target(%dma_start3A_59 : memref<128x16xf32, #tpu.memory_space<vmem_shared>>) target_semaphore(%run_scoped3A : memref<!tpu.dma_semaphore, #tpu.memory_space<semaphore_mem>>)
      %dma_wait3A = arith.constant 0 : i32
      %dma_wait3A_60 = tpu.memref_slice %arg8[%add3A_10, %dma_wait3A] : memref<10240x16xf32, #tpu.memory_space<vmem_shared>> -> memref<128x16xf32, #tpu.memory_space<vmem_shared>>
      %dma_wait3A_61 = arith.constant 0 : i32
      %dma_wait3A_62 = tpu.memref_slice %arg8[%add3A_10, %dma_wait3A_61] : memref<10240x16xf32, #tpu.memory_space<vmem_shared>> -> memref<128x16xf32, #tpu.memory_space<vmem_shared>>
      tpu.wait_dma2 semaphore(%run_scoped3A : memref<!tpu.dma_semaphore, #tpu.memory_space<semaphore_mem>>) src(%arg9 : memref<128x16xf32, #tpu.memory_space<vmem>>) dst(%dma_wait3A_62 : memref<128x16xf32, #tpu.memory_space<vmem_shared>>)
      tpu.yield
    }) : () -> ()
    %mul3A_11 = arith.constant 640 : i32
    %mul3A_12 = arith.muli %arg1, %mul3A_11 : i32
    %add3A_13 = arith.constant 256 : i32
    %add3A_14 = arith.addi %mul3A_12, %add3A_13 : i32
    "tpu.region"() ({
      %run_scoped3A = tpu.sem_alloc : memref<!tpu.dma_semaphore, #tpu.memory_space<semaphore_mem>>
      %dma_start3A = arith.constant 0 : i32
      %dma_start3A_57 = tpu.memref_slice %arg8[%add3A_14, %dma_start3A] : memref<10240x16xf32, #tpu.memory_space<vmem_shared>> -> memref<128x16xf32, #tpu.memory_space<vmem_shared>>
      %dma_start3A_58 = arith.constant 0 : i32
      %dma_start3A_59 = tpu.memref_slice %arg8[%add3A_14, %dma_start3A_58] : memref<10240x16xf32, #tpu.memory_space<vmem_shared>> -> memref<128x16xf32, #tpu.memory_space<vmem_shared>>
      tpu.enqueue_dma source(%arg9 : memref<128x16xf32, #tpu.memory_space<vmem>>) target(%dma_start3A_59 : memref<128x16xf32, #tpu.memory_space<vmem_shared>>) target_semaphore(%run_scoped3A : memref<!tpu.dma_semaphore, #tpu.memory_space<semaphore_mem>>)
      %dma_wait3A = arith.constant 0 : i32
      %dma_wait3A_60 = tpu.memref_slice %arg8[%add3A_14, %dma_wait3A] : memref<10240x16xf32, #tpu.memory_space<vmem_shared>> -> memref<128x16xf32, #tpu.memory_space<vmem_shared>>
      %dma_wait3A_61 = arith.constant 0 : i32
      %dma_wait3A_62 = tpu.memref_slice %arg8[%add3A_14, %dma_wait3A_61] : memref<10240x16xf32, #tpu.memory_space<vmem_shared>> -> memref<128x16xf32, #tpu.memory_space<vmem_shared>>
      tpu.wait_dma2 semaphore(%run_scoped3A : memref<!tpu.dma_semaphore, #tpu.memory_space<semaphore_mem>>) src(%arg9 : memref<128x16xf32, #tpu.memory_space<vmem>>) dst(%dma_wait3A_62 : memref<128x16xf32, #tpu.memory_space<vmem_shared>>)
      tpu.yield
    }) : () -> ()
    %mul3A_15 = arith.constant 640 : i32
    %mul3A_16 = arith.muli %arg1, %mul3A_15 : i32
    %add3A_17 = arith.constant 384 : i32
    %add3A_18 = arith.addi %mul3A_16, %add3A_17 : i32
    "tpu.region"() ({
      %run_scoped3A = tpu.sem_alloc : memref<!tpu.dma_semaphore, #tpu.memory_space<semaphore_mem>>
      %dma_start3A = arith.constant 0 : i32
      %dma_start3A_57 = tpu.memref_slice %arg8[%add3A_18, %dma_start3A] : memref<10240x16xf32, #tpu.memory_space<vmem_shared>> -> memref<128x16xf32, #tpu.memory_space<vmem_shared>>
      %dma_start3A_58 = arith.constant 0 : i32
      %dma_start3A_59 = tpu.memref_slice %arg8[%add3A_18, %dma_start3A_58] : memref<10240x16xf32, #tpu.memory_space<vmem_shared>> -> memref<128x16xf32, #tpu.memory_space<vmem_shared>>
      tpu.enqueue_dma source(%arg9 : memref<128x16xf32, #tpu.memory_space<vmem>>) target(%dma_start3A_59 : memref<128x16xf32, #tpu.memory_space<vmem_shared>>) target_semaphore(%run_scoped3A : memref<!tpu.dma_semaphore, #tpu.memory_space<semaphore_mem>>)
      %dma_wait3A = arith.constant 0 : i32
      %dma_wait3A_60 = tpu.memref_slice %arg8[%add3A_18, %dma_wait3A] : memref<10240x16xf32, #tpu.memory_space<vmem_shared>> -> memref<128x16xf32, #tpu.memory_space<vmem_shared>>
      %dma_wait3A_61 = arith.constant 0 : i32
      %dma_wait3A_62 = tpu.memref_slice %arg8[%add3A_18, %dma_wait3A_61] : memref<10240x16xf32, #tpu.memory_space<vmem_shared>> -> memref<128x16xf32, #tpu.memory_space<vmem_shared>>
      tpu.wait_dma2 semaphore(%run_scoped3A : memref<!tpu.dma_semaphore, #tpu.memory_space<semaphore_mem>>) src(%arg9 : memref<128x16xf32, #tpu.memory_space<vmem>>) dst(%dma_wait3A_62 : memref<128x16xf32, #tpu.memory_space<vmem_shared>>)
      tpu.yield
    }) : () -> ()
    %mul3A_19 = arith.constant 640 : i32
    %mul3A_20 = arith.muli %arg1, %mul3A_19 : i32
    %add3A_21 = arith.constant 512 : i32
    %add3A_22 = arith.addi %mul3A_20, %add3A_21 : i32
    "tpu.region"() ({
      %run_scoped3A = tpu.sem_alloc : memref<!tpu.dma_semaphore, #tpu.memory_space<semaphore_mem>>
      %dma_start3A = arith.constant 0 : i32
      %dma_start3A_57 = tpu.memref_slice %arg8[%add3A_22, %dma_start3A] : memref<10240x16xf32, #tpu.memory_space<vmem_shared>> -> memref<128x16xf32, #tpu.memory_space<vmem_shared>>
      %dma_start3A_58 = arith.constant 0 : i32
      %dma_start3A_59 = tpu.memref_slice %arg8[%add3A_22, %dma_start3A_58] : memref<10240x16xf32, #tpu.memory_space<vmem_shared>> -> memref<128x16xf32, #tpu.memory_space<vmem_shared>>
      tpu.enqueue_dma source(%arg9 : memref<128x16xf32, #tpu.memory_space<vmem>>) target(%dma_start3A_59 : memref<128x16xf32, #tpu.memory_space<vmem_shared>>) target_semaphore(%run_scoped3A : memref<!tpu.dma_semaphore, #tpu.memory_space<semaphore_mem>>)
      %dma_wait3A = arith.constant 0 : i32
      %dma_wait3A_60 = tpu.memref_slice %arg8[%add3A_22, %dma_wait3A] : memref<10240x16xf32, #tpu.memory_space<vmem_shared>> -> memref<128x16xf32, #tpu.memory_space<vmem_shared>>
      %dma_wait3A_61 = arith.constant 0 : i32
      %dma_wait3A_62 = tpu.memref_slice %arg8[%add3A_22, %dma_wait3A_61] : memref<10240x16xf32, #tpu.memory_space<vmem_shared>> -> memref<128x16xf32, #tpu.memory_space<vmem_shared>>
      tpu.wait_dma2 semaphore(%run_scoped3A : memref<!tpu.dma_semaphore, #tpu.memory_space<semaphore_mem>>) src(%arg9 : memref<128x16xf32, #tpu.memory_space<vmem>>) dst(%dma_wait3A_62 : memref<128x16xf32, #tpu.memory_space<vmem_shared>>)
      tpu.yield
    }) : () -> ()
    %barrier3A = arith.constant 0 : index
    tpu.barrier barrier_id(%barrier3A)
    %eq3A = arith.constant 1 : i32
    %eq3A_23 = arith.cmpi eq, %arg0, %eq3A : i32
    %convert_element_type3A = arith.extui %eq3A_23 : i1 to i32
    %cond3A = arith.constant 0 : i32
    %cond3A_24 = arith.cmpi ne, %convert_element_type3A, %cond3A : i32
    scf.if %cond3A_24 {
      %mul3A_57 = arith.constant 5 : i32
      %mul3A_58 = arith.muli %arg1, %mul3A_57 : i32
      %add3A_59 = arith.constant 0 : i32
      %add3A_60 = arith.addi %mul3A_58, %add3A_59 : i32
      %mul3A_61 = arith.constant 128 : i32
      %mul3A_62 = arith.muli %add3A_60, %mul3A_61 : i32
      %run_scoped3A = arith.constant 0 : i32
      "tpu.region"() ({
        %run_scoped3A_319 = tpu.sem_alloc : memref<!tpu.dma_semaphore, #tpu.memory_space<semaphore_mem>>
        %dma_start3A_320 = arith.constant 0 : i32
        %dma_start3A_321 = tpu.memref_slice %arg12[%run_scoped3A, %dma_start3A_320] : memref<5x128xi32, #tpu.memory_space<vmem>> -> memref<1x128xi32, #tpu.memory_space<vmem>>
        %dma_start3A_322 = tpu.memref_squeeze %dma_start3A_321 : memref<1x128xi32, #tpu.memory_space<vmem>> -> memref<128xi32, #tpu.memory_space<vmem>>
        %dma_start3A_323 = tpu.memref_slice %arg3[%mul3A_62] : memref<10240xi32, #tpu.memory_space<hbm>> -> memref<128xi32, #tpu.memory_space<hbm>>
        %dma_start3A_324 = arith.constant 0 : i32
        %dma_start3A_325 = tpu.memref_slice %arg12[%run_scoped3A, %dma_start3A_324] : memref<5x128xi32, #tpu.memory_space<vmem>> -> memref<1x128xi32, #tpu.memory_space<vmem>>
        %dma_start3A_326 = tpu.memref_squeeze %dma_start3A_325 : memref<1x128xi32, #tpu.memory_space<vmem>> -> memref<128xi32, #tpu.memory_space<vmem>>
        %dma_start3A_327 = tpu.memref_slice %arg3[%mul3A_62] : memref<10240xi32, #tpu.memory_space<hbm>> -> memref<128xi32, #tpu.memory_space<hbm>>
        tpu.enqueue_dma source(%dma_start3A_327 : memref<128xi32, #tpu.memory_space<hbm>>) target(%dma_start3A_326 : memref<128xi32, #tpu.memory_space<vmem>>) target_semaphore(%run_scoped3A_319 : memref<!tpu.dma_semaphore, #tpu.memory_space<semaphore_mem>>)
        %dma_wait3A_328 = arith.constant 0 : i32
        %dma_wait3A_329 = tpu.memref_slice %arg12[%run_scoped3A, %dma_wait3A_328] : memref<5x128xi32, #tpu.memory_space<vmem>> -> memref<1x128xi32, #tpu.memory_space<vmem>>
        %dma_wait3A_330 = tpu.memref_squeeze %dma_wait3A_329 : memref<1x128xi32, #tpu.memory_space<vmem>> -> memref<128xi32, #tpu.memory_space<vmem>>
        %dma_wait3A_331 = tpu.memref_slice %arg3[%mul3A_62] : memref<10240xi32, #tpu.memory_space<hbm>> -> memref<128xi32, #tpu.memory_space<hbm>>
        %dma_wait3A_332 = arith.constant 0 : i32
        %dma_wait3A_333 = tpu.memref_slice %arg12[%run_scoped3A, %dma_wait3A_332] : memref<5x128xi32, #tpu.memory_space<vmem>> -> memref<1x128xi32, #tpu.memory_space<vmem>>
        %dma_wait3A_334 = tpu.memref_squeeze %dma_wait3A_333 : memref<1x128xi32, #tpu.memory_space<vmem>> -> memref<128xi32, #tpu.memory_space<vmem>>
        %dma_wait3A_335 = tpu.memref_slice %arg3[%mul3A_62] : memref<10240xi32, #tpu.memory_space<hbm>> -> memref<128xi32, #tpu.memory_space<hbm>>
        tpu.wait_dma2 semaphore(%run_scoped3A_319 : memref<!tpu.dma_semaphore, #tpu.memory_space<semaphore_mem>>) src(%dma_wait3A_335 : memref<128xi32, #tpu.memory_space<hbm>>) dst(%dma_wait3A_334 : memref<128xi32, #tpu.memory_space<vmem>>)
        tpu.yield
      }) : () -> ()
      %dma_start3A = arith.constant 0 : i32
      %dma_start3A_63 = arith.constant 0 : i32
      %dma_start3A_64 = arith.constant 0 : i32
      %dma_start3A_65 = tpu.memref_slice %arg13[%dma_start3A_63, %dma_start3A_64] : memref<640x128xf32, #tpu.memory_space<vmem>> -> memref<128x128xf32, #tpu.memory_space<vmem>>
      %dma_start3A_66 = arith.constant 0 : i32
      %dma_start3A_67 = tpu.memref_slice %arg12[%dma_start3A, %dma_start3A_66] : memref<5x128xi32, #tpu.memory_space<vmem>> -> memref<1x128xi32, #tpu.memory_space<vmem>>
      %dma_start3A_68 = tpu.memref_squeeze %dma_start3A_67 : memref<1x128xi32, #tpu.memory_space<vmem>> -> memref<128xi32, #tpu.memory_space<vmem>>
      %dma_start3A_69 = arith.constant 0 : i32
      %dma_start3A_70 = arith.constant 0 : i32
      %dma_start3A_71 = tpu.memref_slice %arg4[%dma_start3A_69, %dma_start3A_70] : memref<10000x128xf32, #tpu.memory_space<hbm>> -> memref<10000x128xf32, #tpu.memory_space<hbm>>
      tpu.enqueue_indirect_dma source(%dma_start3A_71 : memref<10000x128xf32, #tpu.memory_space<hbm>>) target(%dma_start3A_65 : memref<128x128xf32, #tpu.memory_space<vmem>>) offsets(%dma_start3A_68 : memref<128xi32, #tpu.memory_space<vmem>>) semaphore(%arg14 : memref<!tpu.dma_semaphore, #tpu.memory_space<semaphore_mem>>)
      %mul3A_72 = arith.constant 5 : i32
      %mul3A_73 = arith.muli %arg1, %mul3A_72 : i32
      %add3A_74 = arith.constant 1 : i32
      %add3A_75 = arith.addi %mul3A_73, %add3A_74 : i32
      %mul3A_76 = arith.constant 128 : i32
      %mul3A_77 = arith.muli %add3A_75, %mul3A_76 : i32
      %run_scoped3A_78 = arith.constant 1 : i32
      "tpu.region"() ({
        %run_scoped3A_319 = tpu.sem_alloc : memref<!tpu.dma_semaphore, #tpu.memory_space<semaphore_mem>>
        %dma_start3A_320 = arith.constant 0 : i32
        %dma_start3A_321 = tpu.memref_slice %arg12[%run_scoped3A_78, %dma_start3A_320] : memref<5x128xi32, #tpu.memory_space<vmem>> -> memref<1x128xi32, #tpu.memory_space<vmem>>
        %dma_start3A_322 = tpu.memref_squeeze %dma_start3A_321 : memref<1x128xi32, #tpu.memory_space<vmem>> -> memref<128xi32, #tpu.memory_space<vmem>>
        %dma_start3A_323 = tpu.memref_slice %arg3[%mul3A_77] : memref<10240xi32, #tpu.memory_space<hbm>> -> memref<128xi32, #tpu.memory_space<hbm>>
        %dma_start3A_324 = arith.constant 0 : i32
        %dma_start3A_325 = tpu.memref_slice %arg12[%run_scoped3A_78, %dma_start3A_324] : memref<5x128xi32, #tpu.memory_space<vmem>> -> memref<1x128xi32, #tpu.memory_space<vmem>>
        %dma_start3A_326 = tpu.memref_squeeze %dma_start3A_325 : memref<1x128xi32, #tpu.memory_space<vmem>> -> memref<128xi32, #tpu.memory_space<vmem>>
        %dma_start3A_327 = tpu.memref_slice %arg3[%mul3A_77] : memref<10240xi32, #tpu.memory_space<hbm>> -> memref<128xi32, #tpu.memory_space<hbm>>
        tpu.enqueue_dma source(%dma_start3A_327 : memref<128xi32, #tpu.memory_space<hbm>>) target(%dma_start3A_326 : memref<128xi32, #tpu.memory_space<vmem>>) target_semaphore(%run_scoped3A_319 : memref<!tpu.dma_semaphore, #tpu.memory_space<semaphore_mem>>)
        %dma_wait3A_328 = arith.constant 0 : i32
        %dma_wait3A_329 = tpu.memref_slice %arg12[%run_scoped3A_78, %dma_wait3A_328] : memref<5x128xi32, #tpu.memory_space<vmem>> -> memref<1x128xi32, #tpu.memory_space<vmem>>
        %dma_wait3A_330 = tpu.memref_squeeze %dma_wait3A_329 : memref<1x128xi32, #tpu.memory_space<vmem>> -> memref<128xi32, #tpu.memory_space<vmem>>
        %dma_wait3A_331 = tpu.memref_slice %arg3[%mul3A_77] : memref<10240xi32, #tpu.memory_space<hbm>> -> memref<128xi32, #tpu.memory_space<hbm>>
        %dma_wait3A_332 = arith.constant 0 : i32
        %dma_wait3A_333 = tpu.memref_slice %arg12[%run_scoped3A_78, %dma_wait3A_332] : memref<5x128xi32, #tpu.memory_space<vmem>> -> memref<1x128xi32, #tpu.memory_space<vmem>>
        %dma_wait3A_334 = tpu.memref_squeeze %dma_wait3A_333 : memref<1x128xi32, #tpu.memory_space<vmem>> -> memref<128xi32, #tpu.memory_space<vmem>>
        %dma_wait3A_335 = tpu.memref_slice %arg3[%mul3A_77] : memref<10240xi32, #tpu.memory_space<hbm>> -> memref<128xi32, #tpu.memory_space<hbm>>
        tpu.wait_dma2 semaphore(%run_scoped3A_319 : memref<!tpu.dma_semaphore, #tpu.memory_space<semaphore_mem>>) src(%dma_wait3A_335 : memref<128xi32, #tpu.memory_space<hbm>>) dst(%dma_wait3A_334 : memref<128xi32, #tpu.memory_space<vmem>>)
        tpu.yield
      }) : () -> ()
      %dma_start3A_79 = arith.constant 1 : i32
      %dma_start3A_80 = arith.constant 128 : i32
      %dma_start3A_81 = arith.constant 0 : i32
      %dma_start3A_82 = tpu.memref_slice %arg13[%dma_start3A_80, %dma_start3A_81] : memref<640x128xf32, #tpu.memory_space<vmem>> -> memref<128x128xf32, #tpu.memory_space<vmem>>
      %dma_start3A_83 = arith.constant 0 : i32
      %dma_start3A_84 = tpu.memref_slice %arg12[%dma_start3A_79, %dma_start3A_83] : memref<5x128xi32, #tpu.memory_space<vmem>> -> memref<1x128xi32, #tpu.memory_space<vmem>>
      %dma_start3A_85 = tpu.memref_squeeze %dma_start3A_84 : memref<1x128xi32, #tpu.memory_space<vmem>> -> memref<128xi32, #tpu.memory_space<vmem>>
      %dma_start3A_86 = arith.constant 0 : i32
      %dma_start3A_87 = arith.constant 0 : i32
      %dma_start3A_88 = tpu.memref_slice %arg4[%dma_start3A_86, %dma_start3A_87] : memref<10000x128xf32, #tpu.memory_space<hbm>> -> memref<10000x128xf32, #tpu.memory_space<hbm>>
      tpu.enqueue_indirect_dma source(%dma_start3A_88 : memref<10000x128xf32, #tpu.memory_space<hbm>>) target(%dma_start3A_82 : memref<128x128xf32, #tpu.memory_space<vmem>>) offsets(%dma_start3A_85 : memref<128xi32, #tpu.memory_space<vmem>>) semaphore(%arg14 : memref<!tpu.dma_semaphore, #tpu.memory_space<semaphore_mem>>)
      %mul3A_89 = arith.constant 5 : i32
      %mul3A_90 = arith.muli %arg1, %mul3A_89 : i32
      %add3A_91 = arith.constant 2 : i32
      %add3A_92 = arith.addi %mul3A_90, %add3A_91 : i32
      %mul3A_93 = arith.constant 128 : i32
      %mul3A_94 = arith.muli %add3A_92, %mul3A_93 : i32
      %run_scoped3A_95 = arith.constant 2 : i32
      "tpu.region"() ({
        %run_scoped3A_319 = tpu.sem_alloc : memref<!tpu.dma_semaphore, #tpu.memory_space<semaphore_mem>>
        %dma_start3A_320 = arith.constant 0 : i32
        %dma_start3A_321 = tpu.memref_slice %arg12[%run_scoped3A_95, %dma_start3A_320] : memref<5x128xi32, #tpu.memory_space<vmem>> -> memref<1x128xi32, #tpu.memory_space<vmem>>
        %dma_start3A_322 = tpu.memref_squeeze %dma_start3A_321 : memref<1x128xi32, #tpu.memory_space<vmem>> -> memref<128xi32, #tpu.memory_space<vmem>>
        %dma_start3A_323 = tpu.memref_slice %arg3[%mul3A_94] : memref<10240xi32, #tpu.memory_space<hbm>> -> memref<128xi32, #tpu.memory_space<hbm>>
        %dma_start3A_324 = arith.constant 0 : i32
        %dma_start3A_325 = tpu.memref_slice %arg12[%run_scoped3A_95, %dma_start3A_324] : memref<5x128xi32, #tpu.memory_space<vmem>> -> memref<1x128xi32, #tpu.memory_space<vmem>>
        %dma_start3A_326 = tpu.memref_squeeze %dma_start3A_325 : memref<1x128xi32, #tpu.memory_space<vmem>> -> memref<128xi32, #tpu.memory_space<vmem>>
        %dma_start3A_327 = tpu.memref_slice %arg3[%mul3A_94] : memref<10240xi32, #tpu.memory_space<hbm>> -> memref<128xi32, #tpu.memory_space<hbm>>
        tpu.enqueue_dma source(%dma_start3A_327 : memref<128xi32, #tpu.memory_space<hbm>>) target(%dma_start3A_326 : memref<128xi32, #tpu.memory_space<vmem>>) target_semaphore(%run_scoped3A_319 : memref<!tpu.dma_semaphore, #tpu.memory_space<semaphore_mem>>)
        %dma_wait3A_328 = arith.constant 0 : i32
        %dma_wait3A_329 = tpu.memref_slice %arg12[%run_scoped3A_95, %dma_wait3A_328] : memref<5x128xi32, #tpu.memory_space<vmem>> -> memref<1x128xi32, #tpu.memory_space<vmem>>
        %dma_wait3A_330 = tpu.memref_squeeze %dma_wait3A_329 : memref<1x128xi32, #tpu.memory_space<vmem>> -> memref<128xi32, #tpu.memory_space<vmem>>
        %dma_wait3A_331 = tpu.memref_slice %arg3[%mul3A_94] : memref<10240xi32, #tpu.memory_space<hbm>> -> memref<128xi32, #tpu.memory_space<hbm>>
        %dma_wait3A_332 = arith.constant 0 : i32
        %dma_wait3A_333 = tpu.memref_slice %arg12[%run_scoped3A_95, %dma_wait3A_332] : memref<5x128xi32, #tpu.memory_space<vmem>> -> memref<1x128xi32, #tpu.memory_space<vmem>>
        %dma_wait3A_334 = tpu.memref_squeeze %dma_wait3A_333 : memref<1x128xi32, #tpu.memory_space<vmem>> -> memref<128xi32, #tpu.memory_space<vmem>>
        %dma_wait3A_335 = tpu.memref_slice %arg3[%mul3A_94] : memref<10240xi32, #tpu.memory_space<hbm>> -> memref<128xi32, #tpu.memory_space<hbm>>
        tpu.wait_dma2 semaphore(%run_scoped3A_319 : memref<!tpu.dma_semaphore, #tpu.memory_space<semaphore_mem>>) src(%dma_wait3A_335 : memref<128xi32, #tpu.memory_space<hbm>>) dst(%dma_wait3A_334 : memref<128xi32, #tpu.memory_space<vmem>>)
        tpu.yield
      }) : () -> ()
      %dma_start3A_96 = arith.constant 2 : i32
      %dma_start3A_97 = arith.constant 256 : i32
      %dma_start3A_98 = arith.constant 0 : i32
      %dma_start3A_99 = tpu.memref_slice %arg13[%dma_start3A_97, %dma_start3A_98] : memref<640x128xf32, #tpu.memory_space<vmem>> -> memref<128x128xf32, #tpu.memory_space<vmem>>
      %dma_start3A_100 = arith.constant 0 : i32
      %dma_start3A_101 = tpu.memref_slice %arg12[%dma_start3A_96, %dma_start3A_100] : memref<5x128xi32, #tpu.memory_space<vmem>> -> memref<1x128xi32, #tpu.memory_space<vmem>>
      %dma_start3A_102 = tpu.memref_squeeze %dma_start3A_101 : memref<1x128xi32, #tpu.memory_space<vmem>> -> memref<128xi32, #tpu.memory_space<vmem>>
      %dma_start3A_103 = arith.constant 0 : i32
      %dma_start3A_104 = arith.constant 0 : i32
      %dma_start3A_105 = tpu.memref_slice %arg4[%dma_start3A_103, %dma_start3A_104] : memref<10000x128xf32, #tpu.memory_space<hbm>> -> memref<10000x128xf32, #tpu.memory_space<hbm>>
      tpu.enqueue_indirect_dma source(%dma_start3A_105 : memref<10000x128xf32, #tpu.memory_space<hbm>>) target(%dma_start3A_99 : memref<128x128xf32, #tpu.memory_space<vmem>>) offsets(%dma_start3A_102 : memref<128xi32, #tpu.memory_space<vmem>>) semaphore(%arg14 : memref<!tpu.dma_semaphore, #tpu.memory_space<semaphore_mem>>)
      %mul3A_106 = arith.constant 5 : i32
      %mul3A_107 = arith.muli %arg1, %mul3A_106 : i32
      %add3A_108 = arith.constant 3 : i32
      %add3A_109 = arith.addi %mul3A_107, %add3A_108 : i32
      %mul3A_110 = arith.constant 128 : i32
      %mul3A_111 = arith.muli %add3A_109, %mul3A_110 : i32
      %run_scoped3A_112 = arith.constant 3 : i32
      "tpu.region"() ({
        %run_scoped3A_319 = tpu.sem_alloc : memref<!tpu.dma_semaphore, #tpu.memory_space<semaphore_mem>>
        %dma_start3A_320 = arith.constant 0 : i32
        %dma_start3A_321 = tpu.memref_slice %arg12[%run_scoped3A_112, %dma_start3A_320] : memref<5x128xi32, #tpu.memory_space<vmem>> -> memref<1x128xi32, #tpu.memory_space<vmem>>
        %dma_start3A_322 = tpu.memref_squeeze %dma_start3A_321 : memref<1x128xi32, #tpu.memory_space<vmem>> -> memref<128xi32, #tpu.memory_space<vmem>>
        %dma_start3A_323 = tpu.memref_slice %arg3[%mul3A_111] : memref<10240xi32, #tpu.memory_space<hbm>> -> memref<128xi32, #tpu.memory_space<hbm>>
        %dma_start3A_324 = arith.constant 0 : i32
        %dma_start3A_325 = tpu.memref_slice %arg12[%run_scoped3A_112, %dma_start3A_324] : memref<5x128xi32, #tpu.memory_space<vmem>> -> memref<1x128xi32, #tpu.memory_space<vmem>>
        %dma_start3A_326 = tpu.memref_squeeze %dma_start3A_325 : memref<1x128xi32, #tpu.memory_space<vmem>> -> memref<128xi32, #tpu.memory_space<vmem>>
        %dma_start3A_327 = tpu.memref_slice %arg3[%mul3A_111] : memref<10240xi32, #tpu.memory_space<hbm>> -> memref<128xi32, #tpu.memory_space<hbm>>
        tpu.enqueue_dma source(%dma_start3A_327 : memref<128xi32, #tpu.memory_space<hbm>>) target(%dma_start3A_326 : memref<128xi32, #tpu.memory_space<vmem>>) target_semaphore(%run_scoped3A_319 : memref<!tpu.dma_semaphore, #tpu.memory_space<semaphore_mem>>)
        %dma_wait3A_328 = arith.constant 0 : i32
        %dma_wait3A_329 = tpu.memref_slice %arg12[%run_scoped3A_112, %dma_wait3A_328] : memref<5x128xi32, #tpu.memory_space<vmem>> -> memref<1x128xi32, #tpu.memory_space<vmem>>
        %dma_wait3A_330 = tpu.memref_squeeze %dma_wait3A_329 : memref<1x128xi32, #tpu.memory_space<vmem>> -> memref<128xi32, #tpu.memory_space<vmem>>
        %dma_wait3A_331 = tpu.memref_slice %arg3[%mul3A_111] : memref<10240xi32, #tpu.memory_space<hbm>> -> memref<128xi32, #tpu.memory_space<hbm>>
        %dma_wait3A_332 = arith.constant 0 : i32
        %dma_wait3A_333 = tpu.memref_slice %arg12[%run_scoped3A_112, %dma_wait3A_332] : memref<5x128xi32, #tpu.memory_space<vmem>> -> memref<1x128xi32, #tpu.memory_space<vmem>>
        %dma_wait3A_334 = tpu.memref_squeeze %dma_wait3A_333 : memref<1x128xi32, #tpu.memory_space<vmem>> -> memref<128xi32, #tpu.memory_space<vmem>>
        %dma_wait3A_335 = tpu.memref_slice %arg3[%mul3A_111] : memref<10240xi32, #tpu.memory_space<hbm>> -> memref<128xi32, #tpu.memory_space<hbm>>
        tpu.wait_dma2 semaphore(%run_scoped3A_319 : memref<!tpu.dma_semaphore, #tpu.memory_space<semaphore_mem>>) src(%dma_wait3A_335 : memref<128xi32, #tpu.memory_space<hbm>>) dst(%dma_wait3A_334 : memref<128xi32, #tpu.memory_space<vmem>>)
        tpu.yield
      }) : () -> ()
      %dma_start3A_113 = arith.constant 3 : i32
      %dma_start3A_114 = arith.constant 384 : i32
      %dma_start3A_115 = arith.constant 0 : i32
      %dma_start3A_116 = tpu.memref_slice %arg13[%dma_start3A_114, %dma_start3A_115] : memref<640x128xf32, #tpu.memory_space<vmem>> -> memref<128x128xf32, #tpu.memory_space<vmem>>
      %dma_start3A_117 = arith.constant 0 : i32
      %dma_start3A_118 = tpu.memref_slice %arg12[%dma_start3A_113, %dma_start3A_117] : memref<5x128xi32, #tpu.memory_space<vmem>> -> memref<1x128xi32, #tpu.memory_space<vmem>>
      %dma_start3A_119 = tpu.memref_squeeze %dma_start3A_118 : memref<1x128xi32, #tpu.memory_space<vmem>> -> memref<128xi32, #tpu.memory_space<vmem>>
      %dma_start3A_120 = arith.constant 0 : i32
      %dma_start3A_121 = arith.constant 0 : i32
      %dma_start3A_122 = tpu.memref_slice %arg4[%dma_start3A_120, %dma_start3A_121] : memref<10000x128xf32, #tpu.memory_space<hbm>> -> memref<10000x128xf32, #tpu.memory_space<hbm>>
      tpu.enqueue_indirect_dma source(%dma_start3A_122 : memref<10000x128xf32, #tpu.memory_space<hbm>>) target(%dma_start3A_116 : memref<128x128xf32, #tpu.memory_space<vmem>>) offsets(%dma_start3A_119 : memref<128xi32, #tpu.memory_space<vmem>>) semaphore(%arg14 : memref<!tpu.dma_semaphore, #tpu.memory_space<semaphore_mem>>)
      %mul3A_123 = arith.constant 5 : i32
      %mul3A_124 = arith.muli %arg1, %mul3A_123 : i32
      %add3A_125 = arith.constant 4 : i32
      %add3A_126 = arith.addi %mul3A_124, %add3A_125 : i32
      %mul3A_127 = arith.constant 128 : i32
      %mul3A_128 = arith.muli %add3A_126, %mul3A_127 : i32
      %run_scoped3A_129 = arith.constant 4 : i32
      "tpu.region"() ({
        %run_scoped3A_319 = tpu.sem_alloc : memref<!tpu.dma_semaphore, #tpu.memory_space<semaphore_mem>>
        %dma_start3A_320 = arith.constant 0 : i32
        %dma_start3A_321 = tpu.memref_slice %arg12[%run_scoped3A_129, %dma_start3A_320] : memref<5x128xi32, #tpu.memory_space<vmem>> -> memref<1x128xi32, #tpu.memory_space<vmem>>
        %dma_start3A_322 = tpu.memref_squeeze %dma_start3A_321 : memref<1x128xi32, #tpu.memory_space<vmem>> -> memref<128xi32, #tpu.memory_space<vmem>>
        %dma_start3A_323 = tpu.memref_slice %arg3[%mul3A_128] : memref<10240xi32, #tpu.memory_space<hbm>> -> memref<128xi32, #tpu.memory_space<hbm>>
        %dma_start3A_324 = arith.constant 0 : i32
        %dma_start3A_325 = tpu.memref_slice %arg12[%run_scoped3A_129, %dma_start3A_324] : memref<5x128xi32, #tpu.memory_space<vmem>> -> memref<1x128xi32, #tpu.memory_space<vmem>>
        %dma_start3A_326 = tpu.memref_squeeze %dma_start3A_325 : memref<1x128xi32, #tpu.memory_space<vmem>> -> memref<128xi32, #tpu.memory_space<vmem>>
        %dma_start3A_327 = tpu.memref_slice %arg3[%mul3A_128] : memref<10240xi32, #tpu.memory_space<hbm>> -> memref<128xi32, #tpu.memory_space<hbm>>
        tpu.enqueue_dma source(%dma_start3A_327 : memref<128xi32, #tpu.memory_space<hbm>>) target(%dma_start3A_326 : memref<128xi32, #tpu.memory_space<vmem>>) target_semaphore(%run_scoped3A_319 : memref<!tpu.dma_semaphore, #tpu.memory_space<semaphore_mem>>)
        %dma_wait3A_328 = arith.constant 0 : i32
        %dma_wait3A_329 = tpu.memref_slice %arg12[%run_scoped3A_129, %dma_wait3A_328] : memref<5x128xi32, #tpu.memory_space<vmem>> -> memref<1x128xi32, #tpu.memory_space<vmem>>
        %dma_wait3A_330 = tpu.memref_squeeze %dma_wait3A_329 : memref<1x128xi32, #tpu.memory_space<vmem>> -> memref<128xi32, #tpu.memory_space<vmem>>
        %dma_wait3A_331 = tpu.memref_slice %arg3[%mul3A_128] : memref<10240xi32, #tpu.memory_space<hbm>> -> memref<128xi32, #tpu.memory_space<hbm>>
        %dma_wait3A_332 = arith.constant 0 : i32
        %dma_wait3A_333 = tpu.memref_slice %arg12[%run_scoped3A_129, %dma_wait3A_332] : memref<5x128xi32, #tpu.memory_space<vmem>> -> memref<1x128xi32, #tpu.memory_space<vmem>>
        %dma_wait3A_334 = tpu.memref_squeeze %dma_wait3A_333 : memref<1x128xi32, #tpu.memory_space<vmem>> -> memref<128xi32, #tpu.memory_space<vmem>>
        %dma_wait3A_335 = tpu.memref_slice %arg3[%mul3A_128] : memref<10240xi32, #tpu.memory_space<hbm>> -> memref<128xi32, #tpu.memory_space<hbm>>
        tpu.wait_dma2 semaphore(%run_scoped3A_319 : memref<!tpu.dma_semaphore, #tpu.memory_space<semaphore_mem>>) src(%dma_wait3A_335 : memref<128xi32, #tpu.memory_space<hbm>>) dst(%dma_wait3A_334 : memref<128xi32, #tpu.memory_space<vmem>>)
        tpu.yield
      }) : () -> ()
      %dma_start3A_130 = arith.constant 4 : i32
      %dma_start3A_131 = arith.constant 512 : i32
      %dma_start3A_132 = arith.constant 0 : i32
      %dma_start3A_133 = tpu.memref_slice %arg13[%dma_start3A_131, %dma_start3A_132] : memref<640x128xf32, #tpu.memory_space<vmem>> -> memref<128x128xf32, #tpu.memory_space<vmem>>
      %dma_start3A_134 = arith.constant 0 : i32
      %dma_start3A_135 = tpu.memref_slice %arg12[%dma_start3A_130, %dma_start3A_134] : memref<5x128xi32, #tpu.memory_space<vmem>> -> memref<1x128xi32, #tpu.memory_space<vmem>>
      %dma_start3A_136 = tpu.memref_squeeze %dma_start3A_135 : memref<1x128xi32, #tpu.memory_space<vmem>> -> memref<128xi32, #tpu.memory_space<vmem>>
      %dma_start3A_137 = arith.constant 0 : i32
      %dma_start3A_138 = arith.constant 0 : i32
      %dma_start3A_139 = tpu.memref_slice %arg4[%dma_start3A_137, %dma_start3A_138] : memref<10000x128xf32, #tpu.memory_space<hbm>> -> memref<10000x128xf32, #tpu.memory_space<hbm>>
      tpu.enqueue_indirect_dma source(%dma_start3A_139 : memref<10000x128xf32, #tpu.memory_space<hbm>>) target(%dma_start3A_133 : memref<128x128xf32, #tpu.memory_space<vmem>>) offsets(%dma_start3A_136 : memref<128xi32, #tpu.memory_space<vmem>>) semaphore(%arg14 : memref<!tpu.dma_semaphore, #tpu.memory_space<semaphore_mem>>)
      %dma_wait3A = arith.constant 0 : i32
      %dma_wait3A_140 = arith.constant 0 : i32
      %dma_wait3A_141 = arith.constant 0 : i32
      %dma_wait3A_142 = tpu.memref_slice %arg13[%dma_wait3A_140, %dma_wait3A_141] : memref<640x128xf32, #tpu.memory_space<vmem>> -> memref<128x128xf32, #tpu.memory_space<vmem>>
      %dma_wait3A_143 = arith.constant 0 : i32
      %dma_wait3A_144 = tpu.memref_slice %arg12[%dma_wait3A, %dma_wait3A_143] : memref<5x128xi32, #tpu.memory_space<vmem>> -> memref<1x128xi32, #tpu.memory_space<vmem>>
      %dma_wait3A_145 = tpu.memref_squeeze %dma_wait3A_144 : memref<1x128xi32, #tpu.memory_space<vmem>> -> memref<128xi32, #tpu.memory_space<vmem>>
      %dma_wait3A_146 = arith.constant 0 : i32
      %dma_wait3A_147 = arith.constant 0 : i32
      %dma_wait3A_148 = tpu.memref_slice %arg4[%dma_wait3A_146, %dma_wait3A_147] : memref<10000x128xf32, #tpu.memory_space<hbm>> -> memref<10000x128xf32, #tpu.memory_space<hbm>>
      tpu.wait_indirect_dma semaphore(%arg14 : memref<!tpu.dma_semaphore, #tpu.memory_space<semaphore_mem>>) src(%dma_wait3A_148 : memref<10000x128xf32, #tpu.memory_space<hbm>>) dst(%dma_wait3A_142 : memref<128x128xf32, #tpu.memory_space<vmem>>)
      %mul3A_149 = arith.constant 5 : i32
      %mul3A_150 = arith.muli %arg1, %mul3A_149 : i32
      %add3A_151 = arith.constant 0 : i32
      %add3A_152 = arith.addi %mul3A_150, %add3A_151 : i32
      %mul3A_153 = arith.constant 128 : i32
      %mul3A_154 = arith.muli %add3A_152, %mul3A_153 : i32
      %dma_start3A_155 = arith.constant 0 : i32
      %dma_start3A_156 = arith.constant 0 : i32
      %dma_start3A_157 = tpu.memref_slice %arg13[%dma_start3A_155, %dma_start3A_156] : memref<640x128xf32, #tpu.memory_space<vmem>> -> memref<128x128xf32, #tpu.memory_space<vmem>>
      %dma_start3A_158 = arith.constant 0 : i32
      %dma_start3A_159 = tpu.memref_slice %arg7[%mul3A_154, %dma_start3A_158] : memref<10240x128xf32, #tpu.memory_space<hbm>> -> memref<128x128xf32, #tpu.memory_space<hbm>>
      %dma_start3A_160 = arith.constant 0 : i32
      %dma_start3A_161 = tpu.memref_slice %arg7[%mul3A_154, %dma_start3A_160] : memref<10240x128xf32, #tpu.memory_space<hbm>> -> memref<128x128xf32, #tpu.memory_space<hbm>>
      %dma_start3A_162 = arith.constant 0 : i32
      %dma_start3A_163 = arith.constant 0 : i32
      %dma_start3A_164 = tpu.memref_slice %arg13[%dma_start3A_162, %dma_start3A_163] : memref<640x128xf32, #tpu.memory_space<vmem>> -> memref<128x128xf32, #tpu.memory_space<vmem>>
      tpu.enqueue_dma source(%dma_start3A_164 : memref<128x128xf32, #tpu.memory_space<vmem>>) target(%dma_start3A_161 : memref<128x128xf32, #tpu.memory_space<hbm>>) target_semaphore(%arg15 : memref<!tpu.dma_semaphore, #tpu.memory_space<semaphore_mem>>)
      %dma_wait3A_165 = arith.constant 1 : i32
      %dma_wait3A_166 = arith.constant 128 : i32
      %dma_wait3A_167 = arith.constant 0 : i32
      %dma_wait3A_168 = tpu.memref_slice %arg13[%dma_wait3A_166, %dma_wait3A_167] : memref<640x128xf32, #tpu.memory_space<vmem>> -> memref<128x128xf32, #tpu.memory_space<vmem>>
      %dma_wait3A_169 = arith.constant 0 : i32
      %dma_wait3A_170 = tpu.memref_slice %arg12[%dma_wait3A_165, %dma_wait3A_169] : memref<5x128xi32, #tpu.memory_space<vmem>> -> memref<1x128xi32, #tpu.memory_space<vmem>>
      %dma_wait3A_171 = tpu.memref_squeeze %dma_wait3A_170 : memref<1x128xi32, #tpu.memory_space<vmem>> -> memref<128xi32, #tpu.memory_space<vmem>>
      %dma_wait3A_172 = arith.constant 0 : i32
      %dma_wait3A_173 = arith.constant 0 : i32
      %dma_wait3A_174 = tpu.memref_slice %arg4[%dma_wait3A_172, %dma_wait3A_173] : memref<10000x128xf32, #tpu.memory_space<hbm>> -> memref<10000x128xf32, #tpu.memory_space<hbm>>
      tpu.wait_indirect_dma semaphore(%arg14 : memref<!tpu.dma_semaphore, #tpu.memory_space<semaphore_mem>>) src(%dma_wait3A_174 : memref<10000x128xf32, #tpu.memory_space<hbm>>) dst(%dma_wait3A_168 : memref<128x128xf32, #tpu.memory_space<vmem>>)
      %mul3A_175 = arith.constant 5 : i32
      %mul3A_176 = arith.muli %arg1, %mul3A_175 : i32
      %add3A_177 = arith.constant 1 : i32
      %add3A_178 = arith.addi %mul3A_176, %add3A_177 : i32
      %mul3A_179 = arith.constant 128 : i32
      %mul3A_180 = arith.muli %add3A_178, %mul3A_179 : i32
      %dma_start3A_181 = arith.constant 128 : i32
      %dma_start3A_182 = arith.constant 0 : i32
      %dma_start3A_183 = tpu.memref_slice %arg13[%dma_start3A_181, %dma_start3A_182] : memref<640x128xf32, #tpu.memory_space<vmem>> -> memref<128x128xf32, #tpu.memory_space<vmem>>
      %dma_start3A_184 = arith.constant 0 : i32
      %dma_start3A_185 = tpu.memref_slice %arg7[%mul3A_180, %dma_start3A_184] : memref<10240x128xf32, #tpu.memory_space<hbm>> -> memref<128x128xf32, #tpu.memory_space<hbm>>
      %dma_start3A_186 = arith.constant 0 : i32
      %dma_start3A_187 = tpu.memref_slice %arg7[%mul3A_180, %dma_start3A_186] : memref<10240x128xf32, #tpu.memory_space<hbm>> -> memref<128x128xf32, #tpu.memory_space<hbm>>
      %dma_start3A_188 = arith.constant 128 : i32
      %dma_start3A_189 = arith.constant 0 : i32
      %dma_start3A_190 = tpu.memref_slice %arg13[%dma_start3A_188, %dma_start3A_189] : memref<640x128xf32, #tpu.memory_space<vmem>> -> memref<128x128xf32, #tpu.memory_space<vmem>>
      tpu.enqueue_dma source(%dma_start3A_190 : memref<128x128xf32, #tpu.memory_space<vmem>>) target(%dma_start3A_187 : memref<128x128xf32, #tpu.memory_space<hbm>>) target_semaphore(%arg15 : memref<!tpu.dma_semaphore, #tpu.memory_space<semaphore_mem>>)
      %dma_wait3A_191 = arith.constant 2 : i32
      %dma_wait3A_192 = arith.constant 256 : i32
      %dma_wait3A_193 = arith.constant 0 : i32
      %dma_wait3A_194 = tpu.memref_slice %arg13[%dma_wait3A_192, %dma_wait3A_193] : memref<640x128xf32, #tpu.memory_space<vmem>> -> memref<128x128xf32, #tpu.memory_space<vmem>>
      %dma_wait3A_195 = arith.constant 0 : i32
      %dma_wait3A_196 = tpu.memref_slice %arg12[%dma_wait3A_191, %dma_wait3A_195] : memref<5x128xi32, #tpu.memory_space<vmem>> -> memref<1x128xi32, #tpu.memory_space<vmem>>
      %dma_wait3A_197 = tpu.memref_squeeze %dma_wait3A_196 : memref<1x128xi32, #tpu.memory_space<vmem>> -> memref<128xi32, #tpu.memory_space<vmem>>
      %dma_wait3A_198 = arith.constant 0 : i32
      %dma_wait3A_199 = arith.constant 0 : i32
      %dma_wait3A_200 = tpu.memref_slice %arg4[%dma_wait3A_198, %dma_wait3A_199] : memref<10000x128xf32, #tpu.memory_space<hbm>> -> memref<10000x128xf32, #tpu.memory_space<hbm>>
      tpu.wait_indirect_dma semaphore(%arg14 : memref<!tpu.dma_semaphore, #tpu.memory_space<semaphore_mem>>) src(%dma_wait3A_200 : memref<10000x128xf32, #tpu.memory_space<hbm>>) dst(%dma_wait3A_194 : memref<128x128xf32, #tpu.memory_space<vmem>>)
      %mul3A_201 = arith.constant 5 : i32
      %mul3A_202 = arith.muli %arg1, %mul3A_201 : i32
      %add3A_203 = arith.constant 2 : i32
      %add3A_204 = arith.addi %mul3A_202, %add3A_203 : i32
      %mul3A_205 = arith.constant 128 : i32
      %mul3A_206 = arith.muli %add3A_204, %mul3A_205 : i32
      %dma_start3A_207 = arith.constant 256 : i32
      %dma_start3A_208 = arith.constant 0 : i32
      %dma_start3A_209 = tpu.memref_slice %arg13[%dma_start3A_207, %dma_start3A_208] : memref<640x128xf32, #tpu.memory_space<vmem>> -> memref<128x128xf32, #tpu.memory_space<vmem>>
      %dma_start3A_210 = arith.constant 0 : i32
      %dma_start3A_211 = tpu.memref_slice %arg7[%mul3A_206, %dma_start3A_210] : memref<10240x128xf32, #tpu.memory_space<hbm>> -> memref<128x128xf32, #tpu.memory_space<hbm>>
      %dma_start3A_212 = arith.constant 0 : i32
      %dma_start3A_213 = tpu.memref_slice %arg7[%mul3A_206, %dma_start3A_212] : memref<10240x128xf32, #tpu.memory_space<hbm>> -> memref<128x128xf32, #tpu.memory_space<hbm>>
      %dma_start3A_214 = arith.constant 256 : i32
      %dma_start3A_215 = arith.constant 0 : i32
      %dma_start3A_216 = tpu.memref_slice %arg13[%dma_start3A_214, %dma_start3A_215] : memref<640x128xf32, #tpu.memory_space<vmem>> -> memref<128x128xf32, #tpu.memory_space<vmem>>
      tpu.enqueue_dma source(%dma_start3A_216 : memref<128x128xf32, #tpu.memory_space<vmem>>) target(%dma_start3A_213 : memref<128x128xf32, #tpu.memory_space<hbm>>) target_semaphore(%arg15 : memref<!tpu.dma_semaphore, #tpu.memory_space<semaphore_mem>>)
      %dma_wait3A_217 = arith.constant 3 : i32
      %dma_wait3A_218 = arith.constant 384 : i32
      %dma_wait3A_219 = arith.constant 0 : i32
      %dma_wait3A_220 = tpu.memref_slice %arg13[%dma_wait3A_218, %dma_wait3A_219] : memref<640x128xf32, #tpu.memory_space<vmem>> -> memref<128x128xf32, #tpu.memory_space<vmem>>
      %dma_wait3A_221 = arith.constant 0 : i32
      %dma_wait3A_222 = tpu.memref_slice %arg12[%dma_wait3A_217, %dma_wait3A_221] : memref<5x128xi32, #tpu.memory_space<vmem>> -> memref<1x128xi32, #tpu.memory_space<vmem>>
      %dma_wait3A_223 = tpu.memref_squeeze %dma_wait3A_222 : memref<1x128xi32, #tpu.memory_space<vmem>> -> memref<128xi32, #tpu.memory_space<vmem>>
      %dma_wait3A_224 = arith.constant 0 : i32
      %dma_wait3A_225 = arith.constant 0 : i32
      %dma_wait3A_226 = tpu.memref_slice %arg4[%dma_wait3A_224, %dma_wait3A_225] : memref<10000x128xf32, #tpu.memory_space<hbm>> -> memref<10000x128xf32, #tpu.memory_space<hbm>>
      tpu.wait_indirect_dma semaphore(%arg14 : memref<!tpu.dma_semaphore, #tpu.memory_space<semaphore_mem>>) src(%dma_wait3A_226 : memref<10000x128xf32, #tpu.memory_space<hbm>>) dst(%dma_wait3A_220 : memref<128x128xf32, #tpu.memory_space<vmem>>)
      %mul3A_227 = arith.constant 5 : i32
      %mul3A_228 = arith.muli %arg1, %mul3A_227 : i32
      %add3A_229 = arith.constant 3 : i32
      %add3A_230 = arith.addi %mul3A_228, %add3A_229 : i32
      %mul3A_231 = arith.constant 128 : i32
      %mul3A_232 = arith.muli %add3A_230, %mul3A_231 : i32
      %dma_start3A_233 = arith.constant 384 : i32
      %dma_start3A_234 = arith.constant 0 : i32
      %dma_start3A_235 = tpu.memref_slice %arg13[%dma_start3A_233, %dma_start3A_234] : memref<640x128xf32, #tpu.memory_space<vmem>> -> memref<128x128xf32, #tpu.memory_space<vmem>>
      %dma_start3A_236 = arith.constant 0 : i32
      %dma_start3A_237 = tpu.memref_slice %arg7[%mul3A_232, %dma_start3A_236] : memref<10240x128xf32, #tpu.memory_space<hbm>> -> memref<128x128xf32, #tpu.memory_space<hbm>>
      %dma_start3A_238 = arith.constant 0 : i32
      %dma_start3A_239 = tpu.memref_slice %arg7[%mul3A_232, %dma_start3A_238] : memref<10240x128xf32, #tpu.memory_space<hbm>> -> memref<128x128xf32, #tpu.memory_space<hbm>>
      %dma_start3A_240 = arith.constant 384 : i32
      %dma_start3A_241 = arith.constant 0 : i32
      %dma_start3A_242 = tpu.memref_slice %arg13[%dma_start3A_240, %dma_start3A_241] : memref<640x128xf32, #tpu.memory_space<vmem>> -> memref<128x128xf32, #tpu.memory_space<vmem>>
      tpu.enqueue_dma source(%dma_start3A_242 : memref<128x128xf32, #tpu.memory_space<vmem>>) target(%dma_start3A_239 : memref<128x128xf32, #tpu.memory_space<hbm>>) target_semaphore(%arg15 : memref<!tpu.dma_semaphore, #tpu.memory_space<semaphore_mem>>)
      %dma_wait3A_243 = arith.constant 4 : i32
      %dma_wait3A_244 = arith.constant 512 : i32
      %dma_wait3A_245 = arith.constant 0 : i32
      %dma_wait3A_246 = tpu.memref_slice %arg13[%dma_wait3A_244, %dma_wait3A_245] : memref<640x128xf32, #tpu.memory_space<vmem>> -> memref<128x128xf32, #tpu.memory_space<vmem>>
      %dma_wait3A_247 = arith.constant 0 : i32
      %dma_wait3A_248 = tpu.memref_slice %arg12[%dma_wait3A_243, %dma_wait3A_247] : memref<5x128xi32, #tpu.memory_space<vmem>> -> memref<1x128xi32, #tpu.memory_space<vmem>>
      %dma_wait3A_249 = tpu.memref_squeeze %dma_wait3A_248 : memref<1x128xi32, #tpu.memory_space<vmem>> -> memref<128xi32, #tpu.memory_space<vmem>>
      %dma_wait3A_250 = arith.constant 0 : i32
      %dma_wait3A_251 = arith.constant 0 : i32
      %dma_wait3A_252 = tpu.memref_slice %arg4[%dma_wait3A_250, %dma_wait3A_251] : memref<10000x128xf32, #tpu.memory_space<hbm>> -> memref<10000x128xf32, #tpu.memory_space<hbm>>
      tpu.wait_indirect_dma semaphore(%arg14 : memref<!tpu.dma_semaphore, #tpu.memory_space<semaphore_mem>>) src(%dma_wait3A_252 : memref<10000x128xf32, #tpu.memory_space<hbm>>) dst(%dma_wait3A_246 : memref<128x128xf32, #tpu.memory_space<vmem>>)
      %mul3A_253 = arith.constant 5 : i32
      %mul3A_254 = arith.muli %arg1, %mul3A_253 : i32
      %add3A_255 = arith.constant 4 : i32
      %add3A_256 = arith.addi %mul3A_254, %add3A_255 : i32
      %mul3A_257 = arith.constant 128 : i32
      %mul3A_258 = arith.muli %add3A_256, %mul3A_257 : i32
      %dma_start3A_259 = arith.constant 512 : i32
      %dma_start3A_260 = arith.constant 0 : i32
      %dma_start3A_261 = tpu.memref_slice %arg13[%dma_start3A_259, %dma_start3A_260] : memref<640x128xf32, #tpu.memory_space<vmem>> -> memref<128x128xf32, #tpu.memory_space<vmem>>
      %dma_start3A_262 = arith.constant 0 : i32
      %dma_start3A_263 = tpu.memref_slice %arg7[%mul3A_258, %dma_start3A_262] : memref<10240x128xf32, #tpu.memory_space<hbm>> -> memref<128x128xf32, #tpu.memory_space<hbm>>
      %dma_start3A_264 = arith.constant 0 : i32
      %dma_start3A_265 = tpu.memref_slice %arg7[%mul3A_258, %dma_start3A_264] : memref<10240x128xf32, #tpu.memory_space<hbm>> -> memref<128x128xf32, #tpu.memory_space<hbm>>
      %dma_start3A_266 = arith.constant 512 : i32
      %dma_start3A_267 = arith.constant 0 : i32
      %dma_start3A_268 = tpu.memref_slice %arg13[%dma_start3A_266, %dma_start3A_267] : memref<640x128xf32, #tpu.memory_space<vmem>> -> memref<128x128xf32, #tpu.memory_space<vmem>>
      tpu.enqueue_dma source(%dma_start3A_268 : memref<128x128xf32, #tpu.memory_space<vmem>>) target(%dma_start3A_265 : memref<128x128xf32, #tpu.memory_space<hbm>>) target_semaphore(%arg15 : memref<!tpu.dma_semaphore, #tpu.memory_space<semaphore_mem>>)
      %dma_wait3A_269 = arith.constant 0 : i32
      %dma_wait3A_270 = arith.constant 0 : i32
      %dma_wait3A_271 = tpu.memref_slice %arg13[%dma_wait3A_269, %dma_wait3A_270] : memref<640x128xf32, #tpu.memory_space<vmem>> -> memref<128x128xf32, #tpu.memory_space<vmem>>
      %dma_wait3A_272 = arith.constant 0 : i32
      %dma_wait3A_273 = tpu.memref_slice %arg7[%mul3A_154, %dma_wait3A_272] : memref<10240x128xf32, #tpu.memory_space<hbm>> -> memref<128x128xf32, #tpu.memory_space<hbm>>
      %dma_wait3A_274 = arith.constant 0 : i32
      %dma_wait3A_275 = tpu.memref_slice %arg7[%mul3A_154, %dma_wait3A_274] : memref<10240x128xf32, #tpu.memory_space<hbm>> -> memref<128x128xf32, #tpu.memory_space<hbm>>
      %dma_wait3A_276 = arith.constant 0 : i32
      %dma_wait3A_277 = arith.constant 0 : i32
      %dma_wait3A_278 = tpu.memref_slice %arg13[%dma_wait3A_276, %dma_wait3A_277] : memref<640x128xf32, #tpu.memory_space<vmem>> -> memref<128x128xf32, #tpu.memory_space<vmem>>
      tpu.wait_dma2 semaphore(%arg15 : memref<!tpu.dma_semaphore, #tpu.memory_space<semaphore_mem>>) src(%dma_wait3A_278 : memref<128x128xf32, #tpu.memory_space<vmem>>) dst(%dma_wait3A_275 : memref<128x128xf32, #tpu.memory_space<hbm>>)
      %dma_wait3A_279 = arith.constant 128 : i32
      %dma_wait3A_280 = arith.constant 0 : i32
      %dma_wait3A_281 = tpu.memref_slice %arg13[%dma_wait3A_279, %dma_wait3A_280] : memref<640x128xf32, #tpu.memory_space<vmem>> -> memref<128x128xf32, #tpu.memory_space<vmem>>
      %dma_wait3A_282 = arith.constant 0 : i32
      %dma_wait3A_283 = tpu.memref_slice %arg7[%mul3A_180, %dma_wait3A_282] : memref<10240x128xf32, #tpu.memory_space<hbm>> -> memref<128x128xf32, #tpu.memory_space<hbm>>
      %dma_wait3A_284 = arith.constant 0 : i32
      %dma_wait3A_285 = tpu.memref_slice %arg7[%mul3A_180, %dma_wait3A_284] : memref<10240x128xf32, #tpu.memory_space<hbm>> -> memref<128x128xf32, #tpu.memory_space<hbm>>
      %dma_wait3A_286 = arith.constant 128 : i32
      %dma_wait3A_287 = arith.constant 0 : i32
      %dma_wait3A_288 = tpu.memref_slice %arg13[%dma_wait3A_286, %dma_wait3A_287] : memref<640x128xf32, #tpu.memory_space<vmem>> -> memref<128x128xf32, #tpu.memory_space<vmem>>
      tpu.wait_dma2 semaphore(%arg15 : memref<!tpu.dma_semaphore, #tpu.memory_space<semaphore_mem>>) src(%dma_wait3A_288 : memref<128x128xf32, #tpu.memory_space<vmem>>) dst(%dma_wait3A_285 : memref<128x128xf32, #tpu.memory_space<hbm>>)
      %dma_wait3A_289 = arith.constant 256 : i32
      %dma_wait3A_290 = arith.constant 0 : i32
      %dma_wait3A_291 = tpu.memref_slice %arg13[%dma_wait3A_289, %dma_wait3A_290] : memref<640x128xf32, #tpu.memory_space<vmem>> -> memref<128x128xf32, #tpu.memory_space<vmem>>
      %dma_wait3A_292 = arith.constant 0 : i32
      %dma_wait3A_293 = tpu.memref_slice %arg7[%mul3A_206, %dma_wait3A_292] : memref<10240x128xf32, #tpu.memory_space<hbm>> -> memref<128x128xf32, #tpu.memory_space<hbm>>
      %dma_wait3A_294 = arith.constant 0 : i32
      %dma_wait3A_295 = tpu.memref_slice %arg7[%mul3A_206, %dma_wait3A_294] : memref<10240x128xf32, #tpu.memory_space<hbm>> -> memref<128x128xf32, #tpu.memory_space<hbm>>
      %dma_wait3A_296 = arith.constant 256 : i32
      %dma_wait3A_297 = arith.constant 0 : i32
      %dma_wait3A_298 = tpu.memref_slice %arg13[%dma_wait3A_296, %dma_wait3A_297] : memref<640x128xf32, #tpu.memory_space<vmem>> -> memref<128x128xf32, #tpu.memory_space<vmem>>
      tpu.wait_dma2 semaphore(%arg15 : memref<!tpu.dma_semaphore, #tpu.memory_space<semaphore_mem>>) src(%dma_wait3A_298 : memref<128x128xf32, #tpu.memory_space<vmem>>) dst(%dma_wait3A_295 : memref<128x128xf32, #tpu.memory_space<hbm>>)
      %dma_wait3A_299 = arith.constant 384 : i32
      %dma_wait3A_300 = arith.constant 0 : i32
      %dma_wait3A_301 = tpu.memref_slice %arg13[%dma_wait3A_299, %dma_wait3A_300] : memref<640x128xf32, #tpu.memory_space<vmem>> -> memref<128x128xf32, #tpu.memory_space<vmem>>
      %dma_wait3A_302 = arith.constant 0 : i32
      %dma_wait3A_303 = tpu.memref_slice %arg7[%mul3A_232, %dma_wait3A_302] : memref<10240x128xf32, #tpu.memory_space<hbm>> -> memref<128x128xf32, #tpu.memory_space<hbm>>
      %dma_wait3A_304 = arith.constant 0 : i32
      %dma_wait3A_305 = tpu.memref_slice %arg7[%mul3A_232, %dma_wait3A_304] : memref<10240x128xf32, #tpu.memory_space<hbm>> -> memref<128x128xf32, #tpu.memory_space<hbm>>
      %dma_wait3A_306 = arith.constant 384 : i32
      %dma_wait3A_307 = arith.constant 0 : i32
      %dma_wait3A_308 = tpu.memref_slice %arg13[%dma_wait3A_306, %dma_wait3A_307] : memref<640x128xf32, #tpu.memory_space<vmem>> -> memref<128x128xf32, #tpu.memory_space<vmem>>
      tpu.wait_dma2 semaphore(%arg15 : memref<!tpu.dma_semaphore, #tpu.memory_space<semaphore_mem>>) src(%dma_wait3A_308 : memref<128x128xf32, #tpu.memory_space<vmem>>) dst(%dma_wait3A_305 : memref<128x128xf32, #tpu.memory_space<hbm>>)
      %dma_wait3A_309 = arith.constant 512 : i32
      %dma_wait3A_310 = arith.constant 0 : i32
      %dma_wait3A_311 = tpu.memref_slice %arg13[%dma_wait3A_309, %dma_wait3A_310] : memref<640x128xf32, #tpu.memory_space<vmem>> -> memref<128x128xf32, #tpu.memory_space<vmem>>
      %dma_wait3A_312 = arith.constant 0 : i32
      %dma_wait3A_313 = tpu.memref_slice %arg7[%mul3A_258, %dma_wait3A_312] : memref<10240x128xf32, #tpu.memory_space<hbm>> -> memref<128x128xf32, #tpu.memory_space<hbm>>
      %dma_wait3A_314 = arith.constant 0 : i32
      %dma_wait3A_315 = tpu.memref_slice %arg7[%mul3A_258, %dma_wait3A_314] : memref<10240x128xf32, #tpu.memory_space<hbm>> -> memref<128x128xf32, #tpu.memory_space<hbm>>
      %dma_wait3A_316 = arith.constant 512 : i32
      %dma_wait3A_317 = arith.constant 0 : i32
      %dma_wait3A_318 = tpu.memref_slice %arg13[%dma_wait3A_316, %dma_wait3A_317] : memref<640x128xf32, #tpu.memory_space<vmem>> -> memref<128x128xf32, #tpu.memory_space<vmem>>
      tpu.wait_dma2 semaphore(%arg15 : memref<!tpu.dma_semaphore, #tpu.memory_space<semaphore_mem>>) src(%dma_wait3A_318 : memref<128x128xf32, #tpu.memory_space<vmem>>) dst(%dma_wait3A_315 : memref<128x128xf32, #tpu.memory_space<hbm>>)
    } else {
    }
    %eq3A_25 = arith.constant 0 : i32
    %eq3A_26 = arith.cmpi eq, %arg0, %eq3A_25 : i32
    %jit3A = arith.constant 6 : i32
    %jit3A_27 = arith.constant 4 : i32
    %select_n3A = arith.select %eq3A_26, %jit3A, %jit3A_27 : i32
    %eq3A_28 = arith.constant 0 : i32
    %eq3A_29 = arith.cmpi eq, %arg0, %eq3A_28 : i32
    %mul3A_30 = arith.constant 6 : i32
    %mul3A_31 = arith.muli %arg1, %mul3A_30 : i32
    %mul3A_32 = arith.constant 16 : i32
    %mul3A_33 = arith.muli %mul3A_31, %mul3A_32 : i32
    %mul3A_34 = arith.constant 4 : i32
    %mul3A_35 = arith.muli %arg1, %mul3A_34 : i32
    %mul3A_36 = arith.constant 16 : i32
    %mul3A_37 = arith.muli %mul3A_35, %mul3A_36 : i32
    %add3A_38 = arith.constant 1536 : i32
    %add3A_39 = arith.addi %add3A_38, %mul3A_37 : i32
    %select_n3A_40 = arith.select %eq3A_29, %mul3A_33, %add3A_39 : i32
    %while3A = arith.constant 0 : i32
    %while3A_41 = arith.constant 0 : i32
    %while3A_42 = arith.subi %select_n3A, %while3A_41 : i32
    %while3A_43 = arith.addi %while3A_41, %while3A_42 : i32
    %while3A_44 = arith.constant 1 : i32
    %while3A_45 = arith.divsi %while3A_42, %while3A_44 : i32
    %while3A_46 = arith.muli %while3A_45, %while3A_44 : i32
    %while3A_47 = arith.addi %while3A_41, %while3A_46 : i32
    %while3A_48 = arith.constant 1 : i32
    scf.for %while3A_57 = %while3A_41 to %while3A_47 step %while3A_48  : i32 {
      %mul3A_58 = arith.constant 16 : i32
      %mul3A_59 = arith.muli %while3A_57, %mul3A_58 : i32
      %add3A_60 = arith.addi %select_n3A_40, %mul3A_59 : i32
      "tpu.region"() ({
        %run_scoped3A = tpu.sem_alloc : memref<!tpu.dma_semaphore, #tpu.memory_space<semaphore_mem>>
        %dma_start3A_315 = arith.constant 0 : i32
        %dma_start3A_316 = arith.constant 0 : i32
        %dma_start3A_317 = tpu.memref_slice %arg2[%dma_start3A_315, %add3A_60, %dma_start3A_316] : memref<2x2560x128xi32, #tpu.memory_space<hbm>> -> memref<2x16x128xi32, #tpu.memory_space<hbm>>
        %dma_start3A_318 = arith.constant 0 : i32
        %dma_start3A_319 = arith.constant 0 : i32
        %dma_start3A_320 = tpu.memref_slice %arg2[%dma_start3A_318, %add3A_60, %dma_start3A_319] : memref<2x2560x128xi32, #tpu.memory_space<hbm>> -> memref<2x16x128xi32, #tpu.memory_space<hbm>>
        tpu.enqueue_dma source(%dma_start3A_320 : memref<2x16x128xi32, #tpu.memory_space<hbm>>) target(%arg11 : memref<2x16x128xi32, #tpu.memory_space<vmem>>) target_semaphore(%run_scoped3A : memref<!tpu.dma_semaphore, #tpu.memory_space<semaphore_mem>>)
        %dma_wait3A_321 = arith.constant 0 : i32
        %dma_wait3A_322 = arith.constant 0 : i32
        %dma_wait3A_323 = tpu.memref_slice %arg2[%dma_wait3A_321, %add3A_60, %dma_wait3A_322] : memref<2x2560x128xi32, #tpu.memory_space<hbm>> -> memref<2x16x128xi32, #tpu.memory_space<hbm>>
        %dma_wait3A_324 = arith.constant 0 : i32
        %dma_wait3A_325 = arith.constant 0 : i32
        %dma_wait3A_326 = tpu.memref_slice %arg2[%dma_wait3A_324, %add3A_60, %dma_wait3A_325] : memref<2x2560x128xi32, #tpu.memory_space<hbm>> -> memref<2x16x128xi32, #tpu.memory_space<hbm>>
        tpu.wait_dma2 semaphore(%run_scoped3A : memref<!tpu.dma_semaphore, #tpu.memory_space<semaphore_mem>>) src(%dma_wait3A_326 : memref<2x16x128xi32, #tpu.memory_space<hbm>>) dst(%arg11 : memref<2x16x128xi32, #tpu.memory_space<vmem>>)
        tpu.yield
      }) : () -> ()
      %dma_start3A = arith.constant 1 : i32
      %dma_start3A_61 = arith.constant 0 : i32
      %dma_start3A_62 = arith.constant 0 : i32
      %dma_start3A_63 = tpu.memref_slice %arg11[%dma_start3A, %dma_start3A_61, %dma_start3A_62] : memref<2x16x128xi32, #tpu.memory_space<vmem>> -> memref<1x1x128xi32, #tpu.memory_space<vmem>>
      %dma_start3A_64 = tpu.memref_squeeze %dma_start3A_63 : memref<1x1x128xi32, #tpu.memory_space<vmem>> -> memref<128xi32, #tpu.memory_space<vmem>>
      %dma_start3A_65 = arith.constant 0 : i32
      %dma_start3A_66 = arith.constant 0 : i32
      %dma_start3A_67 = tpu.memref_slice %arg8[%dma_start3A_65, %dma_start3A_66] : memref<10240x16xf32, #tpu.memory_space<vmem_shared>> -> memref<10240x16xf32, #tpu.memory_space<vmem_shared>>
      tpu.enqueue_indirect_dma source(%arg10 : memref<128x16xf32, #tpu.memory_space<vmem>>) target(%dma_start3A_67 : memref<10240x16xf32, #tpu.memory_space<vmem_shared>>) offsets(%dma_start3A_64 : memref<128xi32, #tpu.memory_space<vmem>>) semaphore(%arg16 : memref<!tpu.dma_semaphore, #tpu.memory_space<semaphore_mem>>) {add = true}
      %dma_start3A_68 = arith.constant 1 : i32
      %dma_start3A_69 = arith.constant 1 : i32
      %dma_start3A_70 = arith.constant 0 : i32
      %dma_start3A_71 = tpu.memref_slice %arg11[%dma_start3A_68, %dma_start3A_69, %dma_start3A_70] : memref<2x16x128xi32, #tpu.memory_space<vmem>> -> memref<1x1x128xi32, #tpu.memory_space<vmem>>
      %dma_start3A_72 = tpu.memref_squeeze %dma_start3A_71 : memref<1x1x128xi32, #tpu.memory_space<vmem>> -> memref<128xi32, #tpu.memory_space<vmem>>
      %dma_start3A_73 = arith.constant 0 : i32
      %dma_start3A_74 = arith.constant 0 : i32
      %dma_start3A_75 = tpu.memref_slice %arg8[%dma_start3A_73, %dma_start3A_74] : memref<10240x16xf32, #tpu.memory_space<vmem_shared>> -> memref<10240x16xf32, #tpu.memory_space<vmem_shared>>
      tpu.enqueue_indirect_dma source(%arg10 : memref<128x16xf32, #tpu.memory_space<vmem>>) target(%dma_start3A_75 : memref<10240x16xf32, #tpu.memory_space<vmem_shared>>) offsets(%dma_start3A_72 : memref<128xi32, #tpu.memory_space<vmem>>) semaphore(%arg16 : memref<!tpu.dma_semaphore, #tpu.memory_space<semaphore_mem>>) {add = true}
      %dma_start3A_76 = arith.constant 1 : i32
      %dma_start3A_77 = arith.constant 2 : i32
      %dma_start3A_78 = arith.constant 0 : i32
      %dma_start3A_79 = tpu.memref_slice %arg11[%dma_start3A_76, %dma_start3A_77, %dma_start3A_78] : memref<2x16x128xi32, #tpu.memory_space<vmem>> -> memref<1x1x128xi32, #tpu.memory_space<vmem>>
      %dma_start3A_80 = tpu.memref_squeeze %dma_start3A_79 : memref<1x1x128xi32, #tpu.memory_space<vmem>> -> memref<128xi32, #tpu.memory_space<vmem>>
      %dma_start3A_81 = arith.constant 0 : i32
      %dma_start3A_82 = arith.constant 0 : i32
      %dma_start3A_83 = tpu.memref_slice %arg8[%dma_start3A_81, %dma_start3A_82] : memref<10240x16xf32, #tpu.memory_space<vmem_shared>> -> memref<10240x16xf32, #tpu.memory_space<vmem_shared>>
      tpu.enqueue_indirect_dma source(%arg10 : memref<128x16xf32, #tpu.memory_space<vmem>>) target(%dma_start3A_83 : memref<10240x16xf32, #tpu.memory_space<vmem_shared>>) offsets(%dma_start3A_80 : memref<128xi32, #tpu.memory_space<vmem>>) semaphore(%arg16 : memref<!tpu.dma_semaphore, #tpu.memory_space<semaphore_mem>>) {add = true}
      %dma_start3A_84 = arith.constant 1 : i32
      %dma_start3A_85 = arith.constant 3 : i32
      %dma_start3A_86 = arith.constant 0 : i32
      %dma_start3A_87 = tpu.memref_slice %arg11[%dma_start3A_84, %dma_start3A_85, %dma_start3A_86] : memref<2x16x128xi32, #tpu.memory_space<vmem>> -> memref<1x1x128xi32, #tpu.memory_space<vmem>>
      %dma_start3A_88 = tpu.memref_squeeze %dma_start3A_87 : memref<1x1x128xi32, #tpu.memory_space<vmem>> -> memref<128xi32, #tpu.memory_space<vmem>>
      %dma_start3A_89 = arith.constant 0 : i32
      %dma_start3A_90 = arith.constant 0 : i32
      %dma_start3A_91 = tpu.memref_slice %arg8[%dma_start3A_89, %dma_start3A_90] : memref<10240x16xf32, #tpu.memory_space<vmem_shared>> -> memref<10240x16xf32, #tpu.memory_space<vmem_shared>>
      tpu.enqueue_indirect_dma source(%arg10 : memref<128x16xf32, #tpu.memory_space<vmem>>) target(%dma_start3A_91 : memref<10240x16xf32, #tpu.memory_space<vmem_shared>>) offsets(%dma_start3A_88 : memref<128xi32, #tpu.memory_space<vmem>>) semaphore(%arg16 : memref<!tpu.dma_semaphore, #tpu.memory_space<semaphore_mem>>) {add = true}
      %dma_start3A_92 = arith.constant 1 : i32
      %dma_start3A_93 = arith.constant 4 : i32
      %dma_start3A_94 = arith.constant 0 : i32
      %dma_start3A_95 = tpu.memref_slice %arg11[%dma_start3A_92, %dma_start3A_93, %dma_start3A_94] : memref<2x16x128xi32, #tpu.memory_space<vmem>> -> memref<1x1x128xi32, #tpu.memory_space<vmem>>
      %dma_start3A_96 = tpu.memref_squeeze %dma_start3A_95 : memref<1x1x128xi32, #tpu.memory_space<vmem>> -> memref<128xi32, #tpu.memory_space<vmem>>
      %dma_start3A_97 = arith.constant 0 : i32
      %dma_start3A_98 = arith.constant 0 : i32
      %dma_start3A_99 = tpu.memref_slice %arg8[%dma_start3A_97, %dma_start3A_98] : memref<10240x16xf32, #tpu.memory_space<vmem_shared>> -> memref<10240x16xf32, #tpu.memory_space<vmem_shared>>
      tpu.enqueue_indirect_dma source(%arg10 : memref<128x16xf32, #tpu.memory_space<vmem>>) target(%dma_start3A_99 : memref<10240x16xf32, #tpu.memory_space<vmem_shared>>) offsets(%dma_start3A_96 : memref<128xi32, #tpu.memory_space<vmem>>) semaphore(%arg16 : memref<!tpu.dma_semaphore, #tpu.memory_space<semaphore_mem>>) {add = true}
      %dma_start3A_100 = arith.constant 1 : i32
      %dma_start3A_101 = arith.constant 5 : i32
      %dma_start3A_102 = arith.constant 0 : i32
      %dma_start3A_103 = tpu.memref_slice %arg11[%dma_start3A_100, %dma_start3A_101, %dma_start3A_102] : memref<2x16x128xi32, #tpu.memory_space<vmem>> -> memref<1x1x128xi32, #tpu.memory_space<vmem>>
      %dma_start3A_104 = tpu.memref_squeeze %dma_start3A_103 : memref<1x1x128xi32, #tpu.memory_space<vmem>> -> memref<128xi32, #tpu.memory_space<vmem>>
      %dma_start3A_105 = arith.constant 0 : i32
      %dma_start3A_106 = arith.constant 0 : i32
      %dma_start3A_107 = tpu.memref_slice %arg8[%dma_start3A_105, %dma_start3A_106] : memref<10240x16xf32, #tpu.memory_space<vmem_shared>> -> memref<10240x16xf32, #tpu.memory_space<vmem_shared>>
      tpu.enqueue_indirect_dma source(%arg10 : memref<128x16xf32, #tpu.memory_space<vmem>>) target(%dma_start3A_107 : memref<10240x16xf32, #tpu.memory_space<vmem_shared>>) offsets(%dma_start3A_104 : memref<128xi32, #tpu.memory_space<vmem>>) semaphore(%arg16 : memref<!tpu.dma_semaphore, #tpu.memory_space<semaphore_mem>>) {add = true}
      %dma_start3A_108 = arith.constant 1 : i32
      %dma_start3A_109 = arith.constant 6 : i32
      %dma_start3A_110 = arith.constant 0 : i32
      %dma_start3A_111 = tpu.memref_slice %arg11[%dma_start3A_108, %dma_start3A_109, %dma_start3A_110] : memref<2x16x128xi32, #tpu.memory_space<vmem>> -> memref<1x1x128xi32, #tpu.memory_space<vmem>>
      %dma_start3A_112 = tpu.memref_squeeze %dma_start3A_111 : memref<1x1x128xi32, #tpu.memory_space<vmem>> -> memref<128xi32, #tpu.memory_space<vmem>>
      %dma_start3A_113 = arith.constant 0 : i32
      %dma_start3A_114 = arith.constant 0 : i32
      %dma_start3A_115 = tpu.memref_slice %arg8[%dma_start3A_113, %dma_start3A_114] : memref<10240x16xf32, #tpu.memory_space<vmem_shared>> -> memref<10240x16xf32, #tpu.memory_space<vmem_shared>>
      tpu.enqueue_indirect_dma source(%arg10 : memref<128x16xf32, #tpu.memory_space<vmem>>) target(%dma_start3A_115 : memref<10240x16xf32, #tpu.memory_space<vmem_shared>>) offsets(%dma_start3A_112 : memref<128xi32, #tpu.memory_space<vmem>>) semaphore(%arg16 : memref<!tpu.dma_semaphore, #tpu.memory_space<semaphore_mem>>) {add = true}
      %dma_start3A_116 = arith.constant 1 : i32
      %dma_start3A_117 = arith.constant 7 : i32
      %dma_start3A_118 = arith.constant 0 : i32
      %dma_start3A_119 = tpu.memref_slice %arg11[%dma_start3A_116, %dma_start3A_117, %dma_start3A_118] : memref<2x16x128xi32, #tpu.memory_space<vmem>> -> memref<1x1x128xi32, #tpu.memory_space<vmem>>
      %dma_start3A_120 = tpu.memref_squeeze %dma_start3A_119 : memref<1x1x128xi32, #tpu.memory_space<vmem>> -> memref<128xi32, #tpu.memory_space<vmem>>
      %dma_start3A_121 = arith.constant 0 : i32
      %dma_start3A_122 = arith.constant 0 : i32
      %dma_start3A_123 = tpu.memref_slice %arg8[%dma_start3A_121, %dma_start3A_122] : memref<10240x16xf32, #tpu.memory_space<vmem_shared>> -> memref<10240x16xf32, #tpu.memory_space<vmem_shared>>
      tpu.enqueue_indirect_dma source(%arg10 : memref<128x16xf32, #tpu.memory_space<vmem>>) target(%dma_start3A_123 : memref<10240x16xf32, #tpu.memory_space<vmem_shared>>) offsets(%dma_start3A_120 : memref<128xi32, #tpu.memory_space<vmem>>) semaphore(%arg16 : memref<!tpu.dma_semaphore, #tpu.memory_space<semaphore_mem>>) {add = true}
      %dma_start3A_124 = arith.constant 1 : i32
      %dma_start3A_125 = arith.constant 8 : i32
      %dma_start3A_126 = arith.constant 0 : i32
      %dma_start3A_127 = tpu.memref_slice %arg11[%dma_start3A_124, %dma_start3A_125, %dma_start3A_126] : memref<2x16x128xi32, #tpu.memory_space<vmem>> -> memref<1x1x128xi32, #tpu.memory_space<vmem>>
      %dma_start3A_128 = tpu.memref_squeeze %dma_start3A_127 : memref<1x1x128xi32, #tpu.memory_space<vmem>> -> memref<128xi32, #tpu.memory_space<vmem>>
      %dma_start3A_129 = arith.constant 0 : i32
      %dma_start3A_130 = arith.constant 0 : i32
      %dma_start3A_131 = tpu.memref_slice %arg8[%dma_start3A_129, %dma_start3A_130] : memref<10240x16xf32, #tpu.memory_space<vmem_shared>> -> memref<10240x16xf32, #tpu.memory_space<vmem_shared>>
      tpu.enqueue_indirect_dma source(%arg10 : memref<128x16xf32, #tpu.memory_space<vmem>>) target(%dma_start3A_131 : memref<10240x16xf32, #tpu.memory_space<vmem_shared>>) offsets(%dma_start3A_128 : memref<128xi32, #tpu.memory_space<vmem>>) semaphore(%arg16 : memref<!tpu.dma_semaphore, #tpu.memory_space<semaphore_mem>>) {add = true}
      %dma_start3A_132 = arith.constant 1 : i32
      %dma_start3A_133 = arith.constant 9 : i32
      %dma_start3A_134 = arith.constant 0 : i32
      %dma_start3A_135 = tpu.memref_slice %arg11[%dma_start3A_132, %dma_start3A_133, %dma_start3A_134] : memref<2x16x128xi32, #tpu.memory_space<vmem>> -> memref<1x1x128xi32, #tpu.memory_space<vmem>>
      %dma_start3A_136 = tpu.memref_squeeze %dma_start3A_135 : memref<1x1x128xi32, #tpu.memory_space<vmem>> -> memref<128xi32, #tpu.memory_space<vmem>>
      %dma_start3A_137 = arith.constant 0 : i32
      %dma_start3A_138 = arith.constant 0 : i32
      %dma_start3A_139 = tpu.memref_slice %arg8[%dma_start3A_137, %dma_start3A_138] : memref<10240x16xf32, #tpu.memory_space<vmem_shared>> -> memref<10240x16xf32, #tpu.memory_space<vmem_shared>>
      tpu.enqueue_indirect_dma source(%arg10 : memref<128x16xf32, #tpu.memory_space<vmem>>) target(%dma_start3A_139 : memref<10240x16xf32, #tpu.memory_space<vmem_shared>>) offsets(%dma_start3A_136 : memref<128xi32, #tpu.memory_space<vmem>>) semaphore(%arg16 : memref<!tpu.dma_semaphore, #tpu.memory_space<semaphore_mem>>) {add = true}
      %dma_start3A_140 = arith.constant 1 : i32
      %dma_start3A_141 = arith.constant 10 : i32
      %dma_start3A_142 = arith.constant 0 : i32
      %dma_start3A_143 = tpu.memref_slice %arg11[%dma_start3A_140, %dma_start3A_141, %dma_start3A_142] : memref<2x16x128xi32, #tpu.memory_space<vmem>> -> memref<1x1x128xi32, #tpu.memory_space<vmem>>
      %dma_start3A_144 = tpu.memref_squeeze %dma_start3A_143 : memref<1x1x128xi32, #tpu.memory_space<vmem>> -> memref<128xi32, #tpu.memory_space<vmem>>
      %dma_start3A_145 = arith.constant 0 : i32
      %dma_start3A_146 = arith.constant 0 : i32
      %dma_start3A_147 = tpu.memref_slice %arg8[%dma_start3A_145, %dma_start3A_146] : memref<10240x16xf32, #tpu.memory_space<vmem_shared>> -> memref<10240x16xf32, #tpu.memory_space<vmem_shared>>
      tpu.enqueue_indirect_dma source(%arg10 : memref<128x16xf32, #tpu.memory_space<vmem>>) target(%dma_start3A_147 : memref<10240x16xf32, #tpu.memory_space<vmem_shared>>) offsets(%dma_start3A_144 : memref<128xi32, #tpu.memory_space<vmem>>) semaphore(%arg16 : memref<!tpu.dma_semaphore, #tpu.memory_space<semaphore_mem>>) {add = true}
      %dma_start3A_148 = arith.constant 1 : i32
      %dma_start3A_149 = arith.constant 11 : i32
      %dma_start3A_150 = arith.constant 0 : i32
      %dma_start3A_151 = tpu.memref_slice %arg11[%dma_start3A_148, %dma_start3A_149, %dma_start3A_150] : memref<2x16x128xi32, #tpu.memory_space<vmem>> -> memref<1x1x128xi32, #tpu.memory_space<vmem>>
      %dma_start3A_152 = tpu.memref_squeeze %dma_start3A_151 : memref<1x1x128xi32, #tpu.memory_space<vmem>> -> memref<128xi32, #tpu.memory_space<vmem>>
      %dma_start3A_153 = arith.constant 0 : i32
      %dma_start3A_154 = arith.constant 0 : i32
      %dma_start3A_155 = tpu.memref_slice %arg8[%dma_start3A_153, %dma_start3A_154] : memref<10240x16xf32, #tpu.memory_space<vmem_shared>> -> memref<10240x16xf32, #tpu.memory_space<vmem_shared>>
      tpu.enqueue_indirect_dma source(%arg10 : memref<128x16xf32, #tpu.memory_space<vmem>>) target(%dma_start3A_155 : memref<10240x16xf32, #tpu.memory_space<vmem_shared>>) offsets(%dma_start3A_152 : memref<128xi32, #tpu.memory_space<vmem>>) semaphore(%arg16 : memref<!tpu.dma_semaphore, #tpu.memory_space<semaphore_mem>>) {add = true}
      %dma_start3A_156 = arith.constant 1 : i32
      %dma_start3A_157 = arith.constant 12 : i32
      %dma_start3A_158 = arith.constant 0 : i32
      %dma_start3A_159 = tpu.memref_slice %arg11[%dma_start3A_156, %dma_start3A_157, %dma_start3A_158] : memref<2x16x128xi32, #tpu.memory_space<vmem>> -> memref<1x1x128xi32, #tpu.memory_space<vmem>>
      %dma_start3A_160 = tpu.memref_squeeze %dma_start3A_159 : memref<1x1x128xi32, #tpu.memory_space<vmem>> -> memref<128xi32, #tpu.memory_space<vmem>>
      %dma_start3A_161 = arith.constant 0 : i32
      %dma_start3A_162 = arith.constant 0 : i32
      %dma_start3A_163 = tpu.memref_slice %arg8[%dma_start3A_161, %dma_start3A_162] : memref<10240x16xf32, #tpu.memory_space<vmem_shared>> -> memref<10240x16xf32, #tpu.memory_space<vmem_shared>>
      tpu.enqueue_indirect_dma source(%arg10 : memref<128x16xf32, #tpu.memory_space<vmem>>) target(%dma_start3A_163 : memref<10240x16xf32, #tpu.memory_space<vmem_shared>>) offsets(%dma_start3A_160 : memref<128xi32, #tpu.memory_space<vmem>>) semaphore(%arg16 : memref<!tpu.dma_semaphore, #tpu.memory_space<semaphore_mem>>) {add = true}
      %dma_start3A_164 = arith.constant 1 : i32
      %dma_start3A_165 = arith.constant 13 : i32
      %dma_start3A_166 = arith.constant 0 : i32
      %dma_start3A_167 = tpu.memref_slice %arg11[%dma_start3A_164, %dma_start3A_165, %dma_start3A_166] : memref<2x16x128xi32, #tpu.memory_space<vmem>> -> memref<1x1x128xi32, #tpu.memory_space<vmem>>
      %dma_start3A_168 = tpu.memref_squeeze %dma_start3A_167 : memref<1x1x128xi32, #tpu.memory_space<vmem>> -> memref<128xi32, #tpu.memory_space<vmem>>
      %dma_start3A_169 = arith.constant 0 : i32
      %dma_start3A_170 = arith.constant 0 : i32
      %dma_start3A_171 = tpu.memref_slice %arg8[%dma_start3A_169, %dma_start3A_170] : memref<10240x16xf32, #tpu.memory_space<vmem_shared>> -> memref<10240x16xf32, #tpu.memory_space<vmem_shared>>
      tpu.enqueue_indirect_dma source(%arg10 : memref<128x16xf32, #tpu.memory_space<vmem>>) target(%dma_start3A_171 : memref<10240x16xf32, #tpu.memory_space<vmem_shared>>) offsets(%dma_start3A_168 : memref<128xi32, #tpu.memory_space<vmem>>) semaphore(%arg16 : memref<!tpu.dma_semaphore, #tpu.memory_space<semaphore_mem>>) {add = true}
      %dma_start3A_172 = arith.constant 1 : i32
      %dma_start3A_173 = arith.constant 14 : i32
      %dma_start3A_174 = arith.constant 0 : i32
      %dma_start3A_175 = tpu.memref_slice %arg11[%dma_start3A_172, %dma_start3A_173, %dma_start3A_174] : memref<2x16x128xi32, #tpu.memory_space<vmem>> -> memref<1x1x128xi32, #tpu.memory_space<vmem>>
      %dma_start3A_176 = tpu.memref_squeeze %dma_start3A_175 : memref<1x1x128xi32, #tpu.memory_space<vmem>> -> memref<128xi32, #tpu.memory_space<vmem>>
      %dma_start3A_177 = arith.constant 0 : i32
      %dma_start3A_178 = arith.constant 0 : i32
      %dma_start3A_179 = tpu.memref_slice %arg8[%dma_start3A_177, %dma_start3A_178] : memref<10240x16xf32, #tpu.memory_space<vmem_shared>> -> memref<10240x16xf32, #tpu.memory_space<vmem_shared>>
      tpu.enqueue_indirect_dma source(%arg10 : memref<128x16xf32, #tpu.memory_space<vmem>>) target(%dma_start3A_179 : memref<10240x16xf32, #tpu.memory_space<vmem_shared>>) offsets(%dma_start3A_176 : memref<128xi32, #tpu.memory_space<vmem>>) semaphore(%arg16 : memref<!tpu.dma_semaphore, #tpu.memory_space<semaphore_mem>>) {add = true}
      %dma_start3A_180 = arith.constant 1 : i32
      %dma_start3A_181 = arith.constant 15 : i32
      %dma_start3A_182 = arith.constant 0 : i32
      %dma_start3A_183 = tpu.memref_slice %arg11[%dma_start3A_180, %dma_start3A_181, %dma_start3A_182] : memref<2x16x128xi32, #tpu.memory_space<vmem>> -> memref<1x1x128xi32, #tpu.memory_space<vmem>>
      %dma_start3A_184 = tpu.memref_squeeze %dma_start3A_183 : memref<1x1x128xi32, #tpu.memory_space<vmem>> -> memref<128xi32, #tpu.memory_space<vmem>>
      %dma_start3A_185 = arith.constant 0 : i32
      %dma_start3A_186 = arith.constant 0 : i32
      %dma_start3A_187 = tpu.memref_slice %arg8[%dma_start3A_185, %dma_start3A_186] : memref<10240x16xf32, #tpu.memory_space<vmem_shared>> -> memref<10240x16xf32, #tpu.memory_space<vmem_shared>>
      tpu.enqueue_indirect_dma source(%arg10 : memref<128x16xf32, #tpu.memory_space<vmem>>) target(%dma_start3A_187 : memref<10240x16xf32, #tpu.memory_space<vmem_shared>>) offsets(%dma_start3A_184 : memref<128xi32, #tpu.memory_space<vmem>>) semaphore(%arg16 : memref<!tpu.dma_semaphore, #tpu.memory_space<semaphore_mem>>) {add = true}
      %dma_wait3A = arith.constant 1 : i32
      %dma_wait3A_188 = arith.constant 0 : i32
      %dma_wait3A_189 = arith.constant 0 : i32
      %dma_wait3A_190 = tpu.memref_slice %arg11[%dma_wait3A, %dma_wait3A_188, %dma_wait3A_189] : memref<2x16x128xi32, #tpu.memory_space<vmem>> -> memref<1x1x128xi32, #tpu.memory_space<vmem>>
      %dma_wait3A_191 = tpu.memref_squeeze %dma_wait3A_190 : memref<1x1x128xi32, #tpu.memory_space<vmem>> -> memref<128xi32, #tpu.memory_space<vmem>>
      %dma_wait3A_192 = arith.constant 0 : i32
      %dma_wait3A_193 = arith.constant 0 : i32
      %dma_wait3A_194 = tpu.memref_slice %arg8[%dma_wait3A_192, %dma_wait3A_193] : memref<10240x16xf32, #tpu.memory_space<vmem_shared>> -> memref<10240x16xf32, #tpu.memory_space<vmem_shared>>
      tpu.wait_indirect_dma semaphore(%arg16 : memref<!tpu.dma_semaphore, #tpu.memory_space<semaphore_mem>>) src(%arg10 : memref<128x16xf32, #tpu.memory_space<vmem>>) dst(%dma_wait3A_194 : memref<10240x16xf32, #tpu.memory_space<vmem_shared>>)
      %dma_wait3A_195 = arith.constant 1 : i32
      %dma_wait3A_196 = arith.constant 1 : i32
      %dma_wait3A_197 = arith.constant 0 : i32
      %dma_wait3A_198 = tpu.memref_slice %arg11[%dma_wait3A_195, %dma_wait3A_196, %dma_wait3A_197] : memref<2x16x128xi32, #tpu.memory_space<vmem>> -> memref<1x1x128xi32, #tpu.memory_space<vmem>>
      %dma_wait3A_199 = tpu.memref_squeeze %dma_wait3A_198 : memref<1x1x128xi32, #tpu.memory_space<vmem>> -> memref<128xi32, #tpu.memory_space<vmem>>
      %dma_wait3A_200 = arith.constant 0 : i32
      %dma_wait3A_201 = arith.constant 0 : i32
      %dma_wait3A_202 = tpu.memref_slice %arg8[%dma_wait3A_200, %dma_wait3A_201] : memref<10240x16xf32, #tpu.memory_space<vmem_shared>> -> memref<10240x16xf32, #tpu.memory_space<vmem_shared>>
      tpu.wait_indirect_dma semaphore(%arg16 : memref<!tpu.dma_semaphore, #tpu.memory_space<semaphore_mem>>) src(%arg10 : memref<128x16xf32, #tpu.memory_space<vmem>>) dst(%dma_wait3A_202 : memref<10240x16xf32, #tpu.memory_space<vmem_shared>>)
      %dma_wait3A_203 = arith.constant 1 : i32
      %dma_wait3A_204 = arith.constant 2 : i32
      %dma_wait3A_205 = arith.constant 0 : i32
      %dma_wait3A_206 = tpu.memref_slice %arg11[%dma_wait3A_203, %dma_wait3A_204, %dma_wait3A_205] : memref<2x16x128xi32, #tpu.memory_space<vmem>> -> memref<1x1x128xi32, #tpu.memory_space<vmem>>
      %dma_wait3A_207 = tpu.memref_squeeze %dma_wait3A_206 : memref<1x1x128xi32, #tpu.memory_space<vmem>> -> memref<128xi32, #tpu.memory_space<vmem>>
      %dma_wait3A_208 = arith.constant 0 : i32
      %dma_wait3A_209 = arith.constant 0 : i32
      %dma_wait3A_210 = tpu.memref_slice %arg8[%dma_wait3A_208, %dma_wait3A_209] : memref<10240x16xf32, #tpu.memory_space<vmem_shared>> -> memref<10240x16xf32, #tpu.memory_space<vmem_shared>>
      tpu.wait_indirect_dma semaphore(%arg16 : memref<!tpu.dma_semaphore, #tpu.memory_space<semaphore_mem>>) src(%arg10 : memref<128x16xf32, #tpu.memory_space<vmem>>) dst(%dma_wait3A_210 : memref<10240x16xf32, #tpu.memory_space<vmem_shared>>)
      %dma_wait3A_211 = arith.constant 1 : i32
      %dma_wait3A_212 = arith.constant 3 : i32
      %dma_wait3A_213 = arith.constant 0 : i32
      %dma_wait3A_214 = tpu.memref_slice %arg11[%dma_wait3A_211, %dma_wait3A_212, %dma_wait3A_213] : memref<2x16x128xi32, #tpu.memory_space<vmem>> -> memref<1x1x128xi32, #tpu.memory_space<vmem>>
      %dma_wait3A_215 = tpu.memref_squeeze %dma_wait3A_214 : memref<1x1x128xi32, #tpu.memory_space<vmem>> -> memref<128xi32, #tpu.memory_space<vmem>>
      %dma_wait3A_216 = arith.constant 0 : i32
      %dma_wait3A_217 = arith.constant 0 : i32
      %dma_wait3A_218 = tpu.memref_slice %arg8[%dma_wait3A_216, %dma_wait3A_217] : memref<10240x16xf32, #tpu.memory_space<vmem_shared>> -> memref<10240x16xf32, #tpu.memory_space<vmem_shared>>
      tpu.wait_indirect_dma semaphore(%arg16 : memref<!tpu.dma_semaphore, #tpu.memory_space<semaphore_mem>>) src(%arg10 : memref<128x16xf32, #tpu.memory_space<vmem>>) dst(%dma_wait3A_218 : memref<10240x16xf32, #tpu.memory_space<vmem_shared>>)
      %dma_wait3A_219 = arith.constant 1 : i32
      %dma_wait3A_220 = arith.constant 4 : i32
      %dma_wait3A_221 = arith.constant 0 : i32
      %dma_wait3A_222 = tpu.memref_slice %arg11[%dma_wait3A_219, %dma_wait3A_220, %dma_wait3A_221] : memref<2x16x128xi32, #tpu.memory_space<vmem>> -> memref<1x1x128xi32, #tpu.memory_space<vmem>>
      %dma_wait3A_223 = tpu.memref_squeeze %dma_wait3A_222 : memref<1x1x128xi32, #tpu.memory_space<vmem>> -> memref<128xi32, #tpu.memory_space<vmem>>
      %dma_wait3A_224 = arith.constant 0 : i32
      %dma_wait3A_225 = arith.constant 0 : i32
      %dma_wait3A_226 = tpu.memref_slice %arg8[%dma_wait3A_224, %dma_wait3A_225] : memref<10240x16xf32, #tpu.memory_space<vmem_shared>> -> memref<10240x16xf32, #tpu.memory_space<vmem_shared>>
      tpu.wait_indirect_dma semaphore(%arg16 : memref<!tpu.dma_semaphore, #tpu.memory_space<semaphore_mem>>) src(%arg10 : memref<128x16xf32, #tpu.memory_space<vmem>>) dst(%dma_wait3A_226 : memref<10240x16xf32, #tpu.memory_space<vmem_shared>>)
      %dma_wait3A_227 = arith.constant 1 : i32
      %dma_wait3A_228 = arith.constant 5 : i32
      %dma_wait3A_229 = arith.constant 0 : i32
      %dma_wait3A_230 = tpu.memref_slice %arg11[%dma_wait3A_227, %dma_wait3A_228, %dma_wait3A_229] : memref<2x16x128xi32, #tpu.memory_space<vmem>> -> memref<1x1x128xi32, #tpu.memory_space<vmem>>
      %dma_wait3A_231 = tpu.memref_squeeze %dma_wait3A_230 : memref<1x1x128xi32, #tpu.memory_space<vmem>> -> memref<128xi32, #tpu.memory_space<vmem>>
      %dma_wait3A_232 = arith.constant 0 : i32
      %dma_wait3A_233 = arith.constant 0 : i32
      %dma_wait3A_234 = tpu.memref_slice %arg8[%dma_wait3A_232, %dma_wait3A_233] : memref<10240x16xf32, #tpu.memory_space<vmem_shared>> -> memref<10240x16xf32, #tpu.memory_space<vmem_shared>>
      tpu.wait_indirect_dma semaphore(%arg16 : memref<!tpu.dma_semaphore, #tpu.memory_space<semaphore_mem>>) src(%arg10 : memref<128x16xf32, #tpu.memory_space<vmem>>) dst(%dma_wait3A_234 : memref<10240x16xf32, #tpu.memory_space<vmem_shared>>)
      %dma_wait3A_235 = arith.constant 1 : i32
      %dma_wait3A_236 = arith.constant 6 : i32
      %dma_wait3A_237 = arith.constant 0 : i32
      %dma_wait3A_238 = tpu.memref_slice %arg11[%dma_wait3A_235, %dma_wait3A_236, %dma_wait3A_237] : memref<2x16x128xi32, #tpu.memory_space<vmem>> -> memref<1x1x128xi32, #tpu.memory_space<vmem>>
      %dma_wait3A_239 = tpu.memref_squeeze %dma_wait3A_238 : memref<1x1x128xi32, #tpu.memory_space<vmem>> -> memref<128xi32, #tpu.memory_space<vmem>>
      %dma_wait3A_240 = arith.constant 0 : i32
      %dma_wait3A_241 = arith.constant 0 : i32
      %dma_wait3A_242 = tpu.memref_slice %arg8[%dma_wait3A_240, %dma_wait3A_241] : memref<10240x16xf32, #tpu.memory_space<vmem_shared>> -> memref<10240x16xf32, #tpu.memory_space<vmem_shared>>
      tpu.wait_indirect_dma semaphore(%arg16 : memref<!tpu.dma_semaphore, #tpu.memory_space<semaphore_mem>>) src(%arg10 : memref<128x16xf32, #tpu.memory_space<vmem>>) dst(%dma_wait3A_242 : memref<10240x16xf32, #tpu.memory_space<vmem_shared>>)
      %dma_wait3A_243 = arith.constant 1 : i32
      %dma_wait3A_244 = arith.constant 7 : i32
      %dma_wait3A_245 = arith.constant 0 : i32
      %dma_wait3A_246 = tpu.memref_slice %arg11[%dma_wait3A_243, %dma_wait3A_244, %dma_wait3A_245] : memref<2x16x128xi32, #tpu.memory_space<vmem>> -> memref<1x1x128xi32, #tpu.memory_space<vmem>>
      %dma_wait3A_247 = tpu.memref_squeeze %dma_wait3A_246 : memref<1x1x128xi32, #tpu.memory_space<vmem>> -> memref<128xi32, #tpu.memory_space<vmem>>
      %dma_wait3A_248 = arith.constant 0 : i32
      %dma_wait3A_249 = arith.constant 0 : i32
      %dma_wait3A_250 = tpu.memref_slice %arg8[%dma_wait3A_248, %dma_wait3A_249] : memref<10240x16xf32, #tpu.memory_space<vmem_shared>> -> memref<10240x16xf32, #tpu.memory_space<vmem_shared>>
      tpu.wait_indirect_dma semaphore(%arg16 : memref<!tpu.dma_semaphore, #tpu.memory_space<semaphore_mem>>) src(%arg10 : memref<128x16xf32, #tpu.memory_space<vmem>>) dst(%dma_wait3A_250 : memref<10240x16xf32, #tpu.memory_space<vmem_shared>>)
      %dma_wait3A_251 = arith.constant 1 : i32
      %dma_wait3A_252 = arith.constant 8 : i32
      %dma_wait3A_253 = arith.constant 0 : i32
      %dma_wait3A_254 = tpu.memref_slice %arg11[%dma_wait3A_251, %dma_wait3A_252, %dma_wait3A_253] : memref<2x16x128xi32, #tpu.memory_space<vmem>> -> memref<1x1x128xi32, #tpu.memory_space<vmem>>
      %dma_wait3A_255 = tpu.memref_squeeze %dma_wait3A_254 : memref<1x1x128xi32, #tpu.memory_space<vmem>> -> memref<128xi32, #tpu.memory_space<vmem>>
      %dma_wait3A_256 = arith.constant 0 : i32
      %dma_wait3A_257 = arith.constant 0 : i32
      %dma_wait3A_258 = tpu.memref_slice %arg8[%dma_wait3A_256, %dma_wait3A_257] : memref<10240x16xf32, #tpu.memory_space<vmem_shared>> -> memref<10240x16xf32, #tpu.memory_space<vmem_shared>>
      tpu.wait_indirect_dma semaphore(%arg16 : memref<!tpu.dma_semaphore, #tpu.memory_space<semaphore_mem>>) src(%arg10 : memref<128x16xf32, #tpu.memory_space<vmem>>) dst(%dma_wait3A_258 : memref<10240x16xf32, #tpu.memory_space<vmem_shared>>)
      %dma_wait3A_259 = arith.constant 1 : i32
      %dma_wait3A_260 = arith.constant 9 : i32
      %dma_wait3A_261 = arith.constant 0 : i32
      %dma_wait3A_262 = tpu.memref_slice %arg11[%dma_wait3A_259, %dma_wait3A_260, %dma_wait3A_261] : memref<2x16x128xi32, #tpu.memory_space<vmem>> -> memref<1x1x128xi32, #tpu.memory_space<vmem>>
      %dma_wait3A_263 = tpu.memref_squeeze %dma_wait3A_262 : memref<1x1x128xi32, #tpu.memory_space<vmem>> -> memref<128xi32, #tpu.memory_space<vmem>>
      %dma_wait3A_264 = arith.constant 0 : i32
      %dma_wait3A_265 = arith.constant 0 : i32
      %dma_wait3A_266 = tpu.memref_slice %arg8[%dma_wait3A_264, %dma_wait3A_265] : memref<10240x16xf32, #tpu.memory_space<vmem_shared>> -> memref<10240x16xf32, #tpu.memory_space<vmem_shared>>
      tpu.wait_indirect_dma semaphore(%arg16 : memref<!tpu.dma_semaphore, #tpu.memory_space<semaphore_mem>>) src(%arg10 : memref<128x16xf32, #tpu.memory_space<vmem>>) dst(%dma_wait3A_266 : memref<10240x16xf32, #tpu.memory_space<vmem_shared>>)
      %dma_wait3A_267 = arith.constant 1 : i32
      %dma_wait3A_268 = arith.constant 10 : i32
      %dma_wait3A_269 = arith.constant 0 : i32
      %dma_wait3A_270 = tpu.memref_slice %arg11[%dma_wait3A_267, %dma_wait3A_268, %dma_wait3A_269] : memref<2x16x128xi32, #tpu.memory_space<vmem>> -> memref<1x1x128xi32, #tpu.memory_space<vmem>>
      %dma_wait3A_271 = tpu.memref_squeeze %dma_wait3A_270 : memref<1x1x128xi32, #tpu.memory_space<vmem>> -> memref<128xi32, #tpu.memory_space<vmem>>
      %dma_wait3A_272 = arith.constant 0 : i32
      %dma_wait3A_273 = arith.constant 0 : i32
      %dma_wait3A_274 = tpu.memref_slice %arg8[%dma_wait3A_272, %dma_wait3A_273] : memref<10240x16xf32, #tpu.memory_space<vmem_shared>> -> memref<10240x16xf32, #tpu.memory_space<vmem_shared>>
      tpu.wait_indirect_dma semaphore(%arg16 : memref<!tpu.dma_semaphore, #tpu.memory_space<semaphore_mem>>) src(%arg10 : memref<128x16xf32, #tpu.memory_space<vmem>>) dst(%dma_wait3A_274 : memref<10240x16xf32, #tpu.memory_space<vmem_shared>>)
      %dma_wait3A_275 = arith.constant 1 : i32
      %dma_wait3A_276 = arith.constant 11 : i32
      %dma_wait3A_277 = arith.constant 0 : i32
      %dma_wait3A_278 = tpu.memref_slice %arg11[%dma_wait3A_275, %dma_wait3A_276, %dma_wait3A_277] : memref<2x16x128xi32, #tpu.memory_space<vmem>> -> memref<1x1x128xi32, #tpu.memory_space<vmem>>
      %dma_wait3A_279 = tpu.memref_squeeze %dma_wait3A_278 : memref<1x1x128xi32, #tpu.memory_space<vmem>> -> memref<128xi32, #tpu.memory_space<vmem>>
      %dma_wait3A_280 = arith.constant 0 : i32
      %dma_wait3A_281 = arith.constant 0 : i32
      %dma_wait3A_282 = tpu.memref_slice %arg8[%dma_wait3A_280, %dma_wait3A_281] : memref<10240x16xf32, #tpu.memory_space<vmem_shared>> -> memref<10240x16xf32, #tpu.memory_space<vmem_shared>>
      tpu.wait_indirect_dma semaphore(%arg16 : memref<!tpu.dma_semaphore, #tpu.memory_space<semaphore_mem>>) src(%arg10 : memref<128x16xf32, #tpu.memory_space<vmem>>) dst(%dma_wait3A_282 : memref<10240x16xf32, #tpu.memory_space<vmem_shared>>)
      %dma_wait3A_283 = arith.constant 1 : i32
      %dma_wait3A_284 = arith.constant 12 : i32
      %dma_wait3A_285 = arith.constant 0 : i32
      %dma_wait3A_286 = tpu.memref_slice %arg11[%dma_wait3A_283, %dma_wait3A_284, %dma_wait3A_285] : memref<2x16x128xi32, #tpu.memory_space<vmem>> -> memref<1x1x128xi32, #tpu.memory_space<vmem>>
      %dma_wait3A_287 = tpu.memref_squeeze %dma_wait3A_286 : memref<1x1x128xi32, #tpu.memory_space<vmem>> -> memref<128xi32, #tpu.memory_space<vmem>>
      %dma_wait3A_288 = arith.constant 0 : i32
      %dma_wait3A_289 = arith.constant 0 : i32
      %dma_wait3A_290 = tpu.memref_slice %arg8[%dma_wait3A_288, %dma_wait3A_289] : memref<10240x16xf32, #tpu.memory_space<vmem_shared>> -> memref<10240x16xf32, #tpu.memory_space<vmem_shared>>
      tpu.wait_indirect_dma semaphore(%arg16 : memref<!tpu.dma_semaphore, #tpu.memory_space<semaphore_mem>>) src(%arg10 : memref<128x16xf32, #tpu.memory_space<vmem>>) dst(%dma_wait3A_290 : memref<10240x16xf32, #tpu.memory_space<vmem_shared>>)
      %dma_wait3A_291 = arith.constant 1 : i32
      %dma_wait3A_292 = arith.constant 13 : i32
      %dma_wait3A_293 = arith.constant 0 : i32
      %dma_wait3A_294 = tpu.memref_slice %arg11[%dma_wait3A_291, %dma_wait3A_292, %dma_wait3A_293] : memref<2x16x128xi32, #tpu.memory_space<vmem>> -> memref<1x1x128xi32, #tpu.memory_space<vmem>>
      %dma_wait3A_295 = tpu.memref_squeeze %dma_wait3A_294 : memref<1x1x128xi32, #tpu.memory_space<vmem>> -> memref<128xi32, #tpu.memory_space<vmem>>
      %dma_wait3A_296 = arith.constant 0 : i32
      %dma_wait3A_297 = arith.constant 0 : i32
      %dma_wait3A_298 = tpu.memref_slice %arg8[%dma_wait3A_296, %dma_wait3A_297] : memref<10240x16xf32, #tpu.memory_space<vmem_shared>> -> memref<10240x16xf32, #tpu.memory_space<vmem_shared>>
      tpu.wait_indirect_dma semaphore(%arg16 : memref<!tpu.dma_semaphore, #tpu.memory_space<semaphore_mem>>) src(%arg10 : memref<128x16xf32, #tpu.memory_space<vmem>>) dst(%dma_wait3A_298 : memref<10240x16xf32, #tpu.memory_space<vmem_shared>>)
      %dma_wait3A_299 = arith.constant 1 : i32
      %dma_wait3A_300 = arith.constant 14 : i32
      %dma_wait3A_301 = arith.constant 0 : i32
      %dma_wait3A_302 = tpu.memref_slice %arg11[%dma_wait3A_299, %dma_wait3A_300, %dma_wait3A_301] : memref<2x16x128xi32, #tpu.memory_space<vmem>> -> memref<1x1x128xi32, #tpu.memory_space<vmem>>
      %dma_wait3A_303 = tpu.memref_squeeze %dma_wait3A_302 : memref<1x1x128xi32, #tpu.memory_space<vmem>> -> memref<128xi32, #tpu.memory_space<vmem>>
      %dma_wait3A_304 = arith.constant 0 : i32
      %dma_wait3A_305 = arith.constant 0 : i32
      %dma_wait3A_306 = tpu.memref_slice %arg8[%dma_wait3A_304, %dma_wait3A_305] : memref<10240x16xf32, #tpu.memory_space<vmem_shared>> -> memref<10240x16xf32, #tpu.memory_space<vmem_shared>>
      tpu.wait_indirect_dma semaphore(%arg16 : memref<!tpu.dma_semaphore, #tpu.memory_space<semaphore_mem>>) src(%arg10 : memref<128x16xf32, #tpu.memory_space<vmem>>) dst(%dma_wait3A_306 : memref<10240x16xf32, #tpu.memory_space<vmem_shared>>)
      %dma_wait3A_307 = arith.constant 1 : i32
      %dma_wait3A_308 = arith.constant 15 : i32
      %dma_wait3A_309 = arith.constant 0 : i32
      %dma_wait3A_310 = tpu.memref_slice %arg11[%dma_wait3A_307, %dma_wait3A_308, %dma_wait3A_309] : memref<2x16x128xi32, #tpu.memory_space<vmem>> -> memref<1x1x128xi32, #tpu.memory_space<vmem>>
      %dma_wait3A_311 = tpu.memref_squeeze %dma_wait3A_310 : memref<1x1x128xi32, #tpu.memory_space<vmem>> -> memref<128xi32, #tpu.memory_space<vmem>>
      %dma_wait3A_312 = arith.constant 0 : i32
      %dma_wait3A_313 = arith.constant 0 : i32
      %dma_wait3A_314 = tpu.memref_slice %arg8[%dma_wait3A_312, %dma_wait3A_313] : memref<10240x16xf32, #tpu.memory_space<vmem_shared>> -> memref<10240x16xf32, #tpu.memory_space<vmem_shared>>
      tpu.wait_indirect_dma semaphore(%arg16 : memref<!tpu.dma_semaphore, #tpu.memory_space<semaphore_mem>>) src(%arg10 : memref<128x16xf32, #tpu.memory_space<vmem>>) dst(%dma_wait3A_314 : memref<10240x16xf32, #tpu.memory_space<vmem_shared>>)
    }
    %while3A_49 = arith.constant 1 : i32
    scf.for %while3A_57 = %while3A_47 to %while3A_43 step %while3A_49  : i32 {
      %mul3A_58 = arith.constant 16 : i32
      %mul3A_59 = arith.muli %while3A_57, %mul3A_58 : i32
      %add3A_60 = arith.addi %select_n3A_40, %mul3A_59 : i32
      "tpu.region"() ({
        %run_scoped3A = tpu.sem_alloc : memref<!tpu.dma_semaphore, #tpu.memory_space<semaphore_mem>>
        %dma_start3A_315 = arith.constant 0 : i32
        %dma_start3A_316 = arith.constant 0 : i32
        %dma_start3A_317 = tpu.memref_slice %arg2[%dma_start3A_315, %add3A_60, %dma_start3A_316] : memref<2x2560x128xi32, #tpu.memory_space<hbm>> -> memref<2x16x128xi32, #tpu.memory_space<hbm>>
        %dma_start3A_318 = arith.constant 0 : i32
        %dma_start3A_319 = arith.constant 0 : i32
        %dma_start3A_320 = tpu.memref_slice %arg2[%dma_start3A_318, %add3A_60, %dma_start3A_319] : memref<2x2560x128xi32, #tpu.memory_space<hbm>> -> memref<2x16x128xi32, #tpu.memory_space<hbm>>
        tpu.enqueue_dma source(%dma_start3A_320 : memref<2x16x128xi32, #tpu.memory_space<hbm>>) target(%arg11 : memref<2x16x128xi32, #tpu.memory_space<vmem>>) target_semaphore(%run_scoped3A : memref<!tpu.dma_semaphore, #tpu.memory_space<semaphore_mem>>)
        %dma_wait3A_321 = arith.constant 0 : i32
        %dma_wait3A_322 = arith.constant 0 : i32
        %dma_wait3A_323 = tpu.memref_slice %arg2[%dma_wait3A_321, %add3A_60, %dma_wait3A_322] : memref<2x2560x128xi32, #tpu.memory_space<hbm>> -> memref<2x16x128xi32, #tpu.memory_space<hbm>>
        %dma_wait3A_324 = arith.constant 0 : i32
        %dma_wait3A_325 = arith.constant 0 : i32
        %dma_wait3A_326 = tpu.memref_slice %arg2[%dma_wait3A_324, %add3A_60, %dma_wait3A_325] : memref<2x2560x128xi32, #tpu.memory_space<hbm>> -> memref<2x16x128xi32, #tpu.memory_space<hbm>>
        tpu.wait_dma2 semaphore(%run_scoped3A : memref<!tpu.dma_semaphore, #tpu.memory_space<semaphore_mem>>) src(%dma_wait3A_326 : memref<2x16x128xi32, #tpu.memory_space<hbm>>) dst(%arg11 : memref<2x16x128xi32, #tpu.memory_space<vmem>>)
        tpu.yield
      }) : () -> ()
      %dma_start3A = arith.constant 1 : i32
      %dma_start3A_61 = arith.constant 0 : i32
      %dma_start3A_62 = arith.constant 0 : i32
      %dma_start3A_63 = tpu.memref_slice %arg11[%dma_start3A, %dma_start3A_61, %dma_start3A_62] : memref<2x16x128xi32, #tpu.memory_space<vmem>> -> memref<1x1x128xi32, #tpu.memory_space<vmem>>
      %dma_start3A_64 = tpu.memref_squeeze %dma_start3A_63 : memref<1x1x128xi32, #tpu.memory_space<vmem>> -> memref<128xi32, #tpu.memory_space<vmem>>
      %dma_start3A_65 = arith.constant 0 : i32
      %dma_start3A_66 = arith.constant 0 : i32
      %dma_start3A_67 = tpu.memref_slice %arg8[%dma_start3A_65, %dma_start3A_66] : memref<10240x16xf32, #tpu.memory_space<vmem_shared>> -> memref<10240x16xf32, #tpu.memory_space<vmem_shared>>
      tpu.enqueue_indirect_dma source(%arg10 : memref<128x16xf32, #tpu.memory_space<vmem>>) target(%dma_start3A_67 : memref<10240x16xf32, #tpu.memory_space<vmem_shared>>) offsets(%dma_start3A_64 : memref<128xi32, #tpu.memory_space<vmem>>) semaphore(%arg16 : memref<!tpu.dma_semaphore, #tpu.memory_space<semaphore_mem>>) {add = true}
      %dma_start3A_68 = arith.constant 1 : i32
      %dma_start3A_69 = arith.constant 1 : i32
      %dma_start3A_70 = arith.constant 0 : i32
      %dma_start3A_71 = tpu.memref_slice %arg11[%dma_start3A_68, %dma_start3A_69, %dma_start3A_70] : memref<2x16x128xi32, #tpu.memory_space<vmem>> -> memref<1x1x128xi32, #tpu.memory_space<vmem>>
      %dma_start3A_72 = tpu.memref_squeeze %dma_start3A_71 : memref<1x1x128xi32, #tpu.memory_space<vmem>> -> memref<128xi32, #tpu.memory_space<vmem>>
      %dma_start3A_73 = arith.constant 0 : i32
      %dma_start3A_74 = arith.constant 0 : i32
      %dma_start3A_75 = tpu.memref_slice %arg8[%dma_start3A_73, %dma_start3A_74] : memref<10240x16xf32, #tpu.memory_space<vmem_shared>> -> memref<10240x16xf32, #tpu.memory_space<vmem_shared>>
      tpu.enqueue_indirect_dma source(%arg10 : memref<128x16xf32, #tpu.memory_space<vmem>>) target(%dma_start3A_75 : memref<10240x16xf32, #tpu.memory_space<vmem_shared>>) offsets(%dma_start3A_72 : memref<128xi32, #tpu.memory_space<vmem>>) semaphore(%arg16 : memref<!tpu.dma_semaphore, #tpu.memory_space<semaphore_mem>>) {add = true}
      %dma_start3A_76 = arith.constant 1 : i32
      %dma_start3A_77 = arith.constant 2 : i32
      %dma_start3A_78 = arith.constant 0 : i32
      %dma_start3A_79 = tpu.memref_slice %arg11[%dma_start3A_76, %dma_start3A_77, %dma_start3A_78] : memref<2x16x128xi32, #tpu.memory_space<vmem>> -> memref<1x1x128xi32, #tpu.memory_space<vmem>>
      %dma_start3A_80 = tpu.memref_squeeze %dma_start3A_79 : memref<1x1x128xi32, #tpu.memory_space<vmem>> -> memref<128xi32, #tpu.memory_space<vmem>>
      %dma_start3A_81 = arith.constant 0 : i32
      %dma_start3A_82 = arith.constant 0 : i32
      %dma_start3A_83 = tpu.memref_slice %arg8[%dma_start3A_81, %dma_start3A_82] : memref<10240x16xf32, #tpu.memory_space<vmem_shared>> -> memref<10240x16xf32, #tpu.memory_space<vmem_shared>>
      tpu.enqueue_indirect_dma source(%arg10 : memref<128x16xf32, #tpu.memory_space<vmem>>) target(%dma_start3A_83 : memref<10240x16xf32, #tpu.memory_space<vmem_shared>>) offsets(%dma_start3A_80 : memref<128xi32, #tpu.memory_space<vmem>>) semaphore(%arg16 : memref<!tpu.dma_semaphore, #tpu.memory_space<semaphore_mem>>) {add = true}
      %dma_start3A_84 = arith.constant 1 : i32
      %dma_start3A_85 = arith.constant 3 : i32
      %dma_start3A_86 = arith.constant 0 : i32
      %dma_start3A_87 = tpu.memref_slice %arg11[%dma_start3A_84, %dma_start3A_85, %dma_start3A_86] : memref<2x16x128xi32, #tpu.memory_space<vmem>> -> memref<1x1x128xi32, #tpu.memory_space<vmem>>
      %dma_start3A_88 = tpu.memref_squeeze %dma_start3A_87 : memref<1x1x128xi32, #tpu.memory_space<vmem>> -> memref<128xi32, #tpu.memory_space<vmem>>
      %dma_start3A_89 = arith.constant 0 : i32
      %dma_start3A_90 = arith.constant 0 : i32
      %dma_start3A_91 = tpu.memref_slice %arg8[%dma_start3A_89, %dma_start3A_90] : memref<10240x16xf32, #tpu.memory_space<vmem_shared>> -> memref<10240x16xf32, #tpu.memory_space<vmem_shared>>
      tpu.enqueue_indirect_dma source(%arg10 : memref<128x16xf32, #tpu.memory_space<vmem>>) target(%dma_start3A_91 : memref<10240x16xf32, #tpu.memory_space<vmem_shared>>) offsets(%dma_start3A_88 : memref<128xi32, #tpu.memory_space<vmem>>) semaphore(%arg16 : memref<!tpu.dma_semaphore, #tpu.memory_space<semaphore_mem>>) {add = true}
      %dma_start3A_92 = arith.constant 1 : i32
      %dma_start3A_93 = arith.constant 4 : i32
      %dma_start3A_94 = arith.constant 0 : i32
      %dma_start3A_95 = tpu.memref_slice %arg11[%dma_start3A_92, %dma_start3A_93, %dma_start3A_94] : memref<2x16x128xi32, #tpu.memory_space<vmem>> -> memref<1x1x128xi32, #tpu.memory_space<vmem>>
      %dma_start3A_96 = tpu.memref_squeeze %dma_start3A_95 : memref<1x1x128xi32, #tpu.memory_space<vmem>> -> memref<128xi32, #tpu.memory_space<vmem>>
      %dma_start3A_97 = arith.constant 0 : i32
      %dma_start3A_98 = arith.constant 0 : i32
      %dma_start3A_99 = tpu.memref_slice %arg8[%dma_start3A_97, %dma_start3A_98] : memref<10240x16xf32, #tpu.memory_space<vmem_shared>> -> memref<10240x16xf32, #tpu.memory_space<vmem_shared>>
      tpu.enqueue_indirect_dma source(%arg10 : memref<128x16xf32, #tpu.memory_space<vmem>>) target(%dma_start3A_99 : memref<10240x16xf32, #tpu.memory_space<vmem_shared>>) offsets(%dma_start3A_96 : memref<128xi32, #tpu.memory_space<vmem>>) semaphore(%arg16 : memref<!tpu.dma_semaphore, #tpu.memory_space<semaphore_mem>>) {add = true}
      %dma_start3A_100 = arith.constant 1 : i32
      %dma_start3A_101 = arith.constant 5 : i32
      %dma_start3A_102 = arith.constant 0 : i32
      %dma_start3A_103 = tpu.memref_slice %arg11[%dma_start3A_100, %dma_start3A_101, %dma_start3A_102] : memref<2x16x128xi32, #tpu.memory_space<vmem>> -> memref<1x1x128xi32, #tpu.memory_space<vmem>>
      %dma_start3A_104 = tpu.memref_squeeze %dma_start3A_103 : memref<1x1x128xi32, #tpu.memory_space<vmem>> -> memref<128xi32, #tpu.memory_space<vmem>>
      %dma_start3A_105 = arith.constant 0 : i32
      %dma_start3A_106 = arith.constant 0 : i32
      %dma_start3A_107 = tpu.memref_slice %arg8[%dma_start3A_105, %dma_start3A_106] : memref<10240x16xf32, #tpu.memory_space<vmem_shared>> -> memref<10240x16xf32, #tpu.memory_space<vmem_shared>>
      tpu.enqueue_indirect_dma source(%arg10 : memref<128x16xf32, #tpu.memory_space<vmem>>) target(%dma_start3A_107 : memref<10240x16xf32, #tpu.memory_space<vmem_shared>>) offsets(%dma_start3A_104 : memref<128xi32, #tpu.memory_space<vmem>>) semaphore(%arg16 : memref<!tpu.dma_semaphore, #tpu.memory_space<semaphore_mem>>) {add = true}
      %dma_start3A_108 = arith.constant 1 : i32
      %dma_start3A_109 = arith.constant 6 : i32
      %dma_start3A_110 = arith.constant 0 : i32
      %dma_start3A_111 = tpu.memref_slice %arg11[%dma_start3A_108, %dma_start3A_109, %dma_start3A_110] : memref<2x16x128xi32, #tpu.memory_space<vmem>> -> memref<1x1x128xi32, #tpu.memory_space<vmem>>
      %dma_start3A_112 = tpu.memref_squeeze %dma_start3A_111 : memref<1x1x128xi32, #tpu.memory_space<vmem>> -> memref<128xi32, #tpu.memory_space<vmem>>
      %dma_start3A_113 = arith.constant 0 : i32
      %dma_start3A_114 = arith.constant 0 : i32
      %dma_start3A_115 = tpu.memref_slice %arg8[%dma_start3A_113, %dma_start3A_114] : memref<10240x16xf32, #tpu.memory_space<vmem_shared>> -> memref<10240x16xf32, #tpu.memory_space<vmem_shared>>
      tpu.enqueue_indirect_dma source(%arg10 : memref<128x16xf32, #tpu.memory_space<vmem>>) target(%dma_start3A_115 : memref<10240x16xf32, #tpu.memory_space<vmem_shared>>) offsets(%dma_start3A_112 : memref<128xi32, #tpu.memory_space<vmem>>) semaphore(%arg16 : memref<!tpu.dma_semaphore, #tpu.memory_space<semaphore_mem>>) {add = true}
      %dma_start3A_116 = arith.constant 1 : i32
      %dma_start3A_117 = arith.constant 7 : i32
      %dma_start3A_118 = arith.constant 0 : i32
      %dma_start3A_119 = tpu.memref_slice %arg11[%dma_start3A_116, %dma_start3A_117, %dma_start3A_118] : memref<2x16x128xi32, #tpu.memory_space<vmem>> -> memref<1x1x128xi32, #tpu.memory_space<vmem>>
      %dma_start3A_120 = tpu.memref_squeeze %dma_start3A_119 : memref<1x1x128xi32, #tpu.memory_space<vmem>> -> memref<128xi32, #tpu.memory_space<vmem>>
      %dma_start3A_121 = arith.constant 0 : i32
      %dma_start3A_122 = arith.constant 0 : i32
      %dma_start3A_123 = tpu.memref_slice %arg8[%dma_start3A_121, %dma_start3A_122] : memref<10240x16xf32, #tpu.memory_space<vmem_shared>> -> memref<10240x16xf32, #tpu.memory_space<vmem_shared>>
      tpu.enqueue_indirect_dma source(%arg10 : memref<128x16xf32, #tpu.memory_space<vmem>>) target(%dma_start3A_123 : memref<10240x16xf32, #tpu.memory_space<vmem_shared>>) offsets(%dma_start3A_120 : memref<128xi32, #tpu.memory_space<vmem>>) semaphore(%arg16 : memref<!tpu.dma_semaphore, #tpu.memory_space<semaphore_mem>>) {add = true}
      %dma_start3A_124 = arith.constant 1 : i32
      %dma_start3A_125 = arith.constant 8 : i32
      %dma_start3A_126 = arith.constant 0 : i32
      %dma_start3A_127 = tpu.memref_slice %arg11[%dma_start3A_124, %dma_start3A_125, %dma_start3A_126] : memref<2x16x128xi32, #tpu.memory_space<vmem>> -> memref<1x1x128xi32, #tpu.memory_space<vmem>>
      %dma_start3A_128 = tpu.memref_squeeze %dma_start3A_127 : memref<1x1x128xi32, #tpu.memory_space<vmem>> -> memref<128xi32, #tpu.memory_space<vmem>>
      %dma_start3A_129 = arith.constant 0 : i32
      %dma_start3A_130 = arith.constant 0 : i32
      %dma_start3A_131 = tpu.memref_slice %arg8[%dma_start3A_129, %dma_start3A_130] : memref<10240x16xf32, #tpu.memory_space<vmem_shared>> -> memref<10240x16xf32, #tpu.memory_space<vmem_shared>>
      tpu.enqueue_indirect_dma source(%arg10 : memref<128x16xf32, #tpu.memory_space<vmem>>) target(%dma_start3A_131 : memref<10240x16xf32, #tpu.memory_space<vmem_shared>>) offsets(%dma_start3A_128 : memref<128xi32, #tpu.memory_space<vmem>>) semaphore(%arg16 : memref<!tpu.dma_semaphore, #tpu.memory_space<semaphore_mem>>) {add = true}
      %dma_start3A_132 = arith.constant 1 : i32
      %dma_start3A_133 = arith.constant 9 : i32
      %dma_start3A_134 = arith.constant 0 : i32
      %dma_start3A_135 = tpu.memref_slice %arg11[%dma_start3A_132, %dma_start3A_133, %dma_start3A_134] : memref<2x16x128xi32, #tpu.memory_space<vmem>> -> memref<1x1x128xi32, #tpu.memory_space<vmem>>
      %dma_start3A_136 = tpu.memref_squeeze %dma_start3A_135 : memref<1x1x128xi32, #tpu.memory_space<vmem>> -> memref<128xi32, #tpu.memory_space<vmem>>
      %dma_start3A_137 = arith.constant 0 : i32
      %dma_start3A_138 = arith.constant 0 : i32
      %dma_start3A_139 = tpu.memref_slice %arg8[%dma_start3A_137, %dma_start3A_138] : memref<10240x16xf32, #tpu.memory_space<vmem_shared>> -> memref<10240x16xf32, #tpu.memory_space<vmem_shared>>
      tpu.enqueue_indirect_dma source(%arg10 : memref<128x16xf32, #tpu.memory_space<vmem>>) target(%dma_start3A_139 : memref<10240x16xf32, #tpu.memory_space<vmem_shared>>) offsets(%dma_start3A_136 : memref<128xi32, #tpu.memory_space<vmem>>) semaphore(%arg16 : memref<!tpu.dma_semaphore, #tpu.memory_space<semaphore_mem>>) {add = true}
      %dma_start3A_140 = arith.constant 1 : i32
      %dma_start3A_141 = arith.constant 10 : i32
      %dma_start3A_142 = arith.constant 0 : i32
      %dma_start3A_143 = tpu.memref_slice %arg11[%dma_start3A_140, %dma_start3A_141, %dma_start3A_142] : memref<2x16x128xi32, #tpu.memory_space<vmem>> -> memref<1x1x128xi32, #tpu.memory_space<vmem>>
      %dma_start3A_144 = tpu.memref_squeeze %dma_start3A_143 : memref<1x1x128xi32, #tpu.memory_space<vmem>> -> memref<128xi32, #tpu.memory_space<vmem>>
      %dma_start3A_145 = arith.constant 0 : i32
      %dma_start3A_146 = arith.constant 0 : i32
      %dma_start3A_147 = tpu.memref_slice %arg8[%dma_start3A_145, %dma_start3A_146] : memref<10240x16xf32, #tpu.memory_space<vmem_shared>> -> memref<10240x16xf32, #tpu.memory_space<vmem_shared>>
      tpu.enqueue_indirect_dma source(%arg10 : memref<128x16xf32, #tpu.memory_space<vmem>>) target(%dma_start3A_147 : memref<10240x16xf32, #tpu.memory_space<vmem_shared>>) offsets(%dma_start3A_144 : memref<128xi32, #tpu.memory_space<vmem>>) semaphore(%arg16 : memref<!tpu.dma_semaphore, #tpu.memory_space<semaphore_mem>>) {add = true}
      %dma_start3A_148 = arith.constant 1 : i32
      %dma_start3A_149 = arith.constant 11 : i32
      %dma_start3A_150 = arith.constant 0 : i32
      %dma_start3A_151 = tpu.memref_slice %arg11[%dma_start3A_148, %dma_start3A_149, %dma_start3A_150] : memref<2x16x128xi32, #tpu.memory_space<vmem>> -> memref<1x1x128xi32, #tpu.memory_space<vmem>>
      %dma_start3A_152 = tpu.memref_squeeze %dma_start3A_151 : memref<1x1x128xi32, #tpu.memory_space<vmem>> -> memref<128xi32, #tpu.memory_space<vmem>>
      %dma_start3A_153 = arith.constant 0 : i32
      %dma_start3A_154 = arith.constant 0 : i32
      %dma_start3A_155 = tpu.memref_slice %arg8[%dma_start3A_153, %dma_start3A_154] : memref<10240x16xf32, #tpu.memory_space<vmem_shared>> -> memref<10240x16xf32, #tpu.memory_space<vmem_shared>>
      tpu.enqueue_indirect_dma source(%arg10 : memref<128x16xf32, #tpu.memory_space<vmem>>) target(%dma_start3A_155 : memref<10240x16xf32, #tpu.memory_space<vmem_shared>>) offsets(%dma_start3A_152 : memref<128xi32, #tpu.memory_space<vmem>>) semaphore(%arg16 : memref<!tpu.dma_semaphore, #tpu.memory_space<semaphore_mem>>) {add = true}
      %dma_start3A_156 = arith.constant 1 : i32
      %dma_start3A_157 = arith.constant 12 : i32
      %dma_start3A_158 = arith.constant 0 : i32
      %dma_start3A_159 = tpu.memref_slice %arg11[%dma_start3A_156, %dma_start3A_157, %dma_start3A_158] : memref<2x16x128xi32, #tpu.memory_space<vmem>> -> memref<1x1x128xi32, #tpu.memory_space<vmem>>
      %dma_start3A_160 = tpu.memref_squeeze %dma_start3A_159 : memref<1x1x128xi32, #tpu.memory_space<vmem>> -> memref<128xi32, #tpu.memory_space<vmem>>
      %dma_start3A_161 = arith.constant 0 : i32
      %dma_start3A_162 = arith.constant 0 : i32
      %dma_start3A_163 = tpu.memref_slice %arg8[%dma_start3A_161, %dma_start3A_162] : memref<10240x16xf32, #tpu.memory_space<vmem_shared>> -> memref<10240x16xf32, #tpu.memory_space<vmem_shared>>
      tpu.enqueue_indirect_dma source(%arg10 : memref<128x16xf32, #tpu.memory_space<vmem>>) target(%dma_start3A_163 : memref<10240x16xf32, #tpu.memory_space<vmem_shared>>) offsets(%dma_start3A_160 : memref<128xi32, #tpu.memory_space<vmem>>) semaphore(%arg16 : memref<!tpu.dma_semaphore, #tpu.memory_space<semaphore_mem>>) {add = true}
      %dma_start3A_164 = arith.constant 1 : i32
      %dma_start3A_165 = arith.constant 13 : i32
      %dma_start3A_166 = arith.constant 0 : i32
      %dma_start3A_167 = tpu.memref_slice %arg11[%dma_start3A_164, %dma_start3A_165, %dma_start3A_166] : memref<2x16x128xi32, #tpu.memory_space<vmem>> -> memref<1x1x128xi32, #tpu.memory_space<vmem>>
      %dma_start3A_168 = tpu.memref_squeeze %dma_start3A_167 : memref<1x1x128xi32, #tpu.memory_space<vmem>> -> memref<128xi32, #tpu.memory_space<vmem>>
      %dma_start3A_169 = arith.constant 0 : i32
      %dma_start3A_170 = arith.constant 0 : i32
      %dma_start3A_171 = tpu.memref_slice %arg8[%dma_start3A_169, %dma_start3A_170] : memref<10240x16xf32, #tpu.memory_space<vmem_shared>> -> memref<10240x16xf32, #tpu.memory_space<vmem_shared>>
      tpu.enqueue_indirect_dma source(%arg10 : memref<128x16xf32, #tpu.memory_space<vmem>>) target(%dma_start3A_171 : memref<10240x16xf32, #tpu.memory_space<vmem_shared>>) offsets(%dma_start3A_168 : memref<128xi32, #tpu.memory_space<vmem>>) semaphore(%arg16 : memref<!tpu.dma_semaphore, #tpu.memory_space<semaphore_mem>>) {add = true}
      %dma_start3A_172 = arith.constant 1 : i32
      %dma_start3A_173 = arith.constant 14 : i32
      %dma_start3A_174 = arith.constant 0 : i32
      %dma_start3A_175 = tpu.memref_slice %arg11[%dma_start3A_172, %dma_start3A_173, %dma_start3A_174] : memref<2x16x128xi32, #tpu.memory_space<vmem>> -> memref<1x1x128xi32, #tpu.memory_space<vmem>>
      %dma_start3A_176 = tpu.memref_squeeze %dma_start3A_175 : memref<1x1x128xi32, #tpu.memory_space<vmem>> -> memref<128xi32, #tpu.memory_space<vmem>>
      %dma_start3A_177 = arith.constant 0 : i32
      %dma_start3A_178 = arith.constant 0 : i32
      %dma_start3A_179 = tpu.memref_slice %arg8[%dma_start3A_177, %dma_start3A_178] : memref<10240x16xf32, #tpu.memory_space<vmem_shared>> -> memref<10240x16xf32, #tpu.memory_space<vmem_shared>>
      tpu.enqueue_indirect_dma source(%arg10 : memref<128x16xf32, #tpu.memory_space<vmem>>) target(%dma_start3A_179 : memref<10240x16xf32, #tpu.memory_space<vmem_shared>>) offsets(%dma_start3A_176 : memref<128xi32, #tpu.memory_space<vmem>>) semaphore(%arg16 : memref<!tpu.dma_semaphore, #tpu.memory_space<semaphore_mem>>) {add = true}
      %dma_start3A_180 = arith.constant 1 : i32
      %dma_start3A_181 = arith.constant 15 : i32
      %dma_start3A_182 = arith.constant 0 : i32
      %dma_start3A_183 = tpu.memref_slice %arg11[%dma_start3A_180, %dma_start3A_181, %dma_start3A_182] : memref<2x16x128xi32, #tpu.memory_space<vmem>> -> memref<1x1x128xi32, #tpu.memory_space<vmem>>
      %dma_start3A_184 = tpu.memref_squeeze %dma_start3A_183 : memref<1x1x128xi32, #tpu.memory_space<vmem>> -> memref<128xi32, #tpu.memory_space<vmem>>
      %dma_start3A_185 = arith.constant 0 : i32
      %dma_start3A_186 = arith.constant 0 : i32
      %dma_start3A_187 = tpu.memref_slice %arg8[%dma_start3A_185, %dma_start3A_186] : memref<10240x16xf32, #tpu.memory_space<vmem_shared>> -> memref<10240x16xf32, #tpu.memory_space<vmem_shared>>
      tpu.enqueue_indirect_dma source(%arg10 : memref<128x16xf32, #tpu.memory_space<vmem>>) target(%dma_start3A_187 : memref<10240x16xf32, #tpu.memory_space<vmem_shared>>) offsets(%dma_start3A_184 : memref<128xi32, #tpu.memory_space<vmem>>) semaphore(%arg16 : memref<!tpu.dma_semaphore, #tpu.memory_space<semaphore_mem>>) {add = true}
      %dma_wait3A = arith.constant 1 : i32
      %dma_wait3A_188 = arith.constant 0 : i32
      %dma_wait3A_189 = arith.constant 0 : i32
      %dma_wait3A_190 = tpu.memref_slice %arg11[%dma_wait3A, %dma_wait3A_188, %dma_wait3A_189] : memref<2x16x128xi32, #tpu.memory_space<vmem>> -> memref<1x1x128xi32, #tpu.memory_space<vmem>>
      %dma_wait3A_191 = tpu.memref_squeeze %dma_wait3A_190 : memref<1x1x128xi32, #tpu.memory_space<vmem>> -> memref<128xi32, #tpu.memory_space<vmem>>
      %dma_wait3A_192 = arith.constant 0 : i32
      %dma_wait3A_193 = arith.constant 0 : i32
      %dma_wait3A_194 = tpu.memref_slice %arg8[%dma_wait3A_192, %dma_wait3A_193] : memref<10240x16xf32, #tpu.memory_space<vmem_shared>> -> memref<10240x16xf32, #tpu.memory_space<vmem_shared>>
      tpu.wait_indirect_dma semaphore(%arg16 : memref<!tpu.dma_semaphore, #tpu.memory_space<semaphore_mem>>) src(%arg10 : memref<128x16xf32, #tpu.memory_space<vmem>>) dst(%dma_wait3A_194 : memref<10240x16xf32, #tpu.memory_space<vmem_shared>>)
      %dma_wait3A_195 = arith.constant 1 : i32
      %dma_wait3A_196 = arith.constant 1 : i32
      %dma_wait3A_197 = arith.constant 0 : i32
      %dma_wait3A_198 = tpu.memref_slice %arg11[%dma_wait3A_195, %dma_wait3A_196, %dma_wait3A_197] : memref<2x16x128xi32, #tpu.memory_space<vmem>> -> memref<1x1x128xi32, #tpu.memory_space<vmem>>
      %dma_wait3A_199 = tpu.memref_squeeze %dma_wait3A_198 : memref<1x1x128xi32, #tpu.memory_space<vmem>> -> memref<128xi32, #tpu.memory_space<vmem>>
      %dma_wait3A_200 = arith.constant 0 : i32
      %dma_wait3A_201 = arith.constant 0 : i32
      %dma_wait3A_202 = tpu.memref_slice %arg8[%dma_wait3A_200, %dma_wait3A_201] : memref<10240x16xf32, #tpu.memory_space<vmem_shared>> -> memref<10240x16xf32, #tpu.memory_space<vmem_shared>>
      tpu.wait_indirect_dma semaphore(%arg16 : memref<!tpu.dma_semaphore, #tpu.memory_space<semaphore_mem>>) src(%arg10 : memref<128x16xf32, #tpu.memory_space<vmem>>) dst(%dma_wait3A_202 : memref<10240x16xf32, #tpu.memory_space<vmem_shared>>)
      %dma_wait3A_203 = arith.constant 1 : i32
      %dma_wait3A_204 = arith.constant 2 : i32
      %dma_wait3A_205 = arith.constant 0 : i32
      %dma_wait3A_206 = tpu.memref_slice %arg11[%dma_wait3A_203, %dma_wait3A_204, %dma_wait3A_205] : memref<2x16x128xi32, #tpu.memory_space<vmem>> -> memref<1x1x128xi32, #tpu.memory_space<vmem>>
      %dma_wait3A_207 = tpu.memref_squeeze %dma_wait3A_206 : memref<1x1x128xi32, #tpu.memory_space<vmem>> -> memref<128xi32, #tpu.memory_space<vmem>>
      %dma_wait3A_208 = arith.constant 0 : i32
      %dma_wait3A_209 = arith.constant 0 : i32
      %dma_wait3A_210 = tpu.memref_slice %arg8[%dma_wait3A_208, %dma_wait3A_209] : memref<10240x16xf32, #tpu.memory_space<vmem_shared>> -> memref<10240x16xf32, #tpu.memory_space<vmem_shared>>
      tpu.wait_indirect_dma semaphore(%arg16 : memref<!tpu.dma_semaphore, #tpu.memory_space<semaphore_mem>>) src(%arg10 : memref<128x16xf32, #tpu.memory_space<vmem>>) dst(%dma_wait3A_210 : memref<10240x16xf32, #tpu.memory_space<vmem_shared>>)
      %dma_wait3A_211 = arith.constant 1 : i32
      %dma_wait3A_212 = arith.constant 3 : i32
      %dma_wait3A_213 = arith.constant 0 : i32
      %dma_wait3A_214 = tpu.memref_slice %arg11[%dma_wait3A_211, %dma_wait3A_212, %dma_wait3A_213] : memref<2x16x128xi32, #tpu.memory_space<vmem>> -> memref<1x1x128xi32, #tpu.memory_space<vmem>>
      %dma_wait3A_215 = tpu.memref_squeeze %dma_wait3A_214 : memref<1x1x128xi32, #tpu.memory_space<vmem>> -> memref<128xi32, #tpu.memory_space<vmem>>
      %dma_wait3A_216 = arith.constant 0 : i32
      %dma_wait3A_217 = arith.constant 0 : i32
      %dma_wait3A_218 = tpu.memref_slice %arg8[%dma_wait3A_216, %dma_wait3A_217] : memref<10240x16xf32, #tpu.memory_space<vmem_shared>> -> memref<10240x16xf32, #tpu.memory_space<vmem_shared>>
      tpu.wait_indirect_dma semaphore(%arg16 : memref<!tpu.dma_semaphore, #tpu.memory_space<semaphore_mem>>) src(%arg10 : memref<128x16xf32, #tpu.memory_space<vmem>>) dst(%dma_wait3A_218 : memref<10240x16xf32, #tpu.memory_space<vmem_shared>>)
      %dma_wait3A_219 = arith.constant 1 : i32
      %dma_wait3A_220 = arith.constant 4 : i32
      %dma_wait3A_221 = arith.constant 0 : i32
      %dma_wait3A_222 = tpu.memref_slice %arg11[%dma_wait3A_219, %dma_wait3A_220, %dma_wait3A_221] : memref<2x16x128xi32, #tpu.memory_space<vmem>> -> memref<1x1x128xi32, #tpu.memory_space<vmem>>
      %dma_wait3A_223 = tpu.memref_squeeze %dma_wait3A_222 : memref<1x1x128xi32, #tpu.memory_space<vmem>> -> memref<128xi32, #tpu.memory_space<vmem>>
      %dma_wait3A_224 = arith.constant 0 : i32
      %dma_wait3A_225 = arith.constant 0 : i32
      %dma_wait3A_226 = tpu.memref_slice %arg8[%dma_wait3A_224, %dma_wait3A_225] : memref<10240x16xf32, #tpu.memory_space<vmem_shared>> -> memref<10240x16xf32, #tpu.memory_space<vmem_shared>>
      tpu.wait_indirect_dma semaphore(%arg16 : memref<!tpu.dma_semaphore, #tpu.memory_space<semaphore_mem>>) src(%arg10 : memref<128x16xf32, #tpu.memory_space<vmem>>) dst(%dma_wait3A_226 : memref<10240x16xf32, #tpu.memory_space<vmem_shared>>)
      %dma_wait3A_227 = arith.constant 1 : i32
      %dma_wait3A_228 = arith.constant 5 : i32
      %dma_wait3A_229 = arith.constant 0 : i32
      %dma_wait3A_230 = tpu.memref_slice %arg11[%dma_wait3A_227, %dma_wait3A_228, %dma_wait3A_229] : memref<2x16x128xi32, #tpu.memory_space<vmem>> -> memref<1x1x128xi32, #tpu.memory_space<vmem>>
      %dma_wait3A_231 = tpu.memref_squeeze %dma_wait3A_230 : memref<1x1x128xi32, #tpu.memory_space<vmem>> -> memref<128xi32, #tpu.memory_space<vmem>>
      %dma_wait3A_232 = arith.constant 0 : i32
      %dma_wait3A_233 = arith.constant 0 : i32
      %dma_wait3A_234 = tpu.memref_slice %arg8[%dma_wait3A_232, %dma_wait3A_233] : memref<10240x16xf32, #tpu.memory_space<vmem_shared>> -> memref<10240x16xf32, #tpu.memory_space<vmem_shared>>
      tpu.wait_indirect_dma semaphore(%arg16 : memref<!tpu.dma_semaphore, #tpu.memory_space<semaphore_mem>>) src(%arg10 : memref<128x16xf32, #tpu.memory_space<vmem>>) dst(%dma_wait3A_234 : memref<10240x16xf32, #tpu.memory_space<vmem_shared>>)
      %dma_wait3A_235 = arith.constant 1 : i32
      %dma_wait3A_236 = arith.constant 6 : i32
      %dma_wait3A_237 = arith.constant 0 : i32
      %dma_wait3A_238 = tpu.memref_slice %arg11[%dma_wait3A_235, %dma_wait3A_236, %dma_wait3A_237] : memref<2x16x128xi32, #tpu.memory_space<vmem>> -> memref<1x1x128xi32, #tpu.memory_space<vmem>>
      %dma_wait3A_239 = tpu.memref_squeeze %dma_wait3A_238 : memref<1x1x128xi32, #tpu.memory_space<vmem>> -> memref<128xi32, #tpu.memory_space<vmem>>
      %dma_wait3A_240 = arith.constant 0 : i32
      %dma_wait3A_241 = arith.constant 0 : i32
      %dma_wait3A_242 = tpu.memref_slice %arg8[%dma_wait3A_240, %dma_wait3A_241] : memref<10240x16xf32, #tpu.memory_space<vmem_shared>> -> memref<10240x16xf32, #tpu.memory_space<vmem_shared>>
      tpu.wait_indirect_dma semaphore(%arg16 : memref<!tpu.dma_semaphore, #tpu.memory_space<semaphore_mem>>) src(%arg10 : memref<128x16xf32, #tpu.memory_space<vmem>>) dst(%dma_wait3A_242 : memref<10240x16xf32, #tpu.memory_space<vmem_shared>>)
      %dma_wait3A_243 = arith.constant 1 : i32
      %dma_wait3A_244 = arith.constant 7 : i32
      %dma_wait3A_245 = arith.constant 0 : i32
      %dma_wait3A_246 = tpu.memref_slice %arg11[%dma_wait3A_243, %dma_wait3A_244, %dma_wait3A_245] : memref<2x16x128xi32, #tpu.memory_space<vmem>> -> memref<1x1x128xi32, #tpu.memory_space<vmem>>
      %dma_wait3A_247 = tpu.memref_squeeze %dma_wait3A_246 : memref<1x1x128xi32, #tpu.memory_space<vmem>> -> memref<128xi32, #tpu.memory_space<vmem>>
      %dma_wait3A_248 = arith.constant 0 : i32
      %dma_wait3A_249 = arith.constant 0 : i32
      %dma_wait3A_250 = tpu.memref_slice %arg8[%dma_wait3A_248, %dma_wait3A_249] : memref<10240x16xf32, #tpu.memory_space<vmem_shared>> -> memref<10240x16xf32, #tpu.memory_space<vmem_shared>>
      tpu.wait_indirect_dma semaphore(%arg16 : memref<!tpu.dma_semaphore, #tpu.memory_space<semaphore_mem>>) src(%arg10 : memref<128x16xf32, #tpu.memory_space<vmem>>) dst(%dma_wait3A_250 : memref<10240x16xf32, #tpu.memory_space<vmem_shared>>)
      %dma_wait3A_251 = arith.constant 1 : i32
      %dma_wait3A_252 = arith.constant 8 : i32
      %dma_wait3A_253 = arith.constant 0 : i32
      %dma_wait3A_254 = tpu.memref_slice %arg11[%dma_wait3A_251, %dma_wait3A_252, %dma_wait3A_253] : memref<2x16x128xi32, #tpu.memory_space<vmem>> -> memref<1x1x128xi32, #tpu.memory_space<vmem>>
      %dma_wait3A_255 = tpu.memref_squeeze %dma_wait3A_254 : memref<1x1x128xi32, #tpu.memory_space<vmem>> -> memref<128xi32, #tpu.memory_space<vmem>>
      %dma_wait3A_256 = arith.constant 0 : i32
      %dma_wait3A_257 = arith.constant 0 : i32
      %dma_wait3A_258 = tpu.memref_slice %arg8[%dma_wait3A_256, %dma_wait3A_257] : memref<10240x16xf32, #tpu.memory_space<vmem_shared>> -> memref<10240x16xf32, #tpu.memory_space<vmem_shared>>
      tpu.wait_indirect_dma semaphore(%arg16 : memref<!tpu.dma_semaphore, #tpu.memory_space<semaphore_mem>>) src(%arg10 : memref<128x16xf32, #tpu.memory_space<vmem>>) dst(%dma_wait3A_258 : memref<10240x16xf32, #tpu.memory_space<vmem_shared>>)
      %dma_wait3A_259 = arith.constant 1 : i32
      %dma_wait3A_260 = arith.constant 9 : i32
      %dma_wait3A_261 = arith.constant 0 : i32
      %dma_wait3A_262 = tpu.memref_slice %arg11[%dma_wait3A_259, %dma_wait3A_260, %dma_wait3A_261] : memref<2x16x128xi32, #tpu.memory_space<vmem>> -> memref<1x1x128xi32, #tpu.memory_space<vmem>>
      %dma_wait3A_263 = tpu.memref_squeeze %dma_wait3A_262 : memref<1x1x128xi32, #tpu.memory_space<vmem>> -> memref<128xi32, #tpu.memory_space<vmem>>
      %dma_wait3A_264 = arith.constant 0 : i32
      %dma_wait3A_265 = arith.constant 0 : i32
      %dma_wait3A_266 = tpu.memref_slice %arg8[%dma_wait3A_264, %dma_wait3A_265] : memref<10240x16xf32, #tpu.memory_space<vmem_shared>> -> memref<10240x16xf32, #tpu.memory_space<vmem_shared>>
      tpu.wait_indirect_dma semaphore(%arg16 : memref<!tpu.dma_semaphore, #tpu.memory_space<semaphore_mem>>) src(%arg10 : memref<128x16xf32, #tpu.memory_space<vmem>>) dst(%dma_wait3A_266 : memref<10240x16xf32, #tpu.memory_space<vmem_shared>>)
      %dma_wait3A_267 = arith.constant 1 : i32
      %dma_wait3A_268 = arith.constant 10 : i32
      %dma_wait3A_269 = arith.constant 0 : i32
      %dma_wait3A_270 = tpu.memref_slice %arg11[%dma_wait3A_267, %dma_wait3A_268, %dma_wait3A_269] : memref<2x16x128xi32, #tpu.memory_space<vmem>> -> memref<1x1x128xi32, #tpu.memory_space<vmem>>
      %dma_wait3A_271 = tpu.memref_squeeze %dma_wait3A_270 : memref<1x1x128xi32, #tpu.memory_space<vmem>> -> memref<128xi32, #tpu.memory_space<vmem>>
      %dma_wait3A_272 = arith.constant 0 : i32
      %dma_wait3A_273 = arith.constant 0 : i32
      %dma_wait3A_274 = tpu.memref_slice %arg8[%dma_wait3A_272, %dma_wait3A_273] : memref<10240x16xf32, #tpu.memory_space<vmem_shared>> -> memref<10240x16xf32, #tpu.memory_space<vmem_shared>>
      tpu.wait_indirect_dma semaphore(%arg16 : memref<!tpu.dma_semaphore, #tpu.memory_space<semaphore_mem>>) src(%arg10 : memref<128x16xf32, #tpu.memory_space<vmem>>) dst(%dma_wait3A_274 : memref<10240x16xf32, #tpu.memory_space<vmem_shared>>)
      %dma_wait3A_275 = arith.constant 1 : i32
      %dma_wait3A_276 = arith.constant 11 : i32
      %dma_wait3A_277 = arith.constant 0 : i32
      %dma_wait3A_278 = tpu.memref_slice %arg11[%dma_wait3A_275, %dma_wait3A_276, %dma_wait3A_277] : memref<2x16x128xi32, #tpu.memory_space<vmem>> -> memref<1x1x128xi32, #tpu.memory_space<vmem>>
      %dma_wait3A_279 = tpu.memref_squeeze %dma_wait3A_278 : memref<1x1x128xi32, #tpu.memory_space<vmem>> -> memref<128xi32, #tpu.memory_space<vmem>>
      %dma_wait3A_280 = arith.constant 0 : i32
      %dma_wait3A_281 = arith.constant 0 : i32
      %dma_wait3A_282 = tpu.memref_slice %arg8[%dma_wait3A_280, %dma_wait3A_281] : memref<10240x16xf32, #tpu.memory_space<vmem_shared>> -> memref<10240x16xf32, #tpu.memory_space<vmem_shared>>
      tpu.wait_indirect_dma semaphore(%arg16 : memref<!tpu.dma_semaphore, #tpu.memory_space<semaphore_mem>>) src(%arg10 : memref<128x16xf32, #tpu.memory_space<vmem>>) dst(%dma_wait3A_282 : memref<10240x16xf32, #tpu.memory_space<vmem_shared>>)
      %dma_wait3A_283 = arith.constant 1 : i32
      %dma_wait3A_284 = arith.constant 12 : i32
      %dma_wait3A_285 = arith.constant 0 : i32
      %dma_wait3A_286 = tpu.memref_slice %arg11[%dma_wait3A_283, %dma_wait3A_284, %dma_wait3A_285] : memref<2x16x128xi32, #tpu.memory_space<vmem>> -> memref<1x1x128xi32, #tpu.memory_space<vmem>>
      %dma_wait3A_287 = tpu.memref_squeeze %dma_wait3A_286 : memref<1x1x128xi32, #tpu.memory_space<vmem>> -> memref<128xi32, #tpu.memory_space<vmem>>
      %dma_wait3A_288 = arith.constant 0 : i32
      %dma_wait3A_289 = arith.constant 0 : i32
      %dma_wait3A_290 = tpu.memref_slice %arg8[%dma_wait3A_288, %dma_wait3A_289] : memref<10240x16xf32, #tpu.memory_space<vmem_shared>> -> memref<10240x16xf32, #tpu.memory_space<vmem_shared>>
      tpu.wait_indirect_dma semaphore(%arg16 : memref<!tpu.dma_semaphore, #tpu.memory_space<semaphore_mem>>) src(%arg10 : memref<128x16xf32, #tpu.memory_space<vmem>>) dst(%dma_wait3A_290 : memref<10240x16xf32, #tpu.memory_space<vmem_shared>>)
      %dma_wait3A_291 = arith.constant 1 : i32
      %dma_wait3A_292 = arith.constant 13 : i32
      %dma_wait3A_293 = arith.constant 0 : i32
      %dma_wait3A_294 = tpu.memref_slice %arg11[%dma_wait3A_291, %dma_wait3A_292, %dma_wait3A_293] : memref<2x16x128xi32, #tpu.memory_space<vmem>> -> memref<1x1x128xi32, #tpu.memory_space<vmem>>
      %dma_wait3A_295 = tpu.memref_squeeze %dma_wait3A_294 : memref<1x1x128xi32, #tpu.memory_space<vmem>> -> memref<128xi32, #tpu.memory_space<vmem>>
      %dma_wait3A_296 = arith.constant 0 : i32
      %dma_wait3A_297 = arith.constant 0 : i32
      %dma_wait3A_298 = tpu.memref_slice %arg8[%dma_wait3A_296, %dma_wait3A_297] : memref<10240x16xf32, #tpu.memory_space<vmem_shared>> -> memref<10240x16xf32, #tpu.memory_space<vmem_shared>>
      tpu.wait_indirect_dma semaphore(%arg16 : memref<!tpu.dma_semaphore, #tpu.memory_space<semaphore_mem>>) src(%arg10 : memref<128x16xf32, #tpu.memory_space<vmem>>) dst(%dma_wait3A_298 : memref<10240x16xf32, #tpu.memory_space<vmem_shared>>)
      %dma_wait3A_299 = arith.constant 1 : i32
      %dma_wait3A_300 = arith.constant 14 : i32
      %dma_wait3A_301 = arith.constant 0 : i32
      %dma_wait3A_302 = tpu.memref_slice %arg11[%dma_wait3A_299, %dma_wait3A_300, %dma_wait3A_301] : memref<2x16x128xi32, #tpu.memory_space<vmem>> -> memref<1x1x128xi32, #tpu.memory_space<vmem>>
      %dma_wait3A_303 = tpu.memref_squeeze %dma_wait3A_302 : memref<1x1x128xi32, #tpu.memory_space<vmem>> -> memref<128xi32, #tpu.memory_space<vmem>>
      %dma_wait3A_304 = arith.constant 0 : i32
      %dma_wait3A_305 = arith.constant 0 : i32
      %dma_wait3A_306 = tpu.memref_slice %arg8[%dma_wait3A_304, %dma_wait3A_305] : memref<10240x16xf32, #tpu.memory_space<vmem_shared>> -> memref<10240x16xf32, #tpu.memory_space<vmem_shared>>
      tpu.wait_indirect_dma semaphore(%arg16 : memref<!tpu.dma_semaphore, #tpu.memory_space<semaphore_mem>>) src(%arg10 : memref<128x16xf32, #tpu.memory_space<vmem>>) dst(%dma_wait3A_306 : memref<10240x16xf32, #tpu.memory_space<vmem_shared>>)
      %dma_wait3A_307 = arith.constant 1 : i32
      %dma_wait3A_308 = arith.constant 15 : i32
      %dma_wait3A_309 = arith.constant 0 : i32
      %dma_wait3A_310 = tpu.memref_slice %arg11[%dma_wait3A_307, %dma_wait3A_308, %dma_wait3A_309] : memref<2x16x128xi32, #tpu.memory_space<vmem>> -> memref<1x1x128xi32, #tpu.memory_space<vmem>>
      %dma_wait3A_311 = tpu.memref_squeeze %dma_wait3A_310 : memref<1x1x128xi32, #tpu.memory_space<vmem>> -> memref<128xi32, #tpu.memory_space<vmem>>
      %dma_wait3A_312 = arith.constant 0 : i32
      %dma_wait3A_313 = arith.constant 0 : i32
      %dma_wait3A_314 = tpu.memref_slice %arg8[%dma_wait3A_312, %dma_wait3A_313] : memref<10240x16xf32, #tpu.memory_space<vmem_shared>> -> memref<10240x16xf32, #tpu.memory_space<vmem_shared>>
      tpu.wait_indirect_dma semaphore(%arg16 : memref<!tpu.dma_semaphore, #tpu.memory_space<semaphore_mem>>) src(%arg10 : memref<128x16xf32, #tpu.memory_space<vmem>>) dst(%dma_wait3A_314 : memref<10240x16xf32, #tpu.memory_space<vmem_shared>>)
    }
    %barrier3A_50 = arith.constant 0 : index
    tpu.barrier barrier_id(%barrier3A_50)
    %eq3A_51 = arith.constant 0 : i32
    %eq3A_52 = arith.cmpi eq, %arg0, %eq3A_51 : i32
    %mul3A_53 = arith.constant 640 : i32
    %mul3A_54 = arith.muli %arg1, %mul3A_53 : i32
    %mul3A_55 = arith.constant 640 : i32
    %mul3A_56 = arith.muli %arg1, %mul3A_55 : i32
    "tpu.region"() ({
      %run_scoped3A = tpu.sem_alloc : memref<!tpu.dma_semaphore, #tpu.memory_space<semaphore_mem>>
      %dma_start3A = arith.constant false
      %dma_start3A_57 = arith.cmpi eq, %eq3A_52, %dma_start3A : i1
      scf.if %dma_start3A_57 {
        %dma_start3A_59 = arith.constant 0 : i32
        %dma_start3A_60 = tpu.memref_slice %arg5[%mul3A_56, %dma_start3A_59] : memref<10240x16xf32, #tpu.memory_space<hbm>> -> memref<640x16xf32, #tpu.memory_space<hbm>>
        %dma_start3A_61 = arith.constant 0 : i32
        %dma_start3A_62 = tpu.memref_slice %arg8[%mul3A_54, %dma_start3A_61] : memref<10240x16xf32, #tpu.memory_space<vmem_shared>> -> memref<640x16xf32, #tpu.memory_space<vmem_shared>>
        tpu.enqueue_dma source(%dma_start3A_62 : memref<640x16xf32, #tpu.memory_space<vmem_shared>>) target(%dma_start3A_60 : memref<640x16xf32, #tpu.memory_space<hbm>>) target_semaphore(%run_scoped3A : memref<!tpu.dma_semaphore, #tpu.memory_space<semaphore_mem>>)
      } else {
        %dma_start3A_59 = arith.constant 0 : i32
        %dma_start3A_60 = tpu.memref_slice %arg6[%mul3A_56, %dma_start3A_59] : memref<10240x16xf32, #tpu.memory_space<hbm>> -> memref<640x16xf32, #tpu.memory_space<hbm>>
        %dma_start3A_61 = arith.constant 0 : i32
        %dma_start3A_62 = tpu.memref_slice %arg8[%mul3A_54, %dma_start3A_61] : memref<10240x16xf32, #tpu.memory_space<vmem_shared>> -> memref<640x16xf32, #tpu.memory_space<vmem_shared>>
        tpu.enqueue_dma source(%dma_start3A_62 : memref<640x16xf32, #tpu.memory_space<vmem_shared>>) target(%dma_start3A_60 : memref<640x16xf32, #tpu.memory_space<hbm>>) target_semaphore(%run_scoped3A : memref<!tpu.dma_semaphore, #tpu.memory_space<semaphore_mem>>)
      }
      %dma_wait3A = arith.constant false
      %dma_wait3A_58 = arith.cmpi eq, %eq3A_52, %dma_wait3A : i1
      scf.if %dma_wait3A_58 {
        %dma_wait3A_59 = arith.constant 0 : i32
        %dma_wait3A_60 = tpu.memref_slice %arg5[%mul3A_56, %dma_wait3A_59] : memref<10240x16xf32, #tpu.memory_space<hbm>> -> memref<640x16xf32, #tpu.memory_space<hbm>>
        %dma_wait3A_61 = arith.constant 0 : i32
        %dma_wait3A_62 = tpu.memref_slice %arg8[%mul3A_54, %dma_wait3A_61] : memref<10240x16xf32, #tpu.memory_space<vmem_shared>> -> memref<640x16xf32, #tpu.memory_space<vmem_shared>>
        tpu.wait_dma2 semaphore(%run_scoped3A : memref<!tpu.dma_semaphore, #tpu.memory_space<semaphore_mem>>) src(%dma_wait3A_62 : memref<640x16xf32, #tpu.memory_space<vmem_shared>>) dst(%dma_wait3A_60 : memref<640x16xf32, #tpu.memory_space<hbm>>)
      } else {
        %dma_wait3A_59 = arith.constant 0 : i32
        %dma_wait3A_60 = tpu.memref_slice %arg6[%mul3A_56, %dma_wait3A_59] : memref<10240x16xf32, #tpu.memory_space<hbm>> -> memref<640x16xf32, #tpu.memory_space<hbm>>
        %dma_wait3A_61 = arith.constant 0 : i32
        %dma_wait3A_62 = tpu.memref_slice %arg8[%mul3A_54, %dma_wait3A_61] : memref<10240x16xf32, #tpu.memory_space<vmem_shared>> -> memref<640x16xf32, #tpu.memory_space<vmem_shared>>
        tpu.wait_dma2 semaphore(%run_scoped3A : memref<!tpu.dma_semaphore, #tpu.memory_space<semaphore_mem>>) src(%dma_wait3A_62 : memref<640x16xf32, #tpu.memory_space<vmem_shared>>) dst(%dma_wait3A_60 : memref<640x16xf32, #tpu.memory_space<hbm>>)
      }
      tpu.yield
    }) : () -> ()
    return
  }
}

module attributes {stable_mosaic.version = 14 : i64} {
  func.func @_tc_scale_body(%arg0: i32, %arg1: memref<1000x1xf32, #tpu.memory_space<vmem>>, %arg2: memref<1000x1xf32, #tpu.memory_space<vmem>>, %arg3: memref<1000x128xf32, #tpu.memory_space<vmem>>, %arg4: memref<1000x128xf32, #tpu.memory_space<vmem>>, %arg5: memref<1000x1xf32, #tpu.memory_space<vmem>>, %arg6: memref<2x1000x128xf32, #tpu.memory_space<vmem>>) attributes {dimension_semantics = [#tpu.dimension_semantics<arbitrary>], iteration_bounds = array<i64: 10>, scalar_prefetch = 0 : i64, scratch_operands = 0 : i64, tpu.core_type = #tpu.core_type<tc>, window_params = [{transform_indices = @transform_0, window_bounds = array<i64: 1000, 1>}, {transform_indices = @transform_1, window_bounds = array<i64: 1000, 1>}, {transform_indices = @transform_2, window_bounds = array<i64: 1000, 128>}, {transform_indices = @transform_3, window_bounds = array<i64: 1000, 128>}, {transform_indices = @transform_4, window_bounds = array<i64: 1000, 1>}, {transform_indices = @transform_5, window_bounds = array<i64: 2, 1000, 128>}]} {
    %get3A = arith.constant 0 : index
    %get3A_0 = arith.constant 0 : index
    %get3A_1 = vector.load %arg1[%get3A, %get3A_0] : memref<1000x1xf32, #tpu.memory_space<vmem>>, vector<1000x1xf32>
    %get3A_2 = arith.constant 0 : index
    %get3A_3 = arith.constant 0 : index
    %get3A_4 = vector.load %arg2[%get3A_2, %get3A_3] : memref<1000x1xf32, #tpu.memory_space<vmem>>, vector<1000x1xf32>
    %add3A = arith.addf %get3A_1, %get3A_4 : vector<1000x1xf32>
    %add3A_5 = arith.constant 1.000000e+00 : f32
    %add3A_6 = vector.broadcast %add3A_5 : f32 to vector<1000x1xf32>
    %add3A_7 = arith.addf %add3A, %add3A_6 : vector<1000x1xf32>
    %rsqrt3A = math.rsqrt %add3A_7 : vector<1000x1xf32>
    %swap3A = arith.constant 0 : index
    %swap3A_8 = arith.constant 0 : index
    %swap3A_9 = vector.load %arg5[%swap3A, %swap3A_8] : memref<1000x1xf32, #tpu.memory_space<vmem>>, vector<1000x1xf32>
    tpu.vector_store %arg5[%swap3A, %swap3A_8], %rsqrt3A {strides = array<i32>} : memref<1000x1xf32, #tpu.memory_space<vmem>>, vector<1000x1xf32>,
    %get3A_10 = arith.constant 0 : index
    %get3A_11 = arith.constant 0 : index
    %get3A_12 = vector.load %arg3[%get3A_10, %get3A_11] : memref<1000x128xf32, #tpu.memory_space<vmem>>, vector<1000x128xf32>
    %mul3A = vector.broadcast %rsqrt3A : vector<1000x1xf32> to vector<1000x128xf32>
    %mul3A_13 = arith.mulf %get3A_12, %mul3A : vector<1000x128xf32>
    %swap3A_14 = arith.constant 0 : index
    %swap3A_15 = arith.constant 0 : index
    %swap3A_16 = arith.constant 0 : index
    %swap3A_17 = vector.load %arg6[%swap3A_14, %swap3A_15, %swap3A_16] : memref<2x1000x128xf32, #tpu.memory_space<vmem>>, vector<1x1000x128xf32>
    %swap3A_18 = vector.shape_cast %swap3A_17 : vector<1x1000x128xf32> to vector<1000x128xf32>
    %swap3A_19 = vector.shape_cast %mul3A_13 : vector<1000x128xf32> to vector<1x1000x128xf32>
    tpu.vector_store %arg6[%swap3A_14, %swap3A_15, %swap3A_16], %swap3A_19 {strides = array<i32>} : memref<2x1000x128xf32, #tpu.memory_space<vmem>>, vector<1x1000x128xf32>,
    %get3A_20 = arith.constant 0 : index
    %get3A_21 = arith.constant 0 : index
    %get3A_22 = vector.load %arg4[%get3A_20, %get3A_21] : memref<1000x128xf32, #tpu.memory_space<vmem>>, vector<1000x128xf32>
    %mul3A_23 = vector.broadcast %rsqrt3A : vector<1000x1xf32> to vector<1000x128xf32>
    %mul3A_24 = arith.mulf %get3A_22, %mul3A_23 : vector<1000x128xf32>
    %swap3A_25 = arith.constant 1 : index
    %swap3A_26 = arith.constant 0 : index
    %swap3A_27 = arith.constant 0 : index
    %swap3A_28 = vector.load %arg6[%swap3A_25, %swap3A_26, %swap3A_27] : memref<2x1000x128xf32, #tpu.memory_space<vmem>>, vector<1x1000x128xf32>
    %swap3A_29 = vector.shape_cast %swap3A_28 : vector<1x1000x128xf32> to vector<1000x128xf32>
    %swap3A_30 = vector.shape_cast %mul3A_24 : vector<1000x128xf32> to vector<1x1000x128xf32>
    tpu.vector_store %arg6[%swap3A_25, %swap3A_26, %swap3A_27], %swap3A_30 {strides = array<i32>} : memref<2x1000x128xf32, #tpu.memory_space<vmem>>, vector<1x1000x128xf32>,
    return
  }
  func.func @transform_0(%arg0: i32) -> (i32, i32) {
    %c0_i32 = arith.constant 0 : i32
    %c0_i32_0 = arith.constant 0 : i32
    return %arg0, %c0_i32 : i32, i32
  }
  func.func @transform_1(%arg0: i32) -> (i32, i32) {
    %c0_i32 = arith.constant 0 : i32
    %c0_i32_0 = arith.constant 0 : i32
    return %arg0, %c0_i32 : i32, i32
  }
  func.func @transform_2(%arg0: i32) -> (i32, i32) {
    %c0_i32 = arith.constant 0 : i32
    %c0_i32_0 = arith.constant 0 : i32
    return %arg0, %c0_i32 : i32, i32
  }
  func.func @transform_3(%arg0: i32) -> (i32, i32) {
    %c0_i32 = arith.constant 0 : i32
    %c0_i32_0 = arith.constant 0 : i32
    return %arg0, %c0_i32 : i32, i32
  }
  func.func @transform_4(%arg0: i32) -> (i32, i32) {
    %c0_i32 = arith.constant 0 : i32
    %c0_i32_0 = arith.constant 0 : i32
    return %arg0, %c0_i32 : i32, i32
  }
  func.func @transform_5(%arg0: i32) -> (i32, i32, i32) {
    %c0_i32 = arith.constant 0 : i32
    %c0_i32_0 = arith.constant 0 : i32
    %c0_i32_1 = arith.constant 0 : i32
    return %c0_i32, %arg0, %c0_i32_0 : i32, i32, i32
  }
}

module attributes {stable_mosaic.version = 14 : i64} {
  func.func @_tc_b1_body(%arg0: i32, %arg1: memref<2x1000x128xf32, #tpu.memory_space<vmem>>, %arg2: memref<1000x1xf32, #tpu.memory_space<vmem>>, %arg3: memref<128x128xf32, #tpu.memory_space<vmem>>, %arg4: memref<1x128xf32, #tpu.memory_space<vmem>>, %arg5: memref<1000x100xf32, #tpu.memory_space<vmem>>, %arg6: memref<1000x128xf32, #tpu.memory_space<vmem>>, %arg7: memref<1000x128xf32, #tpu.memory_space<vmem>>, %arg8: memref<100x128xf32, #tpu.memory_space<vmem>>) attributes {dimension_semantics = [#tpu.dimension_semantics<arbitrary>], iteration_bounds = array<i64: 10>, scalar_prefetch = 0 : i64, scratch_operands = 0 : i64, tpu.core_type = #tpu.core_type<tc>, window_params = [{transform_indices = @transform_0, window_bounds = array<i64: 2, 1000, 128>}, {transform_indices = @transform_1, window_bounds = array<i64: 1000, 1>}, {pipeline_mode = #tpu.pipeline_mode<synchronous>, transform_indices = @transform_2, window_bounds = array<i64: 128, 128>}, {pipeline_mode = #tpu.pipeline_mode<synchronous>, transform_indices = @transform_3, window_bounds = array<i64: 1, 128>}, {transform_indices = @transform_4, window_bounds = array<i64: 1000, 100>}, {transform_indices = @transform_5, window_bounds = array<i64: 1000, 128>}, {transform_indices = @transform_6, window_bounds = array<i64: 1000, 128>}, {pipeline_mode = #tpu.pipeline_mode<synchronous>, transform_indices = @transform_7, window_bounds = array<i64: 100, 128>}]} {
    %get3A = arith.constant 0 : index
    %get3A_0 = arith.constant 0 : index
    %get3A_1 = vector.load %arg2[%get3A, %get3A_0] : memref<1000x1xf32, #tpu.memory_space<vmem>>, vector<1000x1xf32>
    %get3A_2 = arith.constant 0 : index
    %get3A_3 = arith.constant 0 : index
    %get3A_4 = vector.load %arg3[%get3A_2, %get3A_3] : memref<128x128xf32, #tpu.memory_space<vmem>>, vector<128x128xf32>
    %get3A_5 = arith.constant 0 : index
    %get3A_6 = arith.constant 0 : index
    %get3A_7 = vector.load %arg4[%get3A_5, %get3A_6] : memref<1x128xf32, #tpu.memory_space<vmem>>, vector<1x128xf32>
    %get3A_8 = arith.constant 0 : index
    %get3A_9 = arith.constant 0 : index
    %get3A_10 = arith.constant 0 : index
    %get3A_11 = vector.load %arg1[%get3A_8, %get3A_9, %get3A_10] : memref<2x1000x128xf32, #tpu.memory_space<vmem>>, vector<1x1000x128xf32>
    %get3A_12 = vector.shape_cast %get3A_11 : vector<1x1000x128xf32> to vector<1000x128xf32>
    %mul3A = vector.broadcast %get3A_1 : vector<1000x1xf32> to vector<1000x128xf32>
    %mul3A_13 = arith.mulf %get3A_12, %mul3A : vector<1000x128xf32>
    %dot_general3A = arith.constant dense<0.000000e+00> : vector<1000x128xf32>
    %dot_general3A_14 = tpu.matmul %mul3A_13, %get3A_4, %dot_general3A {dimension_numbers = #tpu.dot_dimension_numbers<[1], [0], [0], [1], [0, 0, 1, 1], [], []>, transpose_lhs_hint = false} : vector<1000x128xf32>, vector<128x128xf32>, vector<1000x128xf32> -> vector<1000x128xf32>
    %add3A = vector.broadcast %get3A_7 : vector<1x128xf32> to vector<1000x128xf32>
    %add3A_15 = arith.addf %dot_general3A_14, %add3A : vector<1000x128xf32>
    %max3A = arith.constant 0.000000e+00 : f32
    %max3A_16 = vector.broadcast %max3A : f32 to vector<1000x128xf32>
    %max3A_17 = arith.maximumf %add3A_15, %max3A_16 : vector<1000x128xf32>
    %get3A_18 = arith.constant 1 : index
    %get3A_19 = arith.constant 0 : index
    %get3A_20 = arith.constant 0 : index
    %get3A_21 = vector.load %arg1[%get3A_18, %get3A_19, %get3A_20] : memref<2x1000x128xf32, #tpu.memory_space<vmem>>, vector<1x1000x128xf32>
    %get3A_22 = vector.shape_cast %get3A_21 : vector<1x1000x128xf32> to vector<1000x128xf32>
    %mul3A_23 = vector.broadcast %get3A_1 : vector<1000x1xf32> to vector<1000x128xf32>
    %mul3A_24 = arith.mulf %get3A_22, %mul3A_23 : vector<1000x128xf32>
    %dot_general3A_25 = arith.constant dense<0.000000e+00> : vector<1000x128xf32>
    %dot_general3A_26 = tpu.matmul %mul3A_24, %get3A_4, %dot_general3A_25 {dimension_numbers = #tpu.dot_dimension_numbers<[1], [0], [0], [1], [0, 0, 1, 1], [], []>, transpose_lhs_hint = false} : vector<1000x128xf32>, vector<128x128xf32>, vector<1000x128xf32> -> vector<1000x128xf32>
    %add3A_27 = vector.broadcast %get3A_7 : vector<1x128xf32> to vector<1000x128xf32>
    %add3A_28 = arith.addf %dot_general3A_26, %add3A_27 : vector<1000x128xf32>
    %max3A_29 = arith.constant 0.000000e+00 : f32
    %max3A_30 = vector.broadcast %max3A_29 : f32 to vector<1000x128xf32>
    %max3A_31 = arith.maximumf %add3A_28, %max3A_30 : vector<1000x128xf32>
    %swap3A = arith.constant 0 : index
    %swap3A_32 = arith.constant 0 : index
    %swap3A_33 = vector.load %arg6[%swap3A, %swap3A_32] : memref<1000x128xf32, #tpu.memory_space<vmem>>, vector<1000x128xf32>
    tpu.vector_store %arg6[%swap3A, %swap3A_32], %max3A_17 {strides = array<i32>} : memref<1000x128xf32, #tpu.memory_space<vmem>>, vector<1000x128xf32>,
    %swap3A_34 = arith.constant 0 : index
    %swap3A_35 = arith.constant 0 : index
    %swap3A_36 = vector.load %arg7[%swap3A_34, %swap3A_35] : memref<1000x128xf32, #tpu.memory_space<vmem>>, vector<1000x128xf32>
    tpu.vector_store %arg7[%swap3A_34, %swap3A_35], %max3A_31 {strides = array<i32>} : memref<1000x128xf32, #tpu.memory_space<vmem>>, vector<1000x128xf32>,
    %get3A_37 = arith.constant 0 : index
    %get3A_38 = arith.constant 0 : index
    %get3A_39 = vector.load %arg5[%get3A_37, %get3A_38] : memref<1000x100xf32, #tpu.memory_space<vmem>>, vector<1000x100xf32>
    %dot_general3A_40 = arith.constant dense<0.000000e+00> : vector<100x128xf32>
    %dot_general3A_41 = tpu.matmul %get3A_39, %max3A_17, %dot_general3A_40 {dimension_numbers = #tpu.dot_dimension_numbers<[0], [0], [1], [1], [0, 1, 1, 1], [], []>, transpose_lhs_hint = false} : vector<1000x100xf32>, vector<1000x128xf32>, vector<100x128xf32> -> vector<100x128xf32>
    %eq3A = arith.constant 0 : i32
    %eq3A_42 = arith.cmpi eq, %arg0, %eq3A : i32
    %convert_element_type3A = arith.extui %eq3A_42 : i1 to i32
    %cond3A = arith.constant 0 : i32
    %cond3A_43 = arith.cmpi ne, %convert_element_type3A, %cond3A : i32
    scf.if %cond3A_43 {
      %swap3A_48 = arith.constant 0 : index
      %swap3A_49 = arith.constant 0 : index
      %swap3A_50 = vector.load %arg8[%swap3A_48, %swap3A_49] : memref<100x128xf32, #tpu.memory_space<vmem>>, vector<100x128xf32>
      tpu.vector_store %arg8[%swap3A_48, %swap3A_49], %dot_general3A_41 {strides = array<i32>} : memref<100x128xf32, #tpu.memory_space<vmem>>, vector<100x128xf32>,
    } else {
    }
    %ne3A = arith.constant 0 : i32
    %ne3A_44 = arith.cmpi ne, %arg0, %ne3A : i32
    %convert_element_type3A_45 = arith.extui %ne3A_44 : i1 to i32
    %cond3A_46 = arith.constant 0 : i32
    %cond3A_47 = arith.cmpi ne, %convert_element_type3A_45, %cond3A_46 : i32
    scf.if %cond3A_47 {
      %get3A_48 = arith.constant 0 : index
      %get3A_49 = arith.constant 0 : index
      %get3A_50 = vector.load %arg8[%get3A_48, %get3A_49] : memref<100x128xf32, #tpu.memory_space<vmem>>, vector<100x128xf32>
      %add3A_51 = arith.addf %get3A_50, %dot_general3A_41 : vector<100x128xf32>
      %swap3A_52 = arith.constant 0 : index
      %swap3A_53 = arith.constant 0 : index
      %swap3A_54 = vector.load %arg8[%swap3A_52, %swap3A_53] : memref<100x128xf32, #tpu.memory_space<vmem>>, vector<100x128xf32>
      tpu.vector_store %arg8[%swap3A_52, %swap3A_53], %add3A_51 {strides = array<i32>} : memref<100x128xf32, #tpu.memory_space<vmem>>, vector<100x128xf32>,
    } else {
    }
    return
  }
  func.func @transform_0(%arg0: i32) -> (i32, i32, i32) {
    %c0_i32 = arith.constant 0 : i32
    %c0_i32_0 = arith.constant 0 : i32
    %c0_i32_1 = arith.constant 0 : i32
    return %c0_i32, %arg0, %c0_i32_0 : i32, i32, i32
  }
  func.func @transform_1(%arg0: i32) -> (i32, i32) {
    %c0_i32 = arith.constant 0 : i32
    %c0_i32_0 = arith.constant 0 : i32
    return %arg0, %c0_i32 : i32, i32
  }
  func.func @transform_2(%arg0: i32) -> (i32, i32) {
    %c0_i32 = arith.constant 0 : i32
    %c0_i32_0 = arith.constant 0 : i32
    %c0_i32_1 = arith.constant 0 : i32
    return %c0_i32, %c0_i32_0 : i32, i32
  }
  func.func @transform_3(%arg0: i32) -> (i32, i32) {
    %c0_i32 = arith.constant 0 : i32
    %c0_i32_0 = arith.constant 0 : i32
    %c0_i32_1 = arith.constant 0 : i32
    return %c0_i32, %c0_i32_0 : i32, i32
  }
  func.func @transform_4(%arg0: i32) -> (i32, i32) {
    %c0_i32 = arith.constant 0 : i32
    %c0_i32_0 = arith.constant 0 : i32
    return %arg0, %c0_i32 : i32, i32
  }
  func.func @transform_5(%arg0: i32) -> (i32, i32) {
    %c0_i32 = arith.constant 0 : i32
    %c0_i32_0 = arith.constant 0 : i32
    return %arg0, %c0_i32 : i32, i32
  }
  func.func @transform_6(%arg0: i32) -> (i32, i32) {
    %c0_i32 = arith.constant 0 : i32
    %c0_i32_0 = arith.constant 0 : i32
    return %arg0, %c0_i32 : i32, i32
  }
  func.func @transform_7(%arg0: i32) -> (i32, i32) {
    %c0_i32 = arith.constant 0 : i32
    %c0_i32_0 = arith.constant 0 : i32
    %c0_i32_1 = arith.constant 0 : i32
    return %c0_i32, %c0_i32_0 : i32, i32
  }
}

module attributes {stable_mosaic.version = 14 : i64} {
  func.func @_tc_b2_body(%arg0: i32, %arg1: memref<100x128xf32, #tpu.memory_space<vmem>>, %arg2: memref<100x1xf32, #tpu.memory_space<vmem>>, %arg3: memref<1000x100xf32, #tpu.memory_space<vmem>>, %arg4: memref<1000x128xf32, #tpu.memory_space<vmem>>, %arg5: memref<1000x128xf32, #tpu.memory_space<vmem>>, %arg6: memref<128x128xf32, #tpu.memory_space<vmem>>, %arg7: memref<1x2xf32, #tpu.memory_space<vmem>>, %arg8: memref<100x128xf32, #tpu.memory_space<vmem>>, %arg9: memref<2xf32, #tpu.memory_space<smem>>) attributes {dimension_semantics = [#tpu.dimension_semantics<arbitrary>], iteration_bounds = array<i64: 10>, scalar_prefetch = 0 : i64, scratch_operands = 2 : i64, tpu.core_type = #tpu.core_type<tc>, window_params = [{pipeline_mode = #tpu.pipeline_mode<synchronous>, transform_indices = @transform_0, window_bounds = array<i64: 100, 128>}, {pipeline_mode = #tpu.pipeline_mode<synchronous>, transform_indices = @transform_1, window_bounds = array<i64: 100, 1>}, {transform_indices = @transform_2, window_bounds = array<i64: 1000, 100>}, {transform_indices = @transform_3, window_bounds = array<i64: 1000, 128>}, {transform_indices = @transform_4, window_bounds = array<i64: 1000, 128>}, {pipeline_mode = #tpu.pipeline_mode<synchronous>, transform_indices = @transform_5, window_bounds = array<i64: 128, 128>}, {pipeline_mode = #tpu.pipeline_mode<synchronous>, transform_indices = @transform_6, window_bounds = array<i64: 1, 2>}]} {
    %eq3A = arith.constant 0 : i32
    %eq3A_0 = arith.cmpi eq, %arg0, %eq3A : i32
    %convert_element_type3A = arith.extui %eq3A_0 : i1 to i32
    %cond3A = arith.constant 0 : i32
    %cond3A_1 = arith.cmpi ne, %convert_element_type3A, %cond3A : i32
    scf.if %cond3A_1 {
      %get3A_63 = arith.constant 0 : index
      %get3A_64 = arith.constant 0 : index
      %get3A_65 = vector.load %arg1[%get3A_63, %get3A_64] : memref<100x128xf32, #tpu.memory_space<vmem>>, vector<100x128xf32>
      %get3A_66 = arith.constant 0 : index
      %get3A_67 = arith.constant 0 : index
      %get3A_68 = vector.load %arg2[%get3A_66, %get3A_67] : memref<100x1xf32, #tpu.memory_space<vmem>>, vector<100x1xf32>
      %div3A = vector.broadcast %get3A_68 : vector<100x1xf32> to vector<100x128xf32>
      %div3A_69 = arith.divf %get3A_65, %div3A : vector<100x128xf32>
      %neg3A_70 = arith.constant 0.000000e+00 : f32
      %neg3A_71 = vector.broadcast %neg3A_70 : f32 to vector<100x128xf32>
      %neg3A_72 = arith.subf %neg3A_71, %div3A_69 : vector<100x128xf32>
      %exp3A_73 = math.exp %neg3A_72 : vector<100x128xf32>
      %add3A_74 = arith.constant 1.000000e+00 : f32
      %add3A_75 = vector.broadcast %add3A_74 : f32 to vector<100x128xf32>
      %add3A_76 = arith.addf %add3A_75, %exp3A_73 : vector<100x128xf32>
      %div3A_77 = arith.constant 1.000000e+00 : f32
      %div3A_78 = vector.broadcast %div3A_77 : f32 to vector<100x128xf32>
      %div3A_79 = arith.divf %div3A_78, %add3A_76 : vector<100x128xf32>
      %swap3A_80 = arith.constant 0 : index
      %swap3A_81 = arith.constant 0 : index
      %swap3A_82 = vector.load %arg8[%swap3A_80, %swap3A_81] : memref<100x128xf32, #tpu.memory_space<vmem>>, vector<100x128xf32>
      tpu.vector_store %arg8[%swap3A_80, %swap3A_81], %div3A_79 {strides = array<i32>} : memref<100x128xf32, #tpu.memory_space<vmem>>, vector<100x128xf32>,
      %swap3A_83 = arith.constant 0.000000e+00 : f32
      %swap3A_84 = arith.constant 0 : index
      %swap3A_85 = memref.load %arg9[%swap3A_84] : memref<2xf32, #tpu.memory_space<smem>>
      memref.store %swap3A_83, %arg9[%swap3A_84] : memref<2xf32, #tpu.memory_space<smem>>
      %swap3A_86 = arith.constant 0.000000e+00 : f32
      %swap3A_87 = arith.constant 1 : index
      %swap3A_88 = memref.load %arg9[%swap3A_87] : memref<2xf32, #tpu.memory_space<smem>>
      memref.store %swap3A_86, %arg9[%swap3A_87] : memref<2xf32, #tpu.memory_space<smem>>
    } else {
    }
    %get3A = arith.constant 0 : index
    %get3A_2 = arith.constant 0 : index
    %get3A_3 = vector.load %arg3[%get3A, %get3A_2] : memref<1000x100xf32, #tpu.memory_space<vmem>>, vector<1000x100xf32>
    %get3A_4 = arith.constant 0 : index
    %get3A_5 = arith.constant 0 : index
    %get3A_6 = vector.load %arg8[%get3A_4, %get3A_5] : memref<100x128xf32, #tpu.memory_space<vmem>>, vector<100x128xf32>
    %dot_general3A = arith.constant dense<0.000000e+00> : vector<1000x128xf32>
    %dot_general3A_7 = tpu.matmul %get3A_3, %get3A_6, %dot_general3A {dimension_numbers = #tpu.dot_dimension_numbers<[1], [0], [0], [1], [0, 0, 1, 1], [], []>, transpose_lhs_hint = false} : vector<1000x100xf32>, vector<100x128xf32>, vector<1000x128xf32> -> vector<1000x128xf32>
    %get3A_8 = arith.constant 0 : index
    %get3A_9 = arith.constant 0 : index
    %get3A_10 = vector.load %arg6[%get3A_8, %get3A_9] : memref<128x128xf32, #tpu.memory_space<vmem>>, vector<128x128xf32>
    %get3A_11 = arith.constant 0 : index
    %get3A_12 = arith.constant 0 : index
    %get3A_13 = vector.load %arg4[%get3A_11, %get3A_12] : memref<1000x128xf32, #tpu.memory_space<vmem>>, vector<1000x128xf32>
    %dot_general3A_14 = arith.constant dense<0.000000e+00> : vector<1000x128xf32>
    %dot_general3A_15 = tpu.matmul %get3A_13, %get3A_10, %dot_general3A_14 {dimension_numbers = #tpu.dot_dimension_numbers<[1], [0], [0], [1], [0, 0, 1, 1], [], []>, transpose_lhs_hint = false} : vector<1000x128xf32>, vector<128x128xf32>, vector<1000x128xf32> -> vector<1000x128xf32>
    %get3A_16 = arith.constant 0 : index
    %get3A_17 = arith.constant 0 : index
    %get3A_18 = vector.load %arg5[%get3A_16, %get3A_17] : memref<1000x128xf32, #tpu.memory_space<vmem>>, vector<1000x128xf32>
    %dot_general3A_19 = arith.constant dense<0.000000e+00> : vector<1000x128xf32>
    %dot_general3A_20 = tpu.matmul %get3A_18, %get3A_10, %dot_general3A_19 {dimension_numbers = #tpu.dot_dimension_numbers<[1], [0], [0], [1], [0, 0, 1, 1], [], []>, transpose_lhs_hint = false} : vector<1000x128xf32>, vector<128x128xf32>, vector<1000x128xf32> -> vector<1000x128xf32>
    %mul3A = arith.mulf %dot_general3A_15, %dot_general3A_7 : vector<1000x128xf32>
    %reduce_sum3A = arith.constant dense<0.000000e+00> : vector<1000xf32>
    %reduce_sum3A_21 = vector.multi_reduction <add>, %mul3A, %reduce_sum3A [1] : vector<1000x128xf32> to vector<1000xf32>
    %mul3A_22 = arith.mulf %dot_general3A_20, %dot_general3A_7 : vector<1000x128xf32>
    %reduce_sum3A_23 = arith.constant dense<0.000000e+00> : vector<1000xf32>
    %reduce_sum3A_24 = vector.multi_reduction <add>, %mul3A_22, %reduce_sum3A_23 [1] : vector<1000x128xf32> to vector<1000xf32>
    %max3A = arith.constant 0.000000e+00 : f32
    %max3A_25 = vector.broadcast %max3A : f32 to vector<1000xf32>
    %max3A_26 = arith.maximumf %reduce_sum3A_21, %max3A_25 : vector<1000xf32>
    %sub3A = arith.subf %max3A_26, %reduce_sum3A_21 : vector<1000xf32>
    %abs3A = math.absf %reduce_sum3A_21 : vector<1000xf32>
    %neg3A = arith.constant 0.000000e+00 : f32
    %neg3A_27 = vector.broadcast %neg3A : f32 to vector<1000xf32>
    %neg3A_28 = arith.subf %neg3A_27, %abs3A : vector<1000xf32>
    %exp3A = math.exp %neg3A_28 : vector<1000xf32>
    %log1p3A = math.log1p %exp3A : vector<1000xf32>
    %add3A = arith.addf %sub3A, %log1p3A : vector<1000xf32>
    %max3A_29 = arith.constant 0.000000e+00 : f32
    %max3A_30 = vector.broadcast %max3A_29 : f32 to vector<1000xf32>
    %max3A_31 = arith.maximumf %reduce_sum3A_24, %max3A_30 : vector<1000xf32>
    %abs3A_32 = math.absf %reduce_sum3A_24 : vector<1000xf32>
    %neg3A_33 = arith.constant 0.000000e+00 : f32
    %neg3A_34 = vector.broadcast %neg3A_33 : f32 to vector<1000xf32>
    %neg3A_35 = arith.subf %neg3A_34, %abs3A_32 : vector<1000xf32>
    %exp3A_36 = math.exp %neg3A_35 : vector<1000xf32>
    %log1p3A_37 = math.log1p %exp3A_36 : vector<1000xf32>
    %add3A_38 = arith.addf %max3A_31, %log1p3A_37 : vector<1000xf32>
    %get3A_39 = arith.constant 0 : index
    %get3A_40 = memref.load %arg9[%get3A_39] : memref<2xf32, #tpu.memory_space<smem>>
    %reduce_sum3A_41 = vector.shape_cast %add3A : vector<1000xf32> to vector<1x1000xf32>
    %reduce_sum3A_42 = arith.constant dense<0.000000e+00> : vector<1xf32>
    %reduce_sum3A_43 = vector.multi_reduction <add>, %reduce_sum3A_41, %reduce_sum3A_42 [1] : vector<1x1000xf32> to vector<1xf32>
    %reduce_sum3A_44 = vector.shape_cast %reduce_sum3A_43 : vector<1xf32> to vector<1x1xf32>
    %reduce_sum3A_45 = vector.extract %reduce_sum3A_44[0, 0] : f32 from vector<1x1xf32>
    %add3A_46 = arith.addf %get3A_40, %reduce_sum3A_45 : f32
    %swap3A = arith.constant 0 : index
    %swap3A_47 = memref.load %arg9[%swap3A] : memref<2xf32, #tpu.memory_space<smem>>
    memref.store %add3A_46, %arg9[%swap3A] : memref<2xf32, #tpu.memory_space<smem>>
    %get3A_48 = arith.constant 1 : index
    %get3A_49 = memref.load %arg9[%get3A_48] : memref<2xf32, #tpu.memory_space<smem>>
    %reduce_sum3A_50 = vector.shape_cast %add3A_38 : vector<1000xf32> to vector<1x1000xf32>
    %reduce_sum3A_51 = arith.constant dense<0.000000e+00> : vector<1xf32>
    %reduce_sum3A_52 = vector.multi_reduction <add>, %reduce_sum3A_50, %reduce_sum3A_51 [1] : vector<1x1000xf32> to vector<1xf32>
    %reduce_sum3A_53 = vector.shape_cast %reduce_sum3A_52 : vector<1xf32> to vector<1x1xf32>
    %reduce_sum3A_54 = vector.extract %reduce_sum3A_53[0, 0] : f32 from vector<1x1xf32>
    %add3A_55 = arith.addf %get3A_49, %reduce_sum3A_54 : f32
    %swap3A_56 = arith.constant 1 : index
    %swap3A_57 = memref.load %arg9[%swap3A_56] : memref<2xf32, #tpu.memory_space<smem>>
    memref.store %add3A_55, %arg9[%swap3A_56] : memref<2xf32, #tpu.memory_space<smem>>
    %eq3A_58 = arith.constant 9 : i32
    %eq3A_59 = arith.cmpi eq, %arg0, %eq3A_58 : i32
    %convert_element_type3A_60 = arith.extui %eq3A_59 : i1 to i32
    %cond3A_61 = arith.constant 0 : i32
    %cond3A_62 = arith.cmpi ne, %convert_element_type3A_60, %cond3A_61 : i32
    scf.if %cond3A_62 {
      %get3A_63 = arith.constant 0 : index
      %get3A_64 = memref.load %arg9[%get3A_63] : memref<2xf32, #tpu.memory_space<smem>>
      %get3A_65 = arith.constant 1 : index
      %get3A_66 = memref.load %arg9[%get3A_65] : memref<2xf32, #tpu.memory_space<smem>>
      %stack3A = vector.broadcast %get3A_64 : f32 to vector<1xf32>
      %stack3A_67 = vector.broadcast %get3A_66 : f32 to vector<1xf32>
      %stack3A_68 = tpu.concatenate %stack3A, %stack3A_67 in 0 : vector<1xf32>, vector<1xf32> -> vector<2xf32>
      %reshape3A = vector.shape_cast %stack3A_68 : vector<2xf32> to vector<1x2xf32>
      %div3A = arith.constant 1.000000e+04 : f32
      %div3A_69 = vector.broadcast %div3A : f32 to vector<1x2xf32>
      %div3A_70 = arith.divf %reshape3A, %div3A_69 : vector<1x2xf32>
      %swap3A_71 = arith.constant 0 : index
      %swap3A_72 = arith.constant 0 : index
      %swap3A_73 = vector.load %arg7[%swap3A_71, %swap3A_72] : memref<1x2xf32, #tpu.memory_space<vmem>>, vector<1x2xf32>
      tpu.vector_store %arg7[%swap3A_71, %swap3A_72], %div3A_70 {strides = array<i32>} : memref<1x2xf32, #tpu.memory_space<vmem>>, vector<1x2xf32>,
    } else {
    }
    return
  }
  func.func @transform_0(%arg0: i32) -> (i32, i32) {
    %c0_i32 = arith.constant 0 : i32
    %c0_i32_0 = arith.constant 0 : i32
    %c0_i32_1 = arith.constant 0 : i32
    return %c0_i32, %c0_i32_0 : i32, i32
  }
  func.func @transform_1(%arg0: i32) -> (i32, i32) {
    %c0_i32 = arith.constant 0 : i32
    %c0_i32_0 = arith.constant 0 : i32
    %c0_i32_1 = arith.constant 0 : i32
    return %c0_i32, %c0_i32_0 : i32, i32
  }
  func.func @transform_2(%arg0: i32) -> (i32, i32) {
    %c0_i32 = arith.constant 0 : i32
    %c0_i32_0 = arith.constant 0 : i32
    return %arg0, %c0_i32 : i32, i32
  }
  func.func @transform_3(%arg0: i32) -> (i32, i32) {
    %c0_i32 = arith.constant 0 : i32
    %c0_i32_0 = arith.constant 0 : i32
    return %arg0, %c0_i32 : i32, i32
  }
  func.func @transform_4(%arg0: i32) -> (i32, i32) {
    %c0_i32 = arith.constant 0 : i32
    %c0_i32_0 = arith.constant 0 : i32
    return %arg0, %c0_i32 : i32, i32
  }
  func.func @transform_5(%arg0: i32) -> (i32, i32) {
    %c0_i32 = arith.constant 0 : i32
    %c0_i32_0 = arith.constant 0 : i32
    %c0_i32_1 = arith.constant 0 : i32
    return %c0_i32, %c0_i32_0 : i32, i32
  }
  func.func @transform_6(%arg0: i32) -> (i32, i32) {
    %c0_i32 = arith.constant 0 : i32
    %c0_i32_0 = arith.constant 0 : i32
    %c0_i32_1 = arith.constant 0 : i32
    return %c0_i32, %c0_i32_0 : i32, i32
  }
}

</mosaic_0001>

<sc_bundles>
// kernel: kernel.10.cloned.1.call-start
scs
__scs_entry_jumppad:
0x0: {  	(pc) =	sbr.rel $0x88, $3  }
0x1: {  	(tag) =	ssettag $0x0;
	lr =	simm.s32 $0x1  }
0x2: {  	[smem:$0x3F99] =	sst lr;
	_ =	strace $0xD0000000  }
0x3: {  	_ = 	snop  }
0x4: {  	_ = 	snop  }
0x5: {  	_ = 	snop  }
0x6: {  	_ = 	snop  }
0x7: {  	_ = 	snop  }
__scs_overlays_trampoline_lowered:
0x8: {  	[smem:$0x3FA8] =	sst s0  }
0x9: {  	[smem:$0x3FA9] =	sst s1  }
0xa: {  	[smem:$0x3FAA] =	sst s2  }
0xb: {  	[smem:$0x3FAB] =	sst s3  }
0xc: {  	[smem:$0x3FAC] =	sst s4  }
0xd: {  	[smem:$0x3FAD] =	sst s5  }
0xe: {  	[smem:$0x3FAE] =	sst s6  }
0xf: {  	[smem:$0x3FAF] =	sst s7  }
0x10: {  	[smem:$0x3FB0] =	sst s8  }
0x11: {  	[smem:$0x3FB1] =	sst s9;
	s0 =	simm.s32 @!p0 $0x0  }
0x12: {  	s1 =	sld [smem:$0x3F97];
	s0 =	simm.s32 @p0 $0x1  }
0x13: {  	[smem:$0x3FB2] =	sst s0;
	s0 =	simm.s32 @!p1 $0x0  }
0x14: {  	s2 =	sld [smem:$0x3F96];
	s0 =	simm.s32 @p1 $0x1  }
0x15: {  	[smem:$0x3FB3] =	sst s0;
	s0 =	simm.s32 @!p2 $0x0  }
0x16: {  	s3 =	sld [smem:$0x3FDB];
	s0 =	simm.s32 @p2 $0x1  }
0x17: {  	s4 =	simm.s32 $0x1BF5;
	[smem:$0x3FB5] =	sst s0  }
0x18: {  	s0 =	sld [smem:$0x3F98];
	_ =	swait.ge [sflag:s4], $0x0  }
0x19: {  	s7 =	sld [smem:$0x3F99]  }
0x1a: {  	s8 =	sadd.s32 $0xFFFFE003, lr  }
0x1b: {  	s9 =	sadd.s32 $0xFFFFFEF7, lr;
	s5 =	simm.s32 $0xFFFFFFFF;
	p2 =	slt.u32 s8, $0xFFFFF086  }
0x1c: {  	p1 =	slt.u32 s9, $0xF7A;
	s5 =	simm.s32 @!p2 $0x0  }
0x1d: {  	s5 =	simm.s32 @p1 $0x1;
	p0 =	seq.s32 s7, s2  }
0x1e: {  	s7 =	smul.u32 @!p0 $0xF7A, s2;
	p2 =	seq.s32 @!p0 s5, $0x0  }
0x1f: {  	s9 =	smul.u32 $0xF7A, s1;
	s8 =	simm.s32 @!p0 $0x1BF5;
	p2 =	por !p2, p0  }
0x20: {  	[sflag:s8] =	ssyncset.s32 @!p0 $0xFFFFF086;
	s6 =	sadd.s32 @!p0 s3, s7;
	s7 =	simm.s32 @!p0 $0x108  }
0x21: {  	s3 =	sadd.s32 s3, s9;
	s6 =	sadd.s32 @!p0 $0x88, s6;
	s7 =	simm.s32 @p2 $0x1082  }
0x22: {  	[simem:s7], [sflag:s8] =	dma.local @!p0 [hbm:s6], $0xF7A  }
0x23: {  	s9 =	sor.u32 $0xD0000000, s2;
	s6 =	simm.s32 $0x108;
	_ =	swait.ge @!p0 [sflag:s8], $0x0  }
0x24: {  	s3 =	sadd.s32 $0x88, s3;
	s6 =	simm.s32 @!p1 $0x1082;
	[sflag:s4] =	ssyncset.s32 $0xFFFFF086  }
0x25: {  	[simem:s6], [sflag:s4] =	dma.local [hbm:s3], $0xF7A  }
0x26: {  	[smem:$0x3F99] =	sst s1;
	(tag) =	ssettag s2;
	_ =	strace s9  }
0x27: {  	s1 =	sld [smem:$0x3FA9]  }
0x28: {  	s2 =	sld [smem:$0x3FAA]  }
0x29: {  	s4 =	sld [smem:$0x3FAC]  }
0x2a: {  	p0 =	seq.s32 s5, $0x0;
	s5 =	sld [smem:$0x3FAD]  }
0x2b: {  	s6 =	sld [smem:$0x3FAE]  }
0x2c: {  	s7 =	sld [smem:$0x3FAF]  }
0x2d: {  	s3 =	simm.s32 $0x108;
	s8 =	sld [smem:$0x3FB0]  }
0x2e: {  	s3 =	simm.s32 @!p0 $0x1082;
	s9 =	sld [smem:$0x3FB1]  }
0x2f: {  	lr =	sadd.s32 s0, s3;
	s0 =	sld [smem:$0x3FA8]  }
0x30: {  	s3 =	sld [smem:$0x3FAB]  }
0x31: {  	[smem:$0x3FB4] =	sst s10  }
0x32: {  	s10 =	sld [smem:$0x3FB2];
	_ =	sdelay $0x3  }
0x33: {  	p0 =	seq.s32 s10, $0x1;
	s10 =	sld [smem:$0x3FB4];
	_ =	sdelay $0x3  }
0x34: {  	[smem:$0x3FB4] =	sst s10  }
0x35: {  	s10 =	sld [smem:$0x3FB3];
	_ =	sdelay $0x3  }
0x36: {  	p1 =	seq.s32 s10, $0x1;
	s10 =	sld [smem:$0x3FB4];
	_ =	sdelay $0x3  }
0x37: {  	[smem:$0x3FB4] =	sst s10  }
0x38: {  	s10 =	sld [smem:$0x3FB5]  }
0x39: {  	_ = 	snop;
	(pc) =	sbr.ind lr, $3  }
0x3a: {  	_ = 	snop  }
0x3b: {  	_ = 	snop  }
0x3c: {  	p2 =	seq.s32 s10, $0x1;
	s10 =	sld [smem:$0x3FB4]  }
0x3d: {  	_ =	shalt  }
0x3e: {  	_ =	shalt  }
0x3f: {  	_ =	shalt  }
0x40: {  	_ =	shalt  }
0x41: {  	_ =	shalt  }
0x42: {  	_ =	shalt  }
0x43: {  	_ =	shalt  }
0x44: {  	_ =	shalt  }
0x45: {  	_ =	shalt  }
0x46: {  	_ =	shalt  }
0x47: {  	_ =	shalt  }
0x48: {  	_ =	shalt  }
0x49: {  	_ =	shalt  }
0x4a: {  	_ =	shalt  }
0x4b: {  	_ =	shalt  }
0x4c: {  	_ =	shalt  }
0x4d: {  	_ =	shalt  }
0x4e: {  	_ =	shalt  }
0x4f: {  	_ =	shalt  }
0x50: {  	_ =	shalt  }
0x51: {  	_ =	shalt  }
0x52: {  	_ =	shalt  }
0x53: {  	_ =	shalt  }
0x54: {  	_ =	shalt  }
0x55: {  	_ =	shalt  }
0x56: {  	_ =	shalt  }
0x57: {  	_ =	shalt  }
0x58: {  	_ =	shalt  }
0x59: {  	_ =	shalt  }
0x5a: {  	_ =	shalt  }
0x5b: {  	_ =	shalt  }
0x5c: {  	_ =	shalt  }
0x5d: {  	_ =	shalt  }
0x5e: {  	_ =	shalt  }
0x5f: {  	_ =	shalt  }
0x60: {  	_ =	shalt  }
0x61: {  	_ =	shalt  }
0x62: {  	_ =	shalt  }
0x63: {  	_ =	shalt  }
0x64: {  	_ =	shalt  }
0x65: {  	_ =	shalt  }
0x66: {  	_ =	shalt  }
0x67: {  	_ =	shalt  }
0x68: {  	_ =	shalt  }
0x69: {  	_ =	shalt  }
0x6a: {  	_ =	shalt  }
0x6b: {  	_ =	shalt  }
0x6c: {  	_ =	shalt  }
0x6d: {  	_ =	shalt  }
0x6e: {  	_ =	shalt  }
0x6f: {  	_ =	shalt  }
0x70: {  	_ =	shalt  }
0x71: {  	_ =	shalt  }
0x72: {  	_ =	shalt  }
0x73: {  	_ =	shalt  }
0x74: {  	_ =	shalt  }
0x75: {  	_ =	shalt  }
0x76: {  	_ =	shalt  }
0x77: {  	_ =	shalt  }
0x78: {  	_ =	shalt  }
0x79: {  	_ =	shalt  }
0x7a: {  	_ =	shalt  }
0x7b: {  	_ =	shalt  }
0x7c: {  	_ =	shalt  }
0x7d: {  	_ =	shalt  }
0x7e: {  	_ =	shalt  }
0x7f: {  	_ =	shalt  }
0x80: {  	_ =	shalt  }
0x81: {  	_ =	shalt  }
0x82: {  	_ =	shalt  }
0x83: {  	_ =	shalt  }
0x84: {  	_ =	shalt  }
0x85: {  	_ =	shalt  }
0x86: {  	_ =	shalt  }
0x87: {  	_ =	shalt  }
.Lfunc_end0:
.L_simem_size_0:
called_computation.1_lowered:
.L_overlay_start_0:
0x88: {  	s2 =	sld [smem:$0x3FD9]  }
0x89: {  	s3 =	sld [smem:$0x3FFE];
	_ =	sdelay $0x1  }
0x8a: {  	s1 =	srdreg.scid  }
0x8b: {  	s0 =	sand.u32 $0x1, s1  }
0x8c: {  	s16 =	sshll.u32 s0, $0xA;
	s2 =	sadd.s32 s3, s2  }
0x8d: {  	s2 =	sadd.s32 s2, s16  }
0x8e: {  	[smem:$0x3FC0] =	sst s2  }
0x8f: {  	_ = 	snop  }
0x90: {  	(tm) =	ssettm $0x1  }
0x91: {  	s17 =	sld [smem:$0x3FFB];
	_ =	sdelay $0x3  }
0x92: {  	_ =	strace s17  }
0x93: {  	s2 =	sld [smem:$0x3FFC];
	_ =	sdelay $0x3  }
0x94: {  	_ =	strace s2  }
0x95: {  	s2 =	sld [smem:$0x3FFD];
	_ =	sdelay $0x3  }
0x96: {  	_ =	strace s2  }
0x97: {  	_ =	strace $0x8FFFFFFF  }
0x98: {  	s18 =	sld [smem:$0x3FDB];
	_ =	sdelay $0x1  }
0x99: {  	s19 =	simm.s32 $_scs_section_size  }
0x9a: {  	s4 =	simm.s32 $_size__tile_overlayer_lowered;
	s5 =	simm.s32 $_tile_overlayer_lowered  }
0x9b: {  	s22 =	simm.s32 $0x1BFF;
	s21 =	sshll.u32 s5, $0x1;
	s2 =	sadd.s32 s19, s18  }
0x9c: {  	s6 =	simm.s32 $0x0;
	s20 =	sshll.u32 s4, $0x1;
	s4 =	sadd.s32 s21, s2  }
0x9d: {  	[timem:s6], [sflag:s22] =	dma.local [hbm:s4], s20  }
0x9e: {  	_ =	swait.ge [sflag:s22], s20  }
0x9f: {  	s3 =	ssub.s32 $0x0, s20;
	[sflag:s22] =	ssyncset.done $0x0  }
0xa0: {  	[sflag:s22] =	ssyncadd.s32 s3;
	_ =	sdelay $0x1  }
0xa1: {  	s23 =	simm.s32 $0x1B8B  }
0xa2: {  	_ =	swait.ge [sflag:s23], $0x1  }
0xa3: {  	[sflag:s23] =	ssyncset.done $0x0  }
0xa4: {  	s25 =	simm.s32 $0x1B8E;
	s24 =	sld [smem:$0x3FFE];
	[sflag:s23] =	ssyncadd.s32 $0xFFFFFFFF  }
0xa5: {  	s26 =	simm.s32 $execute0_lowered;
	[smem:$0x3FD2] =	sst s25  }
0xa6: {  	s4 =	sshll.u32 s26, $0x1;
	_ =	strace $0x80000049;
	[dreg:$0x1] =	wrdreg $0xFFFFFFFF  }
0xa7: {  	s28 =	simm.s32 $_size_execute0_lowered;
	s2 =	sadd.s32 s2, s4;
	[dreg:$0x0] =	wrdreg $0x0  }
0xa8: {  	s4 =	sshll.u32 s28, $0x1;
	[dreg:$0x2] =	wrdreg s2  }
0xa9: {  	[dreg:$0x3] =	wrdreg s4  }
0xaa: {  	[dreg:$0x4] =	wrdreg $0xC0  }
0xab: {  	_ =	task [dreg:s6], $0x5FFFF  }
0xac: {  	[dreg:$0x1] =	wrdreg $0xFFFFFFFF  }
0xad: {  	[dreg:$0x0] =	wrdreg $0x60  }
0xae: {  	[dreg:$0x2] =	wrdreg s24  }
0xaf: {  	[dreg:$0x3] =	wrdreg $0x0  }
0xb0: {  	[dreg:$0x4] =	wrdreg $0x9  }
0xb1: {  	_ =	task.clear_ibuf [dreg:s6], $0x5FFFF;
	_ =	strace $0x90000049  }
0xb2: {  	s29 =	simm.s32 $0x9;
	_ =	strace $0x8000004B  }
0xb3: {  	_ =	swait.ge [sflag:s29], $0x1  }
0xb4: {  	[sflag:s29] =	ssyncadd.s32 $0xFFFFFFFF  }
0xb5: {  	_ =	strace $0x9000004B  }
0xb6: {  	_ =	sfence  }
0xb7: {  	s30 =	sld [smem:$0x0];
	_ =	sdelay $0x2  }
0xb8: {  	s31 =	sshll.u32 s1, $0xD;
	s1 =	sshrl.u32 s1, $0x2  }
0xb9: {  	s3 =	sand.u32 $0x4000, s31;
	s1 =	sadd.s32 s1, s30  }
0xba: {  	s0 =	sor.u32 s3, s0;
	s1 =	sshll.u32 s1, $0x11  }
0xbb: {  	s0 =	sor.u32 s1, s0  }
0xbc: {  	s0 =	sadd.s32 $0x8F2B, s0  }
0xbd: {  	[sflag:s0] =	ssyncadd.remote.s32 $0x1  }
0xbe: {  	_ =	sfence.sel $0xFFFF  }
0xbf: {  	[dreg:$0x0] =	wrdreg $0xFFFFFFFF;
	(pc) =	sbr.abs _section_cstart, $3  }
0xc0: {  	[dreg:$0x1] =	wrdreg $0xFFFFFFFF  }
0xc1: {  	_ =	task.clear_ibuf [dreg:s6], $0x2FFFF;
	_ =	strace $0x9FFFFFFF  }
0xc2: {  	(tm) =	ssettm $0x7FFFFFFF  }
0xc3: {  	_ =	shalt  }
tec
execute0_lowered:
.L_overlay_start_1:
0x0: {  	(tag) =	ssettag $0x1  }
0x1: {  	s0 =	rddreg [dreg:$0x0]  }
0x2: {  	s2 =	rddreg [dreg:$0x1];
	s12 =	simm.s32 $0x0  }
0x3: {  	s11 =	stileid.u32;
	s1 =	srdreg.scid;
	s13 =	simm.s32 $0x14100  }
0x4: {  	s14 =	simm.s32 $0x14180;
	s15 =	simm.s32 $0x14900;
	s16 =	simm.s32 $0x14980  }
0x5: {  	s17 =	simm.s32 $0x14200;
	s18 =	simm.s32 $0x14280;
	s19 =	simm.s32 $0x14A00  }
0x6: {  	s20 =	simm.s32 $0x14A80;
	s21 =	simm.s32 $0x14300;
	s28 =	simm.s32 $0x14500  }
0x7: {  	s29 =	simm.s32 $0x14580;
	s30 =	simm.s32 $0x14D00;
	[smem:$0x7FF] =	sst s12  }
0x8: {  	s31 =	simm.s32 $0x14D80;
	_ =	strace $0x8000004A;
	[dreg:$0x9] =	wrdreg s13  }
0x9: {  	s3 =	smul.u32 $0xA00, s11;
	s1 =	sand.u32 $0x1, s1;
	[dreg:$0xa] =	wrdreg s14  }
0xa: {  	s5 =	sadd.s32 $0x17000, s0;
	s7 =	smul.u32 $0x50000, s11;
	[dreg:$0xb] =	wrdreg s15  }
0xb: {  	s9 =	smul.u32 $0x14000, s11;
	s10 =	sadd.s32 $0x12C000, s2;
	[dreg:$0xc] =	wrdreg s16  }
0xc: {  	p0 =	seq.s32 s11, $0xF;
	s4 =	smul.u32 $0x138800, s1;
	[dreg:$0xd] =	wrdreg s17  }
0xd: {  	s6 =	ssub.s32 $0x2, s1;
	s1 =	smul.u32 $0x27100, s1;
	[dreg:$0xe] =	wrdreg s18  }
0xe: {  	s13 =	simm.s32 $0x14000;
	s14 =	simm.s32 $0x5;
	[dreg:$0xf] =	wrdreg s19  }
0xf: {  	s15 =	simm.s32 $0x80;
	s16 =	simm.s32 $0x15000;
	[dreg:$0x10] =	wrdreg s20  }
0x10: {  	[dreg:$0x11] =	wrdreg s21;
	s3 =	sadd.s32 s3, s0;
	s8 =	sshrl.u32 s6, $0x1  }
0x11: {  	s22 =	sshrl.u32 s7, $0x2;
	s8 =	ssub.s32 s6, s8;
	s23 =	sadd.s32 s9, s4  }
0x12: {  	s9 =	sadd.s32 s22, s2;
	s6 =	sadd.s32 s5, s1;
	s3 =	sadd.s32 $0x3000, s3  }
0x13: {  	s22 =	sshrl.u32 @p0 s10, $0x3;
	s10 =	simm.s32 $0x14800;
	[dreg:$0x3] =	wrdreg s3  }
0x14: {  	s1 =	sshll.u32 @!p0 s11, $0x6;
	s11 =	simm.s32 $0x14880;
	[dreg:$0x7] =	wrdreg s10  }
0x15: {  	s17 =	simm.s32 $0x19000;
	s4 =	sshrl.u32 s4, $0x3;
	[dreg:$0x8] =	wrdreg s11  }
0x16: {  	s7 =	sshrl.u32 s23, $0x3;
	s23 =	sor.u32 @!p0 $0x1C05, s1;
	[dreg:$0x1a] =	wrdreg s22  }
0x17: {  	s4 =	sadd.s32 $0x25800, s4;
	s24 =	sadd.s32 s5, s7;
	[dreg:$0x1b] =	wrdreg s23  }
0x18: {  	s0 =	sadd.s32 $0x65200, s0;
	s25 =	sadd.s32 s5, s4;
	[dreg:$0x15] =	wrdreg s24  }
0x19: {  	s18 =	simm.s32 $0x1;
	s26 =	sadd.s32 s0, s7;
	[dreg:$0x16] =	wrdreg s25  }
0x1a: {  	s19 =	simm.s32 $0x2;
	s0 =	sadd.s32 s0, s4;
	[dreg:$0x17] =	wrdreg s26  }
0x1b: {  	s20 =	simm.s32 $0x3;
	s5 =	smax.u32 s8, $0x1;
	[dreg:$0x18] =	wrdreg s0  }
0x1c: {  	s21 =	simm.s32 $0x4;
	s4 =	simm.s32 $0x800;
	[dreg:$0x19] =	wrdreg s5  }
0x1d: {  	s1 =	simm.s32 $0x14680;
	s7 =	simm.s32 $0x50000;
	[dreg:$0x4] =	wrdreg s4  }
0x1e: {  	s10 =	simm.s32 $0x14F80;
	s8 =	simm.s32 $0x14080;
	[dreg:$0x5] =	wrdreg s7  }
0x1f: {  	[dreg:$0x6] =	wrdreg s8;
	s24 =	sshrl.u32 @!p0 s9, $0x3;
	s25 =	simm.s32 $0x14380  }
0x20: {  	s26 =	simm.s32 $0x14B00;
	s0 =	simm.s32 $0x14600;
	s4 =	simm.s32 $0x14E00  }
0x21: {  	s5 =	simm.s32 $0x14E80;
	s7 =	simm.s32 $0x14700;
	[dreg:$0x12] =	wrdreg s25  }
0x22: {  	s8 =	simm.s32 $0x14780;
	s9 =	simm.s32 $0x14F00;
	[dreg:$0x13] =	wrdreg s26  }
0x23: {  	s25 =	simm.s32 $0x14C00;
	s26 =	simm.s32 $0x14C80;
	[dreg:$0x1c] =	wrdreg s24  }
.LBB2_1:
0x24: {  	[dreg:$0x14] =	wrdreg s12  }
0x25: {  	s3 =	simm.s32 @p0 $0x1FC5;
	s11 =	rddreg [dreg:$0x16]  }
0x26: {  	[spmem:s22], [sflag:s3] =	dma.local @p0 [hbm:s11], $0x1900  }
0x27: {  	s3 =	simm.s32 @p0 $0x5  }
0x28: {  	_ =	swait.ge @p0 [sflag:s3], $0x1900  }
0x29: {  	[sflag:s3] =	ssyncset.done @p0 $0x0  }
0x2a: {  	[sflag:s3] =	ssyncadd.s32 @p0 $0xFFFFE700;
	s3 =	rddreg [dreg:$0x15]  }
0x2b: {  	[spmem:s24], [sflag:s23] =	dma.local @!p0 [hbm:s3], $0x2800  }
0x2c: {  	s3 =	simm.s32 @!p0 $0x5  }
0x2d: {  	_ =	swait.ge @!p0 [sflag:s3], $0x2800  }
0x2e: {  	[sflag:s3] =	ssyncset.done @!p0 $0x0  }
0x2f: {  	[sflag:s3] =	ssyncadd.s32 @!p0 $0xFFFFD800  }
0x30: {  	[bflag:$0x0] =	sbarrier.arrive $0xFFFF  }
0x31: {  	s22 =	rddreg [dreg:$0x5]  }
0x32: {  	s23 =	rddreg [dreg:$0x3]  }
0x33: {  	s24 =	rddreg [dreg:$0x4];
	s11 =	sadd.s32 $0x0, s23  }
0x34: {  	[tilespmem:s13], [sflag:$0x5] =	stream.strided.gather [hbm4b:s11+s24], $0x1000, s22, s24, $0x38;
	[tilespmem:$0x1D000] =	vst v63  }
0x35: {  	_ =	swait.ge [sflag:s14], $0x1000  }
0x36: {  	[sflag:s14] =	ssyncset.done $0x0  }
0x37: {  	[sflag:s14] =	ssyncadd.s32 $0xFFFFF000  }
0x38: {  	[tilespmem:s16], [sflag:$0x1] =	stream.indirect.gather [hbm4b:s6+s15], $0x80, s13, s15, $0xb8;
	[tilespmem:$0x1D000] =	vst v63  }
0x39: {  	s11 =	rddreg [dreg:$0x6]  }
0x3a: {  	[tilespmem:s17], [sflag:$0x2] =	stream.indirect.gather [hbm4b:s6+s15], $0x80, s11, s15, $0xb8;
	[tilespmem:$0x1D000] =	vst v63  }
0x3b: {  	_ =	swait.ge [sflag:s18], $0x4000  }
0x3c: {  	[sflag:s18] =	ssyncset.done $0x0  }
0x3d: {  	s12 =	rddreg [dreg:$0x7];
	[sflag:s18] =	ssyncadd.s32 $0xFFFFC000  }
0x3e: {  	[spmem:s2] =	stream.indirect.scatter.add.f32 [tilespmem:s16], [sflag:$0x3], $0x80, s12, s15, $0xb8;
	[tilespmem:$0x1D000] =	vst v63  }
0x3f: {  	_ =	swait.ge [sflag:s19], $0x4000  }
0x40: {  	[sflag:s19] =	ssyncset.done $0x0  }
0x41: {  	s22 =	rddreg [dreg:$0x8];
	[sflag:s19] =	ssyncadd.s32 $0xFFFFC000  }
0x42: {  	[spmem:s2] =	stream.indirect.scatter.add.f32 [tilespmem:s17], [sflag:$0x4], $0x80, s22, s15, $0xb8;
	[tilespmem:$0x1D000] =	vst v63  }
0x43: {  	_ =	swait.ge [sflag:s20], $0x4000  }
0x44: {  	[sflag:s20] =	ssyncset.done $0x0  }
0x45: {  	[sflag:s20] =	ssyncadd.s32 $0xFFFFC000  }
0x46: {  	_ =	swait.ge [sflag:s21], $0x4000  }
0x47: {  	[sflag:s21] =	ssyncset.done $0x0  }
0x48: {  	s23 =	rddreg [dreg:$0x9];
	[sflag:s21] =	ssyncadd.s32 $0xFFFFC000  }
0x49: {  	[tilespmem:s16], [sflag:$0x1] =	stream.indirect.gather [hbm4b:s6+s15], $0x80, s23, s15, $0xb8;
	[tilespmem:$0x1D000] =	vst v63  }
0x4a: {  	s24 =	rddreg [dreg:$0xa]  }
0x4b: {  	[tilespmem:s17], [sflag:$0x2] =	stream.indirect.gather [hbm4b:s6+s15], $0x80, s24, s15, $0xb8;
	[tilespmem:$0x1D000] =	vst v63  }
0x4c: {  	_ =	swait.ge [sflag:s18], $0x4000  }
0x4d: {  	[sflag:s18] =	ssyncset.done $0x0  }
0x4e: {  	s12 =	rddreg [dreg:$0xb];
	[sflag:s18] =	ssyncadd.s32 $0xFFFFC000  }
0x4f: {  	[spmem:s2] =	stream.indirect.scatter.add.f32 [tilespmem:s16], [sflag:$0x3], $0x80, s12, s15, $0xb8;
	[tilespmem:$0x1D000] =	vst v63  }
0x50: {  	_ =	swait.ge [sflag:s19], $0x4000  }
0x51: {  	[sflag:s19] =	ssyncset.done $0x0  }
0x52: {  	s22 =	rddreg [dreg:$0xc];
	[sflag:s19] =	ssyncadd.s32 $0xFFFFC000  }
0x53: {  	[spmem:s2] =	stream.indirect.scatter.add.f32 [tilespmem:s17], [sflag:$0x4], $0x80, s22, s15, $0xb8;
	[tilespmem:$0x1D000] =	vst v63  }
0x54: {  	_ =	swait.ge [sflag:s20], $0x4000  }
0x55: {  	[sflag:s20] =	ssyncset.done $0x0  }
0x56: {  	[sflag:s20] =	ssyncadd.s32 $0xFFFFC000  }
0x57: {  	_ =	swait.ge [sflag:s21], $0x4000  }
0x58: {  	[sflag:s21] =	ssyncset.done $0x0  }
0x59: {  	s23 =	rddreg [dreg:$0xd];
	[sflag:s21] =	ssyncadd.s32 $0xFFFFC000  }
0x5a: {  	[tilespmem:s16], [sflag:$0x1] =	stream.indirect.gather [hbm4b:s6+s15], $0x80, s23, s15, $0xb8;
	[tilespmem:$0x1D000] =	vst v63  }
0x5b: {  	s24 =	rddreg [dreg:$0xe]  }
0x5c: {  	[tilespmem:s17], [sflag:$0x2] =	stream.indirect.gather [hbm4b:s6+s15], $0x80, s24, s15, $0xb8;
	[tilespmem:$0x1D000] =	vst v63  }
0x5d: {  	_ =	swait.ge [sflag:s18], $0x4000  }
0x5e: {  	[sflag:s18] =	ssyncset.done $0x0  }
0x5f: {  	s12 =	rddreg [dreg:$0xf];
	[sflag:s18] =	ssyncadd.s32 $0xFFFFC000  }
0x60: {  	[spmem:s2] =	stream.indirect.scatter.add.f32 [tilespmem:s16], [sflag:$0x3], $0x80, s12, s15, $0xb8;
	[tilespmem:$0x1D000] =	vst v63  }
0x61: {  	_ =	swait.ge [sflag:s19], $0x4000  }
0x62: {  	[sflag:s19] =	ssyncset.done $0x0  }
0x63: {  	s22 =	rddreg [dreg:$0x10];
	[sflag:s19] =	ssyncadd.s32 $0xFFFFC000  }
0x64: {  	[spmem:s2] =	stream.indirect.scatter.add.f32 [tilespmem:s17], [sflag:$0x4], $0x80, s22, s15, $0xb8;
	[tilespmem:$0x1D000] =	vst v63  }
0x65: {  	_ =	swait.ge [sflag:s20], $0x4000  }
0x66: {  	[sflag:s20] =	ssyncset.done $0x0  }
0x67: {  	[sflag:s20] =	ssyncadd.s32 $0xFFFFC000  }
0x68: {  	_ =	swait.ge [sflag:s21], $0x4000  }
0x69: {  	[sflag:s21] =	ssyncset.done $0x0  }
0x6a: {  	s23 =	rddreg [dreg:$0x11];
	[sflag:s21] =	ssyncadd.s32 $0xFFFFC000  }
0x6b: {  	[tilespmem:s16], [sflag:$0x1] =	stream.indirect.gather [hbm4b:s6+s15], $0x80, s23, s15, $0xb8;
	[tilespmem:$0x1D000] =	vst v63  }
0x6c: {  	s24 =	rddreg [dreg:$0x12]  }
0x6d: {  	[tilespmem:s17], [sflag:$0x2] =	stream.indirect.gather [hbm4b:s6+s15], $0x80, s24, s15, $0xb8;
	[tilespmem:$0x1D000] =	vst v63  }
0x6e: {  	_ =	swait.ge [sflag:s18], $0x4000  }
0x6f: {  	[sflag:s18] =	ssyncset.done $0x0  }
0x70: {  	s12 =	rddreg [dreg:$0x13];
	[sflag:s18] =	ssyncadd.s32 $0xFFFFC000  }
0x71: {  	[spmem:s2] =	stream.indirect.scatter.add.f32 [tilespmem:s16], [sflag:$0x3], $0x80, s12, s15, $0xb8;
	[tilespmem:$0x1D000] =	vst v63  }
0x72: {  	_ =	swait.ge [sflag:s19], $0x4000  }
0x73: {  	[sflag:s19] =	ssyncset.done $0x0  }
0x74: {  	s22 =	simm.s32 $0x14B80;
	[sflag:s19] =	ssyncadd.s32 $0xFFFFC000  }
0x75: {  	[spmem:s2] =	stream.indirect.scatter.add.f32 [tilespmem:s17], [sflag:$0x4], $0x80, s22, s15, $0xb8;
	[tilespmem:$0x1D000] =	vst v63  }
0x76: {  	_ =	swait.ge [sflag:s20], $0x4000  }
0x77: {  	[sflag:s20] =	ssyncset.done $0x0  }
0x78: {  	[sflag:s20] =	ssyncadd.s32 $0xFFFFC000  }
0x79: {  	_ =	swait.ge [sflag:s21], $0x4000  }
0x7a: {  	[sflag:s21] =	ssyncset.done $0x0  }
0x7b: {  	s23 =	simm.s32 $0x14400;
	[sflag:s21] =	ssyncadd.s32 $0xFFFFC000  }
0x7c: {  	[tilespmem:s16], [sflag:$0x1] =	stream.indirect.gather [hbm4b:s6+s15], $0x80, s23, s15, $0xb8;
	[tilespmem:$0x1D000] =	vst v63  }
0x7d: {  	s24 =	simm.s32 $0x14480  }
0x7e: {  	[tilespmem:s17], [sflag:$0x2] =	stream.indirect.gather [hbm4b:s6+s15], $0x80, s24, s15, $0xb8;
	[tilespmem:$0x1D000] =	vst v63  }
0x7f: {  	_ =	swait.ge [sflag:s18], $0x4000  }
0x80: {  	[sflag:s18] =	ssyncset.done $0x0  }
0x81: {  	[sflag:s18] =	ssyncadd.s32 $0xFFFFC000  }
0x82: {  	[spmem:s2] =	stream.indirect.scatter.add.f32 [tilespmem:s16], [sflag:$0x3], $0x80, s25, s15, $0xb8;
	[tilespmem:$0x1D000] =	vst v63  }
0x83: {  	_ =	swait.ge [sflag:s19], $0x4000  }
0x84: {  	[sflag:s19] =	ssyncset.done $0x0  }
0x85: {  	[sflag:s19] =	ssyncadd.s32 $0xFFFFC000  }
0x86: {  	[spmem:s2] =	stream.indirect.scatter.add.f32 [tilespmem:s17], [sflag:$0x4], $0x80, s26, s15, $0xb8;
	[tilespmem:$0x1D000] =	vst v63  }
0x87: {  	_ =	swait.ge [sflag:s20], $0x4000  }
0x88: {  	[sflag:s20] =	ssyncset.done $0x0  }
0x89: {  	[sflag:s20] =	ssyncadd.s32 $0xFFFFC000  }
0x8a: {  	_ =	swait.ge [sflag:s21], $0x4000  }
0x8b: {  	[sflag:s21] =	ssyncset.done $0x0  }
0x8c: {  	[sflag:s21] =	ssyncadd.s32 $0xFFFFC000  }
0x8d: {  	[tilespmem:s16], [sflag:$0x1] =	stream.indirect.gather [hbm4b:s6+s15], $0x80, s28, s15, $0xb8;
	[tilespmem:$0x1D000] =	vst v63  }
0x8e: {  	_ = 	snop  }
0x8f: {  	[tilespmem:s17], [sflag:$0x2] =	stream.indirect.gather [hbm4b:s6+s15], $0x80, s29, s15, $0xb8;
	[tilespmem:$0x1D000] =	vst v63  }
0x90: {  	_ =	swait.ge [sflag:s18], $0x4000  }
0x91: {  	[sflag:s18] =	ssyncset.done $0x0  }
0x92: {  	[sflag:s18] =	ssyncadd.s32 $0xFFFFC000  }
0x93: {  	[spmem:s2] =	stream.indirect.scatter.add.f32 [tilespmem:s16], [sflag:$0x3], $0x80, s30, s15, $0xb8;
	[tilespmem:$0x1D000] =	vst v63  }
0x94: {  	_ =	swait.ge [sflag:s19], $0x4000  }
0x95: {  	[sflag:s19] =	ssyncset.done $0x0  }
0x96: {  	[sflag:s19] =	ssyncadd.s32 $0xFFFFC000  }
0x97: {  	[spmem:s2] =	stream.indirect.scatter.add.f32 [tilespmem:s17], [sflag:$0x4], $0x80, s31, s15, $0xb8;
	[tilespmem:$0x1D000] =	vst v63  }
0x98: {  	_ =	swait.ge [sflag:s20], $0x4000  }
0x99: {  	[sflag:s20] =	ssyncset.done $0x0  }
0x9a: {  	[sflag:s20] =	ssyncadd.s32 $0xFFFFC000  }
0x9b: {  	_ =	swait.ge [sflag:s21], $0x4000  }
0x9c: {  	[sflag:s21] =	ssyncset.done $0x0  }
0x9d: {  	[sflag:s21] =	ssyncadd.s32 $0xFFFFC000  }
0x9e: {  	[tilespmem:s16], [sflag:$0x1] =	stream.indirect.gather [hbm4b:s6+s15], $0x80, s0, s15, $0xb8;
	[tilespmem:$0x1D000] =	vst v63  }
0x9f: {  	_ = 	snop  }
0xa0: {  	[tilespmem:s17], [sflag:$0x2] =	stream.indirect.gather [hbm4b:s6+s15], $0x80, s1, s15, $0xb8;
	[tilespmem:$0x1D000] =	vst v63  }
0xa1: {  	_ =	swait.ge [sflag:s18], $0x4000  }
0xa2: {  	[sflag:s18] =	ssyncset.done $0x0  }
0xa3: {  	[sflag:s18] =	ssyncadd.s32 $0xFFFFC000  }
0xa4: {  	[spmem:s2] =	stream.indirect.scatter.add.f32 [tilespmem:s16], [sflag:$0x3], $0x80, s4, s15, $0xb8;
	[tilespmem:$0x1D000] =	vst v63  }
0xa5: {  	_ =	swait.ge [sflag:s19], $0x4000  }
0xa6: {  	[sflag:s19] =	ssyncset.done $0x0  }
0xa7: {  	[sflag:s19] =	ssyncadd.s32 $0xFFFFC000  }
0xa8: {  	[spmem:s2] =	stream.indirect.scatter.add.f32 [tilespmem:s17], [sflag:$0x4], $0x80, s5, s15, $0xb8;
	[tilespmem:$0x1D000] =	vst v63  }
0xa9: {  	_ =	swait.ge [sflag:s20], $0x4000  }
0xaa: {  	[sflag:s20] =	ssyncset.done $0x0  }
0xab: {  	[sflag:s20] =	ssyncadd.s32 $0xFFFFC000  }
0xac: {  	_ =	swait.ge [sflag:s21], $0x4000  }
0xad: {  	[sflag:s21] =	ssyncset.done $0x0  }
0xae: {  	[sflag:s21] =	ssyncadd.s32 $0xFFFFC000  }
0xaf: {  	[tilespmem:s16], [sflag:$0x1] =	stream.indirect.gather [hbm4b:s6+s15], $0x80, s7, s15, $0xb8;
	[tilespmem:$0x1D000] =	vst v63  }
0xb0: {  	_ = 	snop  }
0xb1: {  	[tilespmem:s17], [sflag:$0x2] =	stream.indirect.gather [hbm4b:s6+s15], $0x80, s8, s15, $0xb8;
	[tilespmem:$0x1D000] =	vst v63  }
0xb2: {  	_ =	swait.ge [sflag:s18], $0x4000  }
0xb3: {  	[sflag:s18] =	ssyncset.done $0x0  }
0xb4: {  	[sflag:s18] =	ssyncadd.s32 $0xFFFFC000  }
0xb5: {  	[spmem:s2] =	stream.indirect.scatter.add.f32 [tilespmem:s16], [sflag:$0x3], $0x80, s9, s15, $0xb8;
	[tilespmem:$0x1D000] =	vst v63  }
0xb6: {  	_ =	swait.ge [sflag:s19], $0x4000  }
0xb7: {  	[sflag:s19] =	ssyncset.done $0x0  }
0xb8: {  	[sflag:s19] =	ssyncadd.s32 $0xFFFFC000  }
0xb9: {  	[spmem:s2] =	stream.indirect.scatter.add.f32 [tilespmem:s17], [sflag:$0x4], $0x80, s10, s15, $0xb8;
	[tilespmem:$0x1D000] =	vst v63  }
0xba: {  	_ =	swait.ge [sflag:s20], $0x4000  }
0xbb: {  	[sflag:s20] =	ssyncset.done $0x0  }
0xbc: {  	[sflag:s20] =	ssyncadd.s32 $0xFFFFC000  }
0xbd: {  	s11 =	simm.s32 $0x100;
	_ =	swait.ge [sflag:s21], $0x4000  }
0xbe: {  	s12 =	simm.s32 $0x200;
	s3 =	rddreg [dreg:$0x5];
	[sflag:s21] =	ssyncset.done $0x0  }
.LBB2_2:
0xbf: {  	s22 =	rddreg [dreg:$0x3]  }
0xc0: {  	[sflag:s21] =	ssyncadd.s32 $0xFFFFC000;
	s23 =	rddreg [dreg:$0x4];
	s22 =	sadd.s32 s11, s22  }
0xc1: {  	[tilespmem:s13], [sflag:$0x5] =	stream.strided.gather [hbm4b:s22+s23], $0x1000, s3, s23, $0x38;
	[tilespmem:$0x1D000] =	vst v63  }
0xc2: {  	_ =	swait.ge [sflag:s14], $0x1000  }
0xc3: {  	[sflag:s14] =	ssyncset.done $0x0  }
0xc4: {  	[sflag:s14] =	ssyncadd.s32 $0xFFFFF000  }
0xc5: {  	[tilespmem:s16], [sflag:$0x1] =	stream.indirect.gather [hbm4b:s6+s15], $0x80, s13, s15, $0xb8;
	[tilespmem:$0x1D000] =	vst v63  }
0xc6: {  	s22 =	rddreg [dreg:$0x6]  }
0xc7: {  	[tilespmem:s17], [sflag:$0x2] =	stream.indirect.gather [hbm4b:s6+s15], $0x80, s22, s15, $0xb8;
	[tilespmem:$0x1D000] =	vst v63  }
0xc8: {  	_ =	swait.ge [sflag:s18], $0x4000  }
0xc9: {  	[sflag:s18] =	ssyncset.done $0x0  }
0xca: {  	s23 =	rddreg [dreg:$0x7];
	[sflag:s18] =	ssyncadd.s32 $0xFFFFC000  }
0xcb: {  	[spmem:s2] =	stream.indirect.scatter.add.f32 [tilespmem:s16], [sflag:$0x3], $0x80, s23, s15, $0xb8;
	[tilespmem:$0x1D000] =	vst v63  }
0xcc: {  	_ =	swait.ge [sflag:s19], $0x4000  }
0xcd: {  	s24 =	smov.u32 s12;
	[sflag:s19] =	ssyncset.done $0x0  }
0xce: {  	s11 =	smov.u32 s24;
	s24 =	rddreg [dreg:$0x8];
	[sflag:s19] =	ssyncadd.s32 $0xFFFFC000  }
0xcf: {  	[spmem:s2] =	stream.indirect.scatter.add.f32 [tilespmem:s17], [sflag:$0x4], $0x80, s24, s15, $0xb8;
	[tilespmem:$0x1D000] =	vst v63  }
0xd0: {  	_ =	swait.ge [sflag:s20], $0x4000  }
0xd1: {  	[sflag:s20] =	ssyncset.done $0x0  }
0xd2: {  	[sflag:s20] =	ssyncadd.s32 $0xFFFFC000  }
0xd3: {  	_ =	swait.ge [sflag:s21], $0x4000  }
0xd4: {  	[sflag:s21] =	ssyncset.done $0x0  }
0xd5: {  	s22 =	rddreg [dreg:$0x9];
	[sflag:s21] =	ssyncadd.s32 $0xFFFFC000  }
0xd6: {  	[tilespmem:s16], [sflag:$0x1] =	stream.indirect.gather [hbm4b:s6+s15], $0x80, s22, s15, $0xb8;
	[tilespmem:$0x1D000] =	vst v63  }
0xd7: {  	s23 =	rddreg [dreg:$0xa]  }
0xd8: {  	[tilespmem:s17], [sflag:$0x2] =	stream.indirect.gather [hbm4b:s6+s15], $0x80, s23, s15, $0xb8;
	[tilespmem:$0x1D000] =	vst v63  }
0xd9: {  	_ =	swait.ge [sflag:s18], $0x4000  }
0xda: {  	[sflag:s18] =	ssyncset.done $0x0  }
0xdb: {  	s24 =	rddreg [dreg:$0xb];
	[sflag:s18] =	ssyncadd.s32 $0xFFFFC000  }
0xdc: {  	[spmem:s2] =	stream.indirect.scatter.add.f32 [tilespmem:s16], [sflag:$0x3], $0x80, s24, s15, $0xb8;
	[tilespmem:$0x1D000] =	vst v63  }
0xdd: {  	_ =	swait.ge [sflag:s19], $0x4000  }
0xde: {  	[sflag:s19] =	ssyncset.done $0x0  }
0xdf: {  	s22 =	rddreg [dreg:$0xc];
	[sflag:s19] =	ssyncadd.s32 $0xFFFFC000  }
0xe0: {  	[spmem:s2] =	stream.indirect.scatter.add.f32 [tilespmem:s17], [sflag:$0x4], $0x80, s22, s15, $0xb8;
	[tilespmem:$0x1D000] =	vst v63  }
0xe1: {  	_ =	swait.ge [sflag:s20], $0x4000  }
0xe2: {  	[sflag:s20] =	ssyncset.done $0x0  }
0xe3: {  	[sflag:s20] =	ssyncadd.s32 $0xFFFFC000  }
0xe4: {  	_ =	swait.ge [sflag:s21], $0x4000  }
0xe5: {  	[sflag:s21] =	ssyncset.done $0x0  }
0xe6: {  	s23 =	rddreg [dreg:$0xd];
	[sflag:s21] =	ssyncadd.s32 $0xFFFFC000  }
0xe7: {  	[tilespmem:s16], [sflag:$0x1] =	stream.indirect.gather [hbm4b:s6+s15], $0x80, s23, s15, $0xb8;
	[tilespmem:$0x1D000] =	vst v63  }
0xe8: {  	s24 =	rddreg [dreg:$0xe]  }
0xe9: {  	[tilespmem:s17], [sflag:$0x2] =	stream.indirect.gather [hbm4b:s6+s15], $0x80, s24, s15, $0xb8;
	[tilespmem:$0x1D000] =	vst v63  }
0xea: {  	_ =	swait.ge [sflag:s18], $0x4000  }
0xeb: {  	[sflag:s18] =	ssyncset.done $0x0  }
0xec: {  	s23 =	rddreg [dreg:$0xf];
	[sflag:s18] =	ssyncadd.s32 $0xFFFFC000  }
0xed: {  	[spmem:s2] =	stream.indirect.scatter.add.f32 [tilespmem:s16], [sflag:$0x3], $0x80, s23, s15, $0xb8;
	[tilespmem:$0x1D000] =	vst v63  }
0xee: {  	_ =	swait.ge [sflag:s19], $0x4000  }
0xef: {  	[sflag:s19] =	ssyncset.done $0x0  }
0xf0: {  	s24 =	rddreg [dreg:$0x10];
	[sflag:s19] =	ssyncadd.s32 $0xFFFFC000  }
0xf1: {  	[spmem:s2] =	stream.indirect.scatter.add.f32 [tilespmem:s17], [sflag:$0x4], $0x80, s24, s15, $0xb8;
	[tilespmem:$0x1D000] =	vst v63  }
0xf2: {  	_ =	swait.ge [sflag:s20], $0x4000  }
0xf3: {  	[sflag:s20] =	ssyncset.done $0x0  }
0xf4: {  	[sflag:s20] =	ssyncadd.s32 $0xFFFFC000  }
0xf5: {  	_ =	swait.ge [sflag:s21], $0x4000  }
0xf6: {  	[sflag:s21] =	ssyncset.done $0x0  }
0xf7: {  	s22 =	rddreg [dreg:$0x11];
	[sflag:s21] =	ssyncadd.s32 $0xFFFFC000  }
0xf8: {  	[tilespmem:s16], [sflag:$0x1] =	stream.indirect.gather [hbm4b:s6+s15], $0x80, s22, s15, $0xb8;
	[tilespmem:$0x1D000] =	vst v63  }
0xf9: {  	s23 =	rddreg [dreg:$0x12]  }
0xfa: {  	[tilespmem:s17], [sflag:$0x2] =	stream.indirect.gather [hbm4b:s6+s15], $0x80, s23, s15, $0xb8;
	[tilespmem:$0x1D000] =	vst v63  }
0xfb: {  	_ =	swait.ge [sflag:s18], $0x4000  }
0xfc: {  	[sflag:s18] =	ssyncset.done $0x0  }
0xfd: {  	s24 =	rddreg [dreg:$0x13];
	[sflag:s18] =	ssyncadd.s32 $0xFFFFC000  }
0xfe: {  	[spmem:s2] =	stream.indirect.scatter.add.f32 [tilespmem:s16], [sflag:$0x3], $0x80, s24, s15, $0xb8;
	[tilespmem:$0x1D000] =	vst v63  }
0xff: {  	_ =	swait.ge [sflag:s19], $0x4000  }
0x100: {  	[sflag:s19] =	ssyncset.done $0x0  }
0x101: {  	s22 =	simm.s32 $0x14B80;
	[sflag:s19] =	ssyncadd.s32 $0xFFFFC000  }
0x102: {  	[spmem:s2] =	stream.indirect.scatter.add.f32 [tilespmem:s17], [sflag:$0x4], $0x80, s22, s15, $0xb8;
	[tilespmem:$0x1D000] =	vst v63  }
0x103: {  	_ =	swait.ge [sflag:s20], $0x4000  }
0x104: {  	[sflag:s20] =	ssyncset.done $0x0  }
0x105: {  	[sflag:s20] =	ssyncadd.s32 $0xFFFFC000  }
0x106: {  	_ =	swait.ge [sflag:s21], $0x4000  }
0x107: {  	[sflag:s21] =	ssyncset.done $0x0  }
0x108: {  	s23 =	simm.s32 $0x14400;
	[sflag:s21] =	ssyncadd.s32 $0xFFFFC000  }
0x109: {  	[tilespmem:s16], [sflag:$0x1] =	stream.indirect.gather [hbm4b:s6+s15], $0x80, s23, s15, $0xb8;
	[tilespmem:$0x1D000] =	vst v63  }
0x10a: {  	s24 =	simm.s32 $0x14480  }
0x10b: {  	[tilespmem:s17], [sflag:$0x2] =	stream.indirect.gather [hbm4b:s6+s15], $0x80, s24, s15, $0xb8;
	[tilespmem:$0x1D000] =	vst v63  }
0x10c: {  	_ =	swait.ge [sflag:s18], $0x4000  }
0x10d: {  	[sflag:s18] =	ssyncset.done $0x0  }
0x10e: {  	[sflag:s18] =	ssyncadd.s32 $0xFFFFC000  }
0x10f: {  	[spmem:s2] =	stream.indirect.scatter.add.f32 [tilespmem:s16], [sflag:$0x3], $0x80, s25, s15, $0xb8;
	[tilespmem:$0x1D000] =	vst v63  }
0x110: {  	_ =	swait.ge [sflag:s19], $0x4000  }
0x111: {  	[sflag:s19] =	ssyncset.done $0x0  }
0x112: {  	[sflag:s19] =	ssyncadd.s32 $0xFFFFC000  }
0x113: {  	[spmem:s2] =	stream.indirect.scatter.add.f32 [tilespmem:s17], [sflag:$0x4], $0x80, s26, s15, $0xb8;
	[tilespmem:$0x1D000] =	vst v63  }
0x114: {  	_ =	swait.ge [sflag:s20], $0x4000  }
0x115: {  	[sflag:s20] =	ssyncset.done $0x0  }
0x116: {  	[sflag:s20] =	ssyncadd.s32 $0xFFFFC000  }
0x117: {  	_ =	swait.ge [sflag:s21], $0x4000  }
0x118: {  	[sflag:s21] =	ssyncset.done $0x0  }
0x119: {  	[sflag:s21] =	ssyncadd.s32 $0xFFFFC000  }
0x11a: {  	[tilespmem:s16], [sflag:$0x1] =	stream.indirect.gather [hbm4b:s6+s15], $0x80, s28, s15, $0xb8;
	[tilespmem:$0x1D000] =	vst v63  }
0x11b: {  	_ = 	snop  }
0x11c: {  	[tilespmem:s17], [sflag:$0x2] =	stream.indirect.gather [hbm4b:s6+s15], $0x80, s29, s15, $0xb8;
	[tilespmem:$0x1D000] =	vst v63  }
0x11d: {  	_ =	swait.ge [sflag:s18], $0x4000  }
0x11e: {  	[sflag:s18] =	ssyncset.done $0x0  }
0x11f: {  	[sflag:s18] =	ssyncadd.s32 $0xFFFFC000  }
0x120: {  	[spmem:s2] =	stream.indirect.scatter.add.f32 [tilespmem:s16], [sflag:$0x3], $0x80, s30, s15, $0xb8;
	[tilespmem:$0x1D000] =	vst v63  }
0x121: {  	_ =	swait.ge [sflag:s19], $0x4000  }
0x122: {  	[sflag:s19] =	ssyncset.done $0x0  }
0x123: {  	[sflag:s19] =	ssyncadd.s32 $0xFFFFC000  }
0x124: {  	[spmem:s2] =	stream.indirect.scatter.add.f32 [tilespmem:s17], [sflag:$0x4], $0x80, s31, s15, $0xb8;
	[tilespmem:$0x1D000] =	vst v63  }
0x125: {  	_ =	swait.ge [sflag:s20], $0x4000  }
0x126: {  	[sflag:s20] =	ssyncset.done $0x0  }
0x127: {  	[sflag:s20] =	ssyncadd.s32 $0xFFFFC000  }
0x128: {  	_ =	swait.ge [sflag:s21], $0x4000  }
0x129: {  	[sflag:s21] =	ssyncset.done $0x0  }
0x12a: {  	[sflag:s21] =	ssyncadd.s32 $0xFFFFC000  }
0x12b: {  	[tilespmem:s16], [sflag:$0x1] =	stream.indirect.gather [hbm4b:s6+s15], $0x80, s0, s15, $0xb8;
	[tilespmem:$0x1D000] =	vst v63  }
0x12c: {  	_ = 	snop  }
0x12d: {  	[tilespmem:s17], [sflag:$0x2] =	stream.indirect.gather [hbm4b:s6+s15], $0x80, s1, s15, $0xb8;
	[tilespmem:$0x1D000] =	vst v63  }
0x12e: {  	_ =	swait.ge [sflag:s18], $0x4000  }
0x12f: {  	[sflag:s18] =	ssyncset.done $0x0  }
0x130: {  	[sflag:s18] =	ssyncadd.s32 $0xFFFFC000  }
0x131: {  	[spmem:s2] =	stream.indirect.scatter.add.f32 [tilespmem:s16], [sflag:$0x3], $0x80, s4, s15, $0xb8;
	[tilespmem:$0x1D000] =	vst v63  }
0x132: {  	_ =	swait.ge [sflag:s19], $0x4000  }
0x133: {  	[sflag:s19] =	ssyncset.done $0x0  }
0x134: {  	[sflag:s19] =	ssyncadd.s32 $0xFFFFC000  }
0x135: {  	[spmem:s2] =	stream.indirect.scatter.add.f32 [tilespmem:s17], [sflag:$0x4], $0x80, s5, s15, $0xb8;
	[tilespmem:$0x1D000] =	vst v63  }
0x136: {  	_ =	swait.ge [sflag:s20], $0x4000  }
0x137: {  	[sflag:s20] =	ssyncset.done $0x0  }
0x138: {  	[sflag:s20] =	ssyncadd.s32 $0xFFFFC000  }
0x139: {  	_ =	swait.ge [sflag:s21], $0x4000  }
0x13a: {  	[sflag:s21] =	ssyncset.done $0x0  }
0x13b: {  	[sflag:s21] =	ssyncadd.s32 $0xFFFFC000  }
0x13c: {  	[tilespmem:s16], [sflag:$0x1] =	stream.indirect.gather [hbm4b:s6+s15], $0x80, s7, s15, $0xb8;
	[tilespmem:$0x1D000] =	vst v63  }
0x13d: {  	_ = 	snop  }
0x13e: {  	[tilespmem:s17], [sflag:$0x2] =	stream.indirect.gather [hbm4b:s6+s15], $0x80, s8, s15, $0xb8;
	[tilespmem:$0x1D000] =	vst v63  }
0x13f: {  	_ =	swait.ge [sflag:s18], $0x4000  }
0x140: {  	[sflag:s18] =	ssyncset.done $0x0  }
0x141: {  	[sflag:s18] =	ssyncadd.s32 $0xFFFFC000  }
0x142: {  	[spmem:s2] =	stream.indirect.scatter.add.f32 [tilespmem:s16], [sflag:$0x3], $0x80, s9, s15, $0xb8;
	[tilespmem:$0x1D000] =	vst v63  }
0x143: {  	_ =	swait.ge [sflag:s19], $0x4000  }
0x144: {  	[sflag:s19] =	ssyncset.done $0x0  }
0x145: {  	p1 =	sne.s32 s12, $0x900;
	[sflag:s19] =	ssyncadd.s32 $0xFFFFC000  }
0x146: {  	[spmem:s2] =	stream.indirect.scatter.add.f32 [tilespmem:s17], [sflag:$0x4], $0x80, s10, s15, $0xb8;
	[tilespmem:$0x1D000] =	vst v63  }
.Ltmp0:
0x147: {  	_ =	swait.ge [sflag:s20], $0x4000;
	(pc) =	sbr.rel @p1 .LBB2_2-.Ltmp0, $4  }
0x148: {  	[sflag:s20] =	ssyncset.done $0x0  }
0x149: {  	[sflag:s20] =	ssyncadd.s32 $0xFFFFC000  }
0x14a: {  	_ =	swait.ge [sflag:s21], $0x4000  }
0x14b: {  	s12 =	sadd.s32 $0x100, s12;
	s3 =	rddreg [dreg:$0x5];
	[sflag:s21] =	ssyncset.done $0x0  }
0x14c: {  	s12 =	rddreg [dreg:$0x3]  }
0x14d: {  	s22 =	rddreg [dreg:$0x4];
	[sflag:s21] =	ssyncadd.s32 $0xFFFFC000;
	s11 =	sadd.s32 s11, s12  }
0x14e: {  	[tilespmem:s13], [sflag:$0x5] =	stream.strided.gather [hbm4b:s11+s22], $0x1000, s3, s22, $0x38;
	[tilespmem:$0x1D000] =	vst v63  }
0x14f: {  	_ =	swait.ge [sflag:s14], $0x1000  }
0x150: {  	[sflag:s14] =	ssyncset.done $0x0  }
0x151: {  	[sflag:s14] =	ssyncadd.s32 $0xFFFFF000  }
0x152: {  	[tilespmem:s16], [sflag:$0x1] =	stream.indirect.gather [hbm4b:s6+s15], $0x80, s13, s15, $0xb8;
	[tilespmem:$0x1D000] =	vst v63  }
0x153: {  	s11 =	rddreg [dreg:$0x6]  }
0x154: {  	[tilespmem:s17], [sflag:$0x2] =	stream.indirect.gather [hbm4b:s6+s15], $0x80, s11, s15, $0xb8;
	[tilespmem:$0x1D000] =	vst v63  }
0x155: {  	_ =	swait.ge [sflag:s18], $0x4000  }
0x156: {  	[sflag:s18] =	ssyncset.done $0x0  }
0x157: {  	s12 =	rddreg [dreg:$0x7];
	[sflag:s18] =	ssyncadd.s32 $0xFFFFC000  }
0x158: {  	[spmem:s2] =	stream.indirect.scatter.add.f32 [tilespmem:s16], [sflag:$0x3], $0x80, s12, s15, $0xb8;
	[tilespmem:$0x1D000] =	vst v63  }
0x159: {  	_ =	swait.ge [sflag:s19], $0x4000  }
0x15a: {  	[sflag:s19] =	ssyncset.done $0x0  }
0x15b: {  	s22 =	rddreg [dreg:$0x8];
	[sflag:s19] =	ssyncadd.s32 $0xFFFFC000  }
0x15c: {  	[spmem:s2] =	stream.indirect.scatter.add.f32 [tilespmem:s17], [sflag:$0x4], $0x80, s22, s15, $0xb8;
	[tilespmem:$0x1D000] =	vst v63  }
0x15d: {  	_ =	swait.ge [sflag:s20], $0x4000  }
0x15e: {  	[sflag:s20] =	ssyncset.done $0x0  }
0x15f: {  	[sflag:s20] =	ssyncadd.s32 $0xFFFFC000  }
0x160: {  	_ =	swait.ge [sflag:s21], $0x4000  }
0x161: {  	[sflag:s21] =	ssyncset.done $0x0  }
0x162: {  	s23 =	rddreg [dreg:$0x9];
	[sflag:s21] =	ssyncadd.s32 $0xFFFFC000  }
0x163: {  	[tilespmem:s16], [sflag:$0x1] =	stream.indirect.gather [hbm4b:s6+s15], $0x80, s23, s15, $0xb8;
	[tilespmem:$0x1D000] =	vst v63  }
0x164: {  	s24 =	rddreg [dreg:$0xa]  }
0x165: {  	[tilespmem:s17], [sflag:$0x2] =	stream.indirect.gather [hbm4b:s6+s15], $0x80, s24, s15, $0xb8;
	[tilespmem:$0x1D000] =	vst v63  }
0x166: {  	_ =	swait.ge [sflag:s18], $0x4000  }
0x167: {  	[sflag:s18] =	ssyncset.done $0x0  }
0x168: {  	s12 =	rddreg [dreg:$0xb];
	[sflag:s18] =	ssyncadd.s32 $0xFFFFC000  }
0x169: {  	[spmem:s2] =	stream.indirect.scatter.add.f32 [tilespmem:s16], [sflag:$0x3], $0x80, s12, s15, $0xb8;
	[tilespmem:$0x1D000] =	vst v63  }
0x16a: {  	_ =	swait.ge [sflag:s19], $0x4000  }
0x16b: {  	[sflag:s19] =	ssyncset.done $0x0  }
0x16c: {  	s22 =	rddreg [dreg:$0xc];
	[sflag:s19] =	ssyncadd.s32 $0xFFFFC000  }
0x16d: {  	[spmem:s2] =	stream.indirect.scatter.add.f32 [tilespmem:s17], [sflag:$0x4], $0x80, s22, s15, $0xb8;
	[tilespmem:$0x1D000] =	vst v63  }
0x16e: {  	_ =	swait.ge [sflag:s20], $0x4000  }
0x16f: {  	[sflag:s20] =	ssyncset.done $0x0  }
0x170: {  	[sflag:s20] =	ssyncadd.s32 $0xFFFFC000  }
0x171: {  	_ =	swait.ge [sflag:s21], $0x4000  }
0x172: {  	[sflag:s21] =	ssyncset.done $0x0  }
0x173: {  	s23 =	rddreg [dreg:$0xd];
	[sflag:s21] =	ssyncadd.s32 $0xFFFFC000  }
0x174: {  	[tilespmem:s16], [sflag:$0x1] =	stream.indirect.gather [hbm4b:s6+s15], $0x80, s23, s15, $0xb8;
	[tilespmem:$0x1D000] =	vst v63  }
0x175: {  	s24 =	rddreg [dreg:$0xe]  }
0x176: {  	[tilespmem:s17], [sflag:$0x2] =	stream.indirect.gather [hbm4b:s6+s15], $0x80, s24, s15, $0xb8;
	[tilespmem:$0x1D000] =	vst v63  }
0x177: {  	_ =	swait.ge [sflag:s18], $0x4000  }
0x178: {  	[sflag:s18] =	ssyncset.done $0x0  }
0x179: {  	s12 =	rddreg [dreg:$0xf];
	[sflag:s18] =	ssyncadd.s32 $0xFFFFC000  }
0x17a: {  	[spmem:s2] =	stream.indirect.scatter.add.f32 [tilespmem:s16], [sflag:$0x3], $0x80, s12, s15, $0xb8;
	[tilespmem:$0x1D000] =	vst v63  }
0x17b: {  	_ =	swait.ge [sflag:s19], $0x4000  }
0x17c: {  	[sflag:s19] =	ssyncset.done $0x0  }
0x17d: {  	s22 =	rddreg [dreg:$0x10];
	[sflag:s19] =	ssyncadd.s32 $0xFFFFC000  }
0x17e: {  	[spmem:s2] =	stream.indirect.scatter.add.f32 [tilespmem:s17], [sflag:$0x4], $0x80, s22, s15, $0xb8;
	[tilespmem:$0x1D000] =	vst v63  }
0x17f: {  	_ =	swait.ge [sflag:s20], $0x4000  }
0x180: {  	[sflag:s20] =	ssyncset.done $0x0  }
0x181: {  	[sflag:s20] =	ssyncadd.s32 $0xFFFFC000  }
0x182: {  	_ =	swait.ge [sflag:s21], $0x4000  }
0x183: {  	[sflag:s21] =	ssyncset.done $0x0  }
0x184: {  	s23 =	rddreg [dreg:$0x11];
	[sflag:s21] =	ssyncadd.s32 $0xFFFFC000  }
0x185: {  	[tilespmem:s16], [sflag:$0x1] =	stream.indirect.gather [hbm4b:s6+s15], $0x80, s23, s15, $0xb8;
	[tilespmem:$0x1D000] =	vst v63  }
0x186: {  	s24 =	rddreg [dreg:$0x12]  }
0x187: {  	[tilespmem:s17], [sflag:$0x2] =	stream.indirect.gather [hbm4b:s6+s15], $0x80, s24, s15, $0xb8;
	[tilespmem:$0x1D000] =	vst v63  }
0x188: {  	_ =	swait.ge [sflag:s18], $0x4000  }
0x189: {  	[sflag:s18] =	ssyncset.done $0x0  }
0x18a: {  	s12 =	rddreg [dreg:$0x13];
	[sflag:s18] =	ssyncadd.s32 $0xFFFFC000  }
0x18b: {  	[spmem:s2] =	stream.indirect.scatter.add.f32 [tilespmem:s16], [sflag:$0x3], $0x80, s12, s15, $0xb8;
	[tilespmem:$0x1D000] =	vst v63  }
0x18c: {  	_ =	swait.ge [sflag:s19], $0x4000  }
0x18d: {  	[sflag:s19] =	ssyncset.done $0x0  }
0x18e: {  	s22 =	simm.s32 $0x14B80;
	[sflag:s19] =	ssyncadd.s32 $0xFFFFC000  }
0x18f: {  	[spmem:s2] =	stream.indirect.scatter.add.f32 [tilespmem:s17], [sflag:$0x4], $0x80, s22, s15, $0xb8;
	[tilespmem:$0x1D000] =	vst v63  }
0x190: {  	_ =	swait.ge [sflag:s20], $0x4000  }
0x191: {  	[sflag:s20] =	ssyncset.done $0x0  }
0x192: {  	[sflag:s20] =	ssyncadd.s32 $0xFFFFC000  }
0x193: {  	_ =	swait.ge [sflag:s21], $0x4000  }
0x194: {  	[sflag:s21] =	ssyncset.done $0x0  }
0x195: {  	s23 =	simm.s32 $0x14400;
	[sflag:s21] =	ssyncadd.s32 $0xFFFFC000  }
0x196: {  	[tilespmem:s16], [sflag:$0x1] =	stream.indirect.gather [hbm4b:s6+s15], $0x80, s23, s15, $0xb8;
	[tilespmem:$0x1D000] =	vst v63  }
0x197: {  	s24 =	simm.s32 $0x14480  }
0x198: {  	[tilespmem:s17], [sflag:$0x2] =	stream.indirect.gather [hbm4b:s6+s15], $0x80, s24, s15, $0xb8;
	[tilespmem:$0x1D000] =	vst v63  }
0x199: {  	_ =	swait.ge [sflag:s18], $0x4000  }
0x19a: {  	[sflag:s18] =	ssyncset.done $0x0  }
0x19b: {  	[sflag:s18] =	ssyncadd.s32 $0xFFFFC000  }
0x19c: {  	[spmem:s2] =	stream.indirect.scatter.add.f32 [tilespmem:s16], [sflag:$0x3], $0x80, s25, s15, $0xb8;
	[tilespmem:$0x1D000] =	vst v63  }
0x19d: {  	_ =	swait.ge [sflag:s19], $0x4000  }
0x19e: {  	[sflag:s19] =	ssyncset.done $0x0  }
0x19f: {  	[sflag:s19] =	ssyncadd.s32 $0xFFFFC000  }
0x1a0: {  	[spmem:s2] =	stream.indirect.scatter.add.f32 [tilespmem:s17], [sflag:$0x4], $0x80, s26, s15, $0xb8;
	[tilespmem:$0x1D000] =	vst v63  }
0x1a1: {  	_ =	swait.ge [sflag:s20], $0x4000  }
0x1a2: {  	[sflag:s20] =	ssyncset.done $0x0  }
0x1a3: {  	[sflag:s20] =	ssyncadd.s32 $0xFFFFC000  }
0x1a4: {  	_ =	swait.ge [sflag:s21], $0x4000  }
0x1a5: {  	[sflag:s21] =	ssyncset.done $0x0  }
0x1a6: {  	[sflag:s21] =	ssyncadd.s32 $0xFFFFC000  }
0x1a7: {  	[tilespmem:s16], [sflag:$0x1] =	stream.indirect.gather [hbm4b:s6+s15], $0x80, s28, s15, $0xb8;
	[tilespmem:$0x1D000] =	vst v63  }
0x1a8: {  	_ = 	snop  }
0x1a9: {  	[tilespmem:s17], [sflag:$0x2] =	stream.indirect.gather [hbm4b:s6+s15], $0x80, s29, s15, $0xb8;
	[tilespmem:$0x1D000] =	vst v63  }
0x1aa: {  	_ =	swait.ge [sflag:s18], $0x4000  }
0x1ab: {  	[sflag:s18] =	ssyncset.done $0x0  }
0x1ac: {  	[sflag:s18] =	ssyncadd.s32 $0xFFFFC000  }
0x1ad: {  	[spmem:s2] =	stream.indirect.scatter.add.f32 [tilespmem:s16], [sflag:$0x3], $0x80, s30, s15, $0xb8;
	[tilespmem:$0x1D000] =	vst v63  }
0x1ae: {  	_ =	swait.ge [sflag:s19], $0x4000  }
0x1af: {  	[sflag:s19] =	ssyncset.done $0x0  }
0x1b0: {  	[sflag:s19] =	ssyncadd.s32 $0xFFFFC000  }
0x1b1: {  	[spmem:s2] =	stream.indirect.scatter.add.f32 [tilespmem:s17], [sflag:$0x4], $0x80, s31, s15, $0xb8;
	[tilespmem:$0x1D000] =	vst v63  }
0x1b2: {  	_ =	swait.ge [sflag:s20], $0x4000  }
0x1b3: {  	[sflag:s20] =	ssyncset.done $0x0  }
0x1b4: {  	[sflag:s20] =	ssyncadd.s32 $0xFFFFC000  }
0x1b5: {  	_ =	swait.ge [sflag:s21], $0x4000  }
0x1b6: {  	[sflag:s21] =	ssyncset.done $0x0  }
0x1b7: {  	[sflag:s21] =	ssyncadd.s32 $0xFFFFC000  }
0x1b8: {  	[tilespmem:s16], [sflag:$0x1] =	stream.indirect.gather [hbm4b:s6+s15], $0x80, s0, s15, $0xb8;
	[tilespmem:$0x1D000] =	vst v63  }
0x1b9: {  	_ = 	snop  }
0x1ba: {  	[tilespmem:s17], [sflag:$0x2] =	stream.indirect.gather [hbm4b:s6+s15], $0x80, s1, s15, $0xb8;
	[tilespmem:$0x1D000] =	vst v63  }
0x1bb: {  	_ =	swait.ge [sflag:s18], $0x4000  }
0x1bc: {  	[sflag:s18] =	ssyncset.done $0x0  }
0x1bd: {  	[sflag:s18] =	ssyncadd.s32 $0xFFFFC000  }
0x1be: {  	[spmem:s2] =	stream.indirect.scatter.add.f32 [tilespmem:s16], [sflag:$0x3], $0x80, s4, s15, $0xb8;
	[tilespmem:$0x1D000] =	vst v63  }
0x1bf: {  	_ =	swait.ge [sflag:s19], $0x4000  }
0x1c0: {  	[sflag:s19] =	ssyncset.done $0x0  }
0x1c1: {  	[sflag:s19] =	ssyncadd.s32 $0xFFFFC000  }
0x1c2: {  	[spmem:s2] =	stream.indirect.scatter.add.f32 [tilespmem:s17], [sflag:$0x4], $0x80, s5, s15, $0xb8;
	[tilespmem:$0x1D000] =	vst v63  }
0x1c3: {  	_ =	swait.ge [sflag:s20], $0x4000  }
0x1c4: {  	[sflag:s20] =	ssyncset.done $0x0  }
0x1c5: {  	[sflag:s20] =	ssyncadd.s32 $0xFFFFC000  }
0x1c6: {  	_ =	swait.ge [sflag:s21], $0x4000  }
0x1c7: {  	[sflag:s21] =	ssyncset.done $0x0  }
0x1c8: {  	[sflag:s21] =	ssyncadd.s32 $0xFFFFC000  }
0x1c9: {  	[tilespmem:s16], [sflag:$0x1] =	stream.indirect.gather [hbm4b:s6+s15], $0x80, s7, s15, $0xb8;
	[tilespmem:$0x1D000] =	vst v63  }
0x1ca: {  	_ = 	snop  }
0x1cb: {  	[tilespmem:s17], [sflag:$0x2] =	stream.indirect.gather [hbm4b:s6+s15], $0x80, s8, s15, $0xb8;
	[tilespmem:$0x1D000] =	vst v63  }
0x1cc: {  	_ =	swait.ge [sflag:s18], $0x4000  }
0x1cd: {  	[sflag:s18] =	ssyncset.done $0x0  }
0x1ce: {  	[sflag:s18] =	ssyncadd.s32 $0xFFFFC000  }
0x1cf: {  	[spmem:s2] =	stream.indirect.scatter.add.f32 [tilespmem:s16], [sflag:$0x3], $0x80, s9, s15, $0xb8;
	[tilespmem:$0x1D000] =	vst v63  }
0x1d0: {  	_ =	swait.ge [sflag:s19], $0x4000  }
0x1d1: {  	[sflag:s19] =	ssyncset.done $0x0  }
0x1d2: {  	[sflag:s19] =	ssyncadd.s32 $0xFFFFC000  }
0x1d3: {  	[spmem:s2] =	stream.indirect.scatter.add.f32 [tilespmem:s17], [sflag:$0x4], $0x80, s10, s15, $0xb8;
	[tilespmem:$0x1D000] =	vst v63  }
0x1d4: {  	_ =	swait.ge [sflag:s20], $0x4000  }
0x1d5: {  	[sflag:s20] =	ssyncset.done $0x0  }
0x1d6: {  	[sflag:s20] =	ssyncadd.s32 $0xFFFFC000  }
0x1d7: {  	_ =	swait.ge [sflag:s21], $0x4000  }
0x1d8: {  	[sflag:s21] =	ssyncset.done $0x0  }
0x1d9: {  	[sflag:s21] =	ssyncadd.s32 $0xFFFFC000  }
0x1da: {  	[bflag:$0x0] =	sbarrier.arrive $0xFFFF  }
0x1db: {  	s11 =	rddreg [dreg:$0x18]  }
0x1dc: {  	s3 =	simm.s32 @p0 $0x1FC5;
	s22 =	rddreg [dreg:$0x1a]  }
0x1dd: {  	[hbm:s11], [sflag:s3] =	dma.local @p0 [spmem:s22], $0x1900  }
0x1de: {  	s3 =	simm.s32 @p0 $0x5  }
0x1df: {  	_ =	swait.ge @p0 [sflag:s3], $0x1900  }
0x1e0: {  	s23 =	rddreg [dreg:$0x1b]  }
0x1e1: {  	[sflag:s3] =	ssyncset.done @p0 $0x0;
	s24 =	rddreg [dreg:$0x1c]  }
0x1e2: {  	[sflag:s3] =	ssyncadd.s32 @p0 $0xFFFFE700;
	s3 =	rddreg [dreg:$0x17]  }
0x1e3: {  	[hbm:s3], [sflag:s23] =	dma.local @!p0 [spmem:s24], $0x2800  }
0x1e4: {  	s3 =	simm.s32 @!p0 $0x5  }
0x1e5: {  	_ =	swait.ge @!p0 [sflag:s3], $0x2800  }
0x1e6: {  	s11 =	rddreg [dreg:$0x14]  }
0x1e7: {  	s12 =	sadd.s32 $0x1, s11;
	s11 =	rddreg [dreg:$0x19]  }
0x1e8: {  	p1 =	sne.s32 s12, s11  }
.Ltmp1:
0x1e9: {  	_ = 	snop;
	(pc) =	sbr.rel @p1 .LBB2_1-.Ltmp1, $3  }
0x1ea: {  	_ =	sdelay $0x1  }
0x1eb: {  	[sflag:s3] =	ssyncset.done @!p0 $0x0  }
0x1ec: {  	[sflag:s3] =	ssyncadd.s32 @!p0 $0xFFFFD800  }
0x1ed: {  	_ =	sfence.sel $0x180000  }
0x1ee: {  	[bflag:$0x0] =	sbarrier.arrive $0xFFFF  }
0x1ef: {  	_ =	strace $0x9000004A  }
0x1f0: {  	s0 =	stileid.u32;
	[bflag:$0x2] =	sbarrier.arrive $0xFFFF  }
0x1f1: {  	p0 =	sne.s32 s0, $0x0;
	s0 =	rddreg [dreg:$0x2]  }
0x1f2: {  	s0 =	sadd.s32 @!p0 $0x100000, s0  }
0x1f3: {  	[sflag:s0] =	ssyncadd.tile.s32 @!p0 $0x1;
	_ =	shalt  }
.Lfunc_end2:
_tile_overlayer_lowered:
.L_overlay_start_2:
0x1f4: {  	(tag) =	ssettag $0x2  }
0x1f5: {  	s0 =	rddreg [dreg:$0x0];
	s2 =	stileid.u32  }
0x1f6: {  	s1 =	rddreg [dreg:$0x1];
	p0 =	sne.s32 s2, $0x0  }
0x1f7: {  	s3 =	rddreg [dreg:$0x2];
	[bflag:$0x3] =	sbarrier.arrive $0xFFFF;
	s2 =	simm.s32 @!p0 $0x1C05  }
0x1f8: {  	[timem:s3], [sflag:s2] =	dma.local @!p0 [hbm:s0], s1  }
0x1f9: {  	s0 =	simm.s32 @!p0 $0x5  }
0x1fa: {  	_ =	swait.ge @!p0 [sflag:s0], s1  }
0x1fb: {  	s1 =	ssub.s32 @!p0 $0x0, s1;
	[sflag:s0] =	ssyncset.done @!p0 $0x0  }
0x1fc: {  	[sflag:s0] =	ssyncadd.s32 @!p0 s1  }
0x1fd: {  	[bflag:$0x3] =	sbarrier.arrive $0xFFFF  }
0x1fe: {  	_ =	shalt  }

// kernel: kernel.7.cloned.1.call-start
scs
__scs_entry_jumppad:
0x0: {  	(pc) =	sbr.rel $0x88, $3  }
0x1: {  	(tag) =	ssettag $0x0;
	lr =	simm.s32 $0x1  }
0x2: {  	[smem:$0x3F99] =	sst lr;
	_ =	strace $0xD0000000  }
0x3: {  	_ = 	snop  }
0x4: {  	_ = 	snop  }
0x5: {  	_ = 	snop  }
0x6: {  	_ = 	snop  }
0x7: {  	_ = 	snop  }
__scs_overlays_trampoline_lowered:
0x8: {  	[smem:$0x3FA8] =	sst s0  }
0x9: {  	[smem:$0x3FA9] =	sst s1  }
0xa: {  	[smem:$0x3FAA] =	sst s2  }
0xb: {  	[smem:$0x3FAB] =	sst s3  }
0xc: {  	[smem:$0x3FAC] =	sst s4  }
0xd: {  	[smem:$0x3FAD] =	sst s5  }
0xe: {  	[smem:$0x3FAE] =	sst s6  }
0xf: {  	[smem:$0x3FAF] =	sst s7  }
0x10: {  	[smem:$0x3FB0] =	sst s8  }
0x11: {  	[smem:$0x3FB1] =	sst s9;
	s0 =	simm.s32 @!p0 $0x0  }
0x12: {  	s1 =	sld [smem:$0x3F97];
	s0 =	simm.s32 @p0 $0x1  }
0x13: {  	[smem:$0x3FB2] =	sst s0;
	s0 =	simm.s32 @!p1 $0x0  }
0x14: {  	s2 =	sld [smem:$0x3F96];
	s0 =	simm.s32 @p1 $0x1  }
0x15: {  	[smem:$0x3FB3] =	sst s0;
	s0 =	simm.s32 @!p2 $0x0  }
0x16: {  	s3 =	sld [smem:$0x3FDB];
	s0 =	simm.s32 @p2 $0x1  }
0x17: {  	s4 =	simm.s32 $0x1BF5;
	[smem:$0x3FB5] =	sst s0  }
0x18: {  	s0 =	sld [smem:$0x3F98];
	_ =	swait.ge [sflag:s4], $0x0  }
0x19: {  	s7 =	sld [smem:$0x3F99]  }
0x1a: {  	s8 =	sadd.s32 $0xFFFFE003, lr  }
0x1b: {  	s9 =	sadd.s32 $0xFFFFFEF7, lr;
	s5 =	simm.s32 $0xFFFFFFFF;
	p2 =	slt.u32 s8, $0xFFFFF086  }
0x1c: {  	p1 =	slt.u32 s9, $0xF7A;
	s5 =	simm.s32 @!p2 $0x0  }
0x1d: {  	s5 =	simm.s32 @p1 $0x1;
	p0 =	seq.s32 s7, s2  }
0x1e: {  	s7 =	smul.u32 @!p0 $0xF7A, s2;
	p2 =	seq.s32 @!p0 s5, $0x0  }
0x1f: {  	s9 =	smul.u32 $0xF7A, s1;
	s8 =	simm.s32 @!p0 $0x1BF5;
	p2 =	por !p2, p0  }
0x20: {  	[sflag:s8] =	ssyncset.s32 @!p0 $0xFFFFF086;
	s6 =	sadd.s32 @!p0 s3, s7;
	s7 =	simm.s32 @!p0 $0x108  }
0x21: {  	s3 =	sadd.s32 s3, s9;
	s6 =	sadd.s32 @!p0 $0x88, s6;
	s7 =	simm.s32 @p2 $0x1082  }
0x22: {  	[simem:s7], [sflag:s8] =	dma.local @!p0 [hbm:s6], $0xF7A  }
0x23: {  	s9 =	sor.u32 $0xD0000000, s2;
	s6 =	simm.s32 $0x108;
	_ =	swait.ge @!p0 [sflag:s8], $0x0  }
0x24: {  	s3 =	sadd.s32 $0x88, s3;
	s6 =	simm.s32 @!p1 $0x1082;
	[sflag:s4] =	ssyncset.s32 $0xFFFFF086  }
0x25: {  	[simem:s6], [sflag:s4] =	dma.local [hbm:s3], $0xF7A  }
0x26: {  	[smem:$0x3F99] =	sst s1;
	(tag) =	ssettag s2;
	_ =	strace s9  }
0x27: {  	s1 =	sld [smem:$0x3FA9]  }
0x28: {  	s2 =	sld [smem:$0x3FAA]  }
0x29: {  	s4 =	sld [smem:$0x3FAC]  }
0x2a: {  	p0 =	seq.s32 s5, $0x0;
	s5 =	sld [smem:$0x3FAD]  }
0x2b: {  	s6 =	sld [smem:$0x3FAE]  }
0x2c: {  	s7 =	sld [smem:$0x3FAF]  }
0x2d: {  	s3 =	simm.s32 $0x108;
	s8 =	sld [smem:$0x3FB0]  }
0x2e: {  	s3 =	simm.s32 @!p0 $0x1082;
	s9 =	sld [smem:$0x3FB1]  }
0x2f: {  	lr =	sadd.s32 s0, s3;
	s0 =	sld [smem:$0x3FA8]  }
0x30: {  	s3 =	sld [smem:$0x3FAB]  }
0x31: {  	[smem:$0x3FB4] =	sst s10  }
0x32: {  	s10 =	sld [smem:$0x3FB2];
	_ =	sdelay $0x3  }
0x33: {  	p0 =	seq.s32 s10, $0x1;
	s10 =	sld [smem:$0x3FB4];
	_ =	sdelay $0x3  }
0x34: {  	[smem:$0x3FB4] =	sst s10  }
0x35: {  	s10 =	sld [smem:$0x3FB3];
	_ =	sdelay $0x3  }
0x36: {  	p1 =	seq.s32 s10, $0x1;
	s10 =	sld [smem:$0x3FB4];
	_ =	sdelay $0x3  }
0x37: {  	[smem:$0x3FB4] =	sst s10  }
0x38: {  	s10 =	sld [smem:$0x3FB5]  }
0x39: {  	_ = 	snop;
	(pc) =	sbr.ind lr, $3  }
0x3a: {  	_ = 	snop  }
0x3b: {  	_ = 	snop  }
0x3c: {  	p2 =	seq.s32 s10, $0x1;
	s10 =	sld [smem:$0x3FB4]  }
0x3d: {  	_ =	shalt  }
0x3e: {  	_ =	shalt  }
0x3f: {  	_ =	shalt  }
0x40: {  	_ =	shalt  }
0x41: {  	_ =	shalt  }
0x42: {  	_ =	shalt  }
0x43: {  	_ =	shalt  }
0x44: {  	_ =	shalt  }
0x45: {  	_ =	shalt  }
0x46: {  	_ =	shalt  }
0x47: {  	_ =	shalt  }
0x48: {  	_ =	shalt  }
0x49: {  	_ =	shalt  }
0x4a: {  	_ =	shalt  }
0x4b: {  	_ =	shalt  }
0x4c: {  	_ =	shalt  }
0x4d: {  	_ =	shalt  }
0x4e: {  	_ =	shalt  }
0x4f: {  	_ =	shalt  }
0x50: {  	_ =	shalt  }
0x51: {  	_ =	shalt  }
0x52: {  	_ =	shalt  }
0x53: {  	_ =	shalt  }
0x54: {  	_ =	shalt  }
0x55: {  	_ =	shalt  }
0x56: {  	_ =	shalt  }
0x57: {  	_ =	shalt  }
0x58: {  	_ =	shalt  }
0x59: {  	_ =	shalt  }
0x5a: {  	_ =	shalt  }
0x5b: {  	_ =	shalt  }
0x5c: {  	_ =	shalt  }
0x5d: {  	_ =	shalt  }
0x5e: {  	_ =	shalt  }
0x5f: {  	_ =	shalt  }
0x60: {  	_ =	shalt  }
0x61: {  	_ =	shalt  }
0x62: {  	_ =	shalt  }
0x63: {  	_ =	shalt  }
0x64: {  	_ =	shalt  }
0x65: {  	_ =	shalt  }
0x66: {  	_ =	shalt  }
0x67: {  	_ =	shalt  }
0x68: {  	_ =	shalt  }
0x69: {  	_ =	shalt  }
0x6a: {  	_ =	shalt  }
0x6b: {  	_ =	shalt  }
0x6c: {  	_ =	shalt  }
0x6d: {  	_ =	shalt  }
0x6e: {  	_ =	shalt  }
0x6f: {  	_ =	shalt  }
0x70: {  	_ =	shalt  }
0x71: {  	_ =	shalt  }
0x72: {  	_ =	shalt  }
0x73: {  	_ =	shalt  }
0x74: {  	_ =	shalt  }
0x75: {  	_ =	shalt  }
0x76: {  	_ =	shalt  }
0x77: {  	_ =	shalt  }
0x78: {  	_ =	shalt  }
0x79: {  	_ =	shalt  }
0x7a: {  	_ =	shalt  }
0x7b: {  	_ =	shalt  }
0x7c: {  	_ =	shalt  }
0x7d: {  	_ =	shalt  }
0x7e: {  	_ =	shalt  }
0x7f: {  	_ =	shalt  }
0x80: {  	_ =	shalt  }
0x81: {  	_ =	shalt  }
0x82: {  	_ =	shalt  }
0x83: {  	_ =	shalt  }
0x84: {  	_ =	shalt  }
0x85: {  	_ =	shalt  }
0x86: {  	_ =	shalt  }
0x87: {  	_ =	shalt  }
.Lfunc_end0:
.L_simem_size_0:
called_computation_lowered:
.L_overlay_start_0:
0x88: {  	s2 =	sld [smem:$0x3FD9]  }
0x89: {  	s3 =	sld [smem:$0x3FFE];
	_ =	sdelay $0x1  }
0x8a: {  	s1 =	srdreg.scid  }
0x8b: {  	s0 =	sand.u32 $0x1, s1  }
0x8c: {  	s17 =	sshll.u32 s0, $0xA;
	s2 =	sadd.s32 s3, s2  }
0x8d: {  	s2 =	sadd.s32 s2, s17  }
0x8e: {  	[smem:$0x3FC0] =	sst s2  }
0x8f: {  	_ = 	snop  }
0x90: {  	s2 =	sld [smem:$0x3FC9];
	(tm) =	ssettm $0x1  }
0x91: {  	s18 =	sld [smem:$0x3FFB];
	_ =	sdelay $0x3  }
0x92: {  	_ =	strace s18  }
0x93: {  	s3 =	sld [smem:$0x3FFC];
	_ =	sdelay $0x3  }
0x94: {  	_ =	strace s3  }
0x95: {  	s3 =	sld [smem:$0x3FFD];
	_ =	sdelay $0x3  }
0x96: {  	_ =	strace s3  }
0x97: {  	_ =	strace $0x8FFFFFFF  }
0x98: {  	s19 =	sld [smem:$0x3FDB];
	_ =	sdelay $0x1  }
0x99: {  	s4 =	simm.s32 $_scs_section_size  }
0x9a: {  	s5 =	simm.s32 $_size__tile_overlayer_lowered;
	s6 =	simm.s32 $_tile_overlayer_lowered  }
0x9b: {  	s22 =	simm.s32 $0x1BFF;
	s21 =	sshll.u32 s6, $0x1;
	s3 =	sadd.s32 s4, s19  }
0x9c: {  	s7 =	simm.s32 $0x0;
	s20 =	sshll.u32 s5, $0x1;
	s5 =	sadd.s32 s21, s3  }
0x9d: {  	[timem:s7], [sflag:s22] =	dma.local [hbm:s5], s20  }
0x9e: {  	_ =	swait.ge [sflag:s22], s20  }
0x9f: {  	s4 =	ssub.s32 $0x0, s20;
	[sflag:s22] =	ssyncset.done $0x0  }
0xa0: {  	[sflag:s22] =	ssyncadd.s32 s4;
	_ =	sdelay $0x1  }
0xa1: {  	s23 =	simm.s32 $0x1B8B  }
0xa2: {  	_ =	swait.ge [sflag:s23], $0x1  }
0xa3: {  	[sflag:s23] =	ssyncset.done $0x0  }
0xa4: {  	s25 =	simm.s32 $0x1B8E;
	s24 =	sld [smem:$0x3FFE];
	[sflag:s23] =	ssyncadd.s32 $0xFFFFFFFF  }
0xa5: {  	s26 =	simm.s32 $execute0_lowered;
	[smem:$0x3FD2] =	sst s25  }
0xa6: {  	s5 =	sshll.u32 s26, $0x1;
	_ =	strace $0x80000046;
	[dreg:$0x1] =	wrdreg $0xFFFFFFFF  }
0xa7: {  	s28 =	simm.s32 $_size_execute0_lowered;
	s3 =	sadd.s32 s3, s5;
	[dreg:$0x0] =	wrdreg $0x0  }
0xa8: {  	s5 =	sshll.u32 s28, $0x1;
	[dreg:$0x2] =	wrdreg s3  }
0xa9: {  	[dreg:$0x3] =	wrdreg s5  }
0xaa: {  	[dreg:$0x4] =	wrdreg $0xC0  }
0xab: {  	_ =	task [dreg:s7], $0x5FFFF  }
0xac: {  	[dreg:$0x1] =	wrdreg $0xFFFFFFFF  }
0xad: {  	[dreg:$0x0] =	wrdreg $0x60  }
0xae: {  	[dreg:$0x2] =	wrdreg s24  }
0xaf: {  	[dreg:$0x3] =	wrdreg s2  }
0xb0: {  	[dreg:$0x4] =	wrdreg $0x0  }
0xb1: {  	[dreg:$0x5] =	wrdreg $0x9  }
0xb2: {  	_ =	task.clear_ibuf [dreg:s7], $0x6FFFF;
	_ =	strace $0x90000046  }
0xb3: {  	s29 =	simm.s32 $0x9;
	_ =	strace $0x80000048  }
0xb4: {  	_ =	swait.ge [sflag:s29], $0x1  }
0xb5: {  	[sflag:s29] =	ssyncadd.s32 $0xFFFFFFFF  }
0xb6: {  	_ =	strace $0x90000048  }
0xb7: {  	_ =	sfence  }
0xb8: {  	s30 =	sld [smem:$0x0];
	_ =	sdelay $0x2  }
0xb9: {  	s31 =	sshll.u32 s1, $0xD;
	s1 =	sshrl.u32 s1, $0x2  }
0xba: {  	s3 =	sand.u32 $0x4000, s31;
	s1 =	sadd.s32 s1, s30  }
0xbb: {  	s0 =	sor.u32 s3, s0;
	s1 =	sshll.u32 s1, $0x11  }
0xbc: {  	s0 =	sor.u32 s1, s0  }
0xbd: {  	s0 =	sadd.s32 $0x8F2B, s0  }
0xbe: {  	[sflag:s0] =	ssyncadd.remote.s32 $0x1  }
0xbf: {  	_ =	sfence.sel $0xFFFF  }
0xc0: {  	[dreg:$0x0] =	wrdreg $0xFFFFFFFF;
	(pc) =	sbr.abs _section_cstart, $3  }
0xc1: {  	[dreg:$0x1] =	wrdreg $0xFFFFFFFF  }
0xc2: {  	_ =	task.clear_ibuf [dreg:s7], $0x2FFFF;
	_ =	strace $0x9FFFFFFF  }
0xc3: {  	(tm) =	ssettm $0x7FFFFFFF  }
tec
execute0_lowered:
.L_overlay_start_1:
0x0: {  	(tag) =	ssettag $0x1  }
0x1: {  	s0 =	rddreg [dreg:$0x0]  }
0x2: {  	s3 =	rddreg [dreg:$0x2]  }
0x3: {  	s1 =	srdreg.scid;
	s5 =	stileid.u32;
	s6 =	simm.s32 $0x0  }
0x4: {  	s28 =	simm.s32 $0x50000;
	s29 =	simm.s32 $0xA800;
	s2 =	smul.u32 $0x60, s5  }
0x5: {  	s30 =	simm.s32 $0x80;
	s31 =	simm.s32 $0xB000;
	s22 =	smul.u32 $0x50000, s5  }
0x6: {  	s1 =	sand.u32 $0x1, s1;
	s4 =	sshll.u32 s5, $0x6;
	s23 =	smul.u32 $0x280, s5  }
0x7: {  	[smem:$0x7FF] =	sst s6;
	s21 =	sadd.s32 $0x17000, s0;
	s26 =	smul.u32 $0x50, s5  }
0x8: {  	s7 =	sadd.s32 $0x3F600, s0;
	s8 =	sadd.s32 $0x67600, s0;
	s17 =	smul.u32 $0x2800, s5  }
0x9: {  	p0 =	seq.s32 s1, $0x0;
	[dreg:$0x4] =	wrdreg s4;
	s4 =	sadd.s32 $0x600, s4  }
0xa: {  	s1 =	ssub.s32 $0x2, s1;
	s4 =	smov.u32 @p0 s2;
	_ =	strace $0x80000047  }
0xb: {  	s9 =	sshrl.u32 s1, $0x1;
	s6 =	sshrl.u32 s22, $0x2;
	s13 =	sadd.s32 $0x100, s23  }
0xc: {  	s7 =	smov.u32 @p0 s8;
	s8 =	simm.s32 $0xB700;
	s2 =	sshll.u32 s4, $0x4  }
0xd: {  	s1 =	ssub.s32 s1, s9;
	s10 =	sadd.s32 s6, s3;
	s9 =	sadd.s32 s21, s26  }
0xe: {  	s14 =	sshrl.u32 s13, $0x3;
	s6 =	sadd.s32 $0x200, s23;
	[dreg:$0x5] =	wrdreg s10  }
0xf: {  	s19 =	sshll.u32 s13, $0x4;
	s24 =	sadd.s32 $0x4000, s10;
	[dreg:$0xa] =	wrdreg s9  }
0x10: {  	s13 =	simm.s32 $0xB200;
	s25 =	sadd.s32 $0x8000, s10;
	[dreg:$0x6] =	wrdreg s24  }
0x11: {  	s2 =	sadd.s32 s2, s0;
	s11 =	sadd.s32 $0xC000, s10;
	[dreg:$0x7] =	wrdreg s25  }
0x12: {  	s0 =	sadd.s32 $0x17600, s0;
	s10 =	sadd.s32 $0x10000, s10;
	[dreg:$0x8] =	wrdreg s11  }
0x13: {  	s16 =	sshrl.u32 s6, $0x3;
	s6 =	sshll.u32 s6, $0x4;
	[dreg:$0x9] =	wrdreg s10  }
0x14: {  	s11 =	sadd.s32 $0x80, s23;
	s4 =	sadd.s32 s21, s16;
	s24 =	smax.u32 s1, $0x1  }
0x15: {  	s25 =	sadd.s32 s7, s17;
	s26 =	sadd.s32 $0x3000, s2;
	[dreg:$0xe] =	wrdreg s4  }
0x16: {  	s1 =	simm.s32 $0xB080;
	s16 =	simm.s32 $0xB380;
	[dreg:$0x15] =	wrdreg s24  }
0x17: {  	s7 =	simm.s32 $0xB680;
	s12 =	sshrl.u32 s11, $0x3;
	[dreg:$0x16] =	wrdreg s25  }
0x18: {  	s10 =	sshll.u32 s11, $0x4;
	[dreg:$0x14] =	wrdreg s26;
	s25 =	simm.s32 $0x4  }
0x19: {  	s26 =	simm.s32 $0x800;
	s11 =	simm.s32 $0xB100;
	s4 =	simm.s32 $0xB600  }
0x1a: {  	s9 =	sadd.s32 s21, s12;
	s12 =	sadd.s32 $0x180, s23;
	s18 =	sadd.s32 s0, s10  }
0x1b: {  	s23 =	sadd.s32 s0, s6;
	s10 =	simm.s32 $0x3;
	[dreg:$0xb] =	wrdreg s9  }
0x1c: {  	s9 =	sadd.s32 s21, s14;
	s15 =	sshrl.u32 s12, $0x3;
	[dreg:$0xf] =	wrdreg s18  }
0x1d: {  	s20 =	sshll.u32 s12, $0x4;
	[dreg:$0x12] =	wrdreg s23;
	s12 =	simm.s32 $0xB180  }
0x1e: {  	s14 =	simm.s32 $0xB280;
	[dreg:$0xc] =	wrdreg s9;
	s9 =	sadd.s32 s21, s15  }
0x1f: {  	s18 =	simm.s32 $0xB480;
	s21 =	sadd.s32 s0, s19;
	[dreg:$0xd] =	wrdreg s9  }
0x20: {  	s22 =	sadd.s32 s0, s20;
	s0 =	sadd.s32 s0, s17;
	[dreg:$0x10] =	wrdreg s21  }
0x21: {  	s15 =	simm.s32 $0xB300;
	s17 =	simm.s32 $0xB400;
	[dreg:$0x11] =	wrdreg s22  }
0x22: {  	s19 =	simm.s32 $0xB500;
	s20 =	simm.s32 $0xB580;
	[dreg:$0x13] =	wrdreg s0  }
0x23: {  	v0 =	vimm.f32 $0.0e+00;
	v1 =	vimm.f32 $1.000000000e+00;
	s0 =	simm.s32 $0x6800;
	s9 =	simm.s32 $0xB780;
	s21 =	simm.s32 $0x0  }
.LBB2_1:
0x24: {  	s6 =	simm.s32 $0x200;
	s23 =	simm.s32 $0x0  }
.LBB2_2:
0x25: {  	p1 =	sne.s32 s6, $0xFE00;
	[tilespmem:s23+$0x2800] =	vst v0;
	s5 =	smov.u32 s6;
	s6 =	sadd.s32 $0x200, s6  }
.Ltmp0:
0x26: {  	[tilespmem:s23+$0x6800] =	vst v1;
	(pc) =	sbr.rel @p1 .LBB2_2-.Ltmp0, $2  }
0x27: {  	_ =	sdelay $0x2  }
0x28: {  	s23 =	sshra.s32 s5, $0x2  }
0x29: {  	[tilespmem:s23+$0x2800] =	vst v0  }
0x2a: {  	[tilespmem:s23+$0x6800] =	vst v1;
	s5 =	rddreg [dreg:$0x5];
	s2 =	simm.s32 $0x2800  }
0x2b: {  	[spmem:s5] =	stream.linear.scatter [tilespmem:s2], [sflag:$0x4], $0x4000, $0x38;
	[tilespmem:$0x1FC00] =	vst v63  }
0x2c: {  	_ =	swait.ge [sflag:s25], $0x4000  }
0x2d: {  	[sflag:s25] =	ssyncset.done $0x0  }
0x2e: {  	s6 =	rddreg [dreg:$0x6];
	[sflag:s25] =	ssyncadd.s32 $0xFFFFC000  }
0x2f: {  	[spmem:s6] =	stream.linear.scatter [tilespmem:s2], [sflag:$0x4], $0x4000, $0x38;
	[tilespmem:$0x1FC00] =	vst v63  }
0x30: {  	_ =	swait.ge [sflag:s25], $0x4000  }
0x31: {  	[sflag:s25] =	ssyncset.done $0x0  }
0x32: {  	s22 =	rddreg [dreg:$0x7];
	[sflag:s25] =	ssyncadd.s32 $0xFFFFC000  }
0x33: {  	[spmem:s22] =	stream.linear.scatter [tilespmem:s2], [sflag:$0x4], $0x4000, $0x38;
	[tilespmem:$0x1FC00] =	vst v63  }
0x34: {  	_ =	swait.ge [sflag:s25], $0x4000  }
0x35: {  	[sflag:s25] =	ssyncset.done $0x0  }
0x36: {  	s23 =	rddreg [dreg:$0x8];
	[sflag:s25] =	ssyncadd.s32 $0xFFFFC000  }
0x37: {  	[spmem:s23] =	stream.linear.scatter [tilespmem:s2], [sflag:$0x4], $0x4000, $0x38;
	[tilespmem:$0x1FC00] =	vst v63  }
0x38: {  	_ =	swait.ge [sflag:s25], $0x4000  }
0x39: {  	[sflag:s25] =	ssyncset.done $0x0  }
0x3a: {  	s24 =	rddreg [dreg:$0x9];
	[sflag:s25] =	ssyncadd.s32 $0xFFFFC000  }
0x3b: {  	[spmem:s24] =	stream.linear.scatter [tilespmem:s2], [sflag:$0x4], $0x4000, $0x38;
	[tilespmem:$0x1FC00] =	vst v63  }
.Ltmp1:
0x3c: {  	_ =	swait.ge [sflag:s25], $0x4000;
	(pc) =	sbr.rel @p0 .LBB2_5-.Ltmp1, $4  }
0x3d: {  	[sflag:s25] =	ssyncset.done $0x0  }
0x3e: {  	[sflag:s25] =	ssyncadd.s32 $0xFFFFC000  }
0x3f: {  	[bflag:$0x0] =	sbarrier.arrive $0xFFFF  }
0x40: {  	s6 =	simm.s32 $0x6  }
0x41: {  	s23 =	simm.s32 $0x0  }
0x42: {  	s5 =	rddreg [dreg:$0xa];
	s2 =	simm.s32 $0xB800;
	s6 =	simm.s32 $0x4  }
0x43: {  	[tilespmem:s2], [sflag:$0x4] =	stream.linear.gather [hbm4b:s5+s23], $0x80, $0x38;
	[tilespmem:$0x1FC00] =	vst v63  }
0x44: {  	_ =	swait.ge [sflag:s6], $0x80  }
0x45: {  	[sflag:s6] =	ssyncset.done $0x0  }
0x46: {  	[sflag:s6] =	ssyncadd.s32 $0xFFFFFF80  }
0x47: {  	s22 =	simm.s32 $0xBC00;
	s5 =	rddreg [dreg:$0x1]  }
0x48: {  	[tilespmem:s22], [sflag:$0x1] =	stream.indirect.gather [hbm4b:s5+s30], $0x80, s2, s30, $0xb8;
	[tilespmem:$0x1FC00] =	vst v63  }
0x49: {  	s24 =	rddreg [dreg:$0xb];
	s22 =	simm.s32 $0xB880  }
0x4a: {  	[tilespmem:s22], [sflag:$0x4] =	stream.linear.gather [hbm4b:s24+s23], $0x80, $0x38;
	[tilespmem:$0x1FC00] =	vst v63  }
0x4b: {  	_ =	swait.ge [sflag:s6], $0x80  }
0x4c: {  	[sflag:s6] =	ssyncset.done $0x0  }
0x4d: {  	s24 =	simm.s32 $0xFC00;
	[sflag:s6] =	ssyncadd.s32 $0xFFFFFF80  }
0x4e: {  	[tilespmem:s24], [sflag:$0x1] =	stream.indirect.gather [hbm4b:s5+s30], $0x80, s22, s30, $0xb8;
	[tilespmem:$0x1FC00] =	vst v63  }
0x4f: {  	s2 =	rddreg [dreg:$0xc];
	s22 =	simm.s32 $0xB900  }
0x50: {  	[tilespmem:s22], [sflag:$0x4] =	stream.linear.gather [hbm4b:s2+s23], $0x80, $0x38;
	[tilespmem:$0x1FC00] =	vst v63  }
0x51: {  	_ =	swait.ge [sflag:s6], $0x80  }
0x52: {  	[sflag:s6] =	ssyncset.done $0x0  }
0x53: {  	s24 =	simm.s32 $0x13C00;
	[sflag:s6] =	ssyncadd.s32 $0xFFFFFF80  }
0x54: {  	[tilespmem:s24], [sflag:$0x1] =	stream.indirect.gather [hbm4b:s5+s30], $0x80, s22, s30, $0xb8;
	[tilespmem:$0x1FC00] =	vst v63  }
0x55: {  	s2 =	rddreg [dreg:$0xd];
	s22 =	simm.s32 $0xB980  }
0x56: {  	[tilespmem:s22], [sflag:$0x4] =	stream.linear.gather [hbm4b:s2+s23], $0x80, $0x38;
	[tilespmem:$0x1FC00] =	vst v63  }
0x57: {  	_ =	swait.ge [sflag:s6], $0x80  }
0x58: {  	[sflag:s6] =	ssyncset.done $0x0  }
0x59: {  	s24 =	simm.s32 $0x17C00;
	[sflag:s6] =	ssyncadd.s32 $0xFFFFFF80  }
0x5a: {  	[tilespmem:s24], [sflag:$0x1] =	stream.indirect.gather [hbm4b:s5+s30], $0x80, s22, s30, $0xb8;
	[tilespmem:$0x1FC00] =	vst v63  }
0x5b: {  	s2 =	simm.s32 $0xBA00;
	s22 =	rddreg [dreg:$0xe]  }
0x5c: {  	[tilespmem:s2], [sflag:$0x4] =	stream.linear.gather [hbm4b:s22+s23], $0x80, $0x38;
	[tilespmem:$0x1FC00] =	vst v63  }
0x5d: {  	_ =	swait.ge [sflag:s6], $0x80  }
0x5e: {  	[sflag:s6] =	ssyncset.done $0x0  }
0x5f: {  	s22 =	simm.s32 $0x1BC00;
	[sflag:s6] =	ssyncadd.s32 $0xFFFFFF80  }
0x60: {  	[tilespmem:s22], [sflag:$0x1] =	stream.indirect.gather [hbm4b:s5+s30], $0x80, s2, s30, $0xb8;
	[tilespmem:$0x1FC00] =	vst v63  }
0x61: {  	s2 =	simm.s32 $0x1  }
0x62: {  	_ =	swait.ge [sflag:s2], $0x4000  }
0x63: {  	[sflag:s2] =	ssyncset.done $0x0  }
0x64: {  	s24 =	simm.s32 $0xBC00;
	s5 =	rddreg [dreg:$0x13];
	[sflag:s2] =	ssyncadd.s32 $0xFFFFC000  }
0x65: {  	[hbm4b:s5+s23] =	stream.linear.scatter [tilespmem:s24], [sflag:$0x2], $0x4000, $0x38;
	[tilespmem:$0x1FC00] =	vst v63  }
0x66: {  	_ =	swait.ge [sflag:s2], $0x4000  }
0x67: {  	[sflag:s2] =	ssyncset.done $0x0  }
0x68: {  	s24 =	simm.s32 $0xFC00;
	s5 =	rddreg [dreg:$0xf];
	[sflag:s2] =	ssyncadd.s32 $0xFFFFC000  }
0x69: {  	[hbm4b:s5+s23] =	stream.linear.scatter [tilespmem:s24], [sflag:$0x2], $0x4000, $0x38;
	[tilespmem:$0x1FC00] =	vst v63  }
0x6a: {  	_ =	swait.ge [sflag:s2], $0x4000  }
0x6b: {  	[sflag:s2] =	ssyncset.done $0x0  }
0x6c: {  	s24 =	simm.s32 $0x13C00;
	s5 =	rddreg [dreg:$0x10];
	[sflag:s2] =	ssyncadd.s32 $0xFFFFC000  }
0x6d: {  	[hbm4b:s5+s23] =	stream.linear.scatter [tilespmem:s24], [sflag:$0x2], $0x4000, $0x38;
	[tilespmem:$0x1FC00] =	vst v63  }
0x6e: {  	_ =	swait.ge [sflag:s2], $0x4000  }
0x6f: {  	[sflag:s2] =	ssyncset.done $0x0  }
0x70: {  	s24 =	simm.s32 $0x17C00;
	s5 =	rddreg [dreg:$0x11];
	[sflag:s2] =	ssyncadd.s32 $0xFFFFC000  }
0x71: {  	[hbm4b:s5+s23] =	stream.linear.scatter [tilespmem:s24], [sflag:$0x2], $0x4000, $0x38;
	[tilespmem:$0x1FC00] =	vst v63  }
0x72: {  	_ =	swait.ge [sflag:s2], $0x4000  }
0x73: {  	[sflag:s2] =	ssyncset.done $0x0  }
0x74: {  	s24 =	simm.s32 $0x2;
	[sflag:s2] =	ssyncadd.s32 $0xFFFFC000;
	s2 =	rddreg [dreg:$0x12]  }
0x75: {  	[hbm4b:s2+s23] =	stream.linear.scatter [tilespmem:s22], [sflag:$0x2], $0x4000, $0x38;
	[tilespmem:$0x1FC00] =	vst v63  }
0x76: {  	_ =	swait.ge [sflag:s24], $0x4000  }
0x77: {  	[sflag:s24] =	ssyncset.done $0x0  }
0x78: {  	[sflag:s24] =	ssyncadd.s32 $0xFFFFC000  }
0x79: {  	_ =	swait.ge [sflag:s24], $0x4000  }
0x7a: {  	[sflag:s24] =	ssyncset.done $0x0  }
0x7b: {  	[sflag:s24] =	ssyncadd.s32 $0xFFFFC000  }
0x7c: {  	_ =	swait.ge [sflag:s24], $0x4000  }
0x7d: {  	[sflag:s24] =	ssyncset.done $0x0  }
0x7e: {  	[sflag:s24] =	ssyncadd.s32 $0xFFFFC000  }
0x7f: {  	_ =	swait.ge [sflag:s24], $0x4000  }
0x80: {  	[sflag:s24] =	ssyncset.done $0x0  }
0x81: {  	[sflag:s24] =	ssyncadd.s32 $0xFFFFC000  }
0x82: {  	_ =	swait.ge [sflag:s24], $0x4000  }
0x83: {  	[sflag:s24] =	ssyncset.done $0x0  }
0x84: {  	[sflag:s24] =	ssyncadd.s32 $0xFFFFC000  }
.LBB2_5:
0x85: {  	s23 =	rddreg [dreg:$0x14]  }
0x86: {  	[tilespmem:s29], [sflag:$0x4] =	stream.strided.gather [hbm4b:s23+s26], $0x1000, s28, s26, $0x38;
	[tilespmem:$0x1FC00] =	vst v63  }
0x87: {  	_ =	swait.ge [sflag:s25], $0x1000  }
0x88: {  	[sflag:s25] =	ssyncset.done $0x0  }
0x89: {  	[sflag:s25] =	ssyncadd.s32 $0xFFFFF000  }
0x8a: {  	[spmem:s3] =	stream.indirect.scatter.add.f32 [tilespmem:s0], [sflag:$0x3], $0x10, s31, s30, $0xb8;
	[tilespmem:$0x1FC00] =	vst v63  }
0x8b: {  	_ = 	snop  }
0x8c: {  	[spmem:s3] =	stream.indirect.scatter.add.f32 [tilespmem:s0], [sflag:$0x3], $0x10, s1, s30, $0xb8;
	[tilespmem:$0x1FC00] =	vst v63  }
0x8d: {  	_ = 	snop  }
0x8e: {  	[spmem:s3] =	stream.indirect.scatter.add.f32 [tilespmem:s0], [sflag:$0x3], $0x10, s11, s30, $0xb8;
	[tilespmem:$0x1FC00] =	vst v63  }
0x8f: {  	_ = 	snop  }
0x90: {  	[spmem:s3] =	stream.indirect.scatter.add.f32 [tilespmem:s0], [sflag:$0x3], $0x10, s12, s30, $0xb8;
	[tilespmem:$0x1FC00] =	vst v63  }
0x91: {  	_ = 	snop  }
0x92: {  	[spmem:s3] =	stream.indirect.scatter.add.f32 [tilespmem:s0], [sflag:$0x3], $0x10, s13, s30, $0xb8;
	[tilespmem:$0x1FC00] =	vst v63  }
0x93: {  	_ = 	snop  }
0x94: {  	[spmem:s3] =	stream.indirect.scatter.add.f32 [tilespmem:s0], [sflag:$0x3], $0x10, s14, s30, $0xb8;
	[tilespmem:$0x1FC00] =	vst v63  }
0x95: {  	_ = 	snop  }
0x96: {  	[spmem:s3] =	stream.indirect.scatter.add.f32 [tilespmem:s0], [sflag:$0x3], $0x10, s15, s30, $0xb8;
	[tilespmem:$0x1FC00] =	vst v63  }
0x97: {  	_ = 	snop  }
0x98: {  	[spmem:s3] =	stream.indirect.scatter.add.f32 [tilespmem:s0], [sflag:$0x3], $0x10, s16, s30, $0xb8;
	[tilespmem:$0x1FC00] =	vst v63  }
0x99: {  	_ = 	snop  }
0x9a: {  	[spmem:s3] =	stream.indirect.scatter.add.f32 [tilespmem:s0], [sflag:$0x3], $0x10, s17, s30, $0xb8;
	[tilespmem:$0x1FC00] =	vst v63  }
0x9b: {  	_ = 	snop  }
0x9c: {  	[spmem:s3] =	stream.indirect.scatter.add.f32 [tilespmem:s0], [sflag:$0x3], $0x10, s18, s30, $0xb8;
	[tilespmem:$0x1FC00] =	vst v63  }
0x9d: {  	_ = 	snop  }
0x9e: {  	[spmem:s3] =	stream.indirect.scatter.add.f32 [tilespmem:s0], [sflag:$0x3], $0x10, s19, s30, $0xb8;
	[tilespmem:$0x1FC00] =	vst v63  }
0x9f: {  	_ = 	snop  }
0xa0: {  	[spmem:s3] =	stream.indirect.scatter.add.f32 [tilespmem:s0], [sflag:$0x3], $0x10, s20, s30, $0xb8;
	[tilespmem:$0x1FC00] =	vst v63  }
0xa1: {  	_ = 	snop  }
0xa2: {  	[spmem:s3] =	stream.indirect.scatter.add.f32 [tilespmem:s0], [sflag:$0x3], $0x10, s4, s30, $0xb8;
	[tilespmem:$0x1FC00] =	vst v63  }
0xa3: {  	_ = 	snop  }
0xa4: {  	[spmem:s3] =	stream.indirect.scatter.add.f32 [tilespmem:s0], [sflag:$0x3], $0x10, s7, s30, $0xb8;
	[tilespmem:$0x1FC00] =	vst v63  }
0xa5: {  	_ = 	snop  }
0xa6: {  	[spmem:s3] =	stream.indirect.scatter.add.f32 [tilespmem:s0], [sflag:$0x3], $0x10, s8, s30, $0xb8;
	[tilespmem:$0x1FC00] =	vst v63  }
0xa7: {  	_ = 	snop  }
0xa8: {  	[spmem:s3] =	stream.indirect.scatter.add.f32 [tilespmem:s0], [sflag:$0x3], $0x10, s9, s30, $0xb8;
	[tilespmem:$0x1FC00] =	vst v63  }
0xa9: {  	_ =	swait.ge [sflag:s10], $0x800  }
0xaa: {  	[sflag:s10] =	ssyncset.done $0x0  }
0xab: {  	[sflag:s10] =	ssyncadd.s32 $0xFFFFF800  }
0xac: {  	_ =	swait.ge [sflag:s10], $0x800  }
0xad: {  	[sflag:s10] =	ssyncset.done $0x0  }
0xae: {  	[sflag:s10] =	ssyncadd.s32 $0xFFFFF800  }
0xaf: {  	_ =	swait.ge [sflag:s10], $0x800  }
0xb0: {  	[sflag:s10] =	ssyncset.done $0x0  }
0xb1: {  	[sflag:s10] =	ssyncadd.s32 $0xFFFFF800  }
0xb2: {  	_ =	swait.ge [sflag:s10], $0x800  }
0xb3: {  	[sflag:s10] =	ssyncset.done $0x0  }
0xb4: {  	[sflag:s10] =	ssyncadd.s32 $0xFFFFF800  }
0xb5: {  	_ =	swait.ge [sflag:s10], $0x800  }
0xb6: {  	[sflag:s10] =	ssyncset.done $0x0  }
0xb7: {  	[sflag:s10] =	ssyncadd.s32 $0xFFFFF800  }
0xb8: {  	_ =	swait.ge [sflag:s10], $0x800  }
0xb9: {  	[sflag:s10] =	ssyncset.done $0x0  }
0xba: {  	[sflag:s10] =	ssyncadd.s32 $0xFFFFF800  }
0xbb: {  	_ =	swait.ge [sflag:s10], $0x800  }
0xbc: {  	[sflag:s10] =	ssyncset.done $0x0  }
0xbd: {  	[sflag:s10] =	ssyncadd.s32 $0xFFFFF800  }
0xbe: {  	_ =	swait.ge [sflag:s10], $0x800  }
0xbf: {  	[sflag:s10] =	ssyncset.done $0x0  }
0xc0: {  	[sflag:s10] =	ssyncadd.s32 $0xFFFFF800  }
0xc1: {  	_ =	swait.ge [sflag:s10], $0x800  }
0xc2: {  	[sflag:s10] =	ssyncset.done $0x0  }
0xc3: {  	[sflag:s10] =	ssyncadd.s32 $0xFFFFF800  }
0xc4: {  	_ =	swait.ge [sflag:s10], $0x800  }
0xc5: {  	[sflag:s10] =	ssyncset.done $0x0  }
0xc6: {  	[sflag:s10] =	ssyncadd.s32 $0xFFFFF800  }
0xc7: {  	_ =	swait.ge [sflag:s10], $0x800  }
0xc8: {  	[sflag:s10] =	ssyncset.done $0x0  }
0xc9: {  	[sflag:s10] =	ssyncadd.s32 $0xFFFFF800  }
0xca: {  	_ =	swait.ge [sflag:s10], $0x800  }
0xcb: {  	[sflag:s10] =	ssyncset.done $0x0  }
0xcc: {  	[sflag:s10] =	ssyncadd.s32 $0xFFFFF800  }
0xcd: {  	_ =	swait.ge [sflag:s10], $0x800  }
0xce: {  	[sflag:s10] =	ssyncset.done $0x0  }
0xcf: {  	[sflag:s10] =	ssyncadd.s32 $0xFFFFF800  }
0xd0: {  	_ =	swait.ge [sflag:s10], $0x800  }
0xd1: {  	[sflag:s10] =	ssyncset.done $0x0  }
0xd2: {  	p1 =	sne.s32 s6, $0x1;
	[sflag:s10] =	ssyncadd.s32 $0xFFFFF800  }
.Ltmp2:
0xd3: {  	_ =	swait.ge [sflag:s10], $0x800;
	(pc) =	sbr.rel @!p1 .LBB2_7-.Ltmp2, $4  }
0xd4: {  	[sflag:s10] =	ssyncset.done $0x0  }
0xd5: {  	[sflag:s10] =	ssyncadd.s32 $0xFFFFF800  }
0xd6: {  	_ =	swait.ge [sflag:s10], $0x800  }
0xd7: {  	s6 =	sadd.s32 $0xFFFFFFFF, s6;
	[sflag:s10] =	ssyncset.done $0x0  }
.LBB2_6:
0xd8: {  	p1 =	sne.s32 s6, $0x1;
	[sflag:s10] =	ssyncadd.s32 $0xFFFFF800;
	s23 =	sadd.s32 $0x100, s23  }
0xd9: {  	[tilespmem:s29], [sflag:$0x4] =	stream.strided.gather [hbm4b:s23+s26], $0x1000, s28, s26, $0x38;
	[tilespmem:$0x1FC00] =	vst v63  }
0xda: {  	s6 =	sadd.s32 $0xFFFFFFFF, s6;
	_ =	swait.ge [sflag:s25], $0x1000  }
0xdb: {  	[sflag:s25] =	ssyncset.done $0x0  }
0xdc: {  	[sflag:s25] =	ssyncadd.s32 $0xFFFFF000  }
0xdd: {  	[spmem:s3] =	stream.indirect.scatter.add.f32 [tilespmem:s0], [sflag:$0x3], $0x10, s31, s30, $0xb8;
	[tilespmem:$0x1FC00] =	vst v63  }
0xde: {  	_ = 	snop  }
0xdf: {  	[spmem:s3] =	stream.indirect.scatter.add.f32 [tilespmem:s0], [sflag:$0x3], $0x10, s1, s30, $0xb8;
	[tilespmem:$0x1FC00] =	vst v63  }
0xe0: {  	_ = 	snop  }
0xe1: {  	[spmem:s3] =	stream.indirect.scatter.add.f32 [tilespmem:s0], [sflag:$0x3], $0x10, s11, s30, $0xb8;
	[tilespmem:$0x1FC00] =	vst v63  }
0xe2: {  	_ = 	snop  }
0xe3: {  	[spmem:s3] =	stream.indirect.scatter.add.f32 [tilespmem:s0], [sflag:$0x3], $0x10, s12, s30, $0xb8;
	[tilespmem:$0x1FC00] =	vst v63  }
0xe4: {  	_ = 	snop  }
0xe5: {  	[spmem:s3] =	stream.indirect.scatter.add.f32 [tilespmem:s0], [sflag:$0x3], $0x10, s13, s30, $0xb8;
	[tilespmem:$0x1FC00] =	vst v63  }
0xe6: {  	_ = 	snop  }
0xe7: {  	[spmem:s3] =	stream.indirect.scatter.add.f32 [tilespmem:s0], [sflag:$0x3], $0x10, s14, s30, $0xb8;
	[tilespmem:$0x1FC00] =	vst v63  }
0xe8: {  	_ = 	snop  }
0xe9: {  	[spmem:s3] =	stream.indirect.scatter.add.f32 [tilespmem:s0], [sflag:$0x3], $0x10, s15, s30, $0xb8;
	[tilespmem:$0x1FC00] =	vst v63  }
0xea: {  	_ = 	snop  }
0xeb: {  	[spmem:s3] =	stream.indirect.scatter.add.f32 [tilespmem:s0], [sflag:$0x3], $0x10, s16, s30, $0xb8;
	[tilespmem:$0x1FC00] =	vst v63  }
0xec: {  	_ = 	snop  }
0xed: {  	[spmem:s3] =	stream.indirect.scatter.add.f32 [tilespmem:s0], [sflag:$0x3], $0x10, s17, s30, $0xb8;
	[tilespmem:$0x1FC00] =	vst v63  }
0xee: {  	_ = 	snop  }
0xef: {  	[spmem:s3] =	stream.indirect.scatter.add.f32 [tilespmem:s0], [sflag:$0x3], $0x10, s18, s30, $0xb8;
	[tilespmem:$0x1FC00] =	vst v63  }
0xf0: {  	_ = 	snop  }
0xf1: {  	[spmem:s3] =	stream.indirect.scatter.add.f32 [tilespmem:s0], [sflag:$0x3], $0x10, s19, s30, $0xb8;
	[tilespmem:$0x1FC00] =	vst v63  }
0xf2: {  	_ = 	snop  }
0xf3: {  	[spmem:s3] =	stream.indirect.scatter.add.f32 [tilespmem:s0], [sflag:$0x3], $0x10, s20, s30, $0xb8;
	[tilespmem:$0x1FC00] =	vst v63  }
0xf4: {  	_ = 	snop  }
0xf5: {  	[spmem:s3] =	stream.indirect.scatter.add.f32 [tilespmem:s0], [sflag:$0x3], $0x10, s4, s30, $0xb8;
	[tilespmem:$0x1FC00] =	vst v63  }
0xf6: {  	_ = 	snop  }
0xf7: {  	[spmem:s3] =	stream.indirect.scatter.add.f32 [tilespmem:s0], [sflag:$0x3], $0x10, s7, s30, $0xb8;
	[tilespmem:$0x1FC00] =	vst v63  }
0xf8: {  	_ = 	snop  }
0xf9: {  	[spmem:s3] =	stream.indirect.scatter.add.f32 [tilespmem:s0], [sflag:$0x3], $0x10, s8, s30, $0xb8;
	[tilespmem:$0x1FC00] =	vst v63  }
0xfa: {  	_ = 	snop  }
0xfb: {  	[spmem:s3] =	stream.indirect.scatter.add.f32 [tilespmem:s0], [sflag:$0x3], $0x10, s9, s30, $0xb8;
	[tilespmem:$0x1FC00] =	vst v63  }
0xfc: {  	_ =	swait.ge [sflag:s10], $0x800  }
0xfd: {  	[sflag:s10] =	ssyncset.done $0x0  }
0xfe: {  	[sflag:s10] =	ssyncadd.s32 $0xFFFFF800  }
0xff: {  	_ =	swait.ge [sflag:s10], $0x800  }
0x100: {  	[sflag:s10] =	ssyncset.done $0x0  }
0x101: {  	[sflag:s10] =	ssyncadd.s32 $0xFFFFF800  }
0x102: {  	_ =	swait.ge [sflag:s10], $0x800  }
0x103: {  	[sflag:s10] =	ssyncset.done $0x0  }
0x104: {  	[sflag:s10] =	ssyncadd.s32 $0xFFFFF800  }
0x105: {  	_ =	swait.ge [sflag:s10], $0x800  }
0x106: {  	[sflag:s10] =	ssyncset.done $0x0  }
0x107: {  	[sflag:s10] =	ssyncadd.s32 $0xFFFFF800  }
0x108: {  	_ =	swait.ge [sflag:s10], $0x800  }
0x109: {  	[sflag:s10] =	ssyncset.done $0x0  }
0x10a: {  	[sflag:s10] =	ssyncadd.s32 $0xFFFFF800  }
0x10b: {  	_ =	swait.ge [sflag:s10], $0x800  }
0x10c: {  	[sflag:s10] =	ssyncset.done $0x0  }
0x10d: {  	[sflag:s10] =	ssyncadd.s32 $0xFFFFF800  }
0x10e: {  	_ =	swait.ge [sflag:s10], $0x800  }
0x10f: {  	[sflag:s10] =	ssyncset.done $0x0  }
0x110: {  	[sflag:s10] =	ssyncadd.s32 $0xFFFFF800  }
0x111: {  	_ =	swait.ge [sflag:s10], $0x800  }
0x112: {  	[sflag:s10] =	ssyncset.done $0x0  }
0x113: {  	[sflag:s10] =	ssyncadd.s32 $0xFFFFF800  }
0x114: {  	_ =	swait.ge [sflag:s10], $0x800  }
0x115: {  	[sflag:s10] =	ssyncset.done $0x0  }
0x116: {  	[sflag:s10] =	ssyncadd.s32 $0xFFFFF800  }
0x117: {  	_ =	swait.ge [sflag:s10], $0x800  }
0x118: {  	[sflag:s10] =	ssyncset.done $0x0  }
0x119: {  	[sflag:s10] =	ssyncadd.s32 $0xFFFFF800  }
0x11a: {  	_ =	swait.ge [sflag:s10], $0x800  }
0x11b: {  	[sflag:s10] =	ssyncset.done $0x0  }
0x11c: {  	[sflag:s10] =	ssyncadd.s32 $0xFFFFF800  }
0x11d: {  	_ =	swait.ge [sflag:s10], $0x800  }
0x11e: {  	[sflag:s10] =	ssyncset.done $0x0  }
0x11f: {  	[sflag:s10] =	ssyncadd.s32 $0xFFFFF800  }
0x120: {  	_ =	swait.ge [sflag:s10], $0x800  }
0x121: {  	[sflag:s10] =	ssyncset.done $0x0  }
0x122: {  	[sflag:s10] =	ssyncadd.s32 $0xFFFFF800  }
0x123: {  	_ =	swait.ge [sflag:s10], $0x800  }
0x124: {  	[sflag:s10] =	ssyncset.done $0x0  }
0x125: {  	[sflag:s10] =	ssyncadd.s32 $0xFFFFF800  }
.Ltmp3:
0x126: {  	_ =	swait.ge [sflag:s10], $0x800;
	(pc) =	sbr.rel @p1 .LBB2_6-.Ltmp3, $4  }
0x127: {  	[sflag:s10] =	ssyncset.done $0x0  }
0x128: {  	[sflag:s10] =	ssyncadd.s32 $0xFFFFF800  }
0x129: {  	_ =	swait.ge [sflag:s10], $0x800  }
0x12a: {  	[sflag:s10] =	ssyncset.done $0x0  }
.LBB2_7:
0x12b: {  	[sflag:s10] =	ssyncadd.s32 $0xFFFFF800  }
0x12c: {  	[bflag:$0x0] =	sbarrier.arrive $0xFFFF  }
0x12d: {  	s5 =	rddreg [dreg:$0x4]  }
0x12e: {  	s6 =	rddreg [dreg:$0x5]  }
0x12f: {  	s2 =	rddreg [dreg:$0x16];
	s5 =	sor.u32 $0x1C04, s5;
	s6 =	sshrl.u32 s6, $0x3  }
0x130: {  	[hbm:s2], [sflag:s5] =	dma.local [spmem:s6], $0x2800  }
0x131: {  	_ =	swait.ge [sflag:s25], $0x2800  }
0x132: {  	s21 =	sadd.s32 $0x1, s21;
	s24 =	rddreg [dreg:$0x15]  }
0x133: {  	p1 =	sne.s32 s21, s24  }
.Ltmp4:
0x134: {  	_ = 	snop;
	(pc) =	sbr.rel @p1 .LBB2_1-.Ltmp4, $3  }
0x135: {  	_ =	sdelay $0x1  }
0x136: {  	[sflag:s25] =	ssyncset.done $0x0  }
0x137: {  	[sflag:s25] =	ssyncadd.s32 $0xFFFFD800  }
0x138: {  	_ =	sfence.sel $0x180000  }
0x139: {  	[bflag:$0x0] =	sbarrier.arrive $0xFFFF  }
0x13a: {  	_ =	strace $0x90000047  }
0x13b: {  	s0 =	stileid.u32;
	[bflag:$0x2] =	sbarrier.arrive $0xFFFF  }
0x13c: {  	p0 =	sne.s32 s0, $0x0;
	s0 =	rddreg [dreg:$0x3]  }
0x13d: {  	s0 =	sadd.s32 @!p0 $0x100000, s0  }
0x13e: {  	[sflag:s0] =	ssyncadd.tile.s32 @!p0 $0x1;
	_ =	shalt  }
.Lfunc_end2:
_tile_overlayer_lowered:
.L_overlay_start_2:
0x13f: {  	(tag) =	ssettag $0x2  }
0x140: {  	s0 =	rddreg [dreg:$0x0];
	s2 =	stileid.u32  }
0x141: {  	s1 =	rddreg [dreg:$0x1];
	p0 =	sne.s32 s2, $0x0  }
0x142: {  	s3 =	rddreg [dreg:$0x2];
	[bflag:$0x3] =	sbarrier.arrive $0xFFFF;
	s2 =	simm.s32 @!p0 $0x1C04  }
0x143: {  	[timem:s3], [sflag:s2] =	dma.local @!p0 [hbm:s0], s1  }
0x144: {  	s0 =	simm.s32 @!p0 $0x4  }
0x145: {  	_ =	swait.ge @!p0 [sflag:s0], s1  }
0x146: {  	s1 =	ssub.s32 @!p0 $0x0, s1;
	[sflag:s0] =	ssyncset.done @!p0 $0x0  }
0x147: {  	[sflag:s0] =	ssyncadd.s32 @!p0 s1  }
0x148: {  	[bflag:$0x3] =	sbarrier.arrive $0xFFFF  }
0x149: {  	_ =	shalt  }

</sc_bundles>
